<compile_context>
chip_gen: v7x
topology: tpu7x:2x2x1
jax: 0.10.2.dev20260603
libtpu: 0.0.44.dev20260713+nightly
codegen_flags: <defaults>
</compile_context>

<pallas_src>
import functools

import jax
import jax.numpy as jnp
from jax import lax
from jax.experimental import pallas as pl
from jax.experimental.pallas import tpu as pltpu
from jax.experimental.pallas import tpu_sc as plsc

N = 100000
E = 6400000
NPAD = 102400
ROWS2D = 800
PADC = NPAD - N
NCORE = 2
NSUB = 16
NW = NCORE * NSUB
EPW = E // NW
RPS = NPAD // NSUB
FN = jnp.float32


def _fill_1d(ref, n, val):
    def body(i, c):
        ref[pl.ds(i * 16, 16)] = jnp.full((16,), val, FN)
        return c
    lax.fori_loop(0, n // 16, body, 0)


def _zero_rows_2d(ref, n):
    def body(i, c):
        ref[i, :] = jnp.zeros((16,), FN)
        return c
    lax.fori_loop(0, n, body, 0)


def _deg_pass(dst):
    C = 10000
    CZ = 800
    mesh = plsc.VectorSubcoreMesh(core_axis_name="c", subcore_axis_name="s")

    @functools.partial(
        pl.kernel,
        out_type=jax.ShapeDtypeStruct((NCORE * NPAD,), FN),
        mesh=mesh,
        scratch_types=[
            pltpu.VMEM_SHARED((NPAD,), FN),
            pltpu.VMEM((C,), jnp.int32),
            pltpu.VMEM((C,), jnp.int32),
            pltpu.VMEM((C,), FN),
            pltpu.SemaphoreType.DMA,
            pltpu.SemaphoreType.DMA,
        ],
    )
    def k(dst_hbm, out_hbm, acc, idx0, idx1, ones, s0, s1):
        cid = lax.axis_index("c")
        sid = lax.axis_index("s")
        _fill_1d(ones, C, 0.0)

        def zbody(kk, c):
            pltpu.sync_copy(ones.at[pl.ds(0, CZ)],
                            acc.at[pl.ds(sid * RPS + kk * CZ, CZ)])
            return c
        lax.fori_loop(0, RPS // CZ, zbody, 0)
        _fill_1d(ones, C, 1.0)
        plsc.subcore_barrier()

        base0 = (cid * NSUB + sid) * EPW

        def ebody(t, c):
            ba = pl.multiple_of(base0 + (2 * t) * C, 8)
            bb = pl.multiple_of(base0 + (2 * t + 1) * C, 8)
            pltpu.sync_copy(dst_hbm.at[pl.ds(ba, C)], idx0)
            sa = pltpu.async_copy(ones, acc.at[idx0], s0, add=True)
            pltpu.sync_copy(dst_hbm.at[pl.ds(bb, C)], idx1)
            sb = pltpu.async_copy(ones, acc.at[idx1], s1, add=True)
            sa.wait()
            sb.wait()
            return c
        lax.fori_loop(0, EPW // C // 2, ebody, 0)
        plsc.subcore_barrier()

        def wbody(kk, c):
            r0 = sid * RPS + kk * CZ
            pltpu.sync_copy(acc.at[pl.ds(r0, CZ)], ones.at[pl.ds(0, CZ)])
            pltpu.sync_copy(ones.at[pl.ds(0, CZ)],
                            out_hbm.at[pl.ds(cid * NPAD + r0, CZ)])
            return c
        lax.fori_loop(0, RPS // CZ, wbody, 0)

    return k(dst)


def _scalar_pass(src, dst, table):
    C = 10000
    CZ = 800
    ST = 1600
    mesh = plsc.VectorSubcoreMesh(core_axis_name="c", subcore_axis_name="s")

    @functools.partial(
        pl.kernel,
        out_type=jax.ShapeDtypeStruct((NCORE * NPAD,), FN),
        mesh=mesh,
        scratch_types=[
            pltpu.VMEM_SHARED((NPAD,), FN),
            pltpu.VMEM_SHARED((NPAD,), FN),
            pltpu.VMEM((C,), jnp.int32),
            pltpu.VMEM((C,), jnp.int32),
            pltpu.VMEM((C,), jnp.int32),
            pltpu.VMEM((C,), jnp.int32),
            pltpu.VMEM((C,), jnp.int32),
            pltpu.VMEM((C,), jnp.int32),
            pltpu.VMEM((C,), jnp.int32),
            pltpu.VMEM((C,), jnp.int32),
            pltpu.VMEM((C,), FN),
            pltpu.VMEM((C,), FN),
            pltpu.SemaphoreType.DMA,
            pltpu.SemaphoreType.DMA,
            pltpu.SemaphoreType.DMA,
            pltpu.SemaphoreType.DMA,
            pltpu.SemaphoreType.DMA,
            pltpu.SemaphoreType.DMA,
        ],
    )
    def k(src_hbm, dst_hbm, tab_hbm, out_hbm, acc, tab, idxsA0, idxdA0,
          idxsA1, idxdA1, idxsB0, idxdB0, idxsB1, idxdB1, vals0, vals1,
          g0, g1, w0, w1, pA, pB):
        cid = lax.axis_index("c")
        sid = lax.axis_index("s")
        _fill_1d(vals0, C, 0.0)

        def zbody(kk, c):
            pltpu.sync_copy(vals0.at[pl.ds(0, CZ)],
                            acc.at[pl.ds(sid * RPS + kk * CZ, CZ)])
            return c
        lax.fori_loop(0, RPS // CZ, zbody, 0)

        def stage(q, c):
            r0 = sid * RPS + q * ST
            pltpu.sync_copy(tab_hbm.at[pl.ds(r0, ST)], vals1.at[pl.ds(0, ST)])
            pltpu.sync_copy(vals1.at[pl.ds(0, ST)], tab.at[pl.ds(r0, ST)])
            return c
        lax.fori_loop(0, RPS // ST, stage, 0)
        plsc.subcore_barrier()

        base0 = (cid * NSUB + sid) * EPW
        Q = EPW // C // 4

        def pre(bx, by, sA, dA, sB, dB, sem):
            pltpu.async_copy(src_hbm.at[pl.ds(bx, C)], sA, sem)
            pltpu.async_copy(dst_hbm.at[pl.ds(bx, C)], dA, sem)
            pltpu.async_copy(src_hbm.at[pl.ds(by, C)], sB, sem)
            pltpu.async_copy(dst_hbm.at[pl.ds(by, C)], dB, sem)

        def drain(bx, by, sA, dA, sB, dB, sem):
            pltpu.make_async_copy(src_hbm.at[pl.ds(bx, C)], sA, sem).wait()
            pltpu.make_async_copy(dst_hbm.at[pl.ds(bx, C)], dA, sem).wait()
            pltpu.make_async_copy(src_hbm.at[pl.ds(by, C)], sB, sem).wait()
            pltpu.make_async_copy(dst_hbm.at[pl.ds(by, C)], dB, sem).wait()

        pre(base0, base0 + C, idxsA0, idxdA0, idxsA1, idxdA1, pA)

        def ebody(q, c):
            b0 = pl.multiple_of(base0 + (4 * q) * C, 8)
            b1 = pl.multiple_of(base0 + (4 * q + 1) * C, 8)
            b2 = pl.multiple_of(base0 + (4 * q + 2) * C, 8)
            b3 = pl.multiple_of(base0 + (4 * q + 3) * C, 8)
            nxt = jnp.where(q + 1 < Q, base0 + (4 * q + 4) * C, base0)
            nxt = pl.multiple_of(nxt, 8)
            drain(b0, b1, idxsA0, idxdA0, idxsA1, idxdA1, pA)
            ga = pltpu.async_copy(tab.at[idxsA0], vals0, g0)
            gb = pltpu.async_copy(tab.at[idxsA1], vals1, g1)
            pre(b2, b3, idxsB0, idxdB0, idxsB1, idxdB1, pB)
            ga.wait()
            sa = pltpu.async_copy(vals0, acc.at[idxdA0], w0, add=True)
            gb.wait()
            sb = pltpu.async_copy(vals1, acc.at[idxdA1], w1, add=True)
            sa.wait()
            sb.wait()
            drain(b2, b3, idxsB0, idxdB0, idxsB1, idxdB1, pB)
            ga2 = pltpu.async_copy(tab.at[idxsB0], vals0, g0)
            gb2 = pltpu.async_copy(tab.at[idxsB1], vals1, g1)
            pre(nxt, nxt + C, idxsA0, idxdA0, idxsA1, idxdA1, pA)
            ga2.wait()
            sa2 = pltpu.async_copy(vals0, acc.at[idxdB0], w0, add=True)
            gb2.wait()
            sb2 = pltpu.async_copy(vals1, acc.at[idxdB1], w1, add=True)
            sa2.wait()
            sb2.wait()
            return c
        lax.fori_loop(0, Q, ebody, 0)
        drain(base0, base0 + C, idxsA0, idxdA0, idxsA1, idxdA1, pA)
        plsc.subcore_barrier()

        def wbody(kk, c):
            r0 = sid * RPS + kk * CZ
            pltpu.sync_copy(acc.at[pl.ds(r0, CZ)], vals0.at[pl.ds(0, CZ)])
            pltpu.sync_copy(vals0.at[pl.ds(0, CZ)],
                            out_hbm.at[pl.ds(cid * NPAD + r0, CZ)])
            return c
        lax.fori_loop(0, RPS // CZ, wbody, 0)

    return k(src, dst, table)


def _vec_pass(src, dst, table):
    C = 400
    CZ = 400
    mesh = plsc.VectorSubcoreMesh(core_axis_name="c", subcore_axis_name="s")

    @functools.partial(
        pl.kernel,
        out_type=jax.ShapeDtypeStruct((NCORE * NPAD, 16), FN),
        mesh=mesh,
        compiler_params=pltpu.CompilerParams(use_tc_tiling_on_sc=False),
        scratch_types=[
            pltpu.VMEM_SHARED((NPAD, 16), FN),
            pltpu.VMEM((C,), jnp.int32),
            pltpu.VMEM((C,), jnp.int32),
            pltpu.VMEM((C,), jnp.int32),
            pltpu.VMEM((C,), jnp.int32),
            pltpu.VMEM((C,), jnp.int32),
            pltpu.VMEM((C,), jnp.int32),
            pltpu.VMEM((C,), jnp.int32),
            pltpu.VMEM((C,), jnp.int32),
            pltpu.VMEM((C, 16), FN),
            pltpu.VMEM((C, 16), FN),
            pltpu.SemaphoreType.DMA,
            pltpu.SemaphoreType.DMA,
            pltpu.SemaphoreType.DMA,
            pltpu.SemaphoreType.DMA,
            pltpu.SemaphoreType.DMA,
            pltpu.SemaphoreType.DMA,
        ],
    )
    def k(src_hbm, dst_hbm, tab_hbm, out_hbm, acc, idxsA0, idxdA0, idxsA1,
          idxdA1, idxsB0, idxdB0, idxsB1, idxdB1, vals0, vals1,
          g0, g1, w0, w1, pA, pB):
        cid = lax.axis_index("c")
        sid = lax.axis_index("s")
        _zero_rows_2d(vals0, CZ)

        def zbody(kk, c):
            pltpu.sync_copy(vals0.at[pl.ds(0, CZ)],
                            acc.at[pl.ds(sid * RPS + kk * CZ, CZ)])
            return c
        lax.fori_loop(0, RPS // CZ, zbody, 0)
        plsc.subcore_barrier()

        base0 = (cid * NSUB + sid) * EPW
        Q = EPW // C // 4

        def pre(bx, by, sA, dA, sB, dB, sem):
            pltpu.async_copy(src_hbm.at[pl.ds(bx, C)], sA, sem)
            pltpu.async_copy(dst_hbm.at[pl.ds(bx, C)], dA, sem)
            pltpu.async_copy(src_hbm.at[pl.ds(by, C)], sB, sem)
            pltpu.async_copy(dst_hbm.at[pl.ds(by, C)], dB, sem)

        def drain(bx, by, sA, dA, sB, dB, sem):
            pltpu.make_async_copy(src_hbm.at[pl.ds(bx, C)], sA, sem).wait()
            pltpu.make_async_copy(dst_hbm.at[pl.ds(bx, C)], dA, sem).wait()
            pltpu.make_async_copy(src_hbm.at[pl.ds(by, C)], sB, sem).wait()
            pltpu.make_async_copy(dst_hbm.at[pl.ds(by, C)], dB, sem).wait()

        pre(base0, base0 + C, idxsA0, idxdA0, idxsA1, idxdA1, pA)

        def ebody(q, c):
            b0 = pl.multiple_of(base0 + (4 * q) * C, 8)
            b1 = pl.multiple_of(base0 + (4 * q + 1) * C, 8)
            b2 = pl.multiple_of(base0 + (4 * q + 2) * C, 8)
            b3 = pl.multiple_of(base0 + (4 * q + 3) * C, 8)
            nxt = jnp.where(q + 1 < Q, base0 + (4 * q + 4) * C, base0)
            nxt = pl.multiple_of(nxt, 8)
            drain(b0, b1, idxsA0, idxdA0, idxsA1, idxdA1, pA)
            ga = pltpu.async_copy(tab_hbm.at[idxsA0], vals0, g0)
            gb = pltpu.async_copy(tab_hbm.at[idxsA1], vals1, g1)
            pre(b2, b3, idxsB0, idxdB0, idxsB1, idxdB1, pB)
            ga.wait()
            sa = pltpu.async_copy(vals0, acc.at[idxdA0], w0, add=True)
            gb.wait()
            sb = pltpu.async_copy(vals1, acc.at[idxdA1], w1, add=True)
            sa.wait()
            sb.wait()
            drain(b2, b3, idxsB0, idxdB0, idxsB1, idxdB1, pB)
            ga2 = pltpu.async_copy(tab_hbm.at[idxsB0], vals0, g0)
            gb2 = pltpu.async_copy(tab_hbm.at[idxsB1], vals1, g1)
            pre(nxt, nxt + C, idxsA0, idxdA0, idxsA1, idxdA1, pA)
            ga2.wait()
            sa2 = pltpu.async_copy(vals0, acc.at[idxdB0], w0, add=True)
            gb2.wait()
            sb2 = pltpu.async_copy(vals1, acc.at[idxdB1], w1, add=True)
            sa2.wait()
            sb2.wait()
            return c
        lax.fori_loop(0, Q, ebody, 0)
        drain(base0, base0 + C, idxsA0, idxdA0, idxsA1, idxdA1, pA)
        plsc.subcore_barrier()

        def wbody(kk, c):
            r0 = sid * RPS + kk * CZ
            pltpu.sync_copy(acc.at[pl.ds(r0, CZ)], vals0.at[pl.ds(0, CZ)])
            pltpu.sync_copy(vals0.at[pl.ds(0, CZ)],
                            out_hbm.at[pl.ds(cid * NPAD + r0, CZ)])
            return c
        lax.fori_loop(0, RPS // CZ, wbody, 0)

    return k(src, dst, table)



def _tc_norm(degp2d, off2d):
    def body(dp_ref, off_ref, o_ref):
        d = dp_ref[0] + dp_ref[1] + off_ref[0, 0]
        o_ref[...] = lax.rsqrt(jnp.maximum(d, 1.0))
    return pl.pallas_call(
        body, out_shape=jax.ShapeDtypeStruct((ROWS2D, 128), FN),
    )(degp2d, off2d)


def _tc_a1(p1p2d, norm2d):
    def body(pp_ref, n_ref, a1_ref, t1_ref):
        nv = n_ref[...]
        a1 = nv * (pp_ref[0] + pp_ref[1])
        a1_ref[...] = a1
        t1_ref[...] = nv * a1
    return pl.pallas_call(
        body,
        out_shape=[jax.ShapeDtypeStruct((ROWS2D, 128), FN),
                   jax.ShapeDtypeStruct((ROWS2D, 128), FN)],
    )(p1p2d, norm2d)


def _tc_a2_stats(p2p2d, norm2d, a12d):
    def body(pp_ref, n_ref, a1_ref, a2_ref, m1_ref, m2_ref, v11_ref,
             v22_ref, v12_ref):
        a1 = a1_ref[...]
        a2 = n_ref[...] * (pp_ref[0] + pp_ref[1])
        a2_ref[...] = a2
        inv = jnp.float32(1.0 / N)
        m1 = jnp.sum(a1) * inv
        m2 = jnp.sum(a2) * inv
        c1 = a1 - m1
        c2 = a2 - m2
        pc = jnp.float32(PADC)
        v11 = (jnp.sum(c1 * c1) - pc * m1 * m1) * inv
        v22 = (jnp.sum(c2 * c2) - pc * m2 * m2) * inv
        v12 = (jnp.sum(c1 * c2) - pc * m1 * m2) * inv
        m1_ref[...] = jnp.full((1, 1), m1, FN)
        m2_ref[...] = jnp.full((1, 1), m2, FN)
        v11_ref[...] = jnp.full((1, 1), v11, FN)
        v22_ref[...] = jnp.full((1, 1), v22, FN)
        v12_ref[...] = jnp.full((1, 1), v12, FN)
    s = jax.ShapeDtypeStruct((1, 1), FN)
    return pl.pallas_call(
        body,
        out_shape=[jax.ShapeDtypeStruct((ROWS2D, 128), FN), s, s, s, s, s],
    )(p2p2d, norm2d, a12d)


def _tc_build_u(a1c, a2c, normc, alpha, beta, gamma):
    BR = 1024
    G = NPAD // BR

    def body(a1_ref, a2_ref, n_ref, al_ref, be_ref, ga_ref, o_ref):
        u = jnp.maximum(
            al_ref[...] + a1_ref[...] * be_ref[...] + a2_ref[...] * ga_ref[...],
            0.0)
        o_ref[...] = n_ref[...] * u

    col = pl.BlockSpec((BR, 1), lambda i: (i, 0))
    row16 = pl.BlockSpec((1, 16), lambda i: (0, 0))
    return pl.pallas_call(
        body,
        grid=(G,),
        in_specs=[col, col, col, row16, row16, row16],
        out_specs=pl.BlockSpec((BR, 16), lambda i: (i, 0)),
        out_shape=jax.ShapeDtypeStruct((NPAD, 16), FN),
    )(a1c, a2c, normc, alpha, beta, gamma)


def _tc_scale_v(vp, normc):
    BR = 1024
    G = NPAD // BR

    def body(vp_ref, n_ref, o_ref):
        nv = n_ref[...]
        o_ref[...] = (nv * nv) * (vp_ref[0] + vp_ref[1])

    return pl.pallas_call(
        body,
        grid=(G,),
        in_specs=[pl.BlockSpec((2, BR, 16), lambda i: (0, i, 0)),
                  pl.BlockSpec((BR, 1), lambda i: (i, 0))],
        out_specs=pl.BlockSpec((BR, 16), lambda i: (i, 0)),
        out_shape=jax.ShapeDtypeStruct((NPAD, 16), FN),
    )(vp, normc)


_BRH = 1024
_GH = NPAD // _BRH


def _rowmask(i):
    rows = lax.broadcasted_iota(jnp.int32, (_BRH, 1), 0) + i * _BRH
    return (rows < N).astype(FN)


def _tc_head_y(ut, vt1, v2p, normc, p0, p1m, p2m):
    def body(ut_ref, vt1_ref, v2p_ref, n_ref, p0_ref, p1_ref, p2_ref,
             y_ref, ms_ref):
        nv = n_ref[...]
        u = ut_ref[...] / nv
        v1 = vt1_ref[...] / nv
        v2 = nv * (v2p_ref[0] + v2p_ref[1])
        dn = (((1,), (0,)), ((), ()))
        y = (lax.dot_general(u, p0_ref[...], dn, preferred_element_type=FN)
             + lax.dot_general(v1, p1_ref[...], dn, preferred_element_type=FN)
             + lax.dot_general(v2, p2_ref[...], dn, preferred_element_type=FN))
        y_ref[...] = y
        ms_ref[0] = jnp.sum(y * _rowmask(pl.program_id(0)), axis=0,
                            keepdims=True)

    blk = pl.BlockSpec((_BRH, 16), lambda i: (i, 0))
    w16 = pl.BlockSpec((16, 16), lambda i: (0, 0))
    return pl.pallas_call(
        body,
        grid=(_GH,),
        in_specs=[blk, blk, pl.BlockSpec((2, _BRH, 16), lambda i: (0, i, 0)),
                  pl.BlockSpec((_BRH, 1), lambda i: (i, 0)), w16, w16, w16],
        out_specs=[blk, pl.BlockSpec((1, 1, 16), lambda i: (i, 0, 0))],
        out_shape=[jax.ShapeDtypeStruct((NPAD, 16), FN),
                   jax.ShapeDtypeStruct((_GH, 1, 16), FN)],
    )(ut, vt1, v2p, normc, p0, p1m, p2m)


def _tc_head_var(y, m):
    def body(y_ref, m_ref, vs_ref):
        yc = (y_ref[...] - m_ref[...]) * _rowmask(pl.program_id(0))
        vs_ref[0] = jnp.sum(yc * yc, axis=0, keepdims=True)

    return pl.pallas_call(
        body,
        grid=(_GH,),
        in_specs=[pl.BlockSpec((_BRH, 16), lambda i: (i, 0)),
                  pl.BlockSpec((1, 16), lambda i: (0, 0))],
        out_specs=pl.BlockSpec((1, 1, 16), lambda i: (i, 0, 0)),
        out_shape=jax.ShapeDtypeStruct((_GH, 1, 16), FN),
    )(y, m)


def _tc_head_relu(y, m, v, gh, bh):
    def body(y_ref, m_ref, v_ref, g_ref, b_ref, ss_ref):
        h = jnp.maximum(
            (y_ref[...] - m_ref[...]) / jnp.sqrt(v_ref[...] + 1e-5)
            * g_ref[...] + b_ref[...], 0.0) * _rowmask(pl.program_id(0))
        ss_ref[0] = jnp.sum(h, axis=0, keepdims=True)

    r16 = pl.BlockSpec((1, 16), lambda i: (0, 0))
    return pl.pallas_call(
        body,
        grid=(_GH,),
        in_specs=[pl.BlockSpec((_BRH, 16), lambda i: (i, 0)), r16, r16,
                  r16, r16],
        out_specs=pl.BlockSpec((1, 1, 16), lambda i: (i, 0, 0)),
        out_shape=jax.ShapeDtypeStruct((_GH, 1, 16), FN),
    )(y, m, v, gh, bh)


def kernel(edge_index, num_nodes, h_target_local, h_target_global, W_init,
           b_init, W_gate_l, b_gate_l, W_tag_l1, g_bn_l1, b_bn_l1, W_tag_l2,
           g_bn_l2, b_bn_l2, W_dense_l, b_dense_l, W_ginit, b_ginit, W_gate_g,
           b_gate_g, W_tag_g1, g_bn_g1, b_bn_g1, W_tag_g2, g_bn_g2, b_bn_g2,
           W_dense_g, b_dense_g, W_dec1, b_dec1, W_dec2, b_dec2, W_dec3,
           b_dec3):
    src = edge_index[0]
    dst = edge_index[1]

    degp = _deg_pass(dst)
    off = (jnp.asarray(num_nodes) - N).astype(FN)
    norm2d = _tc_norm(degp.reshape(NCORE, ROWS2D, 128),
                      jnp.full((8, 128), off, FN))
    p1p = _scalar_pass(src, dst, norm2d.reshape(NPAD))
    a12d, t12d = _tc_a1(p1p.reshape(NCORE, ROWS2D, 128), norm2d)
    p2p = _scalar_pass(src, dst, t12d.reshape(NPAD))
    a22d, m1, m2, v11, v22, v12 = _tc_a2_stats(
        p2p.reshape(NCORE, ROWS2D, 128), norm2d, a12d)
    m1 = m1[0, 0]; m2 = m2[0, 0]
    v11 = v11[0, 0]; v22 = v22[0, 0]; v12 = v12[0, 0]

    def coeffs(x0, Wg, bg, Wt, g, b):
        h0 = jax.nn.sigmoid(x0 @ Wg + bg)
        Cc = h0.shape[0]
        c0 = h0 @ Wt[:Cc]
        c1 = h0 @ Wt[Cc:2 * Cc]
        c2 = h0 @ Wt[2 * Cc:]
        var = c1 * c1 * v11 + 2.0 * c1 * c2 * v12 + c2 * c2 * v22
        sdev = jnp.sqrt(var + 1e-5)
        mu = c0 + m1 * c1 + m2 * c2
        return ((c0 - mu) / sdev * g + b, c1 / sdev * g, c2 / sdev * g)

    xl0 = jnp.sum(W_init, axis=0) + b_init
    xg0 = jnp.sum(W_ginit, axis=0) + b_ginit
    al, be_l, ga_l = coeffs(xl0, W_gate_l, b_gate_l, W_tag_l1, g_bn_l1, b_bn_l1)
    ag, be_g, ga_g = coeffs(xg0, W_gate_g, b_gate_g, W_tag_g1, g_bn_g1, b_bn_g1)
    alpha = jnp.concatenate([al, ag]).reshape(1, 16)
    beta = jnp.concatenate([be_l, be_g]).reshape(1, 16)
    gamma = jnp.concatenate([ga_l, ga_g]).reshape(1, 16)

    a1c = a12d.reshape(NPAD, 1)
    a2c = a22d.reshape(NPAD, 1)
    normc = norm2d.reshape(NPAD, 1)
    ut = _tc_build_u(a1c, a2c, normc, alpha, beta, gamma)
    v1p = _vec_pass(src, dst, ut).reshape(NCORE, NPAD, 16)
    vt1 = _tc_scale_v(v1p, normc)
    v2p = _vec_pass(src, dst, vt1).reshape(NCORE, NPAD, 16)

    def bd(wl, wg):
        z = jnp.zeros((16, 16), FN)
        z = z.at[:7, :7].set(wl)
        return z.at[7:, 7:].set(wg)

    p0 = bd(W_tag_l2[0:7], W_tag_g2[0:9])
    p1m = bd(W_tag_l2[7:14], W_tag_g2[9:18])
    p2m = bd(W_tag_l2[14:21], W_tag_g2[18:27])
    gh = jnp.concatenate([g_bn_l2, g_bn_g2]).reshape(1, 16)
    bh = jnp.concatenate([b_bn_l2, b_bn_g2]).reshape(1, 16)
    y, mpart = _tc_head_y(ut, vt1, v2p, normc, p0, p1m, p2m)
    m = jnp.sum(mpart, axis=0) * (1.0 / N)
    vpart = _tc_head_var(y, m)
    v = jnp.sum(vpart, axis=0) * (1.0 / N)
    spart = _tc_head_relu(y, m, v, gh, bh)
    s = jnp.sum(spart, axis=0) * (1.0 / N)

    hg_l = s[0, :7] @ W_dense_l + b_dense_l
    hg_g = s[0, 7:] @ W_dense_g + b_dense_g

    def _cos(a, b):
        return jnp.dot(a, b) / jnp.maximum(
            jnp.linalg.norm(a) * jnp.linalg.norm(b), 1e-6)

    def _dist(a, b):
        return jnp.linalg.norm(a - b + 1e-6)

    feats = jnp.concatenate([
        jnp.stack([_cos(hg_l, h_target_local), _dist(hg_l, h_target_local),
                   _cos(hg_g, h_target_global), _dist(hg_g, h_target_global)]),
        hg_l, h_target_local])[None, :]
    h = jax.nn.relu(feats @ W_dec1 + b_dec1)
    h = jax.nn.relu(h @ W_dec2 + b_dec2)
    return h @ W_dec3 + b_dec3

# --- scband reference (transcript-rebuilt; emitter-appended) ---
"""Pipeline reference for scband-local-compass-27582279975436 (READ-ONLY COPY).

The authoritative reference and input builder live on the scoring server;
editing this copy changes nothing except your own understanding.
"""

import jax, jax.numpy as jnp
import numpy as np

N_NODES = 100000
N_EDGES = 6400000

def _lin(key, i, o):
    return 0.1 * jax.random.normal(key, (i, o), dtype=jnp.float32)

def setup_inputs(seed: int = 0):
    key = jax.random.key(seed)
    ks = jax.random.split(key, 32)
    inp = {}
    inp["edge_index"] = jax.random.randint(ks[0], (2, N_EDGES), 0, N_NODES, dtype=jnp.int32)
    inp["num_nodes"] = N_NODES
    inp["h_target_local"] = jax.random.normal(ks[1], (11,), dtype=jnp.float32)
    inp["h_target_global"] = jax.random.normal(ks[2], (13,), dtype=jnp.float32)
    inp["W_init"] = _lin(ks[3], 12, 4); inp["b_init"] = jnp.zeros((4,), jnp.float32)
    inp["W_gate_l"] = _lin(ks[4], 4, 7); inp["b_gate_l"] = jnp.zeros((7,), jnp.float32)
    inp["W_tag_l1"] = _lin(ks[5], 21, 7)
    inp["g_bn_l1"] = jnp.ones((7,), jnp.float32); inp["b_bn_l1"] = jnp.zeros((7,), jnp.float32)
    inp["W_tag_l2"] = _lin(ks[6], 21, 7)
    inp["g_bn_l2"] = jnp.ones((7,), jnp.float32); inp["b_bn_l2"] = jnp.zeros((7,), jnp.float32)
    inp["W_dense_l"] = _lin(ks[7], 7, 11); inp["b_dense_l"] = jnp.zeros((11,), jnp.float32)
    inp["W_ginit"] = _lin(ks[8], 14, 4); inp["b_ginit"] = jnp.zeros((4,), jnp.float32)
    inp["W_gate_g"] = _lin(ks[9], 4, 9); inp["b_gate_g"] = jnp.zeros((9,), jnp.float32)
    inp["W_tag_g1"] = _lin(ks[10], 27, 9)
    inp["g_bn_g1"] = jnp.ones((9,), jnp.float32); inp["b_bn_g1"] = jnp.zeros((9,), jnp.float32)
    inp["W_tag_g2"] = _lin(ks[11], 27, 9)
    inp["g_bn_g2"] = jnp.ones((9,), jnp.float32); inp["b_bn_g2"] = jnp.zeros((9,), jnp.float32)
    inp["W_dense_g"] = _lin(ks[12], 9, 13); inp["b_dense_g"] = jnp.zeros((13,), jnp.float32)
    inp["W_dec1"] = _lin(ks[13], 26, 13); inp["b_dec1"] = jnp.zeros((13,), jnp.float32)
    inp["W_dec2"] = _lin(ks[14], 13, 13); inp["b_dec2"] = jnp.zeros((13,), jnp.float32)
    inp["W_dec3"] = _lin(ks[15], 13, 16); inp["b_dec3"] = jnp.zeros((16,), jnp.float32)
    return inp

def _tagconv(x, src, dst, n, norm, W):
    # DGL TAGConv, k=2, symmetric degree normalization, no bias (use_batch_norm=True)
    fs = [x]; h = x
    for _ in range(2):
        h = h * norm[:, None]
        h = jax.ops.segment_sum(h[src], dst, num_segments=n)
        h = h * norm[:, None]
        fs.append(h)
    return jnp.concatenate(fs, axis=-1) @ W

def _bn(x, g, b):
    m = x.mean(0); v = x.var(0)
    return (x - m) / jnp.sqrt(v + 1e-5) * g + b

def _graph_embed(x, src, dst, n, norm, Wg, bg, Wt1, g1, b1, Wt2, g2, b2, Wd, bd):
    h = jax.nn.sigmoid(x @ Wg + bg)
    h = jax.nn.relu(_bn(_tagconv(h, src, dst, n, norm, Wt1), g1, b1))
    h = jax.nn.relu(_bn(_tagconv(h, src, dst, n, norm, Wt2), g2, b2))
    h = h @ Wd + bd
    return h.mean(0)

def _cos(a, b):
    return jnp.dot(a, b) / jnp.maximum(jnp.linalg.norm(a) * jnp.linalg.norm(b), 1e-6)

def _dist(a, b):
    return jnp.linalg.norm(a - b + 1e-6)

def reference(edge_index, num_nodes, h_target_local, h_target_global, W_init, b_init, W_gate_l, b_gate_l, W_tag_l1, g_bn_l1, b_bn_l1, W_tag_l2, g_bn_l2, b_bn_l2, W_dense_l, b_dense_l, W_ginit, b_ginit, W_gate_g, b_gate_g, W_tag_g1, g_bn_g1, b_bn_g1, W_tag_g2, g_bn_g2, b_bn_g2, W_dense_g, b_dense_g, W_dec1, b_dec1, W_dec2, b_dec2, W_dec3, b_dec3):
    n = N_NODES
    src = edge_index[0]; dst = edge_index[1]
    deg = jax.ops.segment_sum(jnp.ones_like(dst, dtype=jnp.float32), dst, num_segments=n)
    deg = deg + (jnp.asarray(num_nodes) - n).astype(jnp.float32)
    norm = jnp.maximum(deg, 1.0) ** -0.5
    x_l = jnp.concatenate([jnp.ones((n, 1), jnp.float32), jnp.ones((n, 11), jnp.float32)], axis=1) @ W_init + b_init
    x_g = jnp.concatenate([jnp.ones((n, 1), jnp.float32), jnp.ones((n, 13), jnp.float32)], axis=1) @ W_ginit + b_ginit
    hg_l = _graph_embed(x_l, src, dst, n, norm, W_gate_l, b_gate_l, W_tag_l1, g_bn_l1, b_bn_l1, W_tag_l2, g_bn_l2, b_bn_l2, W_dense_l, b_dense_l)
    hg_g = _graph_embed(x_g, src, dst, n, norm, W_gate_g, b_gate_g, W_tag_g1, g_bn_g1, b_bn_g1, W_tag_g2, g_bn_g2, b_bn_g2, W_dense_g, b_dense_g)
    feats = jnp.concatenate([jnp.stack([_cos(hg_l, h_target_local), _dist(hg_l, h_target_local), _cos(hg_g, h_target_global), _dist(hg_g, h_target_global)]), hg_l, h_target_local])[None, :]
    h = jax.nn.relu(feats @ W_dec1 + b_dec1)
    h = jax.nn.relu(h @ W_dec2 + b_dec2)
    return h @ W_dec3 + b_dec3

if __name__ == "__main__":
    import jax
    _d = setup_inputs()
    print(jax.jit(kernel)(*tuple(_d.values())))

</pallas_src>

<mosaic_0001>
#map = affine_map<(d0, d1) -> (0)>
#map1 = affine_map<(d0, d1) -> (0, 0)>
module attributes {stable_mosaic.version = 14 : i64} {
  func.func @k(%arg0: i32, %arg1: i32, %arg2: memref<6400000xi32, #tpu.memory_space<hbm>>, %arg3: memref<6400000xi32, #tpu.memory_space<hbm>>, %arg4: memref<102400x16xf32, #tpu.memory_space<hbm>>, %arg5: memref<204800x16xf32, #tpu.memory_space<hbm>>, %arg6: memref<102400x16xf32, #tpu.memory_space<vmem_shared>>, %arg7: memref<400xi32, #tpu.memory_space<vmem>>, %arg8: memref<400xi32, #tpu.memory_space<vmem>>, %arg9: memref<400xi32, #tpu.memory_space<vmem>>, %arg10: memref<400xi32, #tpu.memory_space<vmem>>, %arg11: memref<400xi32, #tpu.memory_space<vmem>>, %arg12: memref<400xi32, #tpu.memory_space<vmem>>, %arg13: memref<400xi32, #tpu.memory_space<vmem>>, %arg14: memref<400xi32, #tpu.memory_space<vmem>>, %arg15: memref<400x16xf32, #tpu.memory_space<vmem>>, %arg16: memref<400x16xf32, #tpu.memory_space<vmem>>, %arg17: memref<!tpu.dma_semaphore, #tpu.memory_space<semaphore_mem>>, %arg18: memref<!tpu.dma_semaphore, #tpu.memory_space<semaphore_mem>>, %arg19: memref<!tpu.dma_semaphore, #tpu.memory_space<semaphore_mem>>, %arg20: memref<!tpu.dma_semaphore, #tpu.memory_space<semaphore_mem>>, %arg21: memref<!tpu.dma_semaphore, #tpu.memory_space<semaphore_mem>>, %arg22: memref<!tpu.dma_semaphore, #tpu.memory_space<semaphore_mem>>) attributes {dimension_semantics = [#tpu.dimension_semantics<core_parallel>, #tpu.dimension_semantics<subcore_parallel>], iteration_bounds = array<i64: 2, 16>, scalar_prefetch = 0 : i64, scratch_operands = 17 : i64, tpu.core_type = #tpu.core_type<sc_vector_subcore>, window_params = [{transform_indices = #map}, {transform_indices = #map}, {transform_indices = #map1}, {transform_indices = #map1}]} {
    %scan3A = arith.constant 0 : i32
    %scan3A_0 = arith.constant 0 : i32
    %scan3A_1 = arith.constant 400 : i32
    %scan3A_2 = arith.addi %scan3A_0, %scan3A_1 : i32
    %scan3A_3 = arith.constant 1 : i32
    scf.for %scan3A_45 = %scan3A_0 to %scan3A_2 step %scan3A_3  : i32 {
      %broadcast_in_dim3A = arith.constant 0.000000e+00 : f32
      %broadcast_in_dim3A_46 = vector.broadcast %broadcast_in_dim3A : f32 to vector<16xf32>
      %swap3A = arith.index_cast %scan3A_45 : i32 to index
      %swap3A_47 = arith.constant 0 : index
      %swap3A_48 = tpu.vector_load %arg15[%swap3A, %swap3A_47] {strides = array<i32>} : memref<400x16xf32, #tpu.memory_space<vmem>>, vector<1x16xf32>,
      %swap3A_49 = vector.shape_cast %swap3A_48 : vector<1x16xf32> to vector<16xf32>
      %swap3A_50 = vector.shape_cast %broadcast_in_dim3A_46 : vector<16xf32> to vector<1x16xf32>
      tpu.vector_store %arg15[%swap3A, %swap3A_47], %swap3A_50 {strides = array<i32>} : memref<400x16xf32, #tpu.memory_space<vmem>>, vector<1x16xf32>,
    }
    %scan3A_4 = arith.constant 400 : i32
    %scan3A_5 = arith.constant 0 : i32
    %scan3A_6 = arith.constant 0 : i32
    %scan3A_7 = arith.constant 16 : i32
    %scan3A_8 = arith.addi %scan3A_6, %scan3A_7 : i32
    %scan3A_9 = arith.constant 1 : i32
    scf.for %scan3A_45 = %scan3A_6 to %scan3A_8 step %scan3A_9  : i32 {
      %mul3A_46 = arith.constant 6400 : i32
      %mul3A_47 = arith.muli %arg1, %mul3A_46 : i32
      %mul3A_48 = arith.constant 400 : i32
      %mul3A_49 = arith.muli %scan3A_45, %mul3A_48 : i32
      %add3A_50 = arith.addi %mul3A_47, %mul3A_49 : i32
      "tpu.region"() ({
        %run_scoped3A = tpu.sem_alloc : memref<!tpu.dma_semaphore, #tpu.memory_space<semaphore_mem>>
        %dma_start3A_51 = arith.constant 0 : i32
        %dma_start3A_52 = arith.constant 0 : i32
        %dma_start3A_53 = tpu.memref_slice %arg15[%dma_start3A_51, %dma_start3A_52] : memref<400x16xf32, #tpu.memory_space<vmem>> -> memref<400x16xf32, #tpu.memory_space<vmem>>
        %dma_start3A_54 = arith.constant 0 : i32
        %dma_start3A_55 = tpu.memref_slice %arg6[%add3A_50, %dma_start3A_54] : memref<102400x16xf32, #tpu.memory_space<vmem_shared>> -> memref<400x16xf32, #tpu.memory_space<vmem_shared>>
        %dma_start3A_56 = arith.constant 0 : i32
        %dma_start3A_57 = tpu.memref_slice %arg6[%add3A_50, %dma_start3A_56] : memref<102400x16xf32, #tpu.memory_space<vmem_shared>> -> memref<400x16xf32, #tpu.memory_space<vmem_shared>>
        %dma_start3A_58 = arith.constant 0 : i32
        %dma_start3A_59 = arith.constant 0 : i32
        %dma_start3A_60 = tpu.memref_slice %arg15[%dma_start3A_58, %dma_start3A_59] : memref<400x16xf32, #tpu.memory_space<vmem>> -> memref<400x16xf32, #tpu.memory_space<vmem>>
        tpu.enqueue_dma source(%dma_start3A_60 : memref<400x16xf32, #tpu.memory_space<vmem>>) target(%dma_start3A_57 : memref<400x16xf32, #tpu.memory_space<vmem_shared>>) target_semaphore(%run_scoped3A : memref<!tpu.dma_semaphore, #tpu.memory_space<semaphore_mem>>)
        %dma_wait3A_61 = arith.constant 0 : i32
        %dma_wait3A_62 = arith.constant 0 : i32
        %dma_wait3A_63 = tpu.memref_slice %arg15[%dma_wait3A_61, %dma_wait3A_62] : memref<400x16xf32, #tpu.memory_space<vmem>> -> memref<400x16xf32, #tpu.memory_space<vmem>>
        %dma_wait3A_64 = arith.constant 0 : i32
        %dma_wait3A_65 = tpu.memref_slice %arg6[%add3A_50, %dma_wait3A_64] : memref<102400x16xf32, #tpu.memory_space<vmem_shared>> -> memref<400x16xf32, #tpu.memory_space<vmem_shared>>
        %dma_wait3A_66 = arith.constant 0 : i32
        %dma_wait3A_67 = tpu.memref_slice %arg6[%add3A_50, %dma_wait3A_66] : memref<102400x16xf32, #tpu.memory_space<vmem_shared>> -> memref<400x16xf32, #tpu.memory_space<vmem_shared>>
        %dma_wait3A_68 = arith.constant 0 : i32
        %dma_wait3A_69 = arith.constant 0 : i32
        %dma_wait3A_70 = tpu.memref_slice %arg15[%dma_wait3A_68, %dma_wait3A_69] : memref<400x16xf32, #tpu.memory_space<vmem>> -> memref<400x16xf32, #tpu.memory_space<vmem>>
        tpu.wait_dma2 semaphore(%run_scoped3A : memref<!tpu.dma_semaphore, #tpu.memory_space<semaphore_mem>>) src(%dma_wait3A_70 : memref<400x16xf32, #tpu.memory_space<vmem>>) dst(%dma_wait3A_67 : memref<400x16xf32, #tpu.memory_space<vmem_shared>>)
        tpu.yield
      }) : () -> ()
    }
    %scan3A_10 = arith.constant 16 : i32
    %barrier3A = arith.constant 0 : index
    tpu.barrier barrier_id(%barrier3A)
    %mul3A = arith.constant 16 : i32
    %mul3A_11 = arith.muli %arg0, %mul3A : i32
    %add3A = arith.addi %mul3A_11, %arg1 : i32
    %mul3A_12 = arith.constant 200000 : i32
    %mul3A_13 = arith.muli %add3A, %mul3A_12 : i32
    %add3A_14 = arith.constant 400 : i32
    %add3A_15 = arith.addi %mul3A_13, %add3A_14 : i32
    %dma_start3A = tpu.memref_slice %arg2[%mul3A_13] : memref<6400000xi32, #tpu.memory_space<hbm>> -> memref<400xi32, #tpu.memory_space<hbm>>
    %dma_start3A_16 = tpu.memref_slice %arg2[%mul3A_13] : memref<6400000xi32, #tpu.memory_space<hbm>> -> memref<400xi32, #tpu.memory_space<hbm>>
    tpu.enqueue_dma source(%dma_start3A_16 : memref<400xi32, #tpu.memory_space<hbm>>) target(%arg7 : memref<400xi32, #tpu.memory_space<vmem>>) target_semaphore(%arg21 : memref<!tpu.dma_semaphore, #tpu.memory_space<semaphore_mem>>)
    %dma_start3A_17 = tpu.memref_slice %arg3[%mul3A_13] : memref<6400000xi32, #tpu.memory_space<hbm>> -> memref<400xi32, #tpu.memory_space<hbm>>
    %dma_start3A_18 = tpu.memref_slice %arg3[%mul3A_13] : memref<6400000xi32, #tpu.memory_space<hbm>> -> memref<400xi32, #tpu.memory_space<hbm>>
    tpu.enqueue_dma source(%dma_start3A_18 : memref<400xi32, #tpu.memory_space<hbm>>) target(%arg8 : memref<400xi32, #tpu.memory_space<vmem>>) target_semaphore(%arg21 : memref<!tpu.dma_semaphore, #tpu.memory_space<semaphore_mem>>)
    %dma_start3A_19 = tpu.memref_slice %arg2[%add3A_15] : memref<6400000xi32, #tpu.memory_space<hbm>> -> memref<400xi32, #tpu.memory_space<hbm>>
    %dma_start3A_20 = tpu.memref_slice %arg2[%add3A_15] : memref<6400000xi32, #tpu.memory_space<hbm>> -> memref<400xi32, #tpu.memory_space<hbm>>
    tpu.enqueue_dma source(%dma_start3A_20 : memref<400xi32, #tpu.memory_space<hbm>>) target(%arg9 : memref<400xi32, #tpu.memory_space<vmem>>) target_semaphore(%arg21 : memref<!tpu.dma_semaphore, #tpu.memory_space<semaphore_mem>>)
    %dma_start3A_21 = tpu.memref_slice %arg3[%add3A_15] : memref<6400000xi32, #tpu.memory_space<hbm>> -> memref<400xi32, #tpu.memory_space<hbm>>
    %dma_start3A_22 = tpu.memref_slice %arg3[%add3A_15] : memref<6400000xi32, #tpu.memory_space<hbm>> -> memref<400xi32, #tpu.memory_space<hbm>>
    tpu.enqueue_dma source(%dma_start3A_22 : memref<400xi32, #tpu.memory_space<hbm>>) target(%arg10 : memref<400xi32, #tpu.memory_space<vmem>>) target_semaphore(%arg21 : memref<!tpu.dma_semaphore, #tpu.memory_space<semaphore_mem>>)
    %scan3A_23 = arith.constant 0 : i32
    %scan3A_24 = arith.constant 0 : i32
    %scan3A_25 = arith.constant 125 : i32
    %scan3A_26 = arith.addi %scan3A_24, %scan3A_25 : i32
    %scan3A_27 = arith.constant 1 : i32
    scf.for %scan3A_45 = %scan3A_24 to %scan3A_26 step %scan3A_27  : i32 {
      %mul3A_46 = arith.constant 4 : i32
      %mul3A_47 = arith.muli %mul3A_46, %scan3A_45 : i32
      %mul3A_48 = arith.constant 400 : i32
      %mul3A_49 = arith.muli %mul3A_47, %mul3A_48 : i32
      %add3A_50 = arith.addi %mul3A_13, %mul3A_49 : i32
      %multiple_of3A = tpu.assume_multiple %add3A_50, 8 : i32
      %mul3A_51 = arith.constant 4 : i32
      %mul3A_52 = arith.muli %mul3A_51, %scan3A_45 : i32
      %add3A_53 = arith.constant 1 : i32
      %add3A_54 = arith.addi %mul3A_52, %add3A_53 : i32
      %mul3A_55 = arith.constant 400 : i32
      %mul3A_56 = arith.muli %add3A_54, %mul3A_55 : i32
      %add3A_57 = arith.addi %mul3A_13, %mul3A_56 : i32
      %multiple_of3A_58 = tpu.assume_multiple %add3A_57, 8 : i32
      %mul3A_59 = arith.constant 4 : i32
      %mul3A_60 = arith.muli %mul3A_59, %scan3A_45 : i32
      %add3A_61 = arith.constant 2 : i32
      %add3A_62 = arith.addi %mul3A_60, %add3A_61 : i32
      %mul3A_63 = arith.constant 400 : i32
      %mul3A_64 = arith.muli %add3A_62, %mul3A_63 : i32
      %add3A_65 = arith.addi %mul3A_13, %mul3A_64 : i32
      %multiple_of3A_66 = tpu.assume_multiple %add3A_65, 8 : i32
      %mul3A_67 = arith.constant 4 : i32
      %mul3A_68 = arith.muli %mul3A_67, %scan3A_45 : i32
      %add3A_69 = arith.constant 3 : i32
      %add3A_70 = arith.addi %mul3A_68, %add3A_69 : i32
      %mul3A_71 = arith.constant 400 : i32
      %mul3A_72 = arith.muli %add3A_70, %mul3A_71 : i32
      %add3A_73 = arith.addi %mul3A_13, %mul3A_72 : i32
      %multiple_of3A_74 = tpu.assume_multiple %add3A_73, 8 : i32
      %add3A_75 = arith.constant 1 : i32
      %add3A_76 = arith.addi %scan3A_45, %add3A_75 : i32
      %lt3A = arith.constant 125 : i32
      %lt3A_77 = arith.cmpi slt, %add3A_76, %lt3A : i32
      %mul3A_78 = arith.constant 4 : i32
      %mul3A_79 = arith.muli %mul3A_78, %scan3A_45 : i32
      %add3A_80 = arith.constant 4 : i32
      %add3A_81 = arith.addi %mul3A_79, %add3A_80 : i32
      %mul3A_82 = arith.constant 400 : i32
      %mul3A_83 = arith.muli %add3A_81, %mul3A_82 : i32
      %add3A_84 = arith.addi %mul3A_13, %mul3A_83 : i32
      %select_n3A = arith.select %lt3A_77, %add3A_84, %mul3A_13 : i32
      %multiple_of3A_85 = tpu.assume_multiple %select_n3A, 8 : i32
      %dma_wait3A_86 = tpu.memref_slice %arg2[%multiple_of3A] : memref<6400000xi32, #tpu.memory_space<hbm>> -> memref<400xi32, #tpu.memory_space<hbm>>
      %dma_wait3A_87 = tpu.memref_slice %arg2[%multiple_of3A] : memref<6400000xi32, #tpu.memory_space<hbm>> -> memref<400xi32, #tpu.memory_space<hbm>>
      tpu.wait_dma2 semaphore(%arg21 : memref<!tpu.dma_semaphore, #tpu.memory_space<semaphore_mem>>) src(%dma_wait3A_87 : memref<400xi32, #tpu.memory_space<hbm>>) dst(%arg7 : memref<400xi32, #tpu.memory_space<vmem>>)
      %dma_wait3A_88 = tpu.memref_slice %arg3[%multiple_of3A] : memref<6400000xi32, #tpu.memory_space<hbm>> -> memref<400xi32, #tpu.memory_space<hbm>>
      %dma_wait3A_89 = tpu.memref_slice %arg3[%multiple_of3A] : memref<6400000xi32, #tpu.memory_space<hbm>> -> memref<400xi32, #tpu.memory_space<hbm>>
      tpu.wait_dma2 semaphore(%arg21 : memref<!tpu.dma_semaphore, #tpu.memory_space<semaphore_mem>>) src(%dma_wait3A_89 : memref<400xi32, #tpu.memory_space<hbm>>) dst(%arg8 : memref<400xi32, #tpu.memory_space<vmem>>)
      %dma_wait3A_90 = tpu.memref_slice %arg2[%multiple_of3A_58] : memref<6400000xi32, #tpu.memory_space<hbm>> -> memref<400xi32, #tpu.memory_space<hbm>>
      %dma_wait3A_91 = tpu.memref_slice %arg2[%multiple_of3A_58] : memref<6400000xi32, #tpu.memory_space<hbm>> -> memref<400xi32, #tpu.memory_space<hbm>>
      tpu.wait_dma2 semaphore(%arg21 : memref<!tpu.dma_semaphore, #tpu.memory_space<semaphore_mem>>) src(%dma_wait3A_91 : memref<400xi32, #tpu.memory_space<hbm>>) dst(%arg9 : memref<400xi32, #tpu.memory_space<vmem>>)
      %dma_wait3A_92 = tpu.memref_slice %arg3[%multiple_of3A_58] : memref<6400000xi32, #tpu.memory_space<hbm>> -> memref<400xi32, #tpu.memory_space<hbm>>
      %dma_wait3A_93 = tpu.memref_slice %arg3[%multiple_of3A_58] : memref<6400000xi32, #tpu.memory_space<hbm>> -> memref<400xi32, #tpu.memory_space<hbm>>
      tpu.wait_dma2 semaphore(%arg21 : memref<!tpu.dma_semaphore, #tpu.memory_space<semaphore_mem>>) src(%dma_wait3A_93 : memref<400xi32, #tpu.memory_space<hbm>>) dst(%arg10 : memref<400xi32, #tpu.memory_space<vmem>>)
      %dma_start3A_94 = arith.constant 0 : i32
      %dma_start3A_95 = arith.constant 0 : i32
      %dma_start3A_96 = tpu.memref_slice %arg4[%dma_start3A_94, %dma_start3A_95] : memref<102400x16xf32, #tpu.memory_space<hbm>> -> memref<102400x16xf32, #tpu.memory_space<hbm>>
      tpu.enqueue_indirect_dma source(%dma_start3A_96 : memref<102400x16xf32, #tpu.memory_space<hbm>>) target(%arg15 : memref<400x16xf32, #tpu.memory_space<vmem>>) offsets(%arg7 : memref<400xi32, #tpu.memory_space<vmem>>) semaphore(%arg17 : memref<!tpu.dma_semaphore, #tpu.memory_space<semaphore_mem>>)
      %dma_start3A_97 = arith.constant 0 : i32
      %dma_start3A_98 = arith.constant 0 : i32
      %dma_start3A_99 = tpu.memref_slice %arg4[%dma_start3A_97, %dma_start3A_98] : memref<102400x16xf32, #tpu.memory_space<hbm>> -> memref<102400x16xf32, #tpu.memory_space<hbm>>
      tpu.enqueue_indirect_dma source(%dma_start3A_99 : memref<102400x16xf32, #tpu.memory_space<hbm>>) target(%arg16 : memref<400x16xf32, #tpu.memory_space<vmem>>) offsets(%arg9 : memref<400xi32, #tpu.memory_space<vmem>>) semaphore(%arg18 : memref<!tpu.dma_semaphore, #tpu.memory_space<semaphore_mem>>)
      %dma_start3A_100 = tpu.memref_slice %arg2[%multiple_of3A_66] : memref<6400000xi32, #tpu.memory_space<hbm>> -> memref<400xi32, #tpu.memory_space<hbm>>
      %dma_start3A_101 = tpu.memref_slice %arg2[%multiple_of3A_66] : memref<6400000xi32, #tpu.memory_space<hbm>> -> memref<400xi32, #tpu.memory_space<hbm>>
      tpu.enqueue_dma source(%dma_start3A_101 : memref<400xi32, #tpu.memory_space<hbm>>) target(%arg11 : memref<400xi32, #tpu.memory_space<vmem>>) target_semaphore(%arg22 : memref<!tpu.dma_semaphore, #tpu.memory_space<semaphore_mem>>)
      %dma_start3A_102 = tpu.memref_slice %arg3[%multiple_of3A_66] : memref<6400000xi32, #tpu.memory_space<hbm>> -> memref<400xi32, #tpu.memory_space<hbm>>
      %dma_start3A_103 = tpu.memref_slice %arg3[%multiple_of3A_66] : memref<6400000xi32, #tpu.memory_space<hbm>> -> memref<400xi32, #tpu.memory_space<hbm>>
      tpu.enqueue_dma source(%dma_start3A_103 : memref<400xi32, #tpu.memory_space<hbm>>) target(%arg12 : memref<400xi32, #tpu.memory_space<vmem>>) target_semaphore(%arg22 : memref<!tpu.dma_semaphore, #tpu.memory_space<semaphore_mem>>)
      %dma_start3A_104 = tpu.memref_slice %arg2[%multiple_of3A_74] : memref<6400000xi32, #tpu.memory_space<hbm>> -> memref<400xi32, #tpu.memory_space<hbm>>
      %dma_start3A_105 = tpu.memref_slice %arg2[%multiple_of3A_74] : memref<6400000xi32, #tpu.memory_space<hbm>> -> memref<400xi32, #tpu.memory_space<hbm>>
      tpu.enqueue_dma source(%dma_start3A_105 : memref<400xi32, #tpu.memory_space<hbm>>) target(%arg13 : memref<400xi32, #tpu.memory_space<vmem>>) target_semaphore(%arg22 : memref<!tpu.dma_semaphore, #tpu.memory_space<semaphore_mem>>)
      %dma_start3A_106 = tpu.memref_slice %arg3[%multiple_of3A_74] : memref<6400000xi32, #tpu.memory_space<hbm>> -> memref<400xi32, #tpu.memory_space<hbm>>
      %dma_start3A_107 = tpu.memref_slice %arg3[%multiple_of3A_74] : memref<6400000xi32, #tpu.memory_space<hbm>> -> memref<400xi32, #tpu.memory_space<hbm>>
      tpu.enqueue_dma source(%dma_start3A_107 : memref<400xi32, #tpu.memory_space<hbm>>) target(%arg14 : memref<400xi32, #tpu.memory_space<vmem>>) target_semaphore(%arg22 : memref<!tpu.dma_semaphore, #tpu.memory_space<semaphore_mem>>)
      %dma_wait3A_108 = arith.constant 0 : i32
      %dma_wait3A_109 = arith.constant 0 : i32
      %dma_wait3A_110 = tpu.memref_slice %arg4[%dma_wait3A_108, %dma_wait3A_109] : memref<102400x16xf32, #tpu.memory_space<hbm>> -> memref<102400x16xf32, #tpu.memory_space<hbm>>
      tpu.wait_indirect_dma semaphore(%arg17 : memref<!tpu.dma_semaphore, #tpu.memory_space<semaphore_mem>>) src(%dma_wait3A_110 : memref<102400x16xf32, #tpu.memory_space<hbm>>) dst(%arg15 : memref<400x16xf32, #tpu.memory_space<vmem>>)
      %dma_start3A_111 = arith.constant 0 : i32
      %dma_start3A_112 = arith.constant 0 : i32
      %dma_start3A_113 = tpu.memref_slice %arg6[%dma_start3A_111, %dma_start3A_112] : memref<102400x16xf32, #tpu.memory_space<vmem_shared>> -> memref<102400x16xf32, #tpu.memory_space<vmem_shared>>
      tpu.enqueue_indirect_dma source(%arg15 : memref<400x16xf32, #tpu.memory_space<vmem>>) target(%dma_start3A_113 : memref<102400x16xf32, #tpu.memory_space<vmem_shared>>) offsets(%arg8 : memref<400xi32, #tpu.memory_space<vmem>>) semaphore(%arg19 : memref<!tpu.dma_semaphore, #tpu.memory_space<semaphore_mem>>) {add = true}
      %dma_wait3A_114 = arith.constant 0 : i32
      %dma_wait3A_115 = arith.constant 0 : i32
      %dma_wait3A_116 = tpu.memref_slice %arg4[%dma_wait3A_114, %dma_wait3A_115] : memref<102400x16xf32, #tpu.memory_space<hbm>> -> memref<102400x16xf32, #tpu.memory_space<hbm>>
      tpu.wait_indirect_dma semaphore(%arg18 : memref<!tpu.dma_semaphore, #tpu.memory_space<semaphore_mem>>) src(%dma_wait3A_116 : memref<102400x16xf32, #tpu.memory_space<hbm>>) dst(%arg16 : memref<400x16xf32, #tpu.memory_space<vmem>>)
      %dma_start3A_117 = arith.constant 0 : i32
      %dma_start3A_118 = arith.constant 0 : i32
      %dma_start3A_119 = tpu.memref_slice %arg6[%dma_start3A_117, %dma_start3A_118] : memref<102400x16xf32, #tpu.memory_space<vmem_shared>> -> memref<102400x16xf32, #tpu.memory_space<vmem_shared>>
      tpu.enqueue_indirect_dma source(%arg16 : memref<400x16xf32, #tpu.memory_space<vmem>>) target(%dma_start3A_119 : memref<102400x16xf32, #tpu.memory_space<vmem_shared>>) offsets(%arg10 : memref<400xi32, #tpu.memory_space<vmem>>) semaphore(%arg20 : memref<!tpu.dma_semaphore, #tpu.memory_space<semaphore_mem>>) {add = true}
      %dma_wait3A_120 = arith.constant 0 : i32
      %dma_wait3A_121 = arith.constant 0 : i32
      %dma_wait3A_122 = tpu.memref_slice %arg6[%dma_wait3A_120, %dma_wait3A_121] : memref<102400x16xf32, #tpu.memory_space<vmem_shared>> -> memref<102400x16xf32, #tpu.memory_space<vmem_shared>>
      tpu.wait_indirect_dma semaphore(%arg19 : memref<!tpu.dma_semaphore, #tpu.memory_space<semaphore_mem>>) src(%arg15 : memref<400x16xf32, #tpu.memory_space<vmem>>) dst(%dma_wait3A_122 : memref<102400x16xf32, #tpu.memory_space<vmem_shared>>)
      %dma_wait3A_123 = arith.constant 0 : i32
      %dma_wait3A_124 = arith.constant 0 : i32
      %dma_wait3A_125 = tpu.memref_slice %arg6[%dma_wait3A_123, %dma_wait3A_124] : memref<102400x16xf32, #tpu.memory_space<vmem_shared>> -> memref<102400x16xf32, #tpu.memory_space<vmem_shared>>
      tpu.wait_indirect_dma semaphore(%arg20 : memref<!tpu.dma_semaphore, #tpu.memory_space<semaphore_mem>>) src(%arg16 : memref<400x16xf32, #tpu.memory_space<vmem>>) dst(%dma_wait3A_125 : memref<102400x16xf32, #tpu.memory_space<vmem_shared>>)
      %dma_wait3A_126 = tpu.memref_slice %arg2[%multiple_of3A_66] : memref<6400000xi32, #tpu.memory_space<hbm>> -> memref<400xi32, #tpu.memory_space<hbm>>
      %dma_wait3A_127 = tpu.memref_slice %arg2[%multiple_of3A_66] : memref<6400000xi32, #tpu.memory_space<hbm>> -> memref<400xi32, #tpu.memory_space<hbm>>
      tpu.wait_dma2 semaphore(%arg22 : memref<!tpu.dma_semaphore, #tpu.memory_space<semaphore_mem>>) src(%dma_wait3A_127 : memref<400xi32, #tpu.memory_space<hbm>>) dst(%arg11 : memref<400xi32, #tpu.memory_space<vmem>>)
      %dma_wait3A_128 = tpu.memref_slice %arg3[%multiple_of3A_66] : memref<6400000xi32, #tpu.memory_space<hbm>> -> memref<400xi32, #tpu.memory_space<hbm>>
      %dma_wait3A_129 = tpu.memref_slice %arg3[%multiple_of3A_66] : memref<6400000xi32, #tpu.memory_space<hbm>> -> memref<400xi32, #tpu.memory_space<hbm>>
      tpu.wait_dma2 semaphore(%arg22 : memref<!tpu.dma_semaphore, #tpu.memory_space<semaphore_mem>>) src(%dma_wait3A_129 : memref<400xi32, #tpu.memory_space<hbm>>) dst(%arg12 : memref<400xi32, #tpu.memory_space<vmem>>)
      %dma_wait3A_130 = tpu.memref_slice %arg2[%multiple_of3A_74] : memref<6400000xi32, #tpu.memory_space<hbm>> -> memref<400xi32, #tpu.memory_space<hbm>>
      %dma_wait3A_131 = tpu.memref_slice %arg2[%multiple_of3A_74] : memref<6400000xi32, #tpu.memory_space<hbm>> -> memref<400xi32, #tpu.memory_space<hbm>>
      tpu.wait_dma2 semaphore(%arg22 : memref<!tpu.dma_semaphore, #tpu.memory_space<semaphore_mem>>) src(%dma_wait3A_131 : memref<400xi32, #tpu.memory_space<hbm>>) dst(%arg13 : memref<400xi32, #tpu.memory_space<vmem>>)
      %dma_wait3A_132 = tpu.memref_slice %arg3[%multiple_of3A_74] : memref<6400000xi32, #tpu.memory_space<hbm>> -> memref<400xi32, #tpu.memory_space<hbm>>
      %dma_wait3A_133 = tpu.memref_slice %arg3[%multiple_of3A_74] : memref<6400000xi32, #tpu.memory_space<hbm>> -> memref<400xi32, #tpu.memory_space<hbm>>
      tpu.wait_dma2 semaphore(%arg22 : memref<!tpu.dma_semaphore, #tpu.memory_space<semaphore_mem>>) src(%dma_wait3A_133 : memref<400xi32, #tpu.memory_space<hbm>>) dst(%arg14 : memref<400xi32, #tpu.memory_space<vmem>>)
      %dma_start3A_134 = arith.constant 0 : i32
      %dma_start3A_135 = arith.constant 0 : i32
      %dma_start3A_136 = tpu.memref_slice %arg4[%dma_start3A_134, %dma_start3A_135] : memref<102400x16xf32, #tpu.memory_space<hbm>> -> memref<102400x16xf32, #tpu.memory_space<hbm>>
      tpu.enqueue_indirect_dma source(%dma_start3A_136 : memref<102400x16xf32, #tpu.memory_space<hbm>>) target(%arg15 : memref<400x16xf32, #tpu.memory_space<vmem>>) offsets(%arg11 : memref<400xi32, #tpu.memory_space<vmem>>) semaphore(%arg17 : memref<!tpu.dma_semaphore, #tpu.memory_space<semaphore_mem>>)
      %dma_start3A_137 = arith.constant 0 : i32
      %dma_start3A_138 = arith.constant 0 : i32
      %dma_start3A_139 = tpu.memref_slice %arg4[%dma_start3A_137, %dma_start3A_138] : memref<102400x16xf32, #tpu.memory_space<hbm>> -> memref<102400x16xf32, #tpu.memory_space<hbm>>
      tpu.enqueue_indirect_dma source(%dma_start3A_139 : memref<102400x16xf32, #tpu.memory_space<hbm>>) target(%arg16 : memref<400x16xf32, #tpu.memory_space<vmem>>) offsets(%arg13 : memref<400xi32, #tpu.memory_space<vmem>>) semaphore(%arg18 : memref<!tpu.dma_semaphore, #tpu.memory_space<semaphore_mem>>)
      %add3A_140 = arith.constant 400 : i32
      %add3A_141 = arith.addi %multiple_of3A_85, %add3A_140 : i32
      %dma_start3A_142 = tpu.memref_slice %arg2[%multiple_of3A_85] : memref<6400000xi32, #tpu.memory_space<hbm>> -> memref<400xi32, #tpu.memory_space<hbm>>
      %dma_start3A_143 = tpu.memref_slice %arg2[%multiple_of3A_85] : memref<6400000xi32, #tpu.memory_space<hbm>> -> memref<400xi32, #tpu.memory_space<hbm>>
      tpu.enqueue_dma source(%dma_start3A_143 : memref<400xi32, #tpu.memory_space<hbm>>) target(%arg7 : memref<400xi32, #tpu.memory_space<vmem>>) target_semaphore(%arg21 : memref<!tpu.dma_semaphore, #tpu.memory_space<semaphore_mem>>)
      %dma_start3A_144 = tpu.memref_slice %arg3[%multiple_of3A_85] : memref<6400000xi32, #tpu.memory_space<hbm>> -> memref<400xi32, #tpu.memory_space<hbm>>
      %dma_start3A_145 = tpu.memref_slice %arg3[%multiple_of3A_85] : memref<6400000xi32, #tpu.memory_space<hbm>> -> memref<400xi32, #tpu.memory_space<hbm>>
      tpu.enqueue_dma source(%dma_start3A_145 : memref<400xi32, #tpu.memory_space<hbm>>) target(%arg8 : memref<400xi32, #tpu.memory_space<vmem>>) target_semaphore(%arg21 : memref<!tpu.dma_semaphore, #tpu.memory_space<semaphore_mem>>)
      %dma_start3A_146 = tpu.memref_slice %arg2[%add3A_141] : memref<6400000xi32, #tpu.memory_space<hbm>> -> memref<400xi32, #tpu.memory_space<hbm>>
      %dma_start3A_147 = tpu.memref_slice %arg2[%add3A_141] : memref<6400000xi32, #tpu.memory_space<hbm>> -> memref<400xi32, #tpu.memory_space<hbm>>
      tpu.enqueue_dma source(%dma_start3A_147 : memref<400xi32, #tpu.memory_space<hbm>>) target(%arg9 : memref<400xi32, #tpu.memory_space<vmem>>) target_semaphore(%arg21 : memref<!tpu.dma_semaphore, #tpu.memory_space<semaphore_mem>>)
      %dma_start3A_148 = tpu.memref_slice %arg3[%add3A_141] : memref<6400000xi32, #tpu.memory_space<hbm>> -> memref<400xi32, #tpu.memory_space<hbm>>
      %dma_start3A_149 = tpu.memref_slice %arg3[%add3A_141] : memref<6400000xi32, #tpu.memory_space<hbm>> -> memref<400xi32, #tpu.memory_space<hbm>>
      tpu.enqueue_dma source(%dma_start3A_149 : memref<400xi32, #tpu.memory_space<hbm>>) target(%arg10 : memref<400xi32, #tpu.memory_space<vmem>>) target_semaphore(%arg21 : memref<!tpu.dma_semaphore, #tpu.memory_space<semaphore_mem>>)
      %dma_wait3A_150 = arith.constant 0 : i32
      %dma_wait3A_151 = arith.constant 0 : i32
      %dma_wait3A_152 = tpu.memref_slice %arg4[%dma_wait3A_150, %dma_wait3A_151] : memref<102400x16xf32, #tpu.memory_space<hbm>> -> memref<102400x16xf32, #tpu.memory_space<hbm>>
      tpu.wait_indirect_dma semaphore(%arg17 : memref<!tpu.dma_semaphore, #tpu.memory_space<semaphore_mem>>) src(%dma_wait3A_152 : memref<102400x16xf32, #tpu.memory_space<hbm>>) dst(%arg15 : memref<400x16xf32, #tpu.memory_space<vmem>>)
      %dma_start3A_153 = arith.constant 0 : i32
      %dma_start3A_154 = arith.constant 0 : i32
      %dma_start3A_155 = tpu.memref_slice %arg6[%dma_start3A_153, %dma_start3A_154] : memref<102400x16xf32, #tpu.memory_space<vmem_shared>> -> memref<102400x16xf32, #tpu.memory_space<vmem_shared>>
      tpu.enqueue_indirect_dma source(%arg15 : memref<400x16xf32, #tpu.memory_space<vmem>>) target(%dma_start3A_155 : memref<102400x16xf32, #tpu.memory_space<vmem_shared>>) offsets(%arg12 : memref<400xi32, #tpu.memory_space<vmem>>) semaphore(%arg19 : memref<!tpu.dma_semaphore, #tpu.memory_space<semaphore_mem>>) {add = true}
      %dma_wait3A_156 = arith.constant 0 : i32
      %dma_wait3A_157 = arith.constant 0 : i32
      %dma_wait3A_158 = tpu.memref_slice %arg4[%dma_wait3A_156, %dma_wait3A_157] : memref<102400x16xf32, #tpu.memory_space<hbm>> -> memref<102400x16xf32, #tpu.memory_space<hbm>>
      tpu.wait_indirect_dma semaphore(%arg18 : memref<!tpu.dma_semaphore, #tpu.memory_space<semaphore_mem>>) src(%dma_wait3A_158 : memref<102400x16xf32, #tpu.memory_space<hbm>>) dst(%arg16 : memref<400x16xf32, #tpu.memory_space<vmem>>)
      %dma_start3A_159 = arith.constant 0 : i32
      %dma_start3A_160 = arith.constant 0 : i32
      %dma_start3A_161 = tpu.memref_slice %arg6[%dma_start3A_159, %dma_start3A_160] : memref<102400x16xf32, #tpu.memory_space<vmem_shared>> -> memref<102400x16xf32, #tpu.memory_space<vmem_shared>>
      tpu.enqueue_indirect_dma source(%arg16 : memref<400x16xf32, #tpu.memory_space<vmem>>) target(%dma_start3A_161 : memref<102400x16xf32, #tpu.memory_space<vmem_shared>>) offsets(%arg14 : memref<400xi32, #tpu.memory_space<vmem>>) semaphore(%arg20 : memref<!tpu.dma_semaphore, #tpu.memory_space<semaphore_mem>>) {add = true}
      %dma_wait3A_162 = arith.constant 0 : i32
      %dma_wait3A_163 = arith.constant 0 : i32
      %dma_wait3A_164 = tpu.memref_slice %arg6[%dma_wait3A_162, %dma_wait3A_163] : memref<102400x16xf32, #tpu.memory_space<vmem_shared>> -> memref<102400x16xf32, #tpu.memory_space<vmem_shared>>
      tpu.wait_indirect_dma semaphore(%arg19 : memref<!tpu.dma_semaphore, #tpu.memory_space<semaphore_mem>>) src(%arg15 : memref<400x16xf32, #tpu.memory_space<vmem>>) dst(%dma_wait3A_164 : memref<102400x16xf32, #tpu.memory_space<vmem_shared>>)
      %dma_wait3A_165 = arith.constant 0 : i32
      %dma_wait3A_166 = arith.constant 0 : i32
      %dma_wait3A_167 = tpu.memref_slice %arg6[%dma_wait3A_165, %dma_wait3A_166] : memref<102400x16xf32, #tpu.memory_space<vmem_shared>> -> memref<102400x16xf32, #tpu.memory_space<vmem_shared>>
      tpu.wait_indirect_dma semaphore(%arg20 : memref<!tpu.dma_semaphore, #tpu.memory_space<semaphore_mem>>) src(%arg16 : memref<400x16xf32, #tpu.memory_space<vmem>>) dst(%dma_wait3A_167 : memref<102400x16xf32, #tpu.memory_space<vmem_shared>>)
    }
    %scan3A_28 = arith.constant 125 : i32
    %add3A_29 = arith.constant 400 : i32
    %add3A_30 = arith.addi %mul3A_13, %add3A_29 : i32
    %dma_wait3A = tpu.memref_slice %arg2[%mul3A_13] : memref<6400000xi32, #tpu.memory_space<hbm>> -> memref<400xi32, #tpu.memory_space<hbm>>
    %dma_wait3A_31 = tpu.memref_slice %arg2[%mul3A_13] : memref<6400000xi32, #tpu.memory_space<hbm>> -> memref<400xi32, #tpu.memory_space<hbm>>
    tpu.wait_dma2 semaphore(%arg21 : memref<!tpu.dma_semaphore, #tpu.memory_space<semaphore_mem>>) src(%dma_wait3A_31 : memref<400xi32, #tpu.memory_space<hbm>>) dst(%arg7 : memref<400xi32, #tpu.memory_space<vmem>>)
    %dma_wait3A_32 = tpu.memref_slice %arg3[%mul3A_13] : memref<6400000xi32, #tpu.memory_space<hbm>> -> memref<400xi32, #tpu.memory_space<hbm>>
    %dma_wait3A_33 = tpu.memref_slice %arg3[%mul3A_13] : memref<6400000xi32, #tpu.memory_space<hbm>> -> memref<400xi32, #tpu.memory_space<hbm>>
    tpu.wait_dma2 semaphore(%arg21 : memref<!tpu.dma_semaphore, #tpu.memory_space<semaphore_mem>>) src(%dma_wait3A_33 : memref<400xi32, #tpu.memory_space<hbm>>) dst(%arg8 : memref<400xi32, #tpu.memory_space<vmem>>)
    %dma_wait3A_34 = tpu.memref_slice %arg2[%add3A_30] : memref<6400000xi32, #tpu.memory_space<hbm>> -> memref<400xi32, #tpu.memory_space<hbm>>
    %dma_wait3A_35 = tpu.memref_slice %arg2[%add3A_30] : memref<6400000xi32, #tpu.memory_space<hbm>> -> memref<400xi32, #tpu.memory_space<hbm>>
    tpu.wait_dma2 semaphore(%arg21 : memref<!tpu.dma_semaphore, #tpu.memory_space<semaphore_mem>>) src(%dma_wait3A_35 : memref<400xi32, #tpu.memory_space<hbm>>) dst(%arg9 : memref<400xi32, #tpu.memory_space<vmem>>)
    %dma_wait3A_36 = tpu.memref_slice %arg3[%add3A_30] : memref<6400000xi32, #tpu.memory_space<hbm>> -> memref<400xi32, #tpu.memory_space<hbm>>
    %dma_wait3A_37 = tpu.memref_slice %arg3[%add3A_30] : memref<6400000xi32, #tpu.memory_space<hbm>> -> memref<400xi32, #tpu.memory_space<hbm>>
    tpu.wait_dma2 semaphore(%arg21 : memref<!tpu.dma_semaphore, #tpu.memory_space<semaphore_mem>>) src(%dma_wait3A_37 : memref<400xi32, #tpu.memory_space<hbm>>) dst(%arg10 : memref<400xi32, #tpu.memory_space<vmem>>)
    %barrier3A_38 = arith.constant 0 : index
    tpu.barrier barrier_id(%barrier3A_38)
    %scan3A_39 = arith.constant 0 : i32
    %scan3A_40 = arith.constant 0 : i32
    %scan3A_41 = arith.constant 16 : i32
    %scan3A_42 = arith.addi %scan3A_40, %scan3A_41 : i32
    %scan3A_43 = arith.constant 1 : i32
    scf.for %scan3A_45 = %scan3A_40 to %scan3A_42 step %scan3A_43  : i32 {
      %mul3A_46 = arith.constant 6400 : i32
      %mul3A_47 = arith.muli %arg1, %mul3A_46 : i32
      %mul3A_48 = arith.constant 400 : i32
      %mul3A_49 = arith.muli %scan3A_45, %mul3A_48 : i32
      %add3A_50 = arith.addi %mul3A_47, %mul3A_49 : i32
      "tpu.region"() ({
        %run_scoped3A = tpu.sem_alloc : memref<!tpu.dma_semaphore, #tpu.memory_space<semaphore_mem>>
        %dma_start3A_54 = arith.constant 0 : i32
        %dma_start3A_55 = arith.constant 0 : i32
        %dma_start3A_56 = tpu.memref_slice %arg15[%dma_start3A_54, %dma_start3A_55] : memref<400x16xf32, #tpu.memory_space<vmem>> -> memref<400x16xf32, #tpu.memory_space<vmem>>
        %dma_start3A_57 = arith.constant 0 : i32
        %dma_start3A_58 = tpu.memref_slice %arg6[%add3A_50, %dma_start3A_57] : memref<102400x16xf32, #tpu.memory_space<vmem_shared>> -> memref<400x16xf32, #tpu.memory_space<vmem_shared>>
        %dma_start3A_59 = arith.constant 0 : i32
        %dma_start3A_60 = arith.constant 0 : i32
        %dma_start3A_61 = tpu.memref_slice %arg15[%dma_start3A_59, %dma_start3A_60] : memref<400x16xf32, #tpu.memory_space<vmem>> -> memref<400x16xf32, #tpu.memory_space<vmem>>
        %dma_start3A_62 = arith.constant 0 : i32
        %dma_start3A_63 = tpu.memref_slice %arg6[%add3A_50, %dma_start3A_62] : memref<102400x16xf32, #tpu.memory_space<vmem_shared>> -> memref<400x16xf32, #tpu.memory_space<vmem_shared>>
        tpu.enqueue_dma source(%dma_start3A_63 : memref<400x16xf32, #tpu.memory_space<vmem_shared>>) target(%dma_start3A_61 : memref<400x16xf32, #tpu.memory_space<vmem>>) target_semaphore(%run_scoped3A : memref<!tpu.dma_semaphore, #tpu.memory_space<semaphore_mem>>)
        %dma_wait3A_64 = arith.constant 0 : i32
        %dma_wait3A_65 = arith.constant 0 : i32
        %dma_wait3A_66 = tpu.memref_slice %arg15[%dma_wait3A_64, %dma_wait3A_65] : memref<400x16xf32, #tpu.memory_space<vmem>> -> memref<400x16xf32, #tpu.memory_space<vmem>>
        %dma_wait3A_67 = arith.constant 0 : i32
        %dma_wait3A_68 = tpu.memref_slice %arg6[%add3A_50, %dma_wait3A_67] : memref<102400x16xf32, #tpu.memory_space<vmem_shared>> -> memref<400x16xf32, #tpu.memory_space<vmem_shared>>
        %dma_wait3A_69 = arith.constant 0 : i32
        %dma_wait3A_70 = arith.constant 0 : i32
        %dma_wait3A_71 = tpu.memref_slice %arg15[%dma_wait3A_69, %dma_wait3A_70] : memref<400x16xf32, #tpu.memory_space<vmem>> -> memref<400x16xf32, #tpu.memory_space<vmem>>
        %dma_wait3A_72 = arith.constant 0 : i32
        %dma_wait3A_73 = tpu.memref_slice %arg6[%add3A_50, %dma_wait3A_72] : memref<102400x16xf32, #tpu.memory_space<vmem_shared>> -> memref<400x16xf32, #tpu.memory_space<vmem_shared>>
        tpu.wait_dma2 semaphore(%run_scoped3A : memref<!tpu.dma_semaphore, #tpu.memory_space<semaphore_mem>>) src(%dma_wait3A_73 : memref<400x16xf32, #tpu.memory_space<vmem_shared>>) dst(%dma_wait3A_71 : memref<400x16xf32, #tpu.memory_space<vmem>>)
        tpu.yield
      }) : () -> ()
      %mul3A_51 = arith.constant 102400 : i32
      %mul3A_52 = arith.muli %arg0, %mul3A_51 : i32
      %add3A_53 = arith.addi %mul3A_52, %add3A_50 : i32
      "tpu.region"() ({
        %run_scoped3A = tpu.sem_alloc : memref<!tpu.dma_semaphore, #tpu.memory_space<semaphore_mem>>
        %dma_start3A_54 = arith.constant 0 : i32
        %dma_start3A_55 = arith.constant 0 : i32
        %dma_start3A_56 = tpu.memref_slice %arg15[%dma_start3A_54, %dma_start3A_55] : memref<400x16xf32, #tpu.memory_space<vmem>> -> memref<400x16xf32, #tpu.memory_space<vmem>>
        %dma_start3A_57 = arith.constant 0 : i32
        %dma_start3A_58 = tpu.memref_slice %arg5[%add3A_53, %dma_start3A_57] : memref<204800x16xf32, #tpu.memory_space<hbm>> -> memref<400x16xf32, #tpu.memory_space<hbm>>
        %dma_start3A_59 = arith.constant 0 : i32
        %dma_start3A_60 = tpu.memref_slice %arg5[%add3A_53, %dma_start3A_59] : memref<204800x16xf32, #tpu.memory_space<hbm>> -> memref<400x16xf32, #tpu.memory_space<hbm>>
        %dma_start3A_61 = arith.constant 0 : i32
        %dma_start3A_62 = arith.constant 0 : i32
        %dma_start3A_63 = tpu.memref_slice %arg15[%dma_start3A_61, %dma_start3A_62] : memref<400x16xf32, #tpu.memory_space<vmem>> -> memref<400x16xf32, #tpu.memory_space<vmem>>
        tpu.enqueue_dma source(%dma_start3A_63 : memref<400x16xf32, #tpu.memory_space<vmem>>) target(%dma_start3A_60 : memref<400x16xf32, #tpu.memory_space<hbm>>) target_semaphore(%run_scoped3A : memref<!tpu.dma_semaphore, #tpu.memory_space<semaphore_mem>>)
        %dma_wait3A_64 = arith.constant 0 : i32
        %dma_wait3A_65 = arith.constant 0 : i32
        %dma_wait3A_66 = tpu.memref_slice %arg15[%dma_wait3A_64, %dma_wait3A_65] : memref<400x16xf32, #tpu.memory_space<vmem>> -> memref<400x16xf32, #tpu.memory_space<vmem>>
        %dma_wait3A_67 = arith.constant 0 : i32
        %dma_wait3A_68 = tpu.memref_slice %arg5[%add3A_53, %dma_wait3A_67] : memref<204800x16xf32, #tpu.memory_space<hbm>> -> memref<400x16xf32, #tpu.memory_space<hbm>>
        %dma_wait3A_69 = arith.constant 0 : i32
        %dma_wait3A_70 = tpu.memref_slice %arg5[%add3A_53, %dma_wait3A_69] : memref<204800x16xf32, #tpu.memory_space<hbm>> -> memref<400x16xf32, #tpu.memory_space<hbm>>
        %dma_wait3A_71 = arith.constant 0 : i32
        %dma_wait3A_72 = arith.constant 0 : i32
        %dma_wait3A_73 = tpu.memref_slice %arg15[%dma_wait3A_71, %dma_wait3A_72] : memref<400x16xf32, #tpu.memory_space<vmem>> -> memref<400x16xf32, #tpu.memory_space<vmem>>
        tpu.wait_dma2 semaphore(%run_scoped3A : memref<!tpu.dma_semaphore, #tpu.memory_space<semaphore_mem>>) src(%dma_wait3A_73 : memref<400x16xf32, #tpu.memory_space<vmem>>) dst(%dma_wait3A_70 : memref<400x16xf32, #tpu.memory_space<hbm>>)
        tpu.yield
      }) : () -> ()
    }
    %scan3A_44 = arith.constant 16 : i32
    return
  }
}

#map = affine_map<(d0, d1) -> (0)>
module attributes {stable_mosaic.version = 14 : i64} {
  func.func @k(%arg0: i32, %arg1: i32, %arg2: memref<6400000xi32, #tpu.memory_space<hbm>>, %arg3: memref<204800xf32, #tpu.memory_space<hbm>>, %arg4: memref<102400xf32, #tpu.memory_space<vmem_shared>>, %arg5: memref<10000xi32, #tpu.memory_space<vmem>>, %arg6: memref<10000xi32, #tpu.memory_space<vmem>>, %arg7: memref<10000xf32, #tpu.memory_space<vmem>>, %arg8: memref<!tpu.dma_semaphore, #tpu.memory_space<semaphore_mem>>, %arg9: memref<!tpu.dma_semaphore, #tpu.memory_space<semaphore_mem>>) attributes {dimension_semantics = [#tpu.dimension_semantics<core_parallel>, #tpu.dimension_semantics<subcore_parallel>], iteration_bounds = array<i64: 2, 16>, scalar_prefetch = 0 : i64, scratch_operands = 6 : i64, tpu.core_type = #tpu.core_type<sc_vector_subcore>, window_params = [{transform_indices = #map}, {transform_indices = #map}]} {
    %scan3A = arith.constant 0 : i32
    %scan3A_0 = arith.constant 0 : i32
    %scan3A_1 = arith.constant 625 : i32
    %scan3A_2 = arith.addi %scan3A_0, %scan3A_1 : i32
    %scan3A_3 = arith.constant 1 : i32
    scf.for %scan3A_33 = %scan3A_0 to %scan3A_2 step %scan3A_3  : i32 {
      %broadcast_in_dim3A = arith.constant 0.000000e+00 : f32
      %broadcast_in_dim3A_34 = vector.broadcast %broadcast_in_dim3A : f32 to vector<16xf32>
      %mul3A_35 = arith.constant 16 : i32
      %mul3A_36 = arith.muli %scan3A_33, %mul3A_35 : i32
      %swap3A = arith.index_cast %mul3A_36 : i32 to index
      %swap3A_37 = tpu.vector_load %arg7[%swap3A] {strides = array<i32>} : memref<10000xf32, #tpu.memory_space<vmem>>, vector<16xf32>,
      %swap3A_38 = vector.shape_cast %swap3A_37 : vector<16xf32> to vector<16xf32>
      %swap3A_39 = vector.shape_cast %broadcast_in_dim3A_34 : vector<16xf32> to vector<16xf32>
      tpu.vector_store %arg7[%swap3A], %swap3A_39 {strides = array<i32>} : memref<10000xf32, #tpu.memory_space<vmem>>, vector<16xf32>,
    }
    %scan3A_4 = arith.constant 625 : i32
    %scan3A_5 = arith.constant 0 : i32
    %scan3A_6 = arith.constant 0 : i32
    %scan3A_7 = arith.constant 8 : i32
    %scan3A_8 = arith.addi %scan3A_6, %scan3A_7 : i32
    %scan3A_9 = arith.constant 1 : i32
    scf.for %scan3A_33 = %scan3A_6 to %scan3A_8 step %scan3A_9  : i32 {
      %mul3A_34 = arith.constant 6400 : i32
      %mul3A_35 = arith.muli %arg1, %mul3A_34 : i32
      %mul3A_36 = arith.constant 800 : i32
      %mul3A_37 = arith.muli %scan3A_33, %mul3A_36 : i32
      %add3A_38 = arith.addi %mul3A_35, %mul3A_37 : i32
      "tpu.region"() ({
        %run_scoped3A = tpu.sem_alloc : memref<!tpu.dma_semaphore, #tpu.memory_space<semaphore_mem>>
        %dma_start3A = arith.constant 0 : i32
        %dma_start3A_39 = tpu.memref_slice %arg7[%dma_start3A] : memref<10000xf32, #tpu.memory_space<vmem>> -> memref<800xf32, #tpu.memory_space<vmem>>
        %dma_start3A_40 = tpu.memref_slice %arg4[%add3A_38] : memref<102400xf32, #tpu.memory_space<vmem_shared>> -> memref<800xf32, #tpu.memory_space<vmem_shared>>
        %dma_start3A_41 = tpu.memref_slice %arg4[%add3A_38] : memref<102400xf32, #tpu.memory_space<vmem_shared>> -> memref<800xf32, #tpu.memory_space<vmem_shared>>
        %dma_start3A_42 = arith.constant 0 : i32
        %dma_start3A_43 = tpu.memref_slice %arg7[%dma_start3A_42] : memref<10000xf32, #tpu.memory_space<vmem>> -> memref<800xf32, #tpu.memory_space<vmem>>
        tpu.enqueue_dma source(%dma_start3A_43 : memref<800xf32, #tpu.memory_space<vmem>>) target(%dma_start3A_41 : memref<800xf32, #tpu.memory_space<vmem_shared>>) target_semaphore(%run_scoped3A : memref<!tpu.dma_semaphore, #tpu.memory_space<semaphore_mem>>)
        %dma_wait3A = arith.constant 0 : i32
        %dma_wait3A_44 = tpu.memref_slice %arg7[%dma_wait3A] : memref<10000xf32, #tpu.memory_space<vmem>> -> memref<800xf32, #tpu.memory_space<vmem>>
        %dma_wait3A_45 = tpu.memref_slice %arg4[%add3A_38] : memref<102400xf32, #tpu.memory_space<vmem_shared>> -> memref<800xf32, #tpu.memory_space<vmem_shared>>
        %dma_wait3A_46 = tpu.memref_slice %arg4[%add3A_38] : memref<102400xf32, #tpu.memory_space<vmem_shared>> -> memref<800xf32, #tpu.memory_space<vmem_shared>>
        %dma_wait3A_47 = arith.constant 0 : i32
        %dma_wait3A_48 = tpu.memref_slice %arg7[%dma_wait3A_47] : memref<10000xf32, #tpu.memory_space<vmem>> -> memref<800xf32, #tpu.memory_space<vmem>>
        tpu.wait_dma2 semaphore(%run_scoped3A : memref<!tpu.dma_semaphore, #tpu.memory_space<semaphore_mem>>) src(%dma_wait3A_48 : memref<800xf32, #tpu.memory_space<vmem>>) dst(%dma_wait3A_46 : memref<800xf32, #tpu.memory_space<vmem_shared>>)
        tpu.yield
      }) : () -> ()
    }
    %scan3A_10 = arith.constant 8 : i32
    %scan3A_11 = arith.constant 0 : i32
    %scan3A_12 = arith.constant 0 : i32
    %scan3A_13 = arith.constant 625 : i32
    %scan3A_14 = arith.addi %scan3A_12, %scan3A_13 : i32
    %scan3A_15 = arith.constant 1 : i32
    scf.for %scan3A_33 = %scan3A_12 to %scan3A_14 step %scan3A_15  : i32 {
      %broadcast_in_dim3A = arith.constant 1.000000e+00 : f32
      %broadcast_in_dim3A_34 = vector.broadcast %broadcast_in_dim3A : f32 to vector<16xf32>
      %mul3A_35 = arith.constant 16 : i32
      %mul3A_36 = arith.muli %scan3A_33, %mul3A_35 : i32
      %swap3A = arith.index_cast %mul3A_36 : i32 to index
      %swap3A_37 = tpu.vector_load %arg7[%swap3A] {strides = array<i32>} : memref<10000xf32, #tpu.memory_space<vmem>>, vector<16xf32>,
      %swap3A_38 = vector.shape_cast %swap3A_37 : vector<16xf32> to vector<16xf32>
      %swap3A_39 = vector.shape_cast %broadcast_in_dim3A_34 : vector<16xf32> to vector<16xf32>
      tpu.vector_store %arg7[%swap3A], %swap3A_39 {strides = array<i32>} : memref<10000xf32, #tpu.memory_space<vmem>>, vector<16xf32>,
    }
    %scan3A_16 = arith.constant 625 : i32
    %barrier3A = arith.constant 0 : index
    tpu.barrier barrier_id(%barrier3A)
    %mul3A = arith.constant 16 : i32
    %mul3A_17 = arith.muli %arg0, %mul3A : i32
    %add3A = arith.addi %mul3A_17, %arg1 : i32
    %mul3A_18 = arith.constant 200000 : i32
    %mul3A_19 = arith.muli %add3A, %mul3A_18 : i32
    %scan3A_20 = arith.constant 0 : i32
    %scan3A_21 = arith.constant 0 : i32
    %scan3A_22 = arith.constant 10 : i32
    %scan3A_23 = arith.addi %scan3A_21, %scan3A_22 : i32
    %scan3A_24 = arith.constant 1 : i32
    scf.for %scan3A_33 = %scan3A_21 to %scan3A_23 step %scan3A_24  : i32 {
      %mul3A_34 = arith.constant 2 : i32
      %mul3A_35 = arith.muli %mul3A_34, %scan3A_33 : i32
      %mul3A_36 = arith.constant 10000 : i32
      %mul3A_37 = arith.muli %mul3A_35, %mul3A_36 : i32
      %add3A_38 = arith.addi %mul3A_19, %mul3A_37 : i32
      %multiple_of3A = tpu.assume_multiple %add3A_38, 8 : i32
      %mul3A_39 = arith.constant 2 : i32
      %mul3A_40 = arith.muli %mul3A_39, %scan3A_33 : i32
      %add3A_41 = arith.constant 1 : i32
      %add3A_42 = arith.addi %mul3A_40, %add3A_41 : i32
      %mul3A_43 = arith.constant 10000 : i32
      %mul3A_44 = arith.muli %add3A_42, %mul3A_43 : i32
      %add3A_45 = arith.addi %mul3A_19, %mul3A_44 : i32
      %multiple_of3A_46 = tpu.assume_multiple %add3A_45, 8 : i32
      "tpu.region"() ({
        %run_scoped3A = tpu.sem_alloc : memref<!tpu.dma_semaphore, #tpu.memory_space<semaphore_mem>>
        %dma_start3A_53 = tpu.memref_slice %arg2[%multiple_of3A] : memref<6400000xi32, #tpu.memory_space<hbm>> -> memref<10000xi32, #tpu.memory_space<hbm>>
        %dma_start3A_54 = tpu.memref_slice %arg2[%multiple_of3A] : memref<6400000xi32, #tpu.memory_space<hbm>> -> memref<10000xi32, #tpu.memory_space<hbm>>
        tpu.enqueue_dma source(%dma_start3A_54 : memref<10000xi32, #tpu.memory_space<hbm>>) target(%arg5 : memref<10000xi32, #tpu.memory_space<vmem>>) target_semaphore(%run_scoped3A : memref<!tpu.dma_semaphore, #tpu.memory_space<semaphore_mem>>)
        %dma_wait3A_55 = tpu.memref_slice %arg2[%multiple_of3A] : memref<6400000xi32, #tpu.memory_space<hbm>> -> memref<10000xi32, #tpu.memory_space<hbm>>
        %dma_wait3A_56 = tpu.memref_slice %arg2[%multiple_of3A] : memref<6400000xi32, #tpu.memory_space<hbm>> -> memref<10000xi32, #tpu.memory_space<hbm>>
        tpu.wait_dma2 semaphore(%run_scoped3A : memref<!tpu.dma_semaphore, #tpu.memory_space<semaphore_mem>>) src(%dma_wait3A_56 : memref<10000xi32, #tpu.memory_space<hbm>>) dst(%arg5 : memref<10000xi32, #tpu.memory_space<vmem>>)
        tpu.yield
      }) : () -> ()
      %dma_start3A = arith.constant 0 : i32
      %dma_start3A_47 = tpu.memref_slice %arg4[%dma_start3A] : memref<102400xf32, #tpu.memory_space<vmem_shared>> -> memref<102400xf32, #tpu.memory_space<vmem_shared>>
      tpu.enqueue_indirect_dma source(%arg7 : memref<10000xf32, #tpu.memory_space<vmem>>) target(%dma_start3A_47 : memref<102400xf32, #tpu.memory_space<vmem_shared>>) offsets(%arg5 : memref<10000xi32, #tpu.memory_space<vmem>>) semaphore(%arg8 : memref<!tpu.dma_semaphore, #tpu.memory_space<semaphore_mem>>) {add = true}
      "tpu.region"() ({
        %run_scoped3A = tpu.sem_alloc : memref<!tpu.dma_semaphore, #tpu.memory_space<semaphore_mem>>
        %dma_start3A_53 = tpu.memref_slice %arg2[%multiple_of3A_46] : memref<6400000xi32, #tpu.memory_space<hbm>> -> memref<10000xi32, #tpu.memory_space<hbm>>
        %dma_start3A_54 = tpu.memref_slice %arg2[%multiple_of3A_46] : memref<6400000xi32, #tpu.memory_space<hbm>> -> memref<10000xi32, #tpu.memory_space<hbm>>
        tpu.enqueue_dma source(%dma_start3A_54 : memref<10000xi32, #tpu.memory_space<hbm>>) target(%arg6 : memref<10000xi32, #tpu.memory_space<vmem>>) target_semaphore(%run_scoped3A : memref<!tpu.dma_semaphore, #tpu.memory_space<semaphore_mem>>)
        %dma_wait3A_55 = tpu.memref_slice %arg2[%multiple_of3A_46] : memref<6400000xi32, #tpu.memory_space<hbm>> -> memref<10000xi32, #tpu.memory_space<hbm>>
        %dma_wait3A_56 = tpu.memref_slice %arg2[%multiple_of3A_46] : memref<6400000xi32, #tpu.memory_space<hbm>> -> memref<10000xi32, #tpu.memory_space<hbm>>
        tpu.wait_dma2 semaphore(%run_scoped3A : memref<!tpu.dma_semaphore, #tpu.memory_space<semaphore_mem>>) src(%dma_wait3A_56 : memref<10000xi32, #tpu.memory_space<hbm>>) dst(%arg6 : memref<10000xi32, #tpu.memory_space<vmem>>)
        tpu.yield
      }) : () -> ()
      %dma_start3A_48 = arith.constant 0 : i32
      %dma_start3A_49 = tpu.memref_slice %arg4[%dma_start3A_48] : memref<102400xf32, #tpu.memory_space<vmem_shared>> -> memref<102400xf32, #tpu.memory_space<vmem_shared>>
      tpu.enqueue_indirect_dma source(%arg7 : memref<10000xf32, #tpu.memory_space<vmem>>) target(%dma_start3A_49 : memref<102400xf32, #tpu.memory_space<vmem_shared>>) offsets(%arg6 : memref<10000xi32, #tpu.memory_space<vmem>>) semaphore(%arg9 : memref<!tpu.dma_semaphore, #tpu.memory_space<semaphore_mem>>) {add = true}
      %dma_wait3A = arith.constant 0 : i32
      %dma_wait3A_50 = tpu.memref_slice %arg4[%dma_wait3A] : memref<102400xf32, #tpu.memory_space<vmem_shared>> -> memref<102400xf32, #tpu.memory_space<vmem_shared>>
      tpu.wait_indirect_dma semaphore(%arg8 : memref<!tpu.dma_semaphore, #tpu.memory_space<semaphore_mem>>) src(%arg7 : memref<10000xf32, #tpu.memory_space<vmem>>) dst(%dma_wait3A_50 : memref<102400xf32, #tpu.memory_space<vmem_shared>>)
      %dma_wait3A_51 = arith.constant 0 : i32
      %dma_wait3A_52 = tpu.memref_slice %arg4[%dma_wait3A_51] : memref<102400xf32, #tpu.memory_space<vmem_shared>> -> memref<102400xf32, #tpu.memory_space<vmem_shared>>
      tpu.wait_indirect_dma semaphore(%arg9 : memref<!tpu.dma_semaphore, #tpu.memory_space<semaphore_mem>>) src(%arg7 : memref<10000xf32, #tpu.memory_space<vmem>>) dst(%dma_wait3A_52 : memref<102400xf32, #tpu.memory_space<vmem_shared>>)
    }
    %scan3A_25 = arith.constant 10 : i32
    %barrier3A_26 = arith.constant 0 : index
    tpu.barrier barrier_id(%barrier3A_26)
    %scan3A_27 = arith.constant 0 : i32
    %scan3A_28 = arith.constant 0 : i32
    %scan3A_29 = arith.constant 8 : i32
    %scan3A_30 = arith.addi %scan3A_28, %scan3A_29 : i32
    %scan3A_31 = arith.constant 1 : i32
    scf.for %scan3A_33 = %scan3A_28 to %scan3A_30 step %scan3A_31  : i32 {
      %mul3A_34 = arith.constant 6400 : i32
      %mul3A_35 = arith.muli %arg1, %mul3A_34 : i32
      %mul3A_36 = arith.constant 800 : i32
      %mul3A_37 = arith.muli %scan3A_33, %mul3A_36 : i32
      %add3A_38 = arith.addi %mul3A_35, %mul3A_37 : i32
      "tpu.region"() ({
        %run_scoped3A = tpu.sem_alloc : memref<!tpu.dma_semaphore, #tpu.memory_space<semaphore_mem>>
        %dma_start3A = arith.constant 0 : i32
        %dma_start3A_42 = tpu.memref_slice %arg7[%dma_start3A] : memref<10000xf32, #tpu.memory_space<vmem>> -> memref<800xf32, #tpu.memory_space<vmem>>
        %dma_start3A_43 = tpu.memref_slice %arg4[%add3A_38] : memref<102400xf32, #tpu.memory_space<vmem_shared>> -> memref<800xf32, #tpu.memory_space<vmem_shared>>
        %dma_start3A_44 = arith.constant 0 : i32
        %dma_start3A_45 = tpu.memref_slice %arg7[%dma_start3A_44] : memref<10000xf32, #tpu.memory_space<vmem>> -> memref<800xf32, #tpu.memory_space<vmem>>
        %dma_start3A_46 = tpu.memref_slice %arg4[%add3A_38] : memref<102400xf32, #tpu.memory_space<vmem_shared>> -> memref<800xf32, #tpu.memory_space<vmem_shared>>
        tpu.enqueue_dma source(%dma_start3A_46 : memref<800xf32, #tpu.memory_space<vmem_shared>>) target(%dma_start3A_45 : memref<800xf32, #tpu.memory_space<vmem>>) target_semaphore(%run_scoped3A : memref<!tpu.dma_semaphore, #tpu.memory_space<semaphore_mem>>)
        %dma_wait3A = arith.constant 0 : i32
        %dma_wait3A_47 = tpu.memref_slice %arg7[%dma_wait3A] : memref<10000xf32, #tpu.memory_space<vmem>> -> memref<800xf32, #tpu.memory_space<vmem>>
        %dma_wait3A_48 = tpu.memref_slice %arg4[%add3A_38] : memref<102400xf32, #tpu.memory_space<vmem_shared>> -> memref<800xf32, #tpu.memory_space<vmem_shared>>
        %dma_wait3A_49 = arith.constant 0 : i32
        %dma_wait3A_50 = tpu.memref_slice %arg7[%dma_wait3A_49] : memref<10000xf32, #tpu.memory_space<vmem>> -> memref<800xf32, #tpu.memory_space<vmem>>
        %dma_wait3A_51 = tpu.memref_slice %arg4[%add3A_38] : memref<102400xf32, #tpu.memory_space<vmem_shared>> -> memref<800xf32, #tpu.memory_space<vmem_shared>>
        tpu.wait_dma2 semaphore(%run_scoped3A : memref<!tpu.dma_semaphore, #tpu.memory_space<semaphore_mem>>) src(%dma_wait3A_51 : memref<800xf32, #tpu.memory_space<vmem_shared>>) dst(%dma_wait3A_50 : memref<800xf32, #tpu.memory_space<vmem>>)
        tpu.yield
      }) : () -> ()
      %mul3A_39 = arith.constant 102400 : i32
      %mul3A_40 = arith.muli %arg0, %mul3A_39 : i32
      %add3A_41 = arith.addi %mul3A_40, %add3A_38 : i32
      "tpu.region"() ({
        %run_scoped3A = tpu.sem_alloc : memref<!tpu.dma_semaphore, #tpu.memory_space<semaphore_mem>>
        %dma_start3A = arith.constant 0 : i32
        %dma_start3A_42 = tpu.memref_slice %arg7[%dma_start3A] : memref<10000xf32, #tpu.memory_space<vmem>> -> memref<800xf32, #tpu.memory_space<vmem>>
        %dma_start3A_43 = tpu.memref_slice %arg3[%add3A_41] : memref<204800xf32, #tpu.memory_space<hbm>> -> memref<800xf32, #tpu.memory_space<hbm>>
        %dma_start3A_44 = tpu.memref_slice %arg3[%add3A_41] : memref<204800xf32, #tpu.memory_space<hbm>> -> memref<800xf32, #tpu.memory_space<hbm>>
        %dma_start3A_45 = arith.constant 0 : i32
        %dma_start3A_46 = tpu.memref_slice %arg7[%dma_start3A_45] : memref<10000xf32, #tpu.memory_space<vmem>> -> memref<800xf32, #tpu.memory_space<vmem>>
        tpu.enqueue_dma source(%dma_start3A_46 : memref<800xf32, #tpu.memory_space<vmem>>) target(%dma_start3A_44 : memref<800xf32, #tpu.memory_space<hbm>>) target_semaphore(%run_scoped3A : memref<!tpu.dma_semaphore, #tpu.memory_space<semaphore_mem>>)
        %dma_wait3A = arith.constant 0 : i32
        %dma_wait3A_47 = tpu.memref_slice %arg7[%dma_wait3A] : memref<10000xf32, #tpu.memory_space<vmem>> -> memref<800xf32, #tpu.memory_space<vmem>>
        %dma_wait3A_48 = tpu.memref_slice %arg3[%add3A_41] : memref<204800xf32, #tpu.memory_space<hbm>> -> memref<800xf32, #tpu.memory_space<hbm>>
        %dma_wait3A_49 = tpu.memref_slice %arg3[%add3A_41] : memref<204800xf32, #tpu.memory_space<hbm>> -> memref<800xf32, #tpu.memory_space<hbm>>
        %dma_wait3A_50 = arith.constant 0 : i32
        %dma_wait3A_51 = tpu.memref_slice %arg7[%dma_wait3A_50] : memref<10000xf32, #tpu.memory_space<vmem>> -> memref<800xf32, #tpu.memory_space<vmem>>
        tpu.wait_dma2 semaphore(%run_scoped3A : memref<!tpu.dma_semaphore, #tpu.memory_space<semaphore_mem>>) src(%dma_wait3A_51 : memref<800xf32, #tpu.memory_space<vmem>>) dst(%dma_wait3A_49 : memref<800xf32, #tpu.memory_space<hbm>>)
        tpu.yield
      }) : () -> ()
    }
    %scan3A_32 = arith.constant 8 : i32
    return
  }
}

#map = affine_map<(d0, d1) -> (0)>
module attributes {stable_mosaic.version = 14 : i64} {
  func.func @k(%arg0: i32, %arg1: i32, %arg2: memref<6400000xi32, #tpu.memory_space<hbm>>, %arg3: memref<6400000xi32, #tpu.memory_space<hbm>>, %arg4: memref<102400xf32, #tpu.memory_space<hbm>>, %arg5: memref<204800xf32, #tpu.memory_space<hbm>>, %arg6: memref<102400xf32, #tpu.memory_space<vmem_shared>>, %arg7: memref<102400xf32, #tpu.memory_space<vmem_shared>>, %arg8: memref<10000xi32, #tpu.memory_space<vmem>>, %arg9: memref<10000xi32, #tpu.memory_space<vmem>>, %arg10: memref<10000xi32, #tpu.memory_space<vmem>>, %arg11: memref<10000xi32, #tpu.memory_space<vmem>>, %arg12: memref<10000xi32, #tpu.memory_space<vmem>>, %arg13: memref<10000xi32, #tpu.memory_space<vmem>>, %arg14: memref<10000xi32, #tpu.memory_space<vmem>>, %arg15: memref<10000xi32, #tpu.memory_space<vmem>>, %arg16: memref<10000xf32, #tpu.memory_space<vmem>>, %arg17: memref<10000xf32, #tpu.memory_space<vmem>>, %arg18: memref<!tpu.dma_semaphore, #tpu.memory_space<semaphore_mem>>, %arg19: memref<!tpu.dma_semaphore, #tpu.memory_space<semaphore_mem>>, %arg20: memref<!tpu.dma_semaphore, #tpu.memory_space<semaphore_mem>>, %arg21: memref<!tpu.dma_semaphore, #tpu.memory_space<semaphore_mem>>, %arg22: memref<!tpu.dma_semaphore, #tpu.memory_space<semaphore_mem>>, %arg23: memref<!tpu.dma_semaphore, #tpu.memory_space<semaphore_mem>>) attributes {dimension_semantics = [#tpu.dimension_semantics<core_parallel>, #tpu.dimension_semantics<subcore_parallel>], iteration_bounds = array<i64: 2, 16>, scalar_prefetch = 0 : i64, scratch_operands = 18 : i64, tpu.core_type = #tpu.core_type<sc_vector_subcore>, window_params = [{transform_indices = #map}, {transform_indices = #map}, {transform_indices = #map}, {transform_indices = #map}]} {
    %scan3A = arith.constant 0 : i32
    %scan3A_0 = arith.constant 0 : i32
    %scan3A_1 = arith.constant 625 : i32
    %scan3A_2 = arith.addi %scan3A_0, %scan3A_1 : i32
    %scan3A_3 = arith.constant 1 : i32
    scf.for %scan3A_51 = %scan3A_0 to %scan3A_2 step %scan3A_3  : i32 {
      %broadcast_in_dim3A = arith.constant 0.000000e+00 : f32
      %broadcast_in_dim3A_52 = vector.broadcast %broadcast_in_dim3A : f32 to vector<16xf32>
      %mul3A_53 = arith.constant 16 : i32
      %mul3A_54 = arith.muli %scan3A_51, %mul3A_53 : i32
      %swap3A = arith.index_cast %mul3A_54 : i32 to index
      %swap3A_55 = tpu.vector_load %arg16[%swap3A] {strides = array<i32>} : memref<10000xf32, #tpu.memory_space<vmem>>, vector<16xf32>,
      %swap3A_56 = vector.shape_cast %swap3A_55 : vector<16xf32> to vector<16xf32>
      %swap3A_57 = vector.shape_cast %broadcast_in_dim3A_52 : vector<16xf32> to vector<16xf32>
      tpu.vector_store %arg16[%swap3A], %swap3A_57 {strides = array<i32>} : memref<10000xf32, #tpu.memory_space<vmem>>, vector<16xf32>,
    }
    %scan3A_4 = arith.constant 625 : i32
    %scan3A_5 = arith.constant 0 : i32
    %scan3A_6 = arith.constant 0 : i32
    %scan3A_7 = arith.constant 8 : i32
    %scan3A_8 = arith.addi %scan3A_6, %scan3A_7 : i32
    %scan3A_9 = arith.constant 1 : i32
    scf.for %scan3A_51 = %scan3A_6 to %scan3A_8 step %scan3A_9  : i32 {
      %mul3A_52 = arith.constant 6400 : i32
      %mul3A_53 = arith.muli %arg1, %mul3A_52 : i32
      %mul3A_54 = arith.constant 800 : i32
      %mul3A_55 = arith.muli %scan3A_51, %mul3A_54 : i32
      %add3A_56 = arith.addi %mul3A_53, %mul3A_55 : i32
      "tpu.region"() ({
        %run_scoped3A = tpu.sem_alloc : memref<!tpu.dma_semaphore, #tpu.memory_space<semaphore_mem>>
        %dma_start3A_57 = arith.constant 0 : i32
        %dma_start3A_58 = tpu.memref_slice %arg16[%dma_start3A_57] : memref<10000xf32, #tpu.memory_space<vmem>> -> memref<800xf32, #tpu.memory_space<vmem>>
        %dma_start3A_59 = tpu.memref_slice %arg6[%add3A_56] : memref<102400xf32, #tpu.memory_space<vmem_shared>> -> memref<800xf32, #tpu.memory_space<vmem_shared>>
        %dma_start3A_60 = tpu.memref_slice %arg6[%add3A_56] : memref<102400xf32, #tpu.memory_space<vmem_shared>> -> memref<800xf32, #tpu.memory_space<vmem_shared>>
        %dma_start3A_61 = arith.constant 0 : i32
        %dma_start3A_62 = tpu.memref_slice %arg16[%dma_start3A_61] : memref<10000xf32, #tpu.memory_space<vmem>> -> memref<800xf32, #tpu.memory_space<vmem>>
        tpu.enqueue_dma source(%dma_start3A_62 : memref<800xf32, #tpu.memory_space<vmem>>) target(%dma_start3A_60 : memref<800xf32, #tpu.memory_space<vmem_shared>>) target_semaphore(%run_scoped3A : memref<!tpu.dma_semaphore, #tpu.memory_space<semaphore_mem>>)
        %dma_wait3A_63 = arith.constant 0 : i32
        %dma_wait3A_64 = tpu.memref_slice %arg16[%dma_wait3A_63] : memref<10000xf32, #tpu.memory_space<vmem>> -> memref<800xf32, #tpu.memory_space<vmem>>
        %dma_wait3A_65 = tpu.memref_slice %arg6[%add3A_56] : memref<102400xf32, #tpu.memory_space<vmem_shared>> -> memref<800xf32, #tpu.memory_space<vmem_shared>>
        %dma_wait3A_66 = tpu.memref_slice %arg6[%add3A_56] : memref<102400xf32, #tpu.memory_space<vmem_shared>> -> memref<800xf32, #tpu.memory_space<vmem_shared>>
        %dma_wait3A_67 = arith.constant 0 : i32
        %dma_wait3A_68 = tpu.memref_slice %arg16[%dma_wait3A_67] : memref<10000xf32, #tpu.memory_space<vmem>> -> memref<800xf32, #tpu.memory_space<vmem>>
        tpu.wait_dma2 semaphore(%run_scoped3A : memref<!tpu.dma_semaphore, #tpu.memory_space<semaphore_mem>>) src(%dma_wait3A_68 : memref<800xf32, #tpu.memory_space<vmem>>) dst(%dma_wait3A_66 : memref<800xf32, #tpu.memory_space<vmem_shared>>)
        tpu.yield
      }) : () -> ()
    }
    %scan3A_10 = arith.constant 8 : i32
    %scan3A_11 = arith.constant 0 : i32
    %scan3A_12 = arith.constant 0 : i32
    %scan3A_13 = arith.constant 4 : i32
    %scan3A_14 = arith.addi %scan3A_12, %scan3A_13 : i32
    %scan3A_15 = arith.constant 1 : i32
    scf.for %scan3A_51 = %scan3A_12 to %scan3A_14 step %scan3A_15  : i32 {
      %mul3A_52 = arith.constant 6400 : i32
      %mul3A_53 = arith.muli %arg1, %mul3A_52 : i32
      %mul3A_54 = arith.constant 1600 : i32
      %mul3A_55 = arith.muli %scan3A_51, %mul3A_54 : i32
      %add3A_56 = arith.addi %mul3A_53, %mul3A_55 : i32
      "tpu.region"() ({
        %run_scoped3A = tpu.sem_alloc : memref<!tpu.dma_semaphore, #tpu.memory_space<semaphore_mem>>
        %dma_start3A_57 = arith.constant 0 : i32
        %dma_start3A_58 = tpu.memref_slice %arg17[%dma_start3A_57] : memref<10000xf32, #tpu.memory_space<vmem>> -> memref<1600xf32, #tpu.memory_space<vmem>>
        %dma_start3A_59 = tpu.memref_slice %arg4[%add3A_56] : memref<102400xf32, #tpu.memory_space<hbm>> -> memref<1600xf32, #tpu.memory_space<hbm>>
        %dma_start3A_60 = arith.constant 0 : i32
        %dma_start3A_61 = tpu.memref_slice %arg17[%dma_start3A_60] : memref<10000xf32, #tpu.memory_space<vmem>> -> memref<1600xf32, #tpu.memory_space<vmem>>
        %dma_start3A_62 = tpu.memref_slice %arg4[%add3A_56] : memref<102400xf32, #tpu.memory_space<hbm>> -> memref<1600xf32, #tpu.memory_space<hbm>>
        tpu.enqueue_dma source(%dma_start3A_62 : memref<1600xf32, #tpu.memory_space<hbm>>) target(%dma_start3A_61 : memref<1600xf32, #tpu.memory_space<vmem>>) target_semaphore(%run_scoped3A : memref<!tpu.dma_semaphore, #tpu.memory_space<semaphore_mem>>)
        %dma_wait3A_63 = arith.constant 0 : i32
        %dma_wait3A_64 = tpu.memref_slice %arg17[%dma_wait3A_63] : memref<10000xf32, #tpu.memory_space<vmem>> -> memref<1600xf32, #tpu.memory_space<vmem>>
        %dma_wait3A_65 = tpu.memref_slice %arg4[%add3A_56] : memref<102400xf32, #tpu.memory_space<hbm>> -> memref<1600xf32, #tpu.memory_space<hbm>>
        %dma_wait3A_66 = arith.constant 0 : i32
        %dma_wait3A_67 = tpu.memref_slice %arg17[%dma_wait3A_66] : memref<10000xf32, #tpu.memory_space<vmem>> -> memref<1600xf32, #tpu.memory_space<vmem>>
        %dma_wait3A_68 = tpu.memref_slice %arg4[%add3A_56] : memref<102400xf32, #tpu.memory_space<hbm>> -> memref<1600xf32, #tpu.memory_space<hbm>>
        tpu.wait_dma2 semaphore(%run_scoped3A : memref<!tpu.dma_semaphore, #tpu.memory_space<semaphore_mem>>) src(%dma_wait3A_68 : memref<1600xf32, #tpu.memory_space<hbm>>) dst(%dma_wait3A_67 : memref<1600xf32, #tpu.memory_space<vmem>>)
        tpu.yield
      }) : () -> ()
      "tpu.region"() ({
        %run_scoped3A = tpu.sem_alloc : memref<!tpu.dma_semaphore, #tpu.memory_space<semaphore_mem>>
        %dma_start3A_57 = arith.constant 0 : i32
        %dma_start3A_58 = tpu.memref_slice %arg17[%dma_start3A_57] : memref<10000xf32, #tpu.memory_space<vmem>> -> memref<1600xf32, #tpu.memory_space<vmem>>
        %dma_start3A_59 = tpu.memref_slice %arg7[%add3A_56] : memref<102400xf32, #tpu.memory_space<vmem_shared>> -> memref<1600xf32, #tpu.memory_space<vmem_shared>>
        %dma_start3A_60 = tpu.memref_slice %arg7[%add3A_56] : memref<102400xf32, #tpu.memory_space<vmem_shared>> -> memref<1600xf32, #tpu.memory_space<vmem_shared>>
        %dma_start3A_61 = arith.constant 0 : i32
        %dma_start3A_62 = tpu.memref_slice %arg17[%dma_start3A_61] : memref<10000xf32, #tpu.memory_space<vmem>> -> memref<1600xf32, #tpu.memory_space<vmem>>
        tpu.enqueue_dma source(%dma_start3A_62 : memref<1600xf32, #tpu.memory_space<vmem>>) target(%dma_start3A_60 : memref<1600xf32, #tpu.memory_space<vmem_shared>>) target_semaphore(%run_scoped3A : memref<!tpu.dma_semaphore, #tpu.memory_space<semaphore_mem>>)
        %dma_wait3A_63 = arith.constant 0 : i32
        %dma_wait3A_64 = tpu.memref_slice %arg17[%dma_wait3A_63] : memref<10000xf32, #tpu.memory_space<vmem>> -> memref<1600xf32, #tpu.memory_space<vmem>>
        %dma_wait3A_65 = tpu.memref_slice %arg7[%add3A_56] : memref<102400xf32, #tpu.memory_space<vmem_shared>> -> memref<1600xf32, #tpu.memory_space<vmem_shared>>
        %dma_wait3A_66 = tpu.memref_slice %arg7[%add3A_56] : memref<102400xf32, #tpu.memory_space<vmem_shared>> -> memref<1600xf32, #tpu.memory_space<vmem_shared>>
        %dma_wait3A_67 = arith.constant 0 : i32
        %dma_wait3A_68 = tpu.memref_slice %arg17[%dma_wait3A_67] : memref<10000xf32, #tpu.memory_space<vmem>> -> memref<1600xf32, #tpu.memory_space<vmem>>
        tpu.wait_dma2 semaphore(%run_scoped3A : memref<!tpu.dma_semaphore, #tpu.memory_space<semaphore_mem>>) src(%dma_wait3A_68 : memref<1600xf32, #tpu.memory_space<vmem>>) dst(%dma_wait3A_66 : memref<1600xf32, #tpu.memory_space<vmem_shared>>)
        tpu.yield
      }) : () -> ()
    }
    %scan3A_16 = arith.constant 4 : i32
    %barrier3A = arith.constant 0 : index
    tpu.barrier barrier_id(%barrier3A)
    %mul3A = arith.constant 16 : i32
    %mul3A_17 = arith.muli %arg0, %mul3A : i32
    %add3A = arith.addi %mul3A_17, %arg1 : i32
    %mul3A_18 = arith.constant 200000 : i32
    %mul3A_19 = arith.muli %add3A, %mul3A_18 : i32
    %add3A_20 = arith.constant 10000 : i32
    %add3A_21 = arith.addi %mul3A_19, %add3A_20 : i32
    %dma_start3A = tpu.memref_slice %arg2[%mul3A_19] : memref<6400000xi32, #tpu.memory_space<hbm>> -> memref<10000xi32, #tpu.memory_space<hbm>>
    %dma_start3A_22 = tpu.memref_slice %arg2[%mul3A_19] : memref<6400000xi32, #tpu.memory_space<hbm>> -> memref<10000xi32, #tpu.memory_space<hbm>>
    tpu.enqueue_dma source(%dma_start3A_22 : memref<10000xi32, #tpu.memory_space<hbm>>) target(%arg8 : memref<10000xi32, #tpu.memory_space<vmem>>) target_semaphore(%arg22 : memref<!tpu.dma_semaphore, #tpu.memory_space<semaphore_mem>>)
    %dma_start3A_23 = tpu.memref_slice %arg3[%mul3A_19] : memref<6400000xi32, #tpu.memory_space<hbm>> -> memref<10000xi32, #tpu.memory_space<hbm>>
    %dma_start3A_24 = tpu.memref_slice %arg3[%mul3A_19] : memref<6400000xi32, #tpu.memory_space<hbm>> -> memref<10000xi32, #tpu.memory_space<hbm>>
    tpu.enqueue_dma source(%dma_start3A_24 : memref<10000xi32, #tpu.memory_space<hbm>>) target(%arg9 : memref<10000xi32, #tpu.memory_space<vmem>>) target_semaphore(%arg22 : memref<!tpu.dma_semaphore, #tpu.memory_space<semaphore_mem>>)
    %dma_start3A_25 = tpu.memref_slice %arg2[%add3A_21] : memref<6400000xi32, #tpu.memory_space<hbm>> -> memref<10000xi32, #tpu.memory_space<hbm>>
    %dma_start3A_26 = tpu.memref_slice %arg2[%add3A_21] : memref<6400000xi32, #tpu.memory_space<hbm>> -> memref<10000xi32, #tpu.memory_space<hbm>>
    tpu.enqueue_dma source(%dma_start3A_26 : memref<10000xi32, #tpu.memory_space<hbm>>) target(%arg10 : memref<10000xi32, #tpu.memory_space<vmem>>) target_semaphore(%arg22 : memref<!tpu.dma_semaphore, #tpu.memory_space<semaphore_mem>>)
    %dma_start3A_27 = tpu.memref_slice %arg3[%add3A_21] : memref<6400000xi32, #tpu.memory_space<hbm>> -> memref<10000xi32, #tpu.memory_space<hbm>>
    %dma_start3A_28 = tpu.memref_slice %arg3[%add3A_21] : memref<6400000xi32, #tpu.memory_space<hbm>> -> memref<10000xi32, #tpu.memory_space<hbm>>
    tpu.enqueue_dma source(%dma_start3A_28 : memref<10000xi32, #tpu.memory_space<hbm>>) target(%arg11 : memref<10000xi32, #tpu.memory_space<vmem>>) target_semaphore(%arg22 : memref<!tpu.dma_semaphore, #tpu.memory_space<semaphore_mem>>)
    %scan3A_29 = arith.constant 0 : i32
    %scan3A_30 = arith.constant 0 : i32
    %scan3A_31 = arith.constant 5 : i32
    %scan3A_32 = arith.addi %scan3A_30, %scan3A_31 : i32
    %scan3A_33 = arith.constant 1 : i32
    scf.for %scan3A_51 = %scan3A_30 to %scan3A_32 step %scan3A_33  : i32 {
      %mul3A_52 = arith.constant 4 : i32
      %mul3A_53 = arith.muli %mul3A_52, %scan3A_51 : i32
      %mul3A_54 = arith.constant 10000 : i32
      %mul3A_55 = arith.muli %mul3A_53, %mul3A_54 : i32
      %add3A_56 = arith.addi %mul3A_19, %mul3A_55 : i32
      %multiple_of3A = tpu.assume_multiple %add3A_56, 8 : i32
      %mul3A_57 = arith.constant 4 : i32
      %mul3A_58 = arith.muli %mul3A_57, %scan3A_51 : i32
      %add3A_59 = arith.constant 1 : i32
      %add3A_60 = arith.addi %mul3A_58, %add3A_59 : i32
      %mul3A_61 = arith.constant 10000 : i32
      %mul3A_62 = arith.muli %add3A_60, %mul3A_61 : i32
      %add3A_63 = arith.addi %mul3A_19, %mul3A_62 : i32
      %multiple_of3A_64 = tpu.assume_multiple %add3A_63, 8 : i32
      %mul3A_65 = arith.constant 4 : i32
      %mul3A_66 = arith.muli %mul3A_65, %scan3A_51 : i32
      %add3A_67 = arith.constant 2 : i32
      %add3A_68 = arith.addi %mul3A_66, %add3A_67 : i32
      %mul3A_69 = arith.constant 10000 : i32
      %mul3A_70 = arith.muli %add3A_68, %mul3A_69 : i32
      %add3A_71 = arith.addi %mul3A_19, %mul3A_70 : i32
      %multiple_of3A_72 = tpu.assume_multiple %add3A_71, 8 : i32
      %mul3A_73 = arith.constant 4 : i32
      %mul3A_74 = arith.muli %mul3A_73, %scan3A_51 : i32
      %add3A_75 = arith.constant 3 : i32
      %add3A_76 = arith.addi %mul3A_74, %add3A_75 : i32
      %mul3A_77 = arith.constant 10000 : i32
      %mul3A_78 = arith.muli %add3A_76, %mul3A_77 : i32
      %add3A_79 = arith.addi %mul3A_19, %mul3A_78 : i32
      %multiple_of3A_80 = tpu.assume_multiple %add3A_79, 8 : i32
      %add3A_81 = arith.constant 1 : i32
      %add3A_82 = arith.addi %scan3A_51, %add3A_81 : i32
      %lt3A = arith.constant 5 : i32
      %lt3A_83 = arith.cmpi slt, %add3A_82, %lt3A : i32
      %mul3A_84 = arith.constant 4 : i32
      %mul3A_85 = arith.muli %mul3A_84, %scan3A_51 : i32
      %add3A_86 = arith.constant 4 : i32
      %add3A_87 = arith.addi %mul3A_85, %add3A_86 : i32
      %mul3A_88 = arith.constant 10000 : i32
      %mul3A_89 = arith.muli %add3A_87, %mul3A_88 : i32
      %add3A_90 = arith.addi %mul3A_19, %mul3A_89 : i32
      %select_n3A = arith.select %lt3A_83, %add3A_90, %mul3A_19 : i32
      %multiple_of3A_91 = tpu.assume_multiple %select_n3A, 8 : i32
      %dma_wait3A_92 = tpu.memref_slice %arg2[%multiple_of3A] : memref<6400000xi32, #tpu.memory_space<hbm>> -> memref<10000xi32, #tpu.memory_space<hbm>>
      %dma_wait3A_93 = tpu.memref_slice %arg2[%multiple_of3A] : memref<6400000xi32, #tpu.memory_space<hbm>> -> memref<10000xi32, #tpu.memory_space<hbm>>
      tpu.wait_dma2 semaphore(%arg22 : memref<!tpu.dma_semaphore, #tpu.memory_space<semaphore_mem>>) src(%dma_wait3A_93 : memref<10000xi32, #tpu.memory_space<hbm>>) dst(%arg8 : memref<10000xi32, #tpu.memory_space<vmem>>)
      %dma_wait3A_94 = tpu.memref_slice %arg3[%multiple_of3A] : memref<6400000xi32, #tpu.memory_space<hbm>> -> memref<10000xi32, #tpu.memory_space<hbm>>
      %dma_wait3A_95 = tpu.memref_slice %arg3[%multiple_of3A] : memref<6400000xi32, #tpu.memory_space<hbm>> -> memref<10000xi32, #tpu.memory_space<hbm>>
      tpu.wait_dma2 semaphore(%arg22 : memref<!tpu.dma_semaphore, #tpu.memory_space<semaphore_mem>>) src(%dma_wait3A_95 : memref<10000xi32, #tpu.memory_space<hbm>>) dst(%arg9 : memref<10000xi32, #tpu.memory_space<vmem>>)
      %dma_wait3A_96 = tpu.memref_slice %arg2[%multiple_of3A_64] : memref<6400000xi32, #tpu.memory_space<hbm>> -> memref<10000xi32, #tpu.memory_space<hbm>>
      %dma_wait3A_97 = tpu.memref_slice %arg2[%multiple_of3A_64] : memref<6400000xi32, #tpu.memory_space<hbm>> -> memref<10000xi32, #tpu.memory_space<hbm>>
      tpu.wait_dma2 semaphore(%arg22 : memref<!tpu.dma_semaphore, #tpu.memory_space<semaphore_mem>>) src(%dma_wait3A_97 : memref<10000xi32, #tpu.memory_space<hbm>>) dst(%arg10 : memref<10000xi32, #tpu.memory_space<vmem>>)
      %dma_wait3A_98 = tpu.memref_slice %arg3[%multiple_of3A_64] : memref<6400000xi32, #tpu.memory_space<hbm>> -> memref<10000xi32, #tpu.memory_space<hbm>>
      %dma_wait3A_99 = tpu.memref_slice %arg3[%multiple_of3A_64] : memref<6400000xi32, #tpu.memory_space<hbm>> -> memref<10000xi32, #tpu.memory_space<hbm>>
      tpu.wait_dma2 semaphore(%arg22 : memref<!tpu.dma_semaphore, #tpu.memory_space<semaphore_mem>>) src(%dma_wait3A_99 : memref<10000xi32, #tpu.memory_space<hbm>>) dst(%arg11 : memref<10000xi32, #tpu.memory_space<vmem>>)
      %dma_start3A_100 = arith.constant 0 : i32
      %dma_start3A_101 = tpu.memref_slice %arg7[%dma_start3A_100] : memref<102400xf32, #tpu.memory_space<vmem_shared>> -> memref<102400xf32, #tpu.memory_space<vmem_shared>>
      tpu.enqueue_indirect_dma source(%dma_start3A_101 : memref<102400xf32, #tpu.memory_space<vmem_shared>>) target(%arg16 : memref<10000xf32, #tpu.memory_space<vmem>>) offsets(%arg8 : memref<10000xi32, #tpu.memory_space<vmem>>) semaphore(%arg18 : memref<!tpu.dma_semaphore, #tpu.memory_space<semaphore_mem>>)
      %dma_start3A_102 = arith.constant 0 : i32
      %dma_start3A_103 = tpu.memref_slice %arg7[%dma_start3A_102] : memref<102400xf32, #tpu.memory_space<vmem_shared>> -> memref<102400xf32, #tpu.memory_space<vmem_shared>>
      tpu.enqueue_indirect_dma source(%dma_start3A_103 : memref<102400xf32, #tpu.memory_space<vmem_shared>>) target(%arg17 : memref<10000xf32, #tpu.memory_space<vmem>>) offsets(%arg10 : memref<10000xi32, #tpu.memory_space<vmem>>) semaphore(%arg19 : memref<!tpu.dma_semaphore, #tpu.memory_space<semaphore_mem>>)
      %dma_start3A_104 = tpu.memref_slice %arg2[%multiple_of3A_72] : memref<6400000xi32, #tpu.memory_space<hbm>> -> memref<10000xi32, #tpu.memory_space<hbm>>
      %dma_start3A_105 = tpu.memref_slice %arg2[%multiple_of3A_72] : memref<6400000xi32, #tpu.memory_space<hbm>> -> memref<10000xi32, #tpu.memory_space<hbm>>
      tpu.enqueue_dma source(%dma_start3A_105 : memref<10000xi32, #tpu.memory_space<hbm>>) target(%arg12 : memref<10000xi32, #tpu.memory_space<vmem>>) target_semaphore(%arg23 : memref<!tpu.dma_semaphore, #tpu.memory_space<semaphore_mem>>)
      %dma_start3A_106 = tpu.memref_slice %arg3[%multiple_of3A_72] : memref<6400000xi32, #tpu.memory_space<hbm>> -> memref<10000xi32, #tpu.memory_space<hbm>>
      %dma_start3A_107 = tpu.memref_slice %arg3[%multiple_of3A_72] : memref<6400000xi32, #tpu.memory_space<hbm>> -> memref<10000xi32, #tpu.memory_space<hbm>>
      tpu.enqueue_dma source(%dma_start3A_107 : memref<10000xi32, #tpu.memory_space<hbm>>) target(%arg13 : memref<10000xi32, #tpu.memory_space<vmem>>) target_semaphore(%arg23 : memref<!tpu.dma_semaphore, #tpu.memory_space<semaphore_mem>>)
      %dma_start3A_108 = tpu.memref_slice %arg2[%multiple_of3A_80] : memref<6400000xi32, #tpu.memory_space<hbm>> -> memref<10000xi32, #tpu.memory_space<hbm>>
      %dma_start3A_109 = tpu.memref_slice %arg2[%multiple_of3A_80] : memref<6400000xi32, #tpu.memory_space<hbm>> -> memref<10000xi32, #tpu.memory_space<hbm>>
      tpu.enqueue_dma source(%dma_start3A_109 : memref<10000xi32, #tpu.memory_space<hbm>>) target(%arg14 : memref<10000xi32, #tpu.memory_space<vmem>>) target_semaphore(%arg23 : memref<!tpu.dma_semaphore, #tpu.memory_space<semaphore_mem>>)
      %dma_start3A_110 = tpu.memref_slice %arg3[%multiple_of3A_80] : memref<6400000xi32, #tpu.memory_space<hbm>> -> memref<10000xi32, #tpu.memory_space<hbm>>
      %dma_start3A_111 = tpu.memref_slice %arg3[%multiple_of3A_80] : memref<6400000xi32, #tpu.memory_space<hbm>> -> memref<10000xi32, #tpu.memory_space<hbm>>
      tpu.enqueue_dma source(%dma_start3A_111 : memref<10000xi32, #tpu.memory_space<hbm>>) target(%arg15 : memref<10000xi32, #tpu.memory_space<vmem>>) target_semaphore(%arg23 : memref<!tpu.dma_semaphore, #tpu.memory_space<semaphore_mem>>)
      %dma_wait3A_112 = arith.constant 0 : i32
      %dma_wait3A_113 = tpu.memref_slice %arg7[%dma_wait3A_112] : memref<102400xf32, #tpu.memory_space<vmem_shared>> -> memref<102400xf32, #tpu.memory_space<vmem_shared>>
      tpu.wait_indirect_dma semaphore(%arg18 : memref<!tpu.dma_semaphore, #tpu.memory_space<semaphore_mem>>) src(%dma_wait3A_113 : memref<102400xf32, #tpu.memory_space<vmem_shared>>) dst(%arg16 : memref<10000xf32, #tpu.memory_space<vmem>>)
      %dma_start3A_114 = arith.constant 0 : i32
      %dma_start3A_115 = tpu.memref_slice %arg6[%dma_start3A_114] : memref<102400xf32, #tpu.memory_space<vmem_shared>> -> memref<102400xf32, #tpu.memory_space<vmem_shared>>
      tpu.enqueue_indirect_dma source(%arg16 : memref<10000xf32, #tpu.memory_space<vmem>>) target(%dma_start3A_115 : memref<102400xf32, #tpu.memory_space<vmem_shared>>) offsets(%arg9 : memref<10000xi32, #tpu.memory_space<vmem>>) semaphore(%arg20 : memref<!tpu.dma_semaphore, #tpu.memory_space<semaphore_mem>>) {add = true}
      %dma_wait3A_116 = arith.constant 0 : i32
      %dma_wait3A_117 = tpu.memref_slice %arg7[%dma_wait3A_116] : memref<102400xf32, #tpu.memory_space<vmem_shared>> -> memref<102400xf32, #tpu.memory_space<vmem_shared>>
      tpu.wait_indirect_dma semaphore(%arg19 : memref<!tpu.dma_semaphore, #tpu.memory_space<semaphore_mem>>) src(%dma_wait3A_117 : memref<102400xf32, #tpu.memory_space<vmem_shared>>) dst(%arg17 : memref<10000xf32, #tpu.memory_space<vmem>>)
      %dma_start3A_118 = arith.constant 0 : i32
      %dma_start3A_119 = tpu.memref_slice %arg6[%dma_start3A_118] : memref<102400xf32, #tpu.memory_space<vmem_shared>> -> memref<102400xf32, #tpu.memory_space<vmem_shared>>
      tpu.enqueue_indirect_dma source(%arg17 : memref<10000xf32, #tpu.memory_space<vmem>>) target(%dma_start3A_119 : memref<102400xf32, #tpu.memory_space<vmem_shared>>) offsets(%arg11 : memref<10000xi32, #tpu.memory_space<vmem>>) semaphore(%arg21 : memref<!tpu.dma_semaphore, #tpu.memory_space<semaphore_mem>>) {add = true}
      %dma_wait3A_120 = arith.constant 0 : i32
      %dma_wait3A_121 = tpu.memref_slice %arg6[%dma_wait3A_120] : memref<102400xf32, #tpu.memory_space<vmem_shared>> -> memref<102400xf32, #tpu.memory_space<vmem_shared>>
      tpu.wait_indirect_dma semaphore(%arg20 : memref<!tpu.dma_semaphore, #tpu.memory_space<semaphore_mem>>) src(%arg16 : memref<10000xf32, #tpu.memory_space<vmem>>) dst(%dma_wait3A_121 : memref<102400xf32, #tpu.memory_space<vmem_shared>>)
      %dma_wait3A_122 = arith.constant 0 : i32
      %dma_wait3A_123 = tpu.memref_slice %arg6[%dma_wait3A_122] : memref<102400xf32, #tpu.memory_space<vmem_shared>> -> memref<102400xf32, #tpu.memory_space<vmem_shared>>
      tpu.wait_indirect_dma semaphore(%arg21 : memref<!tpu.dma_semaphore, #tpu.memory_space<semaphore_mem>>) src(%arg17 : memref<10000xf32, #tpu.memory_space<vmem>>) dst(%dma_wait3A_123 : memref<102400xf32, #tpu.memory_space<vmem_shared>>)
      %dma_wait3A_124 = tpu.memref_slice %arg2[%multiple_of3A_72] : memref<6400000xi32, #tpu.memory_space<hbm>> -> memref<10000xi32, #tpu.memory_space<hbm>>
      %dma_wait3A_125 = tpu.memref_slice %arg2[%multiple_of3A_72] : memref<6400000xi32, #tpu.memory_space<hbm>> -> memref<10000xi32, #tpu.memory_space<hbm>>
      tpu.wait_dma2 semaphore(%arg23 : memref<!tpu.dma_semaphore, #tpu.memory_space<semaphore_mem>>) src(%dma_wait3A_125 : memref<10000xi32, #tpu.memory_space<hbm>>) dst(%arg12 : memref<10000xi32, #tpu.memory_space<vmem>>)
      %dma_wait3A_126 = tpu.memref_slice %arg3[%multiple_of3A_72] : memref<6400000xi32, #tpu.memory_space<hbm>> -> memref<10000xi32, #tpu.memory_space<hbm>>
      %dma_wait3A_127 = tpu.memref_slice %arg3[%multiple_of3A_72] : memref<6400000xi32, #tpu.memory_space<hbm>> -> memref<10000xi32, #tpu.memory_space<hbm>>
      tpu.wait_dma2 semaphore(%arg23 : memref<!tpu.dma_semaphore, #tpu.memory_space<semaphore_mem>>) src(%dma_wait3A_127 : memref<10000xi32, #tpu.memory_space<hbm>>) dst(%arg13 : memref<10000xi32, #tpu.memory_space<vmem>>)
      %dma_wait3A_128 = tpu.memref_slice %arg2[%multiple_of3A_80] : memref<6400000xi32, #tpu.memory_space<hbm>> -> memref<10000xi32, #tpu.memory_space<hbm>>
      %dma_wait3A_129 = tpu.memref_slice %arg2[%multiple_of3A_80] : memref<6400000xi32, #tpu.memory_space<hbm>> -> memref<10000xi32, #tpu.memory_space<hbm>>
      tpu.wait_dma2 semaphore(%arg23 : memref<!tpu.dma_semaphore, #tpu.memory_space<semaphore_mem>>) src(%dma_wait3A_129 : memref<10000xi32, #tpu.memory_space<hbm>>) dst(%arg14 : memref<10000xi32, #tpu.memory_space<vmem>>)
      %dma_wait3A_130 = tpu.memref_slice %arg3[%multiple_of3A_80] : memref<6400000xi32, #tpu.memory_space<hbm>> -> memref<10000xi32, #tpu.memory_space<hbm>>
      %dma_wait3A_131 = tpu.memref_slice %arg3[%multiple_of3A_80] : memref<6400000xi32, #tpu.memory_space<hbm>> -> memref<10000xi32, #tpu.memory_space<hbm>>
      tpu.wait_dma2 semaphore(%arg23 : memref<!tpu.dma_semaphore, #tpu.memory_space<semaphore_mem>>) src(%dma_wait3A_131 : memref<10000xi32, #tpu.memory_space<hbm>>) dst(%arg15 : memref<10000xi32, #tpu.memory_space<vmem>>)
      %dma_start3A_132 = arith.constant 0 : i32
      %dma_start3A_133 = tpu.memref_slice %arg7[%dma_start3A_132] : memref<102400xf32, #tpu.memory_space<vmem_shared>> -> memref<102400xf32, #tpu.memory_space<vmem_shared>>
      tpu.enqueue_indirect_dma source(%dma_start3A_133 : memref<102400xf32, #tpu.memory_space<vmem_shared>>) target(%arg16 : memref<10000xf32, #tpu.memory_space<vmem>>) offsets(%arg12 : memref<10000xi32, #tpu.memory_space<vmem>>) semaphore(%arg18 : memref<!tpu.dma_semaphore, #tpu.memory_space<semaphore_mem>>)
      %dma_start3A_134 = arith.constant 0 : i32
      %dma_start3A_135 = tpu.memref_slice %arg7[%dma_start3A_134] : memref<102400xf32, #tpu.memory_space<vmem_shared>> -> memref<102400xf32, #tpu.memory_space<vmem_shared>>
      tpu.enqueue_indirect_dma source(%dma_start3A_135 : memref<102400xf32, #tpu.memory_space<vmem_shared>>) target(%arg17 : memref<10000xf32, #tpu.memory_space<vmem>>) offsets(%arg14 : memref<10000xi32, #tpu.memory_space<vmem>>) semaphore(%arg19 : memref<!tpu.dma_semaphore, #tpu.memory_space<semaphore_mem>>)
      %add3A_136 = arith.constant 10000 : i32
      %add3A_137 = arith.addi %multiple_of3A_91, %add3A_136 : i32
      %dma_start3A_138 = tpu.memref_slice %arg2[%multiple_of3A_91] : memref<6400000xi32, #tpu.memory_space<hbm>> -> memref<10000xi32, #tpu.memory_space<hbm>>
      %dma_start3A_139 = tpu.memref_slice %arg2[%multiple_of3A_91] : memref<6400000xi32, #tpu.memory_space<hbm>> -> memref<10000xi32, #tpu.memory_space<hbm>>
      tpu.enqueue_dma source(%dma_start3A_139 : memref<10000xi32, #tpu.memory_space<hbm>>) target(%arg8 : memref<10000xi32, #tpu.memory_space<vmem>>) target_semaphore(%arg22 : memref<!tpu.dma_semaphore, #tpu.memory_space<semaphore_mem>>)
      %dma_start3A_140 = tpu.memref_slice %arg3[%multiple_of3A_91] : memref<6400000xi32, #tpu.memory_space<hbm>> -> memref<10000xi32, #tpu.memory_space<hbm>>
      %dma_start3A_141 = tpu.memref_slice %arg3[%multiple_of3A_91] : memref<6400000xi32, #tpu.memory_space<hbm>> -> memref<10000xi32, #tpu.memory_space<hbm>>
      tpu.enqueue_dma source(%dma_start3A_141 : memref<10000xi32, #tpu.memory_space<hbm>>) target(%arg9 : memref<10000xi32, #tpu.memory_space<vmem>>) target_semaphore(%arg22 : memref<!tpu.dma_semaphore, #tpu.memory_space<semaphore_mem>>)
      %dma_start3A_142 = tpu.memref_slice %arg2[%add3A_137] : memref<6400000xi32, #tpu.memory_space<hbm>> -> memref<10000xi32, #tpu.memory_space<hbm>>
      %dma_start3A_143 = tpu.memref_slice %arg2[%add3A_137] : memref<6400000xi32, #tpu.memory_space<hbm>> -> memref<10000xi32, #tpu.memory_space<hbm>>
      tpu.enqueue_dma source(%dma_start3A_143 : memref<10000xi32, #tpu.memory_space<hbm>>) target(%arg10 : memref<10000xi32, #tpu.memory_space<vmem>>) target_semaphore(%arg22 : memref<!tpu.dma_semaphore, #tpu.memory_space<semaphore_mem>>)
      %dma_start3A_144 = tpu.memref_slice %arg3[%add3A_137] : memref<6400000xi32, #tpu.memory_space<hbm>> -> memref<10000xi32, #tpu.memory_space<hbm>>
      %dma_start3A_145 = tpu.memref_slice %arg3[%add3A_137] : memref<6400000xi32, #tpu.memory_space<hbm>> -> memref<10000xi32, #tpu.memory_space<hbm>>
      tpu.enqueue_dma source(%dma_start3A_145 : memref<10000xi32, #tpu.memory_space<hbm>>) target(%arg11 : memref<10000xi32, #tpu.memory_space<vmem>>) target_semaphore(%arg22 : memref<!tpu.dma_semaphore, #tpu.memory_space<semaphore_mem>>)
      %dma_wait3A_146 = arith.constant 0 : i32
      %dma_wait3A_147 = tpu.memref_slice %arg7[%dma_wait3A_146] : memref<102400xf32, #tpu.memory_space<vmem_shared>> -> memref<102400xf32, #tpu.memory_space<vmem_shared>>
      tpu.wait_indirect_dma semaphore(%arg18 : memref<!tpu.dma_semaphore, #tpu.memory_space<semaphore_mem>>) src(%dma_wait3A_147 : memref<102400xf32, #tpu.memory_space<vmem_shared>>) dst(%arg16 : memref<10000xf32, #tpu.memory_space<vmem>>)
      %dma_start3A_148 = arith.constant 0 : i32
      %dma_start3A_149 = tpu.memref_slice %arg6[%dma_start3A_148] : memref<102400xf32, #tpu.memory_space<vmem_shared>> -> memref<102400xf32, #tpu.memory_space<vmem_shared>>
      tpu.enqueue_indirect_dma source(%arg16 : memref<10000xf32, #tpu.memory_space<vmem>>) target(%dma_start3A_149 : memref<102400xf32, #tpu.memory_space<vmem_shared>>) offsets(%arg13 : memref<10000xi32, #tpu.memory_space<vmem>>) semaphore(%arg20 : memref<!tpu.dma_semaphore, #tpu.memory_space<semaphore_mem>>) {add = true}
      %dma_wait3A_150 = arith.constant 0 : i32
      %dma_wait3A_151 = tpu.memref_slice %arg7[%dma_wait3A_150] : memref<102400xf32, #tpu.memory_space<vmem_shared>> -> memref<102400xf32, #tpu.memory_space<vmem_shared>>
      tpu.wait_indirect_dma semaphore(%arg19 : memref<!tpu.dma_semaphore, #tpu.memory_space<semaphore_mem>>) src(%dma_wait3A_151 : memref<102400xf32, #tpu.memory_space<vmem_shared>>) dst(%arg17 : memref<10000xf32, #tpu.memory_space<vmem>>)
      %dma_start3A_152 = arith.constant 0 : i32
      %dma_start3A_153 = tpu.memref_slice %arg6[%dma_start3A_152] : memref<102400xf32, #tpu.memory_space<vmem_shared>> -> memref<102400xf32, #tpu.memory_space<vmem_shared>>
      tpu.enqueue_indirect_dma source(%arg17 : memref<10000xf32, #tpu.memory_space<vmem>>) target(%dma_start3A_153 : memref<102400xf32, #tpu.memory_space<vmem_shared>>) offsets(%arg15 : memref<10000xi32, #tpu.memory_space<vmem>>) semaphore(%arg21 : memref<!tpu.dma_semaphore, #tpu.memory_space<semaphore_mem>>) {add = true}
      %dma_wait3A_154 = arith.constant 0 : i32
      %dma_wait3A_155 = tpu.memref_slice %arg6[%dma_wait3A_154] : memref<102400xf32, #tpu.memory_space<vmem_shared>> -> memref<102400xf32, #tpu.memory_space<vmem_shared>>
      tpu.wait_indirect_dma semaphore(%arg20 : memref<!tpu.dma_semaphore, #tpu.memory_space<semaphore_mem>>) src(%arg16 : memref<10000xf32, #tpu.memory_space<vmem>>) dst(%dma_wait3A_155 : memref<102400xf32, #tpu.memory_space<vmem_shared>>)
      %dma_wait3A_156 = arith.constant 0 : i32
      %dma_wait3A_157 = tpu.memref_slice %arg6[%dma_wait3A_156] : memref<102400xf32, #tpu.memory_space<vmem_shared>> -> memref<102400xf32, #tpu.memory_space<vmem_shared>>
      tpu.wait_indirect_dma semaphore(%arg21 : memref<!tpu.dma_semaphore, #tpu.memory_space<semaphore_mem>>) src(%arg17 : memref<10000xf32, #tpu.memory_space<vmem>>) dst(%dma_wait3A_157 : memref<102400xf32, #tpu.memory_space<vmem_shared>>)
    }
    %scan3A_34 = arith.constant 5 : i32
    %add3A_35 = arith.constant 10000 : i32
    %add3A_36 = arith.addi %mul3A_19, %add3A_35 : i32
    %dma_wait3A = tpu.memref_slice %arg2[%mul3A_19] : memref<6400000xi32, #tpu.memory_space<hbm>> -> memref<10000xi32, #tpu.memory_space<hbm>>
    %dma_wait3A_37 = tpu.memref_slice %arg2[%mul3A_19] : memref<6400000xi32, #tpu.memory_space<hbm>> -> memref<10000xi32, #tpu.memory_space<hbm>>
    tpu.wait_dma2 semaphore(%arg22 : memref<!tpu.dma_semaphore, #tpu.memory_space<semaphore_mem>>) src(%dma_wait3A_37 : memref<10000xi32, #tpu.memory_space<hbm>>) dst(%arg8 : memref<10000xi32, #tpu.memory_space<vmem>>)
    %dma_wait3A_38 = tpu.memref_slice %arg3[%mul3A_19] : memref<6400000xi32, #tpu.memory_space<hbm>> -> memref<10000xi32, #tpu.memory_space<hbm>>
    %dma_wait3A_39 = tpu.memref_slice %arg3[%mul3A_19] : memref<6400000xi32, #tpu.memory_space<hbm>> -> memref<10000xi32, #tpu.memory_space<hbm>>
    tpu.wait_dma2 semaphore(%arg22 : memref<!tpu.dma_semaphore, #tpu.memory_space<semaphore_mem>>) src(%dma_wait3A_39 : memref<10000xi32, #tpu.memory_space<hbm>>) dst(%arg9 : memref<10000xi32, #tpu.memory_space<vmem>>)
    %dma_wait3A_40 = tpu.memref_slice %arg2[%add3A_36] : memref<6400000xi32, #tpu.memory_space<hbm>> -> memref<10000xi32, #tpu.memory_space<hbm>>
    %dma_wait3A_41 = tpu.memref_slice %arg2[%add3A_36] : memref<6400000xi32, #tpu.memory_space<hbm>> -> memref<10000xi32, #tpu.memory_space<hbm>>
    tpu.wait_dma2 semaphore(%arg22 : memref<!tpu.dma_semaphore, #tpu.memory_space<semaphore_mem>>) src(%dma_wait3A_41 : memref<10000xi32, #tpu.memory_space<hbm>>) dst(%arg10 : memref<10000xi32, #tpu.memory_space<vmem>>)
    %dma_wait3A_42 = tpu.memref_slice %arg3[%add3A_36] : memref<6400000xi32, #tpu.memory_space<hbm>> -> memref<10000xi32, #tpu.memory_space<hbm>>
    %dma_wait3A_43 = tpu.memref_slice %arg3[%add3A_36] : memref<6400000xi32, #tpu.memory_space<hbm>> -> memref<10000xi32, #tpu.memory_space<hbm>>
    tpu.wait_dma2 semaphore(%arg22 : memref<!tpu.dma_semaphore, #tpu.memory_space<semaphore_mem>>) src(%dma_wait3A_43 : memref<10000xi32, #tpu.memory_space<hbm>>) dst(%arg11 : memref<10000xi32, #tpu.memory_space<vmem>>)
    %barrier3A_44 = arith.constant 0 : index
    tpu.barrier barrier_id(%barrier3A_44)
    %scan3A_45 = arith.constant 0 : i32
    %scan3A_46 = arith.constant 0 : i32
    %scan3A_47 = arith.constant 8 : i32
    %scan3A_48 = arith.addi %scan3A_46, %scan3A_47 : i32
    %scan3A_49 = arith.constant 1 : i32
    scf.for %scan3A_51 = %scan3A_46 to %scan3A_48 step %scan3A_49  : i32 {
      %mul3A_52 = arith.constant 6400 : i32
      %mul3A_53 = arith.muli %arg1, %mul3A_52 : i32
      %mul3A_54 = arith.constant 800 : i32
      %mul3A_55 = arith.muli %scan3A_51, %mul3A_54 : i32
      %add3A_56 = arith.addi %mul3A_53, %mul3A_55 : i32
      "tpu.region"() ({
        %run_scoped3A = tpu.sem_alloc : memref<!tpu.dma_semaphore, #tpu.memory_space<semaphore_mem>>
        %dma_start3A_60 = arith.constant 0 : i32
        %dma_start3A_61 = tpu.memref_slice %arg16[%dma_start3A_60] : memref<10000xf32, #tpu.memory_space<vmem>> -> memref<800xf32, #tpu.memory_space<vmem>>
        %dma_start3A_62 = tpu.memref_slice %arg6[%add3A_56] : memref<102400xf32, #tpu.memory_space<vmem_shared>> -> memref<800xf32, #tpu.memory_space<vmem_shared>>
        %dma_start3A_63 = arith.constant 0 : i32
        %dma_start3A_64 = tpu.memref_slice %arg16[%dma_start3A_63] : memref<10000xf32, #tpu.memory_space<vmem>> -> memref<800xf32, #tpu.memory_space<vmem>>
        %dma_start3A_65 = tpu.memref_slice %arg6[%add3A_56] : memref<102400xf32, #tpu.memory_space<vmem_shared>> -> memref<800xf32, #tpu.memory_space<vmem_shared>>
        tpu.enqueue_dma source(%dma_start3A_65 : memref<800xf32, #tpu.memory_space<vmem_shared>>) target(%dma_start3A_64 : memref<800xf32, #tpu.memory_space<vmem>>) target_semaphore(%run_scoped3A : memref<!tpu.dma_semaphore, #tpu.memory_space<semaphore_mem>>)
        %dma_wait3A_66 = arith.constant 0 : i32
        %dma_wait3A_67 = tpu.memref_slice %arg16[%dma_wait3A_66] : memref<10000xf32, #tpu.memory_space<vmem>> -> memref<800xf32, #tpu.memory_space<vmem>>
        %dma_wait3A_68 = tpu.memref_slice %arg6[%add3A_56] : memref<102400xf32, #tpu.memory_space<vmem_shared>> -> memref<800xf32, #tpu.memory_space<vmem_shared>>
        %dma_wait3A_69 = arith.constant 0 : i32
        %dma_wait3A_70 = tpu.memref_slice %arg16[%dma_wait3A_69] : memref<10000xf32, #tpu.memory_space<vmem>> -> memref<800xf32, #tpu.memory_space<vmem>>
        %dma_wait3A_71 = tpu.memref_slice %arg6[%add3A_56] : memref<102400xf32, #tpu.memory_space<vmem_shared>> -> memref<800xf32, #tpu.memory_space<vmem_shared>>
        tpu.wait_dma2 semaphore(%run_scoped3A : memref<!tpu.dma_semaphore, #tpu.memory_space<semaphore_mem>>) src(%dma_wait3A_71 : memref<800xf32, #tpu.memory_space<vmem_shared>>) dst(%dma_wait3A_70 : memref<800xf32, #tpu.memory_space<vmem>>)
        tpu.yield
      }) : () -> ()
      %mul3A_57 = arith.constant 102400 : i32
      %mul3A_58 = arith.muli %arg0, %mul3A_57 : i32
      %add3A_59 = arith.addi %mul3A_58, %add3A_56 : i32
      "tpu.region"() ({
        %run_scoped3A = tpu.sem_alloc : memref<!tpu.dma_semaphore, #tpu.memory_space<semaphore_mem>>
        %dma_start3A_60 = arith.constant 0 : i32
        %dma_start3A_61 = tpu.memref_slice %arg16[%dma_start3A_60] : memref<10000xf32, #tpu.memory_space<vmem>> -> memref<800xf32, #tpu.memory_space<vmem>>
        %dma_start3A_62 = tpu.memref_slice %arg5[%add3A_59] : memref<204800xf32, #tpu.memory_space<hbm>> -> memref<800xf32, #tpu.memory_space<hbm>>
        %dma_start3A_63 = tpu.memref_slice %arg5[%add3A_59] : memref<204800xf32, #tpu.memory_space<hbm>> -> memref<800xf32, #tpu.memory_space<hbm>>
        %dma_start3A_64 = arith.constant 0 : i32
        %dma_start3A_65 = tpu.memref_slice %arg16[%dma_start3A_64] : memref<10000xf32, #tpu.memory_space<vmem>> -> memref<800xf32, #tpu.memory_space<vmem>>
        tpu.enqueue_dma source(%dma_start3A_65 : memref<800xf32, #tpu.memory_space<vmem>>) target(%dma_start3A_63 : memref<800xf32, #tpu.memory_space<hbm>>) target_semaphore(%run_scoped3A : memref<!tpu.dma_semaphore, #tpu.memory_space<semaphore_mem>>)
        %dma_wait3A_66 = arith.constant 0 : i32
        %dma_wait3A_67 = tpu.memref_slice %arg16[%dma_wait3A_66] : memref<10000xf32, #tpu.memory_space<vmem>> -> memref<800xf32, #tpu.memory_space<vmem>>
        %dma_wait3A_68 = tpu.memref_slice %arg5[%add3A_59] : memref<204800xf32, #tpu.memory_space<hbm>> -> memref<800xf32, #tpu.memory_space<hbm>>
        %dma_wait3A_69 = tpu.memref_slice %arg5[%add3A_59] : memref<204800xf32, #tpu.memory_space<hbm>> -> memref<800xf32, #tpu.memory_space<hbm>>
        %dma_wait3A_70 = arith.constant 0 : i32
        %dma_wait3A_71 = tpu.memref_slice %arg16[%dma_wait3A_70] : memref<10000xf32, #tpu.memory_space<vmem>> -> memref<800xf32, #tpu.memory_space<vmem>>
        tpu.wait_dma2 semaphore(%run_scoped3A : memref<!tpu.dma_semaphore, #tpu.memory_space<semaphore_mem>>) src(%dma_wait3A_71 : memref<800xf32, #tpu.memory_space<vmem>>) dst(%dma_wait3A_69 : memref<800xf32, #tpu.memory_space<hbm>>)
        tpu.yield
      }) : () -> ()
    }
    %scan3A_50 = arith.constant 8 : i32
    return
  }
}

#map = affine_map<(d0, d1) -> (0)>
module attributes {stable_mosaic.version = 14 : i64} {
  func.func @k(%arg0: i32, %arg1: i32, %arg2: memref<6400000xi32, #tpu.memory_space<hbm>>, %arg3: memref<6400000xi32, #tpu.memory_space<hbm>>, %arg4: memref<102400xf32, #tpu.memory_space<hbm>>, %arg5: memref<204800xf32, #tpu.memory_space<hbm>>, %arg6: memref<102400xf32, #tpu.memory_space<vmem_shared>>, %arg7: memref<102400xf32, #tpu.memory_space<vmem_shared>>, %arg8: memref<10000xi32, #tpu.memory_space<vmem>>, %arg9: memref<10000xi32, #tpu.memory_space<vmem>>, %arg10: memref<10000xi32, #tpu.memory_space<vmem>>, %arg11: memref<10000xi32, #tpu.memory_space<vmem>>, %arg12: memref<10000xi32, #tpu.memory_space<vmem>>, %arg13: memref<10000xi32, #tpu.memory_space<vmem>>, %arg14: memref<10000xi32, #tpu.memory_space<vmem>>, %arg15: memref<10000xi32, #tpu.memory_space<vmem>>, %arg16: memref<10000xf32, #tpu.memory_space<vmem>>, %arg17: memref<10000xf32, #tpu.memory_space<vmem>>, %arg18: memref<!tpu.dma_semaphore, #tpu.memory_space<semaphore_mem>>, %arg19: memref<!tpu.dma_semaphore, #tpu.memory_space<semaphore_mem>>, %arg20: memref<!tpu.dma_semaphore, #tpu.memory_space<semaphore_mem>>, %arg21: memref<!tpu.dma_semaphore, #tpu.memory_space<semaphore_mem>>, %arg22: memref<!tpu.dma_semaphore, #tpu.memory_space<semaphore_mem>>, %arg23: memref<!tpu.dma_semaphore, #tpu.memory_space<semaphore_mem>>) attributes {dimension_semantics = [#tpu.dimension_semantics<core_parallel>, #tpu.dimension_semantics<subcore_parallel>], iteration_bounds = array<i64: 2, 16>, scalar_prefetch = 0 : i64, scratch_operands = 18 : i64, tpu.core_type = #tpu.core_type<sc_vector_subcore>, window_params = [{transform_indices = #map}, {transform_indices = #map}, {transform_indices = #map}, {transform_indices = #map}]} {
    %scan3A = arith.constant 0 : i32
    %scan3A_0 = arith.constant 0 : i32
    %scan3A_1 = arith.constant 625 : i32
    %scan3A_2 = arith.addi %scan3A_0, %scan3A_1 : i32
    %scan3A_3 = arith.constant 1 : i32
    scf.for %scan3A_51 = %scan3A_0 to %scan3A_2 step %scan3A_3  : i32 {
      %broadcast_in_dim3A = arith.constant 0.000000e+00 : f32
      %broadcast_in_dim3A_52 = vector.broadcast %broadcast_in_dim3A : f32 to vector<16xf32>
      %mul3A_53 = arith.constant 16 : i32
      %mul3A_54 = arith.muli %scan3A_51, %mul3A_53 : i32
      %swap3A = arith.index_cast %mul3A_54 : i32 to index
      %swap3A_55 = tpu.vector_load %arg16[%swap3A] {strides = array<i32>} : memref<10000xf32, #tpu.memory_space<vmem>>, vector<16xf32>,
      %swap3A_56 = vector.shape_cast %swap3A_55 : vector<16xf32> to vector<16xf32>
      %swap3A_57 = vector.shape_cast %broadcast_in_dim3A_52 : vector<16xf32> to vector<16xf32>
      tpu.vector_store %arg16[%swap3A], %swap3A_57 {strides = array<i32>} : memref<10000xf32, #tpu.memory_space<vmem>>, vector<16xf32>,
    }
    %scan3A_4 = arith.constant 625 : i32
    %scan3A_5 = arith.constant 0 : i32
    %scan3A_6 = arith.constant 0 : i32
    %scan3A_7 = arith.constant 8 : i32
    %scan3A_8 = arith.addi %scan3A_6, %scan3A_7 : i32
    %scan3A_9 = arith.constant 1 : i32
    scf.for %scan3A_51 = %scan3A_6 to %scan3A_8 step %scan3A_9  : i32 {
      %mul3A_52 = arith.constant 6400 : i32
      %mul3A_53 = arith.muli %arg1, %mul3A_52 : i32
      %mul3A_54 = arith.constant 800 : i32
      %mul3A_55 = arith.muli %scan3A_51, %mul3A_54 : i32
      %add3A_56 = arith.addi %mul3A_53, %mul3A_55 : i32
      "tpu.region"() ({
        %run_scoped3A = tpu.sem_alloc : memref<!tpu.dma_semaphore, #tpu.memory_space<semaphore_mem>>
        %dma_start3A_57 = arith.constant 0 : i32
        %dma_start3A_58 = tpu.memref_slice %arg16[%dma_start3A_57] : memref<10000xf32, #tpu.memory_space<vmem>> -> memref<800xf32, #tpu.memory_space<vmem>>
        %dma_start3A_59 = tpu.memref_slice %arg6[%add3A_56] : memref<102400xf32, #tpu.memory_space<vmem_shared>> -> memref<800xf32, #tpu.memory_space<vmem_shared>>
        %dma_start3A_60 = tpu.memref_slice %arg6[%add3A_56] : memref<102400xf32, #tpu.memory_space<vmem_shared>> -> memref<800xf32, #tpu.memory_space<vmem_shared>>
        %dma_start3A_61 = arith.constant 0 : i32
        %dma_start3A_62 = tpu.memref_slice %arg16[%dma_start3A_61] : memref<10000xf32, #tpu.memory_space<vmem>> -> memref<800xf32, #tpu.memory_space<vmem>>
        tpu.enqueue_dma source(%dma_start3A_62 : memref<800xf32, #tpu.memory_space<vmem>>) target(%dma_start3A_60 : memref<800xf32, #tpu.memory_space<vmem_shared>>) target_semaphore(%run_scoped3A : memref<!tpu.dma_semaphore, #tpu.memory_space<semaphore_mem>>)
        %dma_wait3A_63 = arith.constant 0 : i32
        %dma_wait3A_64 = tpu.memref_slice %arg16[%dma_wait3A_63] : memref<10000xf32, #tpu.memory_space<vmem>> -> memref<800xf32, #tpu.memory_space<vmem>>
        %dma_wait3A_65 = tpu.memref_slice %arg6[%add3A_56] : memref<102400xf32, #tpu.memory_space<vmem_shared>> -> memref<800xf32, #tpu.memory_space<vmem_shared>>
        %dma_wait3A_66 = tpu.memref_slice %arg6[%add3A_56] : memref<102400xf32, #tpu.memory_space<vmem_shared>> -> memref<800xf32, #tpu.memory_space<vmem_shared>>
        %dma_wait3A_67 = arith.constant 0 : i32
        %dma_wait3A_68 = tpu.memref_slice %arg16[%dma_wait3A_67] : memref<10000xf32, #tpu.memory_space<vmem>> -> memref<800xf32, #tpu.memory_space<vmem>>
        tpu.wait_dma2 semaphore(%run_scoped3A : memref<!tpu.dma_semaphore, #tpu.memory_space<semaphore_mem>>) src(%dma_wait3A_68 : memref<800xf32, #tpu.memory_space<vmem>>) dst(%dma_wait3A_66 : memref<800xf32, #tpu.memory_space<vmem_shared>>)
        tpu.yield
      }) : () -> ()
    }
    %scan3A_10 = arith.constant 8 : i32
    %scan3A_11 = arith.constant 0 : i32
    %scan3A_12 = arith.constant 0 : i32
    %scan3A_13 = arith.constant 4 : i32
    %scan3A_14 = arith.addi %scan3A_12, %scan3A_13 : i32
    %scan3A_15 = arith.constant 1 : i32
    scf.for %scan3A_51 = %scan3A_12 to %scan3A_14 step %scan3A_15  : i32 {
      %mul3A_52 = arith.constant 6400 : i32
      %mul3A_53 = arith.muli %arg1, %mul3A_52 : i32
      %mul3A_54 = arith.constant 1600 : i32
      %mul3A_55 = arith.muli %scan3A_51, %mul3A_54 : i32
      %add3A_56 = arith.addi %mul3A_53, %mul3A_55 : i32
      "tpu.region"() ({
        %run_scoped3A = tpu.sem_alloc : memref<!tpu.dma_semaphore, #tpu.memory_space<semaphore_mem>>
        %dma_start3A_57 = arith.constant 0 : i32
        %dma_start3A_58 = tpu.memref_slice %arg17[%dma_start3A_57] : memref<10000xf32, #tpu.memory_space<vmem>> -> memref<1600xf32, #tpu.memory_space<vmem>>
        %dma_start3A_59 = tpu.memref_slice %arg4[%add3A_56] : memref<102400xf32, #tpu.memory_space<hbm>> -> memref<1600xf32, #tpu.memory_space<hbm>>
        %dma_start3A_60 = arith.constant 0 : i32
        %dma_start3A_61 = tpu.memref_slice %arg17[%dma_start3A_60] : memref<10000xf32, #tpu.memory_space<vmem>> -> memref<1600xf32, #tpu.memory_space<vmem>>
        %dma_start3A_62 = tpu.memref_slice %arg4[%add3A_56] : memref<102400xf32, #tpu.memory_space<hbm>> -> memref<1600xf32, #tpu.memory_space<hbm>>
        tpu.enqueue_dma source(%dma_start3A_62 : memref<1600xf32, #tpu.memory_space<hbm>>) target(%dma_start3A_61 : memref<1600xf32, #tpu.memory_space<vmem>>) target_semaphore(%run_scoped3A : memref<!tpu.dma_semaphore, #tpu.memory_space<semaphore_mem>>)
        %dma_wait3A_63 = arith.constant 0 : i32
        %dma_wait3A_64 = tpu.memref_slice %arg17[%dma_wait3A_63] : memref<10000xf32, #tpu.memory_space<vmem>> -> memref<1600xf32, #tpu.memory_space<vmem>>
        %dma_wait3A_65 = tpu.memref_slice %arg4[%add3A_56] : memref<102400xf32, #tpu.memory_space<hbm>> -> memref<1600xf32, #tpu.memory_space<hbm>>
        %dma_wait3A_66 = arith.constant 0 : i32
        %dma_wait3A_67 = tpu.memref_slice %arg17[%dma_wait3A_66] : memref<10000xf32, #tpu.memory_space<vmem>> -> memref<1600xf32, #tpu.memory_space<vmem>>
        %dma_wait3A_68 = tpu.memref_slice %arg4[%add3A_56] : memref<102400xf32, #tpu.memory_space<hbm>> -> memref<1600xf32, #tpu.memory_space<hbm>>
        tpu.wait_dma2 semaphore(%run_scoped3A : memref<!tpu.dma_semaphore, #tpu.memory_space<semaphore_mem>>) src(%dma_wait3A_68 : memref<1600xf32, #tpu.memory_space<hbm>>) dst(%dma_wait3A_67 : memref<1600xf32, #tpu.memory_space<vmem>>)
        tpu.yield
      }) : () -> ()
      "tpu.region"() ({
        %run_scoped3A = tpu.sem_alloc : memref<!tpu.dma_semaphore, #tpu.memory_space<semaphore_mem>>
        %dma_start3A_57 = arith.constant 0 : i32
        %dma_start3A_58 = tpu.memref_slice %arg17[%dma_start3A_57] : memref<10000xf32, #tpu.memory_space<vmem>> -> memref<1600xf32, #tpu.memory_space<vmem>>
        %dma_start3A_59 = tpu.memref_slice %arg7[%add3A_56] : memref<102400xf32, #tpu.memory_space<vmem_shared>> -> memref<1600xf32, #tpu.memory_space<vmem_shared>>
        %dma_start3A_60 = tpu.memref_slice %arg7[%add3A_56] : memref<102400xf32, #tpu.memory_space<vmem_shared>> -> memref<1600xf32, #tpu.memory_space<vmem_shared>>
        %dma_start3A_61 = arith.constant 0 : i32
        %dma_start3A_62 = tpu.memref_slice %arg17[%dma_start3A_61] : memref<10000xf32, #tpu.memory_space<vmem>> -> memref<1600xf32, #tpu.memory_space<vmem>>
        tpu.enqueue_dma source(%dma_start3A_62 : memref<1600xf32, #tpu.memory_space<vmem>>) target(%dma_start3A_60 : memref<1600xf32, #tpu.memory_space<vmem_shared>>) target_semaphore(%run_scoped3A : memref<!tpu.dma_semaphore, #tpu.memory_space<semaphore_mem>>)
        %dma_wait3A_63 = arith.constant 0 : i32
        %dma_wait3A_64 = tpu.memref_slice %arg17[%dma_wait3A_63] : memref<10000xf32, #tpu.memory_space<vmem>> -> memref<1600xf32, #tpu.memory_space<vmem>>
        %dma_wait3A_65 = tpu.memref_slice %arg7[%add3A_56] : memref<102400xf32, #tpu.memory_space<vmem_shared>> -> memref<1600xf32, #tpu.memory_space<vmem_shared>>
        %dma_wait3A_66 = tpu.memref_slice %arg7[%add3A_56] : memref<102400xf32, #tpu.memory_space<vmem_shared>> -> memref<1600xf32, #tpu.memory_space<vmem_shared>>
        %dma_wait3A_67 = arith.constant 0 : i32
        %dma_wait3A_68 = tpu.memref_slice %arg17[%dma_wait3A_67] : memref<10000xf32, #tpu.memory_space<vmem>> -> memref<1600xf32, #tpu.memory_space<vmem>>
        tpu.wait_dma2 semaphore(%run_scoped3A : memref<!tpu.dma_semaphore, #tpu.memory_space<semaphore_mem>>) src(%dma_wait3A_68 : memref<1600xf32, #tpu.memory_space<vmem>>) dst(%dma_wait3A_66 : memref<1600xf32, #tpu.memory_space<vmem_shared>>)
        tpu.yield
      }) : () -> ()
    }
    %scan3A_16 = arith.constant 4 : i32
    %barrier3A = arith.constant 0 : index
    tpu.barrier barrier_id(%barrier3A)
    %mul3A = arith.constant 16 : i32
    %mul3A_17 = arith.muli %arg0, %mul3A : i32
    %add3A = arith.addi %mul3A_17, %arg1 : i32
    %mul3A_18 = arith.constant 200000 : i32
    %mul3A_19 = arith.muli %add3A, %mul3A_18 : i32
    %add3A_20 = arith.constant 10000 : i32
    %add3A_21 = arith.addi %mul3A_19, %add3A_20 : i32
    %dma_start3A = tpu.memref_slice %arg2[%mul3A_19] : memref<6400000xi32, #tpu.memory_space<hbm>> -> memref<10000xi32, #tpu.memory_space<hbm>>
    %dma_start3A_22 = tpu.memref_slice %arg2[%mul3A_19] : memref<6400000xi32, #tpu.memory_space<hbm>> -> memref<10000xi32, #tpu.memory_space<hbm>>
    tpu.enqueue_dma source(%dma_start3A_22 : memref<10000xi32, #tpu.memory_space<hbm>>) target(%arg8 : memref<10000xi32, #tpu.memory_space<vmem>>) target_semaphore(%arg22 : memref<!tpu.dma_semaphore, #tpu.memory_space<semaphore_mem>>)
    %dma_start3A_23 = tpu.memref_slice %arg3[%mul3A_19] : memref<6400000xi32, #tpu.memory_space<hbm>> -> memref<10000xi32, #tpu.memory_space<hbm>>
    %dma_start3A_24 = tpu.memref_slice %arg3[%mul3A_19] : memref<6400000xi32, #tpu.memory_space<hbm>> -> memref<10000xi32, #tpu.memory_space<hbm>>
    tpu.enqueue_dma source(%dma_start3A_24 : memref<10000xi32, #tpu.memory_space<hbm>>) target(%arg9 : memref<10000xi32, #tpu.memory_space<vmem>>) target_semaphore(%arg22 : memref<!tpu.dma_semaphore, #tpu.memory_space<semaphore_mem>>)
    %dma_start3A_25 = tpu.memref_slice %arg2[%add3A_21] : memref<6400000xi32, #tpu.memory_space<hbm>> -> memref<10000xi32, #tpu.memory_space<hbm>>
    %dma_start3A_26 = tpu.memref_slice %arg2[%add3A_21] : memref<6400000xi32, #tpu.memory_space<hbm>> -> memref<10000xi32, #tpu.memory_space<hbm>>
    tpu.enqueue_dma source(%dma_start3A_26 : memref<10000xi32, #tpu.memory_space<hbm>>) target(%arg10 : memref<10000xi32, #tpu.memory_space<vmem>>) target_semaphore(%arg22 : memref<!tpu.dma_semaphore, #tpu.memory_space<semaphore_mem>>)
    %dma_start3A_27 = tpu.memref_slice %arg3[%add3A_21] : memref<6400000xi32, #tpu.memory_space<hbm>> -> memref<10000xi32, #tpu.memory_space<hbm>>
    %dma_start3A_28 = tpu.memref_slice %arg3[%add3A_21] : memref<6400000xi32, #tpu.memory_space<hbm>> -> memref<10000xi32, #tpu.memory_space<hbm>>
    tpu.enqueue_dma source(%dma_start3A_28 : memref<10000xi32, #tpu.memory_space<hbm>>) target(%arg11 : memref<10000xi32, #tpu.memory_space<vmem>>) target_semaphore(%arg22 : memref<!tpu.dma_semaphore, #tpu.memory_space<semaphore_mem>>)
    %scan3A_29 = arith.constant 0 : i32
    %scan3A_30 = arith.constant 0 : i32
    %scan3A_31 = arith.constant 5 : i32
    %scan3A_32 = arith.addi %scan3A_30, %scan3A_31 : i32
    %scan3A_33 = arith.constant 1 : i32
    scf.for %scan3A_51 = %scan3A_30 to %scan3A_32 step %scan3A_33  : i32 {
      %mul3A_52 = arith.constant 4 : i32
      %mul3A_53 = arith.muli %mul3A_52, %scan3A_51 : i32
      %mul3A_54 = arith.constant 10000 : i32
      %mul3A_55 = arith.muli %mul3A_53, %mul3A_54 : i32
      %add3A_56 = arith.addi %mul3A_19, %mul3A_55 : i32
      %multiple_of3A = tpu.assume_multiple %add3A_56, 8 : i32
      %mul3A_57 = arith.constant 4 : i32
      %mul3A_58 = arith.muli %mul3A_57, %scan3A_51 : i32
      %add3A_59 = arith.constant 1 : i32
      %add3A_60 = arith.addi %mul3A_58, %add3A_59 : i32
      %mul3A_61 = arith.constant 10000 : i32
      %mul3A_62 = arith.muli %add3A_60, %mul3A_61 : i32
      %add3A_63 = arith.addi %mul3A_19, %mul3A_62 : i32
      %multiple_of3A_64 = tpu.assume_multiple %add3A_63, 8 : i32
      %mul3A_65 = arith.constant 4 : i32
      %mul3A_66 = arith.muli %mul3A_65, %scan3A_51 : i32
      %add3A_67 = arith.constant 2 : i32
      %add3A_68 = arith.addi %mul3A_66, %add3A_67 : i32
      %mul3A_69 = arith.constant 10000 : i32
      %mul3A_70 = arith.muli %add3A_68, %mul3A_69 : i32
      %add3A_71 = arith.addi %mul3A_19, %mul3A_70 : i32
      %multiple_of3A_72 = tpu.assume_multiple %add3A_71, 8 : i32
      %mul3A_73 = arith.constant 4 : i32
      %mul3A_74 = arith.muli %mul3A_73, %scan3A_51 : i32
      %add3A_75 = arith.constant 3 : i32
      %add3A_76 = arith.addi %mul3A_74, %add3A_75 : i32
      %mul3A_77 = arith.constant 10000 : i32
      %mul3A_78 = arith.muli %add3A_76, %mul3A_77 : i32
      %add3A_79 = arith.addi %mul3A_19, %mul3A_78 : i32
      %multiple_of3A_80 = tpu.assume_multiple %add3A_79, 8 : i32
      %add3A_81 = arith.constant 1 : i32
      %add3A_82 = arith.addi %scan3A_51, %add3A_81 : i32
      %lt3A = arith.constant 5 : i32
      %lt3A_83 = arith.cmpi slt, %add3A_82, %lt3A : i32
      %mul3A_84 = arith.constant 4 : i32
      %mul3A_85 = arith.muli %mul3A_84, %scan3A_51 : i32
      %add3A_86 = arith.constant 4 : i32
      %add3A_87 = arith.addi %mul3A_85, %add3A_86 : i32
      %mul3A_88 = arith.constant 10000 : i32
      %mul3A_89 = arith.muli %add3A_87, %mul3A_88 : i32
      %add3A_90 = arith.addi %mul3A_19, %mul3A_89 : i32
      %select_n3A = arith.select %lt3A_83, %add3A_90, %mul3A_19 : i32
      %multiple_of3A_91 = tpu.assume_multiple %select_n3A, 8 : i32
      %dma_wait3A_92 = tpu.memref_slice %arg2[%multiple_of3A] : memref<6400000xi32, #tpu.memory_space<hbm>> -> memref<10000xi32, #tpu.memory_space<hbm>>
      %dma_wait3A_93 = tpu.memref_slice %arg2[%multiple_of3A] : memref<6400000xi32, #tpu.memory_space<hbm>> -> memref<10000xi32, #tpu.memory_space<hbm>>
      tpu.wait_dma2 semaphore(%arg22 : memref<!tpu.dma_semaphore, #tpu.memory_space<semaphore_mem>>) src(%dma_wait3A_93 : memref<10000xi32, #tpu.memory_space<hbm>>) dst(%arg8 : memref<10000xi32, #tpu.memory_space<vmem>>)
      %dma_wait3A_94 = tpu.memref_slice %arg3[%multiple_of3A] : memref<6400000xi32, #tpu.memory_space<hbm>> -> memref<10000xi32, #tpu.memory_space<hbm>>
      %dma_wait3A_95 = tpu.memref_slice %arg3[%multiple_of3A] : memref<6400000xi32, #tpu.memory_space<hbm>> -> memref<10000xi32, #tpu.memory_space<hbm>>
      tpu.wait_dma2 semaphore(%arg22 : memref<!tpu.dma_semaphore, #tpu.memory_space<semaphore_mem>>) src(%dma_wait3A_95 : memref<10000xi32, #tpu.memory_space<hbm>>) dst(%arg9 : memref<10000xi32, #tpu.memory_space<vmem>>)
      %dma_wait3A_96 = tpu.memref_slice %arg2[%multiple_of3A_64] : memref<6400000xi32, #tpu.memory_space<hbm>> -> memref<10000xi32, #tpu.memory_space<hbm>>
      %dma_wait3A_97 = tpu.memref_slice %arg2[%multiple_of3A_64] : memref<6400000xi32, #tpu.memory_space<hbm>> -> memref<10000xi32, #tpu.memory_space<hbm>>
      tpu.wait_dma2 semaphore(%arg22 : memref<!tpu.dma_semaphore, #tpu.memory_space<semaphore_mem>>) src(%dma_wait3A_97 : memref<10000xi32, #tpu.memory_space<hbm>>) dst(%arg10 : memref<10000xi32, #tpu.memory_space<vmem>>)
      %dma_wait3A_98 = tpu.memref_slice %arg3[%multiple_of3A_64] : memref<6400000xi32, #tpu.memory_space<hbm>> -> memref<10000xi32, #tpu.memory_space<hbm>>
      %dma_wait3A_99 = tpu.memref_slice %arg3[%multiple_of3A_64] : memref<6400000xi32, #tpu.memory_space<hbm>> -> memref<10000xi32, #tpu.memory_space<hbm>>
      tpu.wait_dma2 semaphore(%arg22 : memref<!tpu.dma_semaphore, #tpu.memory_space<semaphore_mem>>) src(%dma_wait3A_99 : memref<10000xi32, #tpu.memory_space<hbm>>) dst(%arg11 : memref<10000xi32, #tpu.memory_space<vmem>>)
      %dma_start3A_100 = arith.constant 0 : i32
      %dma_start3A_101 = tpu.memref_slice %arg7[%dma_start3A_100] : memref<102400xf32, #tpu.memory_space<vmem_shared>> -> memref<102400xf32, #tpu.memory_space<vmem_shared>>
      tpu.enqueue_indirect_dma source(%dma_start3A_101 : memref<102400xf32, #tpu.memory_space<vmem_shared>>) target(%arg16 : memref<10000xf32, #tpu.memory_space<vmem>>) offsets(%arg8 : memref<10000xi32, #tpu.memory_space<vmem>>) semaphore(%arg18 : memref<!tpu.dma_semaphore, #tpu.memory_space<semaphore_mem>>)
      %dma_start3A_102 = arith.constant 0 : i32
      %dma_start3A_103 = tpu.memref_slice %arg7[%dma_start3A_102] : memref<102400xf32, #tpu.memory_space<vmem_shared>> -> memref<102400xf32, #tpu.memory_space<vmem_shared>>
      tpu.enqueue_indirect_dma source(%dma_start3A_103 : memref<102400xf32, #tpu.memory_space<vmem_shared>>) target(%arg17 : memref<10000xf32, #tpu.memory_space<vmem>>) offsets(%arg10 : memref<10000xi32, #tpu.memory_space<vmem>>) semaphore(%arg19 : memref<!tpu.dma_semaphore, #tpu.memory_space<semaphore_mem>>)
      %dma_start3A_104 = tpu.memref_slice %arg2[%multiple_of3A_72] : memref<6400000xi32, #tpu.memory_space<hbm>> -> memref<10000xi32, #tpu.memory_space<hbm>>
      %dma_start3A_105 = tpu.memref_slice %arg2[%multiple_of3A_72] : memref<6400000xi32, #tpu.memory_space<hbm>> -> memref<10000xi32, #tpu.memory_space<hbm>>
      tpu.enqueue_dma source(%dma_start3A_105 : memref<10000xi32, #tpu.memory_space<hbm>>) target(%arg12 : memref<10000xi32, #tpu.memory_space<vmem>>) target_semaphore(%arg23 : memref<!tpu.dma_semaphore, #tpu.memory_space<semaphore_mem>>)
      %dma_start3A_106 = tpu.memref_slice %arg3[%multiple_of3A_72] : memref<6400000xi32, #tpu.memory_space<hbm>> -> memref<10000xi32, #tpu.memory_space<hbm>>
      %dma_start3A_107 = tpu.memref_slice %arg3[%multiple_of3A_72] : memref<6400000xi32, #tpu.memory_space<hbm>> -> memref<10000xi32, #tpu.memory_space<hbm>>
      tpu.enqueue_dma source(%dma_start3A_107 : memref<10000xi32, #tpu.memory_space<hbm>>) target(%arg13 : memref<10000xi32, #tpu.memory_space<vmem>>) target_semaphore(%arg23 : memref<!tpu.dma_semaphore, #tpu.memory_space<semaphore_mem>>)
      %dma_start3A_108 = tpu.memref_slice %arg2[%multiple_of3A_80] : memref<6400000xi32, #tpu.memory_space<hbm>> -> memref<10000xi32, #tpu.memory_space<hbm>>
      %dma_start3A_109 = tpu.memref_slice %arg2[%multiple_of3A_80] : memref<6400000xi32, #tpu.memory_space<hbm>> -> memref<10000xi32, #tpu.memory_space<hbm>>
      tpu.enqueue_dma source(%dma_start3A_109 : memref<10000xi32, #tpu.memory_space<hbm>>) target(%arg14 : memref<10000xi32, #tpu.memory_space<vmem>>) target_semaphore(%arg23 : memref<!tpu.dma_semaphore, #tpu.memory_space<semaphore_mem>>)
      %dma_start3A_110 = tpu.memref_slice %arg3[%multiple_of3A_80] : memref<6400000xi32, #tpu.memory_space<hbm>> -> memref<10000xi32, #tpu.memory_space<hbm>>
      %dma_start3A_111 = tpu.memref_slice %arg3[%multiple_of3A_80] : memref<6400000xi32, #tpu.memory_space<hbm>> -> memref<10000xi32, #tpu.memory_space<hbm>>
      tpu.enqueue_dma source(%dma_start3A_111 : memref<10000xi32, #tpu.memory_space<hbm>>) target(%arg15 : memref<10000xi32, #tpu.memory_space<vmem>>) target_semaphore(%arg23 : memref<!tpu.dma_semaphore, #tpu.memory_space<semaphore_mem>>)
      %dma_wait3A_112 = arith.constant 0 : i32
      %dma_wait3A_113 = tpu.memref_slice %arg7[%dma_wait3A_112] : memref<102400xf32, #tpu.memory_space<vmem_shared>> -> memref<102400xf32, #tpu.memory_space<vmem_shared>>
      tpu.wait_indirect_dma semaphore(%arg18 : memref<!tpu.dma_semaphore, #tpu.memory_space<semaphore_mem>>) src(%dma_wait3A_113 : memref<102400xf32, #tpu.memory_space<vmem_shared>>) dst(%arg16 : memref<10000xf32, #tpu.memory_space<vmem>>)
      %dma_start3A_114 = arith.constant 0 : i32
      %dma_start3A_115 = tpu.memref_slice %arg6[%dma_start3A_114] : memref<102400xf32, #tpu.memory_space<vmem_shared>> -> memref<102400xf32, #tpu.memory_space<vmem_shared>>
      tpu.enqueue_indirect_dma source(%arg16 : memref<10000xf32, #tpu.memory_space<vmem>>) target(%dma_start3A_115 : memref<102400xf32, #tpu.memory_space<vmem_shared>>) offsets(%arg9 : memref<10000xi32, #tpu.memory_space<vmem>>) semaphore(%arg20 : memref<!tpu.dma_semaphore, #tpu.memory_space<semaphore_mem>>) {add = true}
      %dma_wait3A_116 = arith.constant 0 : i32
      %dma_wait3A_117 = tpu.memref_slice %arg7[%dma_wait3A_116] : memref<102400xf32, #tpu.memory_space<vmem_shared>> -> memref<102400xf32, #tpu.memory_space<vmem_shared>>
      tpu.wait_indirect_dma semaphore(%arg19 : memref<!tpu.dma_semaphore, #tpu.memory_space<semaphore_mem>>) src(%dma_wait3A_117 : memref<102400xf32, #tpu.memory_space<vmem_shared>>) dst(%arg17 : memref<10000xf32, #tpu.memory_space<vmem>>)
      %dma_start3A_118 = arith.constant 0 : i32
      %dma_start3A_119 = tpu.memref_slice %arg6[%dma_start3A_118] : memref<102400xf32, #tpu.memory_space<vmem_shared>> -> memref<102400xf32, #tpu.memory_space<vmem_shared>>
      tpu.enqueue_indirect_dma source(%arg17 : memref<10000xf32, #tpu.memory_space<vmem>>) target(%dma_start3A_119 : memref<102400xf32, #tpu.memory_space<vmem_shared>>) offsets(%arg11 : memref<10000xi32, #tpu.memory_space<vmem>>) semaphore(%arg21 : memref<!tpu.dma_semaphore, #tpu.memory_space<semaphore_mem>>) {add = true}
      %dma_wait3A_120 = arith.constant 0 : i32
      %dma_wait3A_121 = tpu.memref_slice %arg6[%dma_wait3A_120] : memref<102400xf32, #tpu.memory_space<vmem_shared>> -> memref<102400xf32, #tpu.memory_space<vmem_shared>>
      tpu.wait_indirect_dma semaphore(%arg20 : memref<!tpu.dma_semaphore, #tpu.memory_space<semaphore_mem>>) src(%arg16 : memref<10000xf32, #tpu.memory_space<vmem>>) dst(%dma_wait3A_121 : memref<102400xf32, #tpu.memory_space<vmem_shared>>)
      %dma_wait3A_122 = arith.constant 0 : i32
      %dma_wait3A_123 = tpu.memref_slice %arg6[%dma_wait3A_122] : memref<102400xf32, #tpu.memory_space<vmem_shared>> -> memref<102400xf32, #tpu.memory_space<vmem_shared>>
      tpu.wait_indirect_dma semaphore(%arg21 : memref<!tpu.dma_semaphore, #tpu.memory_space<semaphore_mem>>) src(%arg17 : memref<10000xf32, #tpu.memory_space<vmem>>) dst(%dma_wait3A_123 : memref<102400xf32, #tpu.memory_space<vmem_shared>>)
      %dma_wait3A_124 = tpu.memref_slice %arg2[%multiple_of3A_72] : memref<6400000xi32, #tpu.memory_space<hbm>> -> memref<10000xi32, #tpu.memory_space<hbm>>
      %dma_wait3A_125 = tpu.memref_slice %arg2[%multiple_of3A_72] : memref<6400000xi32, #tpu.memory_space<hbm>> -> memref<10000xi32, #tpu.memory_space<hbm>>
      tpu.wait_dma2 semaphore(%arg23 : memref<!tpu.dma_semaphore, #tpu.memory_space<semaphore_mem>>) src(%dma_wait3A_125 : memref<10000xi32, #tpu.memory_space<hbm>>) dst(%arg12 : memref<10000xi32, #tpu.memory_space<vmem>>)
      %dma_wait3A_126 = tpu.memref_slice %arg3[%multiple_of3A_72] : memref<6400000xi32, #tpu.memory_space<hbm>> -> memref<10000xi32, #tpu.memory_space<hbm>>
      %dma_wait3A_127 = tpu.memref_slice %arg3[%multiple_of3A_72] : memref<6400000xi32, #tpu.memory_space<hbm>> -> memref<10000xi32, #tpu.memory_space<hbm>>
      tpu.wait_dma2 semaphore(%arg23 : memref<!tpu.dma_semaphore, #tpu.memory_space<semaphore_mem>>) src(%dma_wait3A_127 : memref<10000xi32, #tpu.memory_space<hbm>>) dst(%arg13 : memref<10000xi32, #tpu.memory_space<vmem>>)
      %dma_wait3A_128 = tpu.memref_slice %arg2[%multiple_of3A_80] : memref<6400000xi32, #tpu.memory_space<hbm>> -> memref<10000xi32, #tpu.memory_space<hbm>>
      %dma_wait3A_129 = tpu.memref_slice %arg2[%multiple_of3A_80] : memref<6400000xi32, #tpu.memory_space<hbm>> -> memref<10000xi32, #tpu.memory_space<hbm>>
      tpu.wait_dma2 semaphore(%arg23 : memref<!tpu.dma_semaphore, #tpu.memory_space<semaphore_mem>>) src(%dma_wait3A_129 : memref<10000xi32, #tpu.memory_space<hbm>>) dst(%arg14 : memref<10000xi32, #tpu.memory_space<vmem>>)
      %dma_wait3A_130 = tpu.memref_slice %arg3[%multiple_of3A_80] : memref<6400000xi32, #tpu.memory_space<hbm>> -> memref<10000xi32, #tpu.memory_space<hbm>>
      %dma_wait3A_131 = tpu.memref_slice %arg3[%multiple_of3A_80] : memref<6400000xi32, #tpu.memory_space<hbm>> -> memref<10000xi32, #tpu.memory_space<hbm>>
      tpu.wait_dma2 semaphore(%arg23 : memref<!tpu.dma_semaphore, #tpu.memory_space<semaphore_mem>>) src(%dma_wait3A_131 : memref<10000xi32, #tpu.memory_space<hbm>>) dst(%arg15 : memref<10000xi32, #tpu.memory_space<vmem>>)
      %dma_start3A_132 = arith.constant 0 : i32
      %dma_start3A_133 = tpu.memref_slice %arg7[%dma_start3A_132] : memref<102400xf32, #tpu.memory_space<vmem_shared>> -> memref<102400xf32, #tpu.memory_space<vmem_shared>>
      tpu.enqueue_indirect_dma source(%dma_start3A_133 : memref<102400xf32, #tpu.memory_space<vmem_shared>>) target(%arg16 : memref<10000xf32, #tpu.memory_space<vmem>>) offsets(%arg12 : memref<10000xi32, #tpu.memory_space<vmem>>) semaphore(%arg18 : memref<!tpu.dma_semaphore, #tpu.memory_space<semaphore_mem>>)
      %dma_start3A_134 = arith.constant 0 : i32
      %dma_start3A_135 = tpu.memref_slice %arg7[%dma_start3A_134] : memref<102400xf32, #tpu.memory_space<vmem_shared>> -> memref<102400xf32, #tpu.memory_space<vmem_shared>>
      tpu.enqueue_indirect_dma source(%dma_start3A_135 : memref<102400xf32, #tpu.memory_space<vmem_shared>>) target(%arg17 : memref<10000xf32, #tpu.memory_space<vmem>>) offsets(%arg14 : memref<10000xi32, #tpu.memory_space<vmem>>) semaphore(%arg19 : memref<!tpu.dma_semaphore, #tpu.memory_space<semaphore_mem>>)
      %add3A_136 = arith.constant 10000 : i32
      %add3A_137 = arith.addi %multiple_of3A_91, %add3A_136 : i32
      %dma_start3A_138 = tpu.memref_slice %arg2[%multiple_of3A_91] : memref<6400000xi32, #tpu.memory_space<hbm>> -> memref<10000xi32, #tpu.memory_space<hbm>>
      %dma_start3A_139 = tpu.memref_slice %arg2[%multiple_of3A_91] : memref<6400000xi32, #tpu.memory_space<hbm>> -> memref<10000xi32, #tpu.memory_space<hbm>>
      tpu.enqueue_dma source(%dma_start3A_139 : memref<10000xi32, #tpu.memory_space<hbm>>) target(%arg8 : memref<10000xi32, #tpu.memory_space<vmem>>) target_semaphore(%arg22 : memref<!tpu.dma_semaphore, #tpu.memory_space<semaphore_mem>>)
      %dma_start3A_140 = tpu.memref_slice %arg3[%multiple_of3A_91] : memref<6400000xi32, #tpu.memory_space<hbm>> -> memref<10000xi32, #tpu.memory_space<hbm>>
      %dma_start3A_141 = tpu.memref_slice %arg3[%multiple_of3A_91] : memref<6400000xi32, #tpu.memory_space<hbm>> -> memref<10000xi32, #tpu.memory_space<hbm>>
      tpu.enqueue_dma source(%dma_start3A_141 : memref<10000xi32, #tpu.memory_space<hbm>>) target(%arg9 : memref<10000xi32, #tpu.memory_space<vmem>>) target_semaphore(%arg22 : memref<!tpu.dma_semaphore, #tpu.memory_space<semaphore_mem>>)
      %dma_start3A_142 = tpu.memref_slice %arg2[%add3A_137] : memref<6400000xi32, #tpu.memory_space<hbm>> -> memref<10000xi32, #tpu.memory_space<hbm>>
      %dma_start3A_143 = tpu.memref_slice %arg2[%add3A_137] : memref<6400000xi32, #tpu.memory_space<hbm>> -> memref<10000xi32, #tpu.memory_space<hbm>>
      tpu.enqueue_dma source(%dma_start3A_143 : memref<10000xi32, #tpu.memory_space<hbm>>) target(%arg10 : memref<10000xi32, #tpu.memory_space<vmem>>) target_semaphore(%arg22 : memref<!tpu.dma_semaphore, #tpu.memory_space<semaphore_mem>>)
      %dma_start3A_144 = tpu.memref_slice %arg3[%add3A_137] : memref<6400000xi32, #tpu.memory_space<hbm>> -> memref<10000xi32, #tpu.memory_space<hbm>>
      %dma_start3A_145 = tpu.memref_slice %arg3[%add3A_137] : memref<6400000xi32, #tpu.memory_space<hbm>> -> memref<10000xi32, #tpu.memory_space<hbm>>
      tpu.enqueue_dma source(%dma_start3A_145 : memref<10000xi32, #tpu.memory_space<hbm>>) target(%arg11 : memref<10000xi32, #tpu.memory_space<vmem>>) target_semaphore(%arg22 : memref<!tpu.dma_semaphore, #tpu.memory_space<semaphore_mem>>)
      %dma_wait3A_146 = arith.constant 0 : i32
      %dma_wait3A_147 = tpu.memref_slice %arg7[%dma_wait3A_146] : memref<102400xf32, #tpu.memory_space<vmem_shared>> -> memref<102400xf32, #tpu.memory_space<vmem_shared>>
      tpu.wait_indirect_dma semaphore(%arg18 : memref<!tpu.dma_semaphore, #tpu.memory_space<semaphore_mem>>) src(%dma_wait3A_147 : memref<102400xf32, #tpu.memory_space<vmem_shared>>) dst(%arg16 : memref<10000xf32, #tpu.memory_space<vmem>>)
      %dma_start3A_148 = arith.constant 0 : i32
      %dma_start3A_149 = tpu.memref_slice %arg6[%dma_start3A_148] : memref<102400xf32, #tpu.memory_space<vmem_shared>> -> memref<102400xf32, #tpu.memory_space<vmem_shared>>
      tpu.enqueue_indirect_dma source(%arg16 : memref<10000xf32, #tpu.memory_space<vmem>>) target(%dma_start3A_149 : memref<102400xf32, #tpu.memory_space<vmem_shared>>) offsets(%arg13 : memref<10000xi32, #tpu.memory_space<vmem>>) semaphore(%arg20 : memref<!tpu.dma_semaphore, #tpu.memory_space<semaphore_mem>>) {add = true}
      %dma_wait3A_150 = arith.constant 0 : i32
      %dma_wait3A_151 = tpu.memref_slice %arg7[%dma_wait3A_150] : memref<102400xf32, #tpu.memory_space<vmem_shared>> -> memref<102400xf32, #tpu.memory_space<vmem_shared>>
      tpu.wait_indirect_dma semaphore(%arg19 : memref<!tpu.dma_semaphore, #tpu.memory_space<semaphore_mem>>) src(%dma_wait3A_151 : memref<102400xf32, #tpu.memory_space<vmem_shared>>) dst(%arg17 : memref<10000xf32, #tpu.memory_space<vmem>>)
      %dma_start3A_152 = arith.constant 0 : i32
      %dma_start3A_153 = tpu.memref_slice %arg6[%dma_start3A_152] : memref<102400xf32, #tpu.memory_space<vmem_shared>> -> memref<102400xf32, #tpu.memory_space<vmem_shared>>
      tpu.enqueue_indirect_dma source(%arg17 : memref<10000xf32, #tpu.memory_space<vmem>>) target(%dma_start3A_153 : memref<102400xf32, #tpu.memory_space<vmem_shared>>) offsets(%arg15 : memref<10000xi32, #tpu.memory_space<vmem>>) semaphore(%arg21 : memref<!tpu.dma_semaphore, #tpu.memory_space<semaphore_mem>>) {add = true}
      %dma_wait3A_154 = arith.constant 0 : i32
      %dma_wait3A_155 = tpu.memref_slice %arg6[%dma_wait3A_154] : memref<102400xf32, #tpu.memory_space<vmem_shared>> -> memref<102400xf32, #tpu.memory_space<vmem_shared>>
      tpu.wait_indirect_dma semaphore(%arg20 : memref<!tpu.dma_semaphore, #tpu.memory_space<semaphore_mem>>) src(%arg16 : memref<10000xf32, #tpu.memory_space<vmem>>) dst(%dma_wait3A_155 : memref<102400xf32, #tpu.memory_space<vmem_shared>>)
      %dma_wait3A_156 = arith.constant 0 : i32
      %dma_wait3A_157 = tpu.memref_slice %arg6[%dma_wait3A_156] : memref<102400xf32, #tpu.memory_space<vmem_shared>> -> memref<102400xf32, #tpu.memory_space<vmem_shared>>
      tpu.wait_indirect_dma semaphore(%arg21 : memref<!tpu.dma_semaphore, #tpu.memory_space<semaphore_mem>>) src(%arg17 : memref<10000xf32, #tpu.memory_space<vmem>>) dst(%dma_wait3A_157 : memref<102400xf32, #tpu.memory_space<vmem_shared>>)
    }
    %scan3A_34 = arith.constant 5 : i32
    %add3A_35 = arith.constant 10000 : i32
    %add3A_36 = arith.addi %mul3A_19, %add3A_35 : i32
    %dma_wait3A = tpu.memref_slice %arg2[%mul3A_19] : memref<6400000xi32, #tpu.memory_space<hbm>> -> memref<10000xi32, #tpu.memory_space<hbm>>
    %dma_wait3A_37 = tpu.memref_slice %arg2[%mul3A_19] : memref<6400000xi32, #tpu.memory_space<hbm>> -> memref<10000xi32, #tpu.memory_space<hbm>>
    tpu.wait_dma2 semaphore(%arg22 : memref<!tpu.dma_semaphore, #tpu.memory_space<semaphore_mem>>) src(%dma_wait3A_37 : memref<10000xi32, #tpu.memory_space<hbm>>) dst(%arg8 : memref<10000xi32, #tpu.memory_space<vmem>>)
    %dma_wait3A_38 = tpu.memref_slice %arg3[%mul3A_19] : memref<6400000xi32, #tpu.memory_space<hbm>> -> memref<10000xi32, #tpu.memory_space<hbm>>
    %dma_wait3A_39 = tpu.memref_slice %arg3[%mul3A_19] : memref<6400000xi32, #tpu.memory_space<hbm>> -> memref<10000xi32, #tpu.memory_space<hbm>>
    tpu.wait_dma2 semaphore(%arg22 : memref<!tpu.dma_semaphore, #tpu.memory_space<semaphore_mem>>) src(%dma_wait3A_39 : memref<10000xi32, #tpu.memory_space<hbm>>) dst(%arg9 : memref<10000xi32, #tpu.memory_space<vmem>>)
    %dma_wait3A_40 = tpu.memref_slice %arg2[%add3A_36] : memref<6400000xi32, #tpu.memory_space<hbm>> -> memref<10000xi32, #tpu.memory_space<hbm>>
    %dma_wait3A_41 = tpu.memref_slice %arg2[%add3A_36] : memref<6400000xi32, #tpu.memory_space<hbm>> -> memref<10000xi32, #tpu.memory_space<hbm>>
    tpu.wait_dma2 semaphore(%arg22 : memref<!tpu.dma_semaphore, #tpu.memory_space<semaphore_mem>>) src(%dma_wait3A_41 : memref<10000xi32, #tpu.memory_space<hbm>>) dst(%arg10 : memref<10000xi32, #tpu.memory_space<vmem>>)
    %dma_wait3A_42 = tpu.memref_slice %arg3[%add3A_36] : memref<6400000xi32, #tpu.memory_space<hbm>> -> memref<10000xi32, #tpu.memory_space<hbm>>
    %dma_wait3A_43 = tpu.memref_slice %arg3[%add3A_36] : memref<6400000xi32, #tpu.memory_space<hbm>> -> memref<10000xi32, #tpu.memory_space<hbm>>
    tpu.wait_dma2 semaphore(%arg22 : memref<!tpu.dma_semaphore, #tpu.memory_space<semaphore_mem>>) src(%dma_wait3A_43 : memref<10000xi32, #tpu.memory_space<hbm>>) dst(%arg11 : memref<10000xi32, #tpu.memory_space<vmem>>)
    %barrier3A_44 = arith.constant 0 : index
    tpu.barrier barrier_id(%barrier3A_44)
    %scan3A_45 = arith.constant 0 : i32
    %scan3A_46 = arith.constant 0 : i32
    %scan3A_47 = arith.constant 8 : i32
    %scan3A_48 = arith.addi %scan3A_46, %scan3A_47 : i32
    %scan3A_49 = arith.constant 1 : i32
    scf.for %scan3A_51 = %scan3A_46 to %scan3A_48 step %scan3A_49  : i32 {
      %mul3A_52 = arith.constant 6400 : i32
      %mul3A_53 = arith.muli %arg1, %mul3A_52 : i32
      %mul3A_54 = arith.constant 800 : i32
      %mul3A_55 = arith.muli %scan3A_51, %mul3A_54 : i32
      %add3A_56 = arith.addi %mul3A_53, %mul3A_55 : i32
      "tpu.region"() ({
        %run_scoped3A = tpu.sem_alloc : memref<!tpu.dma_semaphore, #tpu.memory_space<semaphore_mem>>
        %dma_start3A_60 = arith.constant 0 : i32
        %dma_start3A_61 = tpu.memref_slice %arg16[%dma_start3A_60] : memref<10000xf32, #tpu.memory_space<vmem>> -> memref<800xf32, #tpu.memory_space<vmem>>
        %dma_start3A_62 = tpu.memref_slice %arg6[%add3A_56] : memref<102400xf32, #tpu.memory_space<vmem_shared>> -> memref<800xf32, #tpu.memory_space<vmem_shared>>
        %dma_start3A_63 = arith.constant 0 : i32
        %dma_start3A_64 = tpu.memref_slice %arg16[%dma_start3A_63] : memref<10000xf32, #tpu.memory_space<vmem>> -> memref<800xf32, #tpu.memory_space<vmem>>
        %dma_start3A_65 = tpu.memref_slice %arg6[%add3A_56] : memref<102400xf32, #tpu.memory_space<vmem_shared>> -> memref<800xf32, #tpu.memory_space<vmem_shared>>
        tpu.enqueue_dma source(%dma_start3A_65 : memref<800xf32, #tpu.memory_space<vmem_shared>>) target(%dma_start3A_64 : memref<800xf32, #tpu.memory_space<vmem>>) target_semaphore(%run_scoped3A : memref<!tpu.dma_semaphore, #tpu.memory_space<semaphore_mem>>)
        %dma_wait3A_66 = arith.constant 0 : i32
        %dma_wait3A_67 = tpu.memref_slice %arg16[%dma_wait3A_66] : memref<10000xf32, #tpu.memory_space<vmem>> -> memref<800xf32, #tpu.memory_space<vmem>>
        %dma_wait3A_68 = tpu.memref_slice %arg6[%add3A_56] : memref<102400xf32, #tpu.memory_space<vmem_shared>> -> memref<800xf32, #tpu.memory_space<vmem_shared>>
        %dma_wait3A_69 = arith.constant 0 : i32
        %dma_wait3A_70 = tpu.memref_slice %arg16[%dma_wait3A_69] : memref<10000xf32, #tpu.memory_space<vmem>> -> memref<800xf32, #tpu.memory_space<vmem>>
        %dma_wait3A_71 = tpu.memref_slice %arg6[%add3A_56] : memref<102400xf32, #tpu.memory_space<vmem_shared>> -> memref<800xf32, #tpu.memory_space<vmem_shared>>
        tpu.wait_dma2 semaphore(%run_scoped3A : memref<!tpu.dma_semaphore, #tpu.memory_space<semaphore_mem>>) src(%dma_wait3A_71 : memref<800xf32, #tpu.memory_space<vmem_shared>>) dst(%dma_wait3A_70 : memref<800xf32, #tpu.memory_space<vmem>>)
        tpu.yield
      }) : () -> ()
      %mul3A_57 = arith.constant 102400 : i32
      %mul3A_58 = arith.muli %arg0, %mul3A_57 : i32
      %add3A_59 = arith.addi %mul3A_58, %add3A_56 : i32
      "tpu.region"() ({
        %run_scoped3A = tpu.sem_alloc : memref<!tpu.dma_semaphore, #tpu.memory_space<semaphore_mem>>
        %dma_start3A_60 = arith.constant 0 : i32
        %dma_start3A_61 = tpu.memref_slice %arg16[%dma_start3A_60] : memref<10000xf32, #tpu.memory_space<vmem>> -> memref<800xf32, #tpu.memory_space<vmem>>
        %dma_start3A_62 = tpu.memref_slice %arg5[%add3A_59] : memref<204800xf32, #tpu.memory_space<hbm>> -> memref<800xf32, #tpu.memory_space<hbm>>
        %dma_start3A_63 = tpu.memref_slice %arg5[%add3A_59] : memref<204800xf32, #tpu.memory_space<hbm>> -> memref<800xf32, #tpu.memory_space<hbm>>
        %dma_start3A_64 = arith.constant 0 : i32
        %dma_start3A_65 = tpu.memref_slice %arg16[%dma_start3A_64] : memref<10000xf32, #tpu.memory_space<vmem>> -> memref<800xf32, #tpu.memory_space<vmem>>
        tpu.enqueue_dma source(%dma_start3A_65 : memref<800xf32, #tpu.memory_space<vmem>>) target(%dma_start3A_63 : memref<800xf32, #tpu.memory_space<hbm>>) target_semaphore(%run_scoped3A : memref<!tpu.dma_semaphore, #tpu.memory_space<semaphore_mem>>)
        %dma_wait3A_66 = arith.constant 0 : i32
        %dma_wait3A_67 = tpu.memref_slice %arg16[%dma_wait3A_66] : memref<10000xf32, #tpu.memory_space<vmem>> -> memref<800xf32, #tpu.memory_space<vmem>>
        %dma_wait3A_68 = tpu.memref_slice %arg5[%add3A_59] : memref<204800xf32, #tpu.memory_space<hbm>> -> memref<800xf32, #tpu.memory_space<hbm>>
        %dma_wait3A_69 = tpu.memref_slice %arg5[%add3A_59] : memref<204800xf32, #tpu.memory_space<hbm>> -> memref<800xf32, #tpu.memory_space<hbm>>
        %dma_wait3A_70 = arith.constant 0 : i32
        %dma_wait3A_71 = tpu.memref_slice %arg16[%dma_wait3A_70] : memref<10000xf32, #tpu.memory_space<vmem>> -> memref<800xf32, #tpu.memory_space<vmem>>
        tpu.wait_dma2 semaphore(%run_scoped3A : memref<!tpu.dma_semaphore, #tpu.memory_space<semaphore_mem>>) src(%dma_wait3A_71 : memref<800xf32, #tpu.memory_space<vmem>>) dst(%dma_wait3A_69 : memref<800xf32, #tpu.memory_space<hbm>>)
        tpu.yield
      }) : () -> ()
    }
    %scan3A_50 = arith.constant 8 : i32
    return
  }
}

#map = affine_map<(d0, d1) -> (0)>
#map1 = affine_map<(d0, d1) -> (0, 0)>
module attributes {stable_mosaic.version = 14 : i64} {
  func.func @k(%arg0: i32, %arg1: i32, %arg2: memref<6400000xi32, #tpu.memory_space<hbm>>, %arg3: memref<6400000xi32, #tpu.memory_space<hbm>>, %arg4: memref<102400x16xf32, #tpu.memory_space<hbm>>, %arg5: memref<204800x16xf32, #tpu.memory_space<hbm>>, %arg6: memref<102400x16xf32, #tpu.memory_space<vmem_shared>>, %arg7: memref<400xi32, #tpu.memory_space<vmem>>, %arg8: memref<400xi32, #tpu.memory_space<vmem>>, %arg9: memref<400xi32, #tpu.memory_space<vmem>>, %arg10: memref<400xi32, #tpu.memory_space<vmem>>, %arg11: memref<400xi32, #tpu.memory_space<vmem>>, %arg12: memref<400xi32, #tpu.memory_space<vmem>>, %arg13: memref<400xi32, #tpu.memory_space<vmem>>, %arg14: memref<400xi32, #tpu.memory_space<vmem>>, %arg15: memref<400x16xf32, #tpu.memory_space<vmem>>, %arg16: memref<400x16xf32, #tpu.memory_space<vmem>>, %arg17: memref<!tpu.dma_semaphore, #tpu.memory_space<semaphore_mem>>, %arg18: memref<!tpu.dma_semaphore, #tpu.memory_space<semaphore_mem>>, %arg19: memref<!tpu.dma_semaphore, #tpu.memory_space<semaphore_mem>>, %arg20: memref<!tpu.dma_semaphore, #tpu.memory_space<semaphore_mem>>, %arg21: memref<!tpu.dma_semaphore, #tpu.memory_space<semaphore_mem>>, %arg22: memref<!tpu.dma_semaphore, #tpu.memory_space<semaphore_mem>>) attributes {dimension_semantics = [#tpu.dimension_semantics<core_parallel>, #tpu.dimension_semantics<subcore_parallel>], iteration_bounds = array<i64: 2, 16>, scalar_prefetch = 0 : i64, scratch_operands = 17 : i64, tpu.core_type = #tpu.core_type<sc_vector_subcore>, window_params = [{transform_indices = #map}, {transform_indices = #map}, {transform_indices = #map1}, {transform_indices = #map1}]} {
    %scan3A = arith.constant 0 : i32
    %scan3A_0 = arith.constant 0 : i32
    %scan3A_1 = arith.constant 400 : i32
    %scan3A_2 = arith.addi %scan3A_0, %scan3A_1 : i32
    %scan3A_3 = arith.constant 1 : i32
    scf.for %scan3A_45 = %scan3A_0 to %scan3A_2 step %scan3A_3  : i32 {
      %broadcast_in_dim3A = arith.constant 0.000000e+00 : f32
      %broadcast_in_dim3A_46 = vector.broadcast %broadcast_in_dim3A : f32 to vector<16xf32>
      %swap3A = arith.index_cast %scan3A_45 : i32 to index
      %swap3A_47 = arith.constant 0 : index
      %swap3A_48 = tpu.vector_load %arg15[%swap3A, %swap3A_47] {strides = array<i32>} : memref<400x16xf32, #tpu.memory_space<vmem>>, vector<1x16xf32>,
      %swap3A_49 = vector.shape_cast %swap3A_48 : vector<1x16xf32> to vector<16xf32>
      %swap3A_50 = vector.shape_cast %broadcast_in_dim3A_46 : vector<16xf32> to vector<1x16xf32>
      tpu.vector_store %arg15[%swap3A, %swap3A_47], %swap3A_50 {strides = array<i32>} : memref<400x16xf32, #tpu.memory_space<vmem>>, vector<1x16xf32>,
    }
    %scan3A_4 = arith.constant 400 : i32
    %scan3A_5 = arith.constant 0 : i32
    %scan3A_6 = arith.constant 0 : i32
    %scan3A_7 = arith.constant 16 : i32
    %scan3A_8 = arith.addi %scan3A_6, %scan3A_7 : i32
    %scan3A_9 = arith.constant 1 : i32
    scf.for %scan3A_45 = %scan3A_6 to %scan3A_8 step %scan3A_9  : i32 {
      %mul3A_46 = arith.constant 6400 : i32
      %mul3A_47 = arith.muli %arg1, %mul3A_46 : i32
      %mul3A_48 = arith.constant 400 : i32
      %mul3A_49 = arith.muli %scan3A_45, %mul3A_48 : i32
      %add3A_50 = arith.addi %mul3A_47, %mul3A_49 : i32
      "tpu.region"() ({
        %run_scoped3A = tpu.sem_alloc : memref<!tpu.dma_semaphore, #tpu.memory_space<semaphore_mem>>
        %dma_start3A_51 = arith.constant 0 : i32
        %dma_start3A_52 = arith.constant 0 : i32
        %dma_start3A_53 = tpu.memref_slice %arg15[%dma_start3A_51, %dma_start3A_52] : memref<400x16xf32, #tpu.memory_space<vmem>> -> memref<400x16xf32, #tpu.memory_space<vmem>>
        %dma_start3A_54 = arith.constant 0 : i32
        %dma_start3A_55 = tpu.memref_slice %arg6[%add3A_50, %dma_start3A_54] : memref<102400x16xf32, #tpu.memory_space<vmem_shared>> -> memref<400x16xf32, #tpu.memory_space<vmem_shared>>
        %dma_start3A_56 = arith.constant 0 : i32
        %dma_start3A_57 = tpu.memref_slice %arg6[%add3A_50, %dma_start3A_56] : memref<102400x16xf32, #tpu.memory_space<vmem_shared>> -> memref<400x16xf32, #tpu.memory_space<vmem_shared>>
        %dma_start3A_58 = arith.constant 0 : i32
        %dma_start3A_59 = arith.constant 0 : i32
        %dma_start3A_60 = tpu.memref_slice %arg15[%dma_start3A_58, %dma_start3A_59] : memref<400x16xf32, #tpu.memory_space<vmem>> -> memref<400x16xf32, #tpu.memory_space<vmem>>
        tpu.enqueue_dma source(%dma_start3A_60 : memref<400x16xf32, #tpu.memory_space<vmem>>) target(%dma_start3A_57 : memref<400x16xf32, #tpu.memory_space<vmem_shared>>) target_semaphore(%run_scoped3A : memref<!tpu.dma_semaphore, #tpu.memory_space<semaphore_mem>>)
        %dma_wait3A_61 = arith.constant 0 : i32
        %dma_wait3A_62 = arith.constant 0 : i32
        %dma_wait3A_63 = tpu.memref_slice %arg15[%dma_wait3A_61, %dma_wait3A_62] : memref<400x16xf32, #tpu.memory_space<vmem>> -> memref<400x16xf32, #tpu.memory_space<vmem>>
        %dma_wait3A_64 = arith.constant 0 : i32
        %dma_wait3A_65 = tpu.memref_slice %arg6[%add3A_50, %dma_wait3A_64] : memref<102400x16xf32, #tpu.memory_space<vmem_shared>> -> memref<400x16xf32, #tpu.memory_space<vmem_shared>>
        %dma_wait3A_66 = arith.constant 0 : i32
        %dma_wait3A_67 = tpu.memref_slice %arg6[%add3A_50, %dma_wait3A_66] : memref<102400x16xf32, #tpu.memory_space<vmem_shared>> -> memref<400x16xf32, #tpu.memory_space<vmem_shared>>
        %dma_wait3A_68 = arith.constant 0 : i32
        %dma_wait3A_69 = arith.constant 0 : i32
        %dma_wait3A_70 = tpu.memref_slice %arg15[%dma_wait3A_68, %dma_wait3A_69] : memref<400x16xf32, #tpu.memory_space<vmem>> -> memref<400x16xf32, #tpu.memory_space<vmem>>
        tpu.wait_dma2 semaphore(%run_scoped3A : memref<!tpu.dma_semaphore, #tpu.memory_space<semaphore_mem>>) src(%dma_wait3A_70 : memref<400x16xf32, #tpu.memory_space<vmem>>) dst(%dma_wait3A_67 : memref<400x16xf32, #tpu.memory_space<vmem_shared>>)
        tpu.yield
      }) : () -> ()
    }
    %scan3A_10 = arith.constant 16 : i32
    %barrier3A = arith.constant 0 : index
    tpu.barrier barrier_id(%barrier3A)
    %mul3A = arith.constant 16 : i32
    %mul3A_11 = arith.muli %arg0, %mul3A : i32
    %add3A = arith.addi %mul3A_11, %arg1 : i32
    %mul3A_12 = arith.constant 200000 : i32
    %mul3A_13 = arith.muli %add3A, %mul3A_12 : i32
    %add3A_14 = arith.constant 400 : i32
    %add3A_15 = arith.addi %mul3A_13, %add3A_14 : i32
    %dma_start3A = tpu.memref_slice %arg2[%mul3A_13] : memref<6400000xi32, #tpu.memory_space<hbm>> -> memref<400xi32, #tpu.memory_space<hbm>>
    %dma_start3A_16 = tpu.memref_slice %arg2[%mul3A_13] : memref<6400000xi32, #tpu.memory_space<hbm>> -> memref<400xi32, #tpu.memory_space<hbm>>
    tpu.enqueue_dma source(%dma_start3A_16 : memref<400xi32, #tpu.memory_space<hbm>>) target(%arg7 : memref<400xi32, #tpu.memory_space<vmem>>) target_semaphore(%arg21 : memref<!tpu.dma_semaphore, #tpu.memory_space<semaphore_mem>>)
    %dma_start3A_17 = tpu.memref_slice %arg3[%mul3A_13] : memref<6400000xi32, #tpu.memory_space<hbm>> -> memref<400xi32, #tpu.memory_space<hbm>>
    %dma_start3A_18 = tpu.memref_slice %arg3[%mul3A_13] : memref<6400000xi32, #tpu.memory_space<hbm>> -> memref<400xi32, #tpu.memory_space<hbm>>
    tpu.enqueue_dma source(%dma_start3A_18 : memref<400xi32, #tpu.memory_space<hbm>>) target(%arg8 : memref<400xi32, #tpu.memory_space<vmem>>) target_semaphore(%arg21 : memref<!tpu.dma_semaphore, #tpu.memory_space<semaphore_mem>>)
    %dma_start3A_19 = tpu.memref_slice %arg2[%add3A_15] : memref<6400000xi32, #tpu.memory_space<hbm>> -> memref<400xi32, #tpu.memory_space<hbm>>
    %dma_start3A_20 = tpu.memref_slice %arg2[%add3A_15] : memref<6400000xi32, #tpu.memory_space<hbm>> -> memref<400xi32, #tpu.memory_space<hbm>>
    tpu.enqueue_dma source(%dma_start3A_20 : memref<400xi32, #tpu.memory_space<hbm>>) target(%arg9 : memref<400xi32, #tpu.memory_space<vmem>>) target_semaphore(%arg21 : memref<!tpu.dma_semaphore, #tpu.memory_space<semaphore_mem>>)
    %dma_start3A_21 = tpu.memref_slice %arg3[%add3A_15] : memref<6400000xi32, #tpu.memory_space<hbm>> -> memref<400xi32, #tpu.memory_space<hbm>>
    %dma_start3A_22 = tpu.memref_slice %arg3[%add3A_15] : memref<6400000xi32, #tpu.memory_space<hbm>> -> memref<400xi32, #tpu.memory_space<hbm>>
    tpu.enqueue_dma source(%dma_start3A_22 : memref<400xi32, #tpu.memory_space<hbm>>) target(%arg10 : memref<400xi32, #tpu.memory_space<vmem>>) target_semaphore(%arg21 : memref<!tpu.dma_semaphore, #tpu.memory_space<semaphore_mem>>)
    %scan3A_23 = arith.constant 0 : i32
    %scan3A_24 = arith.constant 0 : i32
    %scan3A_25 = arith.constant 125 : i32
    %scan3A_26 = arith.addi %scan3A_24, %scan3A_25 : i32
    %scan3A_27 = arith.constant 1 : i32
    scf.for %scan3A_45 = %scan3A_24 to %scan3A_26 step %scan3A_27  : i32 {
      %mul3A_46 = arith.constant 4 : i32
      %mul3A_47 = arith.muli %mul3A_46, %scan3A_45 : i32
      %mul3A_48 = arith.constant 400 : i32
      %mul3A_49 = arith.muli %mul3A_47, %mul3A_48 : i32
      %add3A_50 = arith.addi %mul3A_13, %mul3A_49 : i32
      %multiple_of3A = tpu.assume_multiple %add3A_50, 8 : i32
      %mul3A_51 = arith.constant 4 : i32
      %mul3A_52 = arith.muli %mul3A_51, %scan3A_45 : i32
      %add3A_53 = arith.constant 1 : i32
      %add3A_54 = arith.addi %mul3A_52, %add3A_53 : i32
      %mul3A_55 = arith.constant 400 : i32
      %mul3A_56 = arith.muli %add3A_54, %mul3A_55 : i32
      %add3A_57 = arith.addi %mul3A_13, %mul3A_56 : i32
      %multiple_of3A_58 = tpu.assume_multiple %add3A_57, 8 : i32
      %mul3A_59 = arith.constant 4 : i32
      %mul3A_60 = arith.muli %mul3A_59, %scan3A_45 : i32
      %add3A_61 = arith.constant 2 : i32
      %add3A_62 = arith.addi %mul3A_60, %add3A_61 : i32
      %mul3A_63 = arith.constant 400 : i32
      %mul3A_64 = arith.muli %add3A_62, %mul3A_63 : i32
      %add3A_65 = arith.addi %mul3A_13, %mul3A_64 : i32
      %multiple_of3A_66 = tpu.assume_multiple %add3A_65, 8 : i32
      %mul3A_67 = arith.constant 4 : i32
      %mul3A_68 = arith.muli %mul3A_67, %scan3A_45 : i32
      %add3A_69 = arith.constant 3 : i32
      %add3A_70 = arith.addi %mul3A_68, %add3A_69 : i32
      %mul3A_71 = arith.constant 400 : i32
      %mul3A_72 = arith.muli %add3A_70, %mul3A_71 : i32
      %add3A_73 = arith.addi %mul3A_13, %mul3A_72 : i32
      %multiple_of3A_74 = tpu.assume_multiple %add3A_73, 8 : i32
      %add3A_75 = arith.constant 1 : i32
      %add3A_76 = arith.addi %scan3A_45, %add3A_75 : i32
      %lt3A = arith.constant 125 : i32
      %lt3A_77 = arith.cmpi slt, %add3A_76, %lt3A : i32
      %mul3A_78 = arith.constant 4 : i32
      %mul3A_79 = arith.muli %mul3A_78, %scan3A_45 : i32
      %add3A_80 = arith.constant 4 : i32
      %add3A_81 = arith.addi %mul3A_79, %add3A_80 : i32
      %mul3A_82 = arith.constant 400 : i32
      %mul3A_83 = arith.muli %add3A_81, %mul3A_82 : i32
      %add3A_84 = arith.addi %mul3A_13, %mul3A_83 : i32
      %select_n3A = arith.select %lt3A_77, %add3A_84, %mul3A_13 : i32
      %multiple_of3A_85 = tpu.assume_multiple %select_n3A, 8 : i32
      %dma_wait3A_86 = tpu.memref_slice %arg2[%multiple_of3A] : memref<6400000xi32, #tpu.memory_space<hbm>> -> memref<400xi32, #tpu.memory_space<hbm>>
      %dma_wait3A_87 = tpu.memref_slice %arg2[%multiple_of3A] : memref<6400000xi32, #tpu.memory_space<hbm>> -> memref<400xi32, #tpu.memory_space<hbm>>
      tpu.wait_dma2 semaphore(%arg21 : memref<!tpu.dma_semaphore, #tpu.memory_space<semaphore_mem>>) src(%dma_wait3A_87 : memref<400xi32, #tpu.memory_space<hbm>>) dst(%arg7 : memref<400xi32, #tpu.memory_space<vmem>>)
      %dma_wait3A_88 = tpu.memref_slice %arg3[%multiple_of3A] : memref<6400000xi32, #tpu.memory_space<hbm>> -> memref<400xi32, #tpu.memory_space<hbm>>
      %dma_wait3A_89 = tpu.memref_slice %arg3[%multiple_of3A] : memref<6400000xi32, #tpu.memory_space<hbm>> -> memref<400xi32, #tpu.memory_space<hbm>>
      tpu.wait_dma2 semaphore(%arg21 : memref<!tpu.dma_semaphore, #tpu.memory_space<semaphore_mem>>) src(%dma_wait3A_89 : memref<400xi32, #tpu.memory_space<hbm>>) dst(%arg8 : memref<400xi32, #tpu.memory_space<vmem>>)
      %dma_wait3A_90 = tpu.memref_slice %arg2[%multiple_of3A_58] : memref<6400000xi32, #tpu.memory_space<hbm>> -> memref<400xi32, #tpu.memory_space<hbm>>
      %dma_wait3A_91 = tpu.memref_slice %arg2[%multiple_of3A_58] : memref<6400000xi32, #tpu.memory_space<hbm>> -> memref<400xi32, #tpu.memory_space<hbm>>
      tpu.wait_dma2 semaphore(%arg21 : memref<!tpu.dma_semaphore, #tpu.memory_space<semaphore_mem>>) src(%dma_wait3A_91 : memref<400xi32, #tpu.memory_space<hbm>>) dst(%arg9 : memref<400xi32, #tpu.memory_space<vmem>>)
      %dma_wait3A_92 = tpu.memref_slice %arg3[%multiple_of3A_58] : memref<6400000xi32, #tpu.memory_space<hbm>> -> memref<400xi32, #tpu.memory_space<hbm>>
      %dma_wait3A_93 = tpu.memref_slice %arg3[%multiple_of3A_58] : memref<6400000xi32, #tpu.memory_space<hbm>> -> memref<400xi32, #tpu.memory_space<hbm>>
      tpu.wait_dma2 semaphore(%arg21 : memref<!tpu.dma_semaphore, #tpu.memory_space<semaphore_mem>>) src(%dma_wait3A_93 : memref<400xi32, #tpu.memory_space<hbm>>) dst(%arg10 : memref<400xi32, #tpu.memory_space<vmem>>)
      %dma_start3A_94 = arith.constant 0 : i32
      %dma_start3A_95 = arith.constant 0 : i32
      %dma_start3A_96 = tpu.memref_slice %arg4[%dma_start3A_94, %dma_start3A_95] : memref<102400x16xf32, #tpu.memory_space<hbm>> -> memref<102400x16xf32, #tpu.memory_space<hbm>>
      tpu.enqueue_indirect_dma source(%dma_start3A_96 : memref<102400x16xf32, #tpu.memory_space<hbm>>) target(%arg15 : memref<400x16xf32, #tpu.memory_space<vmem>>) offsets(%arg7 : memref<400xi32, #tpu.memory_space<vmem>>) semaphore(%arg17 : memref<!tpu.dma_semaphore, #tpu.memory_space<semaphore_mem>>)
      %dma_start3A_97 = arith.constant 0 : i32
      %dma_start3A_98 = arith.constant 0 : i32
      %dma_start3A_99 = tpu.memref_slice %arg4[%dma_start3A_97, %dma_start3A_98] : memref<102400x16xf32, #tpu.memory_space<hbm>> -> memref<102400x16xf32, #tpu.memory_space<hbm>>
      tpu.enqueue_indirect_dma source(%dma_start3A_99 : memref<102400x16xf32, #tpu.memory_space<hbm>>) target(%arg16 : memref<400x16xf32, #tpu.memory_space<vmem>>) offsets(%arg9 : memref<400xi32, #tpu.memory_space<vmem>>) semaphore(%arg18 : memref<!tpu.dma_semaphore, #tpu.memory_space<semaphore_mem>>)
      %dma_start3A_100 = tpu.memref_slice %arg2[%multiple_of3A_66] : memref<6400000xi32, #tpu.memory_space<hbm>> -> memref<400xi32, #tpu.memory_space<hbm>>
      %dma_start3A_101 = tpu.memref_slice %arg2[%multiple_of3A_66] : memref<6400000xi32, #tpu.memory_space<hbm>> -> memref<400xi32, #tpu.memory_space<hbm>>
      tpu.enqueue_dma source(%dma_start3A_101 : memref<400xi32, #tpu.memory_space<hbm>>) target(%arg11 : memref<400xi32, #tpu.memory_space<vmem>>) target_semaphore(%arg22 : memref<!tpu.dma_semaphore, #tpu.memory_space<semaphore_mem>>)
      %dma_start3A_102 = tpu.memref_slice %arg3[%multiple_of3A_66] : memref<6400000xi32, #tpu.memory_space<hbm>> -> memref<400xi32, #tpu.memory_space<hbm>>
      %dma_start3A_103 = tpu.memref_slice %arg3[%multiple_of3A_66] : memref<6400000xi32, #tpu.memory_space<hbm>> -> memref<400xi32, #tpu.memory_space<hbm>>
      tpu.enqueue_dma source(%dma_start3A_103 : memref<400xi32, #tpu.memory_space<hbm>>) target(%arg12 : memref<400xi32, #tpu.memory_space<vmem>>) target_semaphore(%arg22 : memref<!tpu.dma_semaphore, #tpu.memory_space<semaphore_mem>>)
      %dma_start3A_104 = tpu.memref_slice %arg2[%multiple_of3A_74] : memref<6400000xi32, #tpu.memory_space<hbm>> -> memref<400xi32, #tpu.memory_space<hbm>>
      %dma_start3A_105 = tpu.memref_slice %arg2[%multiple_of3A_74] : memref<6400000xi32, #tpu.memory_space<hbm>> -> memref<400xi32, #tpu.memory_space<hbm>>
      tpu.enqueue_dma source(%dma_start3A_105 : memref<400xi32, #tpu.memory_space<hbm>>) target(%arg13 : memref<400xi32, #tpu.memory_space<vmem>>) target_semaphore(%arg22 : memref<!tpu.dma_semaphore, #tpu.memory_space<semaphore_mem>>)
      %dma_start3A_106 = tpu.memref_slice %arg3[%multiple_of3A_74] : memref<6400000xi32, #tpu.memory_space<hbm>> -> memref<400xi32, #tpu.memory_space<hbm>>
      %dma_start3A_107 = tpu.memref_slice %arg3[%multiple_of3A_74] : memref<6400000xi32, #tpu.memory_space<hbm>> -> memref<400xi32, #tpu.memory_space<hbm>>
      tpu.enqueue_dma source(%dma_start3A_107 : memref<400xi32, #tpu.memory_space<hbm>>) target(%arg14 : memref<400xi32, #tpu.memory_space<vmem>>) target_semaphore(%arg22 : memref<!tpu.dma_semaphore, #tpu.memory_space<semaphore_mem>>)
      %dma_wait3A_108 = arith.constant 0 : i32
      %dma_wait3A_109 = arith.constant 0 : i32
      %dma_wait3A_110 = tpu.memref_slice %arg4[%dma_wait3A_108, %dma_wait3A_109] : memref<102400x16xf32, #tpu.memory_space<hbm>> -> memref<102400x16xf32, #tpu.memory_space<hbm>>
      tpu.wait_indirect_dma semaphore(%arg17 : memref<!tpu.dma_semaphore, #tpu.memory_space<semaphore_mem>>) src(%dma_wait3A_110 : memref<102400x16xf32, #tpu.memory_space<hbm>>) dst(%arg15 : memref<400x16xf32, #tpu.memory_space<vmem>>)
      %dma_start3A_111 = arith.constant 0 : i32
      %dma_start3A_112 = arith.constant 0 : i32
      %dma_start3A_113 = tpu.memref_slice %arg6[%dma_start3A_111, %dma_start3A_112] : memref<102400x16xf32, #tpu.memory_space<vmem_shared>> -> memref<102400x16xf32, #tpu.memory_space<vmem_shared>>
      tpu.enqueue_indirect_dma source(%arg15 : memref<400x16xf32, #tpu.memory_space<vmem>>) target(%dma_start3A_113 : memref<102400x16xf32, #tpu.memory_space<vmem_shared>>) offsets(%arg8 : memref<400xi32, #tpu.memory_space<vmem>>) semaphore(%arg19 : memref<!tpu.dma_semaphore, #tpu.memory_space<semaphore_mem>>) {add = true}
      %dma_wait3A_114 = arith.constant 0 : i32
      %dma_wait3A_115 = arith.constant 0 : i32
      %dma_wait3A_116 = tpu.memref_slice %arg4[%dma_wait3A_114, %dma_wait3A_115] : memref<102400x16xf32, #tpu.memory_space<hbm>> -> memref<102400x16xf32, #tpu.memory_space<hbm>>
      tpu.wait_indirect_dma semaphore(%arg18 : memref<!tpu.dma_semaphore, #tpu.memory_space<semaphore_mem>>) src(%dma_wait3A_116 : memref<102400x16xf32, #tpu.memory_space<hbm>>) dst(%arg16 : memref<400x16xf32, #tpu.memory_space<vmem>>)
      %dma_start3A_117 = arith.constant 0 : i32
      %dma_start3A_118 = arith.constant 0 : i32
      %dma_start3A_119 = tpu.memref_slice %arg6[%dma_start3A_117, %dma_start3A_118] : memref<102400x16xf32, #tpu.memory_space<vmem_shared>> -> memref<102400x16xf32, #tpu.memory_space<vmem_shared>>
      tpu.enqueue_indirect_dma source(%arg16 : memref<400x16xf32, #tpu.memory_space<vmem>>) target(%dma_start3A_119 : memref<102400x16xf32, #tpu.memory_space<vmem_shared>>) offsets(%arg10 : memref<400xi32, #tpu.memory_space<vmem>>) semaphore(%arg20 : memref<!tpu.dma_semaphore, #tpu.memory_space<semaphore_mem>>) {add = true}
      %dma_wait3A_120 = arith.constant 0 : i32
      %dma_wait3A_121 = arith.constant 0 : i32
      %dma_wait3A_122 = tpu.memref_slice %arg6[%dma_wait3A_120, %dma_wait3A_121] : memref<102400x16xf32, #tpu.memory_space<vmem_shared>> -> memref<102400x16xf32, #tpu.memory_space<vmem_shared>>
      tpu.wait_indirect_dma semaphore(%arg19 : memref<!tpu.dma_semaphore, #tpu.memory_space<semaphore_mem>>) src(%arg15 : memref<400x16xf32, #tpu.memory_space<vmem>>) dst(%dma_wait3A_122 : memref<102400x16xf32, #tpu.memory_space<vmem_shared>>)
      %dma_wait3A_123 = arith.constant 0 : i32
      %dma_wait3A_124 = arith.constant 0 : i32
      %dma_wait3A_125 = tpu.memref_slice %arg6[%dma_wait3A_123, %dma_wait3A_124] : memref<102400x16xf32, #tpu.memory_space<vmem_shared>> -> memref<102400x16xf32, #tpu.memory_space<vmem_shared>>
      tpu.wait_indirect_dma semaphore(%arg20 : memref<!tpu.dma_semaphore, #tpu.memory_space<semaphore_mem>>) src(%arg16 : memref<400x16xf32, #tpu.memory_space<vmem>>) dst(%dma_wait3A_125 : memref<102400x16xf32, #tpu.memory_space<vmem_shared>>)
      %dma_wait3A_126 = tpu.memref_slice %arg2[%multiple_of3A_66] : memref<6400000xi32, #tpu.memory_space<hbm>> -> memref<400xi32, #tpu.memory_space<hbm>>
      %dma_wait3A_127 = tpu.memref_slice %arg2[%multiple_of3A_66] : memref<6400000xi32, #tpu.memory_space<hbm>> -> memref<400xi32, #tpu.memory_space<hbm>>
      tpu.wait_dma2 semaphore(%arg22 : memref<!tpu.dma_semaphore, #tpu.memory_space<semaphore_mem>>) src(%dma_wait3A_127 : memref<400xi32, #tpu.memory_space<hbm>>) dst(%arg11 : memref<400xi32, #tpu.memory_space<vmem>>)
      %dma_wait3A_128 = tpu.memref_slice %arg3[%multiple_of3A_66] : memref<6400000xi32, #tpu.memory_space<hbm>> -> memref<400xi32, #tpu.memory_space<hbm>>
      %dma_wait3A_129 = tpu.memref_slice %arg3[%multiple_of3A_66] : memref<6400000xi32, #tpu.memory_space<hbm>> -> memref<400xi32, #tpu.memory_space<hbm>>
      tpu.wait_dma2 semaphore(%arg22 : memref<!tpu.dma_semaphore, #tpu.memory_space<semaphore_mem>>) src(%dma_wait3A_129 : memref<400xi32, #tpu.memory_space<hbm>>) dst(%arg12 : memref<400xi32, #tpu.memory_space<vmem>>)
      %dma_wait3A_130 = tpu.memref_slice %arg2[%multiple_of3A_74] : memref<6400000xi32, #tpu.memory_space<hbm>> -> memref<400xi32, #tpu.memory_space<hbm>>
      %dma_wait3A_131 = tpu.memref_slice %arg2[%multiple_of3A_74] : memref<6400000xi32, #tpu.memory_space<hbm>> -> memref<400xi32, #tpu.memory_space<hbm>>
      tpu.wait_dma2 semaphore(%arg22 : memref<!tpu.dma_semaphore, #tpu.memory_space<semaphore_mem>>) src(%dma_wait3A_131 : memref<400xi32, #tpu.memory_space<hbm>>) dst(%arg13 : memref<400xi32, #tpu.memory_space<vmem>>)
      %dma_wait3A_132 = tpu.memref_slice %arg3[%multiple_of3A_74] : memref<6400000xi32, #tpu.memory_space<hbm>> -> memref<400xi32, #tpu.memory_space<hbm>>
      %dma_wait3A_133 = tpu.memref_slice %arg3[%multiple_of3A_74] : memref<6400000xi32, #tpu.memory_space<hbm>> -> memref<400xi32, #tpu.memory_space<hbm>>
      tpu.wait_dma2 semaphore(%arg22 : memref<!tpu.dma_semaphore, #tpu.memory_space<semaphore_mem>>) src(%dma_wait3A_133 : memref<400xi32, #tpu.memory_space<hbm>>) dst(%arg14 : memref<400xi32, #tpu.memory_space<vmem>>)
      %dma_start3A_134 = arith.constant 0 : i32
      %dma_start3A_135 = arith.constant 0 : i32
      %dma_start3A_136 = tpu.memref_slice %arg4[%dma_start3A_134, %dma_start3A_135] : memref<102400x16xf32, #tpu.memory_space<hbm>> -> memref<102400x16xf32, #tpu.memory_space<hbm>>
      tpu.enqueue_indirect_dma source(%dma_start3A_136 : memref<102400x16xf32, #tpu.memory_space<hbm>>) target(%arg15 : memref<400x16xf32, #tpu.memory_space<vmem>>) offsets(%arg11 : memref<400xi32, #tpu.memory_space<vmem>>) semaphore(%arg17 : memref<!tpu.dma_semaphore, #tpu.memory_space<semaphore_mem>>)
      %dma_start3A_137 = arith.constant 0 : i32
      %dma_start3A_138 = arith.constant 0 : i32
      %dma_start3A_139 = tpu.memref_slice %arg4[%dma_start3A_137, %dma_start3A_138] : memref<102400x16xf32, #tpu.memory_space<hbm>> -> memref<102400x16xf32, #tpu.memory_space<hbm>>
      tpu.enqueue_indirect_dma source(%dma_start3A_139 : memref<102400x16xf32, #tpu.memory_space<hbm>>) target(%arg16 : memref<400x16xf32, #tpu.memory_space<vmem>>) offsets(%arg13 : memref<400xi32, #tpu.memory_space<vmem>>) semaphore(%arg18 : memref<!tpu.dma_semaphore, #tpu.memory_space<semaphore_mem>>)
      %add3A_140 = arith.constant 400 : i32
      %add3A_141 = arith.addi %multiple_of3A_85, %add3A_140 : i32
      %dma_start3A_142 = tpu.memref_slice %arg2[%multiple_of3A_85] : memref<6400000xi32, #tpu.memory_space<hbm>> -> memref<400xi32, #tpu.memory_space<hbm>>
      %dma_start3A_143 = tpu.memref_slice %arg2[%multiple_of3A_85] : memref<6400000xi32, #tpu.memory_space<hbm>> -> memref<400xi32, #tpu.memory_space<hbm>>
      tpu.enqueue_dma source(%dma_start3A_143 : memref<400xi32, #tpu.memory_space<hbm>>) target(%arg7 : memref<400xi32, #tpu.memory_space<vmem>>) target_semaphore(%arg21 : memref<!tpu.dma_semaphore, #tpu.memory_space<semaphore_mem>>)
      %dma_start3A_144 = tpu.memref_slice %arg3[%multiple_of3A_85] : memref<6400000xi32, #tpu.memory_space<hbm>> -> memref<400xi32, #tpu.memory_space<hbm>>
      %dma_start3A_145 = tpu.memref_slice %arg3[%multiple_of3A_85] : memref<6400000xi32, #tpu.memory_space<hbm>> -> memref<400xi32, #tpu.memory_space<hbm>>
      tpu.enqueue_dma source(%dma_start3A_145 : memref<400xi32, #tpu.memory_space<hbm>>) target(%arg8 : memref<400xi32, #tpu.memory_space<vmem>>) target_semaphore(%arg21 : memref<!tpu.dma_semaphore, #tpu.memory_space<semaphore_mem>>)
      %dma_start3A_146 = tpu.memref_slice %arg2[%add3A_141] : memref<6400000xi32, #tpu.memory_space<hbm>> -> memref<400xi32, #tpu.memory_space<hbm>>
      %dma_start3A_147 = tpu.memref_slice %arg2[%add3A_141] : memref<6400000xi32, #tpu.memory_space<hbm>> -> memref<400xi32, #tpu.memory_space<hbm>>
      tpu.enqueue_dma source(%dma_start3A_147 : memref<400xi32, #tpu.memory_space<hbm>>) target(%arg9 : memref<400xi32, #tpu.memory_space<vmem>>) target_semaphore(%arg21 : memref<!tpu.dma_semaphore, #tpu.memory_space<semaphore_mem>>)
      %dma_start3A_148 = tpu.memref_slice %arg3[%add3A_141] : memref<6400000xi32, #tpu.memory_space<hbm>> -> memref<400xi32, #tpu.memory_space<hbm>>
      %dma_start3A_149 = tpu.memref_slice %arg3[%add3A_141] : memref<6400000xi32, #tpu.memory_space<hbm>> -> memref<400xi32, #tpu.memory_space<hbm>>
      tpu.enqueue_dma source(%dma_start3A_149 : memref<400xi32, #tpu.memory_space<hbm>>) target(%arg10 : memref<400xi32, #tpu.memory_space<vmem>>) target_semaphore(%arg21 : memref<!tpu.dma_semaphore, #tpu.memory_space<semaphore_mem>>)
      %dma_wait3A_150 = arith.constant 0 : i32
      %dma_wait3A_151 = arith.constant 0 : i32
      %dma_wait3A_152 = tpu.memref_slice %arg4[%dma_wait3A_150, %dma_wait3A_151] : memref<102400x16xf32, #tpu.memory_space<hbm>> -> memref<102400x16xf32, #tpu.memory_space<hbm>>
      tpu.wait_indirect_dma semaphore(%arg17 : memref<!tpu.dma_semaphore, #tpu.memory_space<semaphore_mem>>) src(%dma_wait3A_152 : memref<102400x16xf32, #tpu.memory_space<hbm>>) dst(%arg15 : memref<400x16xf32, #tpu.memory_space<vmem>>)
      %dma_start3A_153 = arith.constant 0 : i32
      %dma_start3A_154 = arith.constant 0 : i32
      %dma_start3A_155 = tpu.memref_slice %arg6[%dma_start3A_153, %dma_start3A_154] : memref<102400x16xf32, #tpu.memory_space<vmem_shared>> -> memref<102400x16xf32, #tpu.memory_space<vmem_shared>>
      tpu.enqueue_indirect_dma source(%arg15 : memref<400x16xf32, #tpu.memory_space<vmem>>) target(%dma_start3A_155 : memref<102400x16xf32, #tpu.memory_space<vmem_shared>>) offsets(%arg12 : memref<400xi32, #tpu.memory_space<vmem>>) semaphore(%arg19 : memref<!tpu.dma_semaphore, #tpu.memory_space<semaphore_mem>>) {add = true}
      %dma_wait3A_156 = arith.constant 0 : i32
      %dma_wait3A_157 = arith.constant 0 : i32
      %dma_wait3A_158 = tpu.memref_slice %arg4[%dma_wait3A_156, %dma_wait3A_157] : memref<102400x16xf32, #tpu.memory_space<hbm>> -> memref<102400x16xf32, #tpu.memory_space<hbm>>
      tpu.wait_indirect_dma semaphore(%arg18 : memref<!tpu.dma_semaphore, #tpu.memory_space<semaphore_mem>>) src(%dma_wait3A_158 : memref<102400x16xf32, #tpu.memory_space<hbm>>) dst(%arg16 : memref<400x16xf32, #tpu.memory_space<vmem>>)
      %dma_start3A_159 = arith.constant 0 : i32
      %dma_start3A_160 = arith.constant 0 : i32
      %dma_start3A_161 = tpu.memref_slice %arg6[%dma_start3A_159, %dma_start3A_160] : memref<102400x16xf32, #tpu.memory_space<vmem_shared>> -> memref<102400x16xf32, #tpu.memory_space<vmem_shared>>
      tpu.enqueue_indirect_dma source(%arg16 : memref<400x16xf32, #tpu.memory_space<vmem>>) target(%dma_start3A_161 : memref<102400x16xf32, #tpu.memory_space<vmem_shared>>) offsets(%arg14 : memref<400xi32, #tpu.memory_space<vmem>>) semaphore(%arg20 : memref<!tpu.dma_semaphore, #tpu.memory_space<semaphore_mem>>) {add = true}
      %dma_wait3A_162 = arith.constant 0 : i32
      %dma_wait3A_163 = arith.constant 0 : i32
      %dma_wait3A_164 = tpu.memref_slice %arg6[%dma_wait3A_162, %dma_wait3A_163] : memref<102400x16xf32, #tpu.memory_space<vmem_shared>> -> memref<102400x16xf32, #tpu.memory_space<vmem_shared>>
      tpu.wait_indirect_dma semaphore(%arg19 : memref<!tpu.dma_semaphore, #tpu.memory_space<semaphore_mem>>) src(%arg15 : memref<400x16xf32, #tpu.memory_space<vmem>>) dst(%dma_wait3A_164 : memref<102400x16xf32, #tpu.memory_space<vmem_shared>>)
      %dma_wait3A_165 = arith.constant 0 : i32
      %dma_wait3A_166 = arith.constant 0 : i32
      %dma_wait3A_167 = tpu.memref_slice %arg6[%dma_wait3A_165, %dma_wait3A_166] : memref<102400x16xf32, #tpu.memory_space<vmem_shared>> -> memref<102400x16xf32, #tpu.memory_space<vmem_shared>>
      tpu.wait_indirect_dma semaphore(%arg20 : memref<!tpu.dma_semaphore, #tpu.memory_space<semaphore_mem>>) src(%arg16 : memref<400x16xf32, #tpu.memory_space<vmem>>) dst(%dma_wait3A_167 : memref<102400x16xf32, #tpu.memory_space<vmem_shared>>)
    }
    %scan3A_28 = arith.constant 125 : i32
    %add3A_29 = arith.constant 400 : i32
    %add3A_30 = arith.addi %mul3A_13, %add3A_29 : i32
    %dma_wait3A = tpu.memref_slice %arg2[%mul3A_13] : memref<6400000xi32, #tpu.memory_space<hbm>> -> memref<400xi32, #tpu.memory_space<hbm>>
    %dma_wait3A_31 = tpu.memref_slice %arg2[%mul3A_13] : memref<6400000xi32, #tpu.memory_space<hbm>> -> memref<400xi32, #tpu.memory_space<hbm>>
    tpu.wait_dma2 semaphore(%arg21 : memref<!tpu.dma_semaphore, #tpu.memory_space<semaphore_mem>>) src(%dma_wait3A_31 : memref<400xi32, #tpu.memory_space<hbm>>) dst(%arg7 : memref<400xi32, #tpu.memory_space<vmem>>)
    %dma_wait3A_32 = tpu.memref_slice %arg3[%mul3A_13] : memref<6400000xi32, #tpu.memory_space<hbm>> -> memref<400xi32, #tpu.memory_space<hbm>>
    %dma_wait3A_33 = tpu.memref_slice %arg3[%mul3A_13] : memref<6400000xi32, #tpu.memory_space<hbm>> -> memref<400xi32, #tpu.memory_space<hbm>>
    tpu.wait_dma2 semaphore(%arg21 : memref<!tpu.dma_semaphore, #tpu.memory_space<semaphore_mem>>) src(%dma_wait3A_33 : memref<400xi32, #tpu.memory_space<hbm>>) dst(%arg8 : memref<400xi32, #tpu.memory_space<vmem>>)
    %dma_wait3A_34 = tpu.memref_slice %arg2[%add3A_30] : memref<6400000xi32, #tpu.memory_space<hbm>> -> memref<400xi32, #tpu.memory_space<hbm>>
    %dma_wait3A_35 = tpu.memref_slice %arg2[%add3A_30] : memref<6400000xi32, #tpu.memory_space<hbm>> -> memref<400xi32, #tpu.memory_space<hbm>>
    tpu.wait_dma2 semaphore(%arg21 : memref<!tpu.dma_semaphore, #tpu.memory_space<semaphore_mem>>) src(%dma_wait3A_35 : memref<400xi32, #tpu.memory_space<hbm>>) dst(%arg9 : memref<400xi32, #tpu.memory_space<vmem>>)
    %dma_wait3A_36 = tpu.memref_slice %arg3[%add3A_30] : memref<6400000xi32, #tpu.memory_space<hbm>> -> memref<400xi32, #tpu.memory_space<hbm>>
    %dma_wait3A_37 = tpu.memref_slice %arg3[%add3A_30] : memref<6400000xi32, #tpu.memory_space<hbm>> -> memref<400xi32, #tpu.memory_space<hbm>>
    tpu.wait_dma2 semaphore(%arg21 : memref<!tpu.dma_semaphore, #tpu.memory_space<semaphore_mem>>) src(%dma_wait3A_37 : memref<400xi32, #tpu.memory_space<hbm>>) dst(%arg10 : memref<400xi32, #tpu.memory_space<vmem>>)
    %barrier3A_38 = arith.constant 0 : index
    tpu.barrier barrier_id(%barrier3A_38)
    %scan3A_39 = arith.constant 0 : i32
    %scan3A_40 = arith.constant 0 : i32
    %scan3A_41 = arith.constant 16 : i32
    %scan3A_42 = arith.addi %scan3A_40, %scan3A_41 : i32
    %scan3A_43 = arith.constant 1 : i32
    scf.for %scan3A_45 = %scan3A_40 to %scan3A_42 step %scan3A_43  : i32 {
      %mul3A_46 = arith.constant 6400 : i32
      %mul3A_47 = arith.muli %arg1, %mul3A_46 : i32
      %mul3A_48 = arith.constant 400 : i32
      %mul3A_49 = arith.muli %scan3A_45, %mul3A_48 : i32
      %add3A_50 = arith.addi %mul3A_47, %mul3A_49 : i32
      "tpu.region"() ({
        %run_scoped3A = tpu.sem_alloc : memref<!tpu.dma_semaphore, #tpu.memory_space<semaphore_mem>>
        %dma_start3A_54 = arith.constant 0 : i32
        %dma_start3A_55 = arith.constant 0 : i32
        %dma_start3A_56 = tpu.memref_slice %arg15[%dma_start3A_54, %dma_start3A_55] : memref<400x16xf32, #tpu.memory_space<vmem>> -> memref<400x16xf32, #tpu.memory_space<vmem>>
        %dma_start3A_57 = arith.constant 0 : i32
        %dma_start3A_58 = tpu.memref_slice %arg6[%add3A_50, %dma_start3A_57] : memref<102400x16xf32, #tpu.memory_space<vmem_shared>> -> memref<400x16xf32, #tpu.memory_space<vmem_shared>>
        %dma_start3A_59 = arith.constant 0 : i32
        %dma_start3A_60 = arith.constant 0 : i32
        %dma_start3A_61 = tpu.memref_slice %arg15[%dma_start3A_59, %dma_start3A_60] : memref<400x16xf32, #tpu.memory_space<vmem>> -> memref<400x16xf32, #tpu.memory_space<vmem>>
        %dma_start3A_62 = arith.constant 0 : i32
        %dma_start3A_63 = tpu.memref_slice %arg6[%add3A_50, %dma_start3A_62] : memref<102400x16xf32, #tpu.memory_space<vmem_shared>> -> memref<400x16xf32, #tpu.memory_space<vmem_shared>>
        tpu.enqueue_dma source(%dma_start3A_63 : memref<400x16xf32, #tpu.memory_space<vmem_shared>>) target(%dma_start3A_61 : memref<400x16xf32, #tpu.memory_space<vmem>>) target_semaphore(%run_scoped3A : memref<!tpu.dma_semaphore, #tpu.memory_space<semaphore_mem>>)
        %dma_wait3A_64 = arith.constant 0 : i32
        %dma_wait3A_65 = arith.constant 0 : i32
        %dma_wait3A_66 = tpu.memref_slice %arg15[%dma_wait3A_64, %dma_wait3A_65] : memref<400x16xf32, #tpu.memory_space<vmem>> -> memref<400x16xf32, #tpu.memory_space<vmem>>
        %dma_wait3A_67 = arith.constant 0 : i32
        %dma_wait3A_68 = tpu.memref_slice %arg6[%add3A_50, %dma_wait3A_67] : memref<102400x16xf32, #tpu.memory_space<vmem_shared>> -> memref<400x16xf32, #tpu.memory_space<vmem_shared>>
        %dma_wait3A_69 = arith.constant 0 : i32
        %dma_wait3A_70 = arith.constant 0 : i32
        %dma_wait3A_71 = tpu.memref_slice %arg15[%dma_wait3A_69, %dma_wait3A_70] : memref<400x16xf32, #tpu.memory_space<vmem>> -> memref<400x16xf32, #tpu.memory_space<vmem>>
        %dma_wait3A_72 = arith.constant 0 : i32
        %dma_wait3A_73 = tpu.memref_slice %arg6[%add3A_50, %dma_wait3A_72] : memref<102400x16xf32, #tpu.memory_space<vmem_shared>> -> memref<400x16xf32, #tpu.memory_space<vmem_shared>>
        tpu.wait_dma2 semaphore(%run_scoped3A : memref<!tpu.dma_semaphore, #tpu.memory_space<semaphore_mem>>) src(%dma_wait3A_73 : memref<400x16xf32, #tpu.memory_space<vmem_shared>>) dst(%dma_wait3A_71 : memref<400x16xf32, #tpu.memory_space<vmem>>)
        tpu.yield
      }) : () -> ()
      %mul3A_51 = arith.constant 102400 : i32
      %mul3A_52 = arith.muli %arg0, %mul3A_51 : i32
      %add3A_53 = arith.addi %mul3A_52, %add3A_50 : i32
      "tpu.region"() ({
        %run_scoped3A = tpu.sem_alloc : memref<!tpu.dma_semaphore, #tpu.memory_space<semaphore_mem>>
        %dma_start3A_54 = arith.constant 0 : i32
        %dma_start3A_55 = arith.constant 0 : i32
        %dma_start3A_56 = tpu.memref_slice %arg15[%dma_start3A_54, %dma_start3A_55] : memref<400x16xf32, #tpu.memory_space<vmem>> -> memref<400x16xf32, #tpu.memory_space<vmem>>
        %dma_start3A_57 = arith.constant 0 : i32
        %dma_start3A_58 = tpu.memref_slice %arg5[%add3A_53, %dma_start3A_57] : memref<204800x16xf32, #tpu.memory_space<hbm>> -> memref<400x16xf32, #tpu.memory_space<hbm>>
        %dma_start3A_59 = arith.constant 0 : i32
        %dma_start3A_60 = tpu.memref_slice %arg5[%add3A_53, %dma_start3A_59] : memref<204800x16xf32, #tpu.memory_space<hbm>> -> memref<400x16xf32, #tpu.memory_space<hbm>>
        %dma_start3A_61 = arith.constant 0 : i32
        %dma_start3A_62 = arith.constant 0 : i32
        %dma_start3A_63 = tpu.memref_slice %arg15[%dma_start3A_61, %dma_start3A_62] : memref<400x16xf32, #tpu.memory_space<vmem>> -> memref<400x16xf32, #tpu.memory_space<vmem>>
        tpu.enqueue_dma source(%dma_start3A_63 : memref<400x16xf32, #tpu.memory_space<vmem>>) target(%dma_start3A_60 : memref<400x16xf32, #tpu.memory_space<hbm>>) target_semaphore(%run_scoped3A : memref<!tpu.dma_semaphore, #tpu.memory_space<semaphore_mem>>)
        %dma_wait3A_64 = arith.constant 0 : i32
        %dma_wait3A_65 = arith.constant 0 : i32
        %dma_wait3A_66 = tpu.memref_slice %arg15[%dma_wait3A_64, %dma_wait3A_65] : memref<400x16xf32, #tpu.memory_space<vmem>> -> memref<400x16xf32, #tpu.memory_space<vmem>>
        %dma_wait3A_67 = arith.constant 0 : i32
        %dma_wait3A_68 = tpu.memref_slice %arg5[%add3A_53, %dma_wait3A_67] : memref<204800x16xf32, #tpu.memory_space<hbm>> -> memref<400x16xf32, #tpu.memory_space<hbm>>
        %dma_wait3A_69 = arith.constant 0 : i32
        %dma_wait3A_70 = tpu.memref_slice %arg5[%add3A_53, %dma_wait3A_69] : memref<204800x16xf32, #tpu.memory_space<hbm>> -> memref<400x16xf32, #tpu.memory_space<hbm>>
        %dma_wait3A_71 = arith.constant 0 : i32
        %dma_wait3A_72 = arith.constant 0 : i32
        %dma_wait3A_73 = tpu.memref_slice %arg15[%dma_wait3A_71, %dma_wait3A_72] : memref<400x16xf32, #tpu.memory_space<vmem>> -> memref<400x16xf32, #tpu.memory_space<vmem>>
        tpu.wait_dma2 semaphore(%run_scoped3A : memref<!tpu.dma_semaphore, #tpu.memory_space<semaphore_mem>>) src(%dma_wait3A_73 : memref<400x16xf32, #tpu.memory_space<vmem>>) dst(%dma_wait3A_70 : memref<400x16xf32, #tpu.memory_space<hbm>>)
        tpu.yield
      }) : () -> ()
    }
    %scan3A_44 = arith.constant 16 : i32
    return
  }
}

module attributes {stable_mosaic.version = 14 : i64} {
  func.func @body(%arg0: memref<2x800x128xf32, #tpu.memory_space<vmem>>, %arg1: memref<800x128xf32, #tpu.memory_space<vmem>>, %arg2: memref<800x128xf32, #tpu.memory_space<vmem>>, %arg3: memref<800x128xf32, #tpu.memory_space<vmem>>) attributes {dimension_semantics = [], scalar_prefetch = 0 : i64, scratch_operands = 0 : i64, tpu.core_type = #tpu.core_type<tc>} {
    %get3A = arith.constant 0 : index
    %get3A_0 = arith.constant 0 : index
    %get3A_1 = vector.load %arg1[%get3A, %get3A_0] : memref<800x128xf32, #tpu.memory_space<vmem>>, vector<800x128xf32>
    %get3A_2 = arith.constant 0 : index
    %get3A_3 = arith.constant 0 : index
    %get3A_4 = arith.constant 0 : index
    %get3A_5 = vector.load %arg0[%get3A_2, %get3A_3, %get3A_4] : memref<2x800x128xf32, #tpu.memory_space<vmem>>, vector<1x800x128xf32>
    %get3A_6 = vector.shape_cast %get3A_5 : vector<1x800x128xf32> to vector<800x128xf32>
    %get3A_7 = arith.constant 1 : index
    %get3A_8 = arith.constant 0 : index
    %get3A_9 = arith.constant 0 : index
    %get3A_10 = vector.load %arg0[%get3A_7, %get3A_8, %get3A_9] : memref<2x800x128xf32, #tpu.memory_space<vmem>>, vector<1x800x128xf32>
    %get3A_11 = vector.shape_cast %get3A_10 : vector<1x800x128xf32> to vector<800x128xf32>
    %add3A = arith.addf %get3A_6, %get3A_11 : vector<800x128xf32>
    %mul3A = arith.mulf %get3A_1, %add3A : vector<800x128xf32>
    %swap3A = arith.constant 0 : index
    %swap3A_12 = arith.constant 0 : index
    %swap3A_13 = vector.load %arg2[%swap3A, %swap3A_12] : memref<800x128xf32, #tpu.memory_space<vmem>>, vector<800x128xf32>
    tpu.vector_store %arg2[%swap3A, %swap3A_12], %mul3A {strides = array<i32>} : memref<800x128xf32, #tpu.memory_space<vmem>>, vector<800x128xf32>,
    %mul3A_14 = arith.mulf %get3A_1, %mul3A : vector<800x128xf32>
    %swap3A_15 = arith.constant 0 : index
    %swap3A_16 = arith.constant 0 : index
    %swap3A_17 = vector.load %arg3[%swap3A_15, %swap3A_16] : memref<800x128xf32, #tpu.memory_space<vmem>>, vector<800x128xf32>
    tpu.vector_store %arg3[%swap3A_15, %swap3A_16], %mul3A_14 {strides = array<i32>} : memref<800x128xf32, #tpu.memory_space<vmem>>, vector<800x128xf32>,
    return
  }
}

module attributes {stable_mosaic.version = 14 : i64} {
  func.func @body(%arg0: memref<2x800x128xf32, #tpu.memory_space<vmem>>, %arg1: memref<8x128xf32, #tpu.memory_space<vmem>>, %arg2: memref<800x128xf32, #tpu.memory_space<vmem>>) attributes {dimension_semantics = [], scalar_prefetch = 0 : i64, scratch_operands = 0 : i64, tpu.core_type = #tpu.core_type<tc>} {
    %get3A = arith.constant 0 : index
    %get3A_0 = arith.constant 0 : index
    %get3A_1 = arith.constant 0 : index
    %get3A_2 = vector.load %arg0[%get3A, %get3A_0, %get3A_1] : memref<2x800x128xf32, #tpu.memory_space<vmem>>, vector<1x800x128xf32>
    %get3A_3 = vector.shape_cast %get3A_2 : vector<1x800x128xf32> to vector<800x128xf32>
    %get3A_4 = arith.constant 1 : index
    %get3A_5 = arith.constant 0 : index
    %get3A_6 = arith.constant 0 : index
    %get3A_7 = vector.load %arg0[%get3A_4, %get3A_5, %get3A_6] : memref<2x800x128xf32, #tpu.memory_space<vmem>>, vector<1x800x128xf32>
    %get3A_8 = vector.shape_cast %get3A_7 : vector<1x800x128xf32> to vector<800x128xf32>
    %add3A = arith.addf %get3A_3, %get3A_8 : vector<800x128xf32>
    %get3A_9 = arith.constant 0 : index
    %get3A_10 = arith.constant 0 : index
    %get3A_11 = vector.load %arg1[%get3A_9, %get3A_10] : memref<8x128xf32, #tpu.memory_space<vmem>>, vector<1x1xf32>
    %get3A_12 = vector.extract %get3A_11[0, 0] : f32 from vector<1x1xf32>
    %add3A_13 = vector.broadcast %get3A_12 : f32 to vector<800x128xf32>
    %add3A_14 = arith.addf %add3A, %add3A_13 : vector<800x128xf32>
    %max3A = arith.constant 1.000000e+00 : f32
    %max3A_15 = vector.broadcast %max3A : f32 to vector<800x128xf32>
    %max3A_16 = arith.maximumf %add3A_14, %max3A_15 : vector<800x128xf32>
    %rsqrt3A = math.rsqrt %max3A_16 : vector<800x128xf32>
    %swap3A = arith.constant 0 : index
    %swap3A_17 = arith.constant 0 : index
    %swap3A_18 = vector.load %arg2[%swap3A, %swap3A_17] : memref<800x128xf32, #tpu.memory_space<vmem>>, vector<800x128xf32>
    tpu.vector_store %arg2[%swap3A, %swap3A_17], %rsqrt3A {strides = array<i32>} : memref<800x128xf32, #tpu.memory_space<vmem>>, vector<800x128xf32>,
    return
  }
}

module attributes {stable_mosaic.version = 14 : i64} {
  func.func @body(%arg0: memref<2x800x128xf32, #tpu.memory_space<vmem>>, %arg1: memref<800x128xf32, #tpu.memory_space<vmem>>, %arg2: memref<800x128xf32, #tpu.memory_space<vmem>>, %arg3: memref<800x128xf32, #tpu.memory_space<vmem>>, %arg4: memref<1x1xf32, #tpu.memory_space<vmem>>, %arg5: memref<1x1xf32, #tpu.memory_space<vmem>>, %arg6: memref<1x1xf32, #tpu.memory_space<vmem>>, %arg7: memref<1x1xf32, #tpu.memory_space<vmem>>, %arg8: memref<1x1xf32, #tpu.memory_space<vmem>>) attributes {dimension_semantics = [], scalar_prefetch = 0 : i64, scratch_operands = 0 : i64, tpu.core_type = #tpu.core_type<tc>} {
    %get3A = arith.constant 0 : index
    %get3A_0 = arith.constant 0 : index
    %get3A_1 = vector.load %arg2[%get3A, %get3A_0] : memref<800x128xf32, #tpu.memory_space<vmem>>, vector<800x128xf32>
    %get3A_2 = arith.constant 0 : index
    %get3A_3 = arith.constant 0 : index
    %get3A_4 = vector.load %arg1[%get3A_2, %get3A_3] : memref<800x128xf32, #tpu.memory_space<vmem>>, vector<800x128xf32>
    %get3A_5 = arith.constant 0 : index
    %get3A_6 = arith.constant 0 : index
    %get3A_7 = arith.constant 0 : index
    %get3A_8 = vector.load %arg0[%get3A_5, %get3A_6, %get3A_7] : memref<2x800x128xf32, #tpu.memory_space<vmem>>, vector<1x800x128xf32>
    %get3A_9 = vector.shape_cast %get3A_8 : vector<1x800x128xf32> to vector<800x128xf32>
    %get3A_10 = arith.constant 1 : index
    %get3A_11 = arith.constant 0 : index
    %get3A_12 = arith.constant 0 : index
    %get3A_13 = vector.load %arg0[%get3A_10, %get3A_11, %get3A_12] : memref<2x800x128xf32, #tpu.memory_space<vmem>>, vector<1x800x128xf32>
    %get3A_14 = vector.shape_cast %get3A_13 : vector<1x800x128xf32> to vector<800x128xf32>
    %add3A = arith.addf %get3A_9, %get3A_14 : vector<800x128xf32>
    %mul3A = arith.mulf %get3A_4, %add3A : vector<800x128xf32>
    %swap3A = arith.constant 0 : index
    %swap3A_15 = arith.constant 0 : index
    %swap3A_16 = vector.load %arg3[%swap3A, %swap3A_15] : memref<800x128xf32, #tpu.memory_space<vmem>>, vector<800x128xf32>
    tpu.vector_store %arg3[%swap3A, %swap3A_15], %mul3A {strides = array<i32>} : memref<800x128xf32, #tpu.memory_space<vmem>>, vector<800x128xf32>,
    %reduce_sum3A = vector.shape_cast %get3A_1 : vector<800x128xf32> to vector<1x800x128xf32>
    %reduce_sum3A_17 = arith.constant dense<0.000000e+00> : vector<1xf32>
    %reduce_sum3A_18 = vector.multi_reduction <add>, %reduce_sum3A, %reduce_sum3A_17 [1, 2] : vector<1x800x128xf32> to vector<1xf32>
    %reduce_sum3A_19 = vector.shape_cast %reduce_sum3A_18 : vector<1xf32> to vector<1x1x1xf32>
    %reduce_sum3A_20 = vector.extract %reduce_sum3A_19[0, 0, 0] : f32 from vector<1x1x1xf32>
    %mul3A_21 = arith.constant 9.99999974E-6 : f32
    %mul3A_22 = arith.mulf %reduce_sum3A_20, %mul3A_21 : f32
    %reduce_sum3A_23 = vector.shape_cast %mul3A : vector<800x128xf32> to vector<1x800x128xf32>
    %reduce_sum3A_24 = arith.constant dense<0.000000e+00> : vector<1xf32>
    %reduce_sum3A_25 = vector.multi_reduction <add>, %reduce_sum3A_23, %reduce_sum3A_24 [1, 2] : vector<1x800x128xf32> to vector<1xf32>
    %reduce_sum3A_26 = vector.shape_cast %reduce_sum3A_25 : vector<1xf32> to vector<1x1x1xf32>
    %reduce_sum3A_27 = vector.extract %reduce_sum3A_26[0, 0, 0] : f32 from vector<1x1x1xf32>
    %mul3A_28 = arith.constant 9.99999974E-6 : f32
    %mul3A_29 = arith.mulf %reduce_sum3A_27, %mul3A_28 : f32
    %sub3A = vector.broadcast %mul3A_22 : f32 to vector<800x128xf32>
    %sub3A_30 = arith.subf %get3A_1, %sub3A : vector<800x128xf32>
    %sub3A_31 = vector.broadcast %mul3A_29 : f32 to vector<800x128xf32>
    %sub3A_32 = arith.subf %mul3A, %sub3A_31 : vector<800x128xf32>
    %mul3A_33 = arith.mulf %sub3A_30, %sub3A_30 : vector<800x128xf32>
    %reduce_sum3A_34 = vector.shape_cast %mul3A_33 : vector<800x128xf32> to vector<1x800x128xf32>
    %reduce_sum3A_35 = arith.constant dense<0.000000e+00> : vector<1xf32>
    %reduce_sum3A_36 = vector.multi_reduction <add>, %reduce_sum3A_34, %reduce_sum3A_35 [1, 2] : vector<1x800x128xf32> to vector<1xf32>
    %reduce_sum3A_37 = vector.shape_cast %reduce_sum3A_36 : vector<1xf32> to vector<1x1x1xf32>
    %reduce_sum3A_38 = vector.extract %reduce_sum3A_37[0, 0, 0] : f32 from vector<1x1x1xf32>
    %mul3A_39 = arith.constant 2.400000e+03 : f32
    %mul3A_40 = arith.mulf %mul3A_39, %mul3A_22 : f32
    %mul3A_41 = arith.mulf %mul3A_40, %mul3A_22 : f32
    %sub3A_42 = arith.subf %reduce_sum3A_38, %mul3A_41 : f32
    %mul3A_43 = arith.constant 9.99999974E-6 : f32
    %mul3A_44 = arith.mulf %sub3A_42, %mul3A_43 : f32
    %mul3A_45 = arith.mulf %sub3A_32, %sub3A_32 : vector<800x128xf32>
    %reduce_sum3A_46 = vector.shape_cast %mul3A_45 : vector<800x128xf32> to vector<1x800x128xf32>
    %reduce_sum3A_47 = arith.constant dense<0.000000e+00> : vector<1xf32>
    %reduce_sum3A_48 = vector.multi_reduction <add>, %reduce_sum3A_46, %reduce_sum3A_47 [1, 2] : vector<1x800x128xf32> to vector<1xf32>
    %reduce_sum3A_49 = vector.shape_cast %reduce_sum3A_48 : vector<1xf32> to vector<1x1x1xf32>
    %reduce_sum3A_50 = vector.extract %reduce_sum3A_49[0, 0, 0] : f32 from vector<1x1x1xf32>
    %mul3A_51 = arith.constant 2.400000e+03 : f32
    %mul3A_52 = arith.mulf %mul3A_51, %mul3A_29 : f32
    %mul3A_53 = arith.mulf %mul3A_52, %mul3A_29 : f32
    %sub3A_54 = arith.subf %reduce_sum3A_50, %mul3A_53 : f32
    %mul3A_55 = arith.constant 9.99999974E-6 : f32
    %mul3A_56 = arith.mulf %sub3A_54, %mul3A_55 : f32
    %mul3A_57 = arith.mulf %sub3A_30, %sub3A_32 : vector<800x128xf32>
    %reduce_sum3A_58 = vector.shape_cast %mul3A_57 : vector<800x128xf32> to vector<1x800x128xf32>
    %reduce_sum3A_59 = arith.constant dense<0.000000e+00> : vector<1xf32>
    %reduce_sum3A_60 = vector.multi_reduction <add>, %reduce_sum3A_58, %reduce_sum3A_59 [1, 2] : vector<1x800x128xf32> to vector<1xf32>
    %reduce_sum3A_61 = vector.shape_cast %reduce_sum3A_60 : vector<1xf32> to vector<1x1x1xf32>
    %reduce_sum3A_62 = vector.extract %reduce_sum3A_61[0, 0, 0] : f32 from vector<1x1x1xf32>
    %mul3A_63 = arith.constant 2.400000e+03 : f32
    %mul3A_64 = arith.mulf %mul3A_63, %mul3A_22 : f32
    %mul3A_65 = arith.mulf %mul3A_64, %mul3A_29 : f32
    %sub3A_66 = arith.subf %reduce_sum3A_62, %mul3A_65 : f32
    %mul3A_67 = arith.constant 9.99999974E-6 : f32
    %mul3A_68 = arith.mulf %sub3A_66, %mul3A_67 : f32
    %broadcast_in_dim3A = vector.broadcast %mul3A_22 : f32 to vector<1x1xf32>
    %swap3A_69 = arith.constant 0 : index
    %swap3A_70 = arith.constant 0 : index
    %swap3A_71 = vector.load %arg4[%swap3A_69, %swap3A_70] : memref<1x1xf32, #tpu.memory_space<vmem>>, vector<1x1xf32>
    tpu.vector_store %arg4[%swap3A_69, %swap3A_70], %broadcast_in_dim3A {strides = array<i32>} : memref<1x1xf32, #tpu.memory_space<vmem>>, vector<1x1xf32>,
    %broadcast_in_dim3A_72 = vector.broadcast %mul3A_29 : f32 to vector<1x1xf32>
    %swap3A_73 = arith.constant 0 : index
    %swap3A_74 = arith.constant 0 : index
    %swap3A_75 = vector.load %arg5[%swap3A_73, %swap3A_74] : memref<1x1xf32, #tpu.memory_space<vmem>>, vector<1x1xf32>
    tpu.vector_store %arg5[%swap3A_73, %swap3A_74], %broadcast_in_dim3A_72 {strides = array<i32>} : memref<1x1xf32, #tpu.memory_space<vmem>>, vector<1x1xf32>,
    %broadcast_in_dim3A_76 = vector.broadcast %mul3A_44 : f32 to vector<1x1xf32>
    %swap3A_77 = arith.constant 0 : index
    %swap3A_78 = arith.constant 0 : index
    %swap3A_79 = vector.load %arg6[%swap3A_77, %swap3A_78] : memref<1x1xf32, #tpu.memory_space<vmem>>, vector<1x1xf32>
    tpu.vector_store %arg6[%swap3A_77, %swap3A_78], %broadcast_in_dim3A_76 {strides = array<i32>} : memref<1x1xf32, #tpu.memory_space<vmem>>, vector<1x1xf32>,
    %broadcast_in_dim3A_80 = vector.broadcast %mul3A_56 : f32 to vector<1x1xf32>
    %swap3A_81 = arith.constant 0 : index
    %swap3A_82 = arith.constant 0 : index
    %swap3A_83 = vector.load %arg7[%swap3A_81, %swap3A_82] : memref<1x1xf32, #tpu.memory_space<vmem>>, vector<1x1xf32>
    tpu.vector_store %arg7[%swap3A_81, %swap3A_82], %broadcast_in_dim3A_80 {strides = array<i32>} : memref<1x1xf32, #tpu.memory_space<vmem>>, vector<1x1xf32>,
    %broadcast_in_dim3A_84 = vector.broadcast %mul3A_68 : f32 to vector<1x1xf32>
    %swap3A_85 = arith.constant 0 : index
    %swap3A_86 = arith.constant 0 : index
    %swap3A_87 = vector.load %arg8[%swap3A_85, %swap3A_86] : memref<1x1xf32, #tpu.memory_space<vmem>>, vector<1x1xf32>
    tpu.vector_store %arg8[%swap3A_85, %swap3A_86], %broadcast_in_dim3A_84 {strides = array<i32>} : memref<1x1xf32, #tpu.memory_space<vmem>>, vector<1x1xf32>,
    return
  }
}

module attributes {stable_mosaic.version = 14 : i64} {
  func.func @body(%arg0: i32, %arg1: memref<1024x1xf32, #tpu.memory_space<vmem>>, %arg2: memref<1024x1xf32, #tpu.memory_space<vmem>>, %arg3: memref<1024x1xf32, #tpu.memory_space<vmem>>, %arg4: memref<1x16xf32, #tpu.memory_space<vmem>>, %arg5: memref<1x16xf32, #tpu.memory_space<vmem>>, %arg6: memref<1x16xf32, #tpu.memory_space<vmem>>, %arg7: memref<1024x16xf32, #tpu.memory_space<vmem>>) attributes {dimension_semantics = [#tpu.dimension_semantics<arbitrary>], iteration_bounds = array<i64: 100>, scalar_prefetch = 0 : i64, scratch_operands = 0 : i64, tpu.core_type = #tpu.core_type<tc>, window_params = [{transform_indices = @transform_0, window_bounds = array<i64: 1024, 1>}, {transform_indices = @transform_1, window_bounds = array<i64: 1024, 1>}, {transform_indices = @transform_2, window_bounds = array<i64: 1024, 1>}, {pipeline_mode = #tpu.pipeline_mode<synchronous>, transform_indices = @transform_3, window_bounds = array<i64: 1, 16>}, {pipeline_mode = #tpu.pipeline_mode<synchronous>, transform_indices = @transform_4, window_bounds = array<i64: 1, 16>}, {pipeline_mode = #tpu.pipeline_mode<synchronous>, transform_indices = @transform_5, window_bounds = array<i64: 1, 16>}, {transform_indices = @transform_6, window_bounds = array<i64: 1024, 16>}]} {
    %get3A = arith.constant 0 : index
    %get3A_0 = arith.constant 0 : index
    %get3A_1 = vector.load %arg4[%get3A, %get3A_0] : memref<1x16xf32, #tpu.memory_space<vmem>>, vector<1x16xf32>
    %get3A_2 = arith.constant 0 : index
    %get3A_3 = arith.constant 0 : index
    %get3A_4 = vector.load %arg1[%get3A_2, %get3A_3] : memref<1024x1xf32, #tpu.memory_space<vmem>>, vector<1024x1xf32>
    %get3A_5 = arith.constant 0 : index
    %get3A_6 = arith.constant 0 : index
    %get3A_7 = vector.load %arg5[%get3A_5, %get3A_6] : memref<1x16xf32, #tpu.memory_space<vmem>>, vector<1x16xf32>
    %mul3A = vector.broadcast %get3A_4 : vector<1024x1xf32> to vector<1024x16xf32>
    %mul3A_8 = vector.broadcast %get3A_7 : vector<1x16xf32> to vector<1024x16xf32>
    %mul3A_9 = arith.mulf %mul3A, %mul3A_8 : vector<1024x16xf32>
    %add3A = vector.broadcast %get3A_1 : vector<1x16xf32> to vector<1024x16xf32>
    %add3A_10 = arith.addf %add3A, %mul3A_9 : vector<1024x16xf32>
    %get3A_11 = arith.constant 0 : index
    %get3A_12 = arith.constant 0 : index
    %get3A_13 = vector.load %arg2[%get3A_11, %get3A_12] : memref<1024x1xf32, #tpu.memory_space<vmem>>, vector<1024x1xf32>
    %get3A_14 = arith.constant 0 : index
    %get3A_15 = arith.constant 0 : index
    %get3A_16 = vector.load %arg6[%get3A_14, %get3A_15] : memref<1x16xf32, #tpu.memory_space<vmem>>, vector<1x16xf32>
    %mul3A_17 = vector.broadcast %get3A_13 : vector<1024x1xf32> to vector<1024x16xf32>
    %mul3A_18 = vector.broadcast %get3A_16 : vector<1x16xf32> to vector<1024x16xf32>
    %mul3A_19 = arith.mulf %mul3A_17, %mul3A_18 : vector<1024x16xf32>
    %add3A_20 = arith.addf %add3A_10, %mul3A_19 : vector<1024x16xf32>
    %max3A = arith.constant 0.000000e+00 : f32
    %max3A_21 = vector.broadcast %max3A : f32 to vector<1024x16xf32>
    %max3A_22 = arith.maximumf %add3A_20, %max3A_21 : vector<1024x16xf32>
    %get3A_23 = arith.constant 0 : index
    %get3A_24 = arith.constant 0 : index
    %get3A_25 = vector.load %arg3[%get3A_23, %get3A_24] : memref<1024x1xf32, #tpu.memory_space<vmem>>, vector<1024x1xf32>
    %mul3A_26 = vector.broadcast %get3A_25 : vector<1024x1xf32> to vector<1024x16xf32>
    %mul3A_27 = arith.mulf %mul3A_26, %max3A_22 : vector<1024x16xf32>
    %swap3A = arith.constant 0 : index
    %swap3A_28 = arith.constant 0 : index
    %swap3A_29 = vector.load %arg7[%swap3A, %swap3A_28] : memref<1024x16xf32, #tpu.memory_space<vmem>>, vector<1024x16xf32>
    tpu.vector_store %arg7[%swap3A, %swap3A_28], %mul3A_27 {strides = array<i32>} : memref<1024x16xf32, #tpu.memory_space<vmem>>, vector<1024x16xf32>,
    return
  }
  func.func @transform_0(%arg0: i32) -> (i32, i32) {
    %c0_i32 = arith.constant 0 : i32
    %c0_i32_0 = arith.constant 0 : i32
    return %arg0, %c0_i32 : i32, i32
  }
  func.func @transform_1(%arg0: i32) -> (i32, i32) {
    %c0_i32 = arith.constant 0 : i32
    %c0_i32_0 = arith.constant 0 : i32
    return %arg0, %c0_i32 : i32, i32
  }
  func.func @transform_2(%arg0: i32) -> (i32, i32) {
    %c0_i32 = arith.constant 0 : i32
    %c0_i32_0 = arith.constant 0 : i32
    return %arg0, %c0_i32 : i32, i32
  }
  func.func @transform_3(%arg0: i32) -> (i32, i32) {
    %c0_i32 = arith.constant 0 : i32
    %c0_i32_0 = arith.constant 0 : i32
    %c0_i32_1 = arith.constant 0 : i32
    return %c0_i32, %c0_i32_0 : i32, i32
  }
  func.func @transform_4(%arg0: i32) -> (i32, i32) {
    %c0_i32 = arith.constant 0 : i32
    %c0_i32_0 = arith.constant 0 : i32
    %c0_i32_1 = arith.constant 0 : i32
    return %c0_i32, %c0_i32_0 : i32, i32
  }
  func.func @transform_5(%arg0: i32) -> (i32, i32) {
    %c0_i32 = arith.constant 0 : i32
    %c0_i32_0 = arith.constant 0 : i32
    %c0_i32_1 = arith.constant 0 : i32
    return %c0_i32, %c0_i32_0 : i32, i32
  }
  func.func @transform_6(%arg0: i32) -> (i32, i32) {
    %c0_i32 = arith.constant 0 : i32
    %c0_i32_0 = arith.constant 0 : i32
    return %arg0, %c0_i32 : i32, i32
  }
}

module attributes {stable_mosaic.version = 14 : i64} {
  func.func @body(%arg0: i32, %arg1: memref<2x1024x16xf32, #tpu.memory_space<vmem>>, %arg2: memref<1024x1xf32, #tpu.memory_space<vmem>>, %arg3: memref<1024x16xf32, #tpu.memory_space<vmem>>) attributes {dimension_semantics = [#tpu.dimension_semantics<arbitrary>], iteration_bounds = array<i64: 100>, scalar_prefetch = 0 : i64, scratch_operands = 0 : i64, tpu.core_type = #tpu.core_type<tc>, window_params = [{transform_indices = @transform_0, window_bounds = array<i64: 2, 1024, 16>}, {transform_indices = @transform_1, window_bounds = array<i64: 1024, 1>}, {transform_indices = @transform_2, window_bounds = array<i64: 1024, 16>}]} {
    %get3A = arith.constant 0 : index
    %get3A_0 = arith.constant 0 : index
    %get3A_1 = vector.load %arg2[%get3A, %get3A_0] : memref<1024x1xf32, #tpu.memory_space<vmem>>, vector<1024x1xf32>
    %mul3A = arith.mulf %get3A_1, %get3A_1 : vector<1024x1xf32>
    %get3A_2 = arith.constant 0 : index
    %get3A_3 = arith.constant 0 : index
    %get3A_4 = arith.constant 0 : index
    %get3A_5 = vector.load %arg1[%get3A_2, %get3A_3, %get3A_4] : memref<2x1024x16xf32, #tpu.memory_space<vmem>>, vector<1x1024x16xf32>
    %get3A_6 = vector.shape_cast %get3A_5 : vector<1x1024x16xf32> to vector<1024x16xf32>
    %get3A_7 = arith.constant 1 : index
    %get3A_8 = arith.constant 0 : index
    %get3A_9 = arith.constant 0 : index
    %get3A_10 = vector.load %arg1[%get3A_7, %get3A_8, %get3A_9] : memref<2x1024x16xf32, #tpu.memory_space<vmem>>, vector<1x1024x16xf32>
    %get3A_11 = vector.shape_cast %get3A_10 : vector<1x1024x16xf32> to vector<1024x16xf32>
    %add3A = arith.addf %get3A_6, %get3A_11 : vector<1024x16xf32>
    %mul3A_12 = vector.broadcast %mul3A : vector<1024x1xf32> to vector<1024x16xf32>
    %mul3A_13 = arith.mulf %mul3A_12, %add3A : vector<1024x16xf32>
    %swap3A = arith.constant 0 : index
    %swap3A_14 = arith.constant 0 : index
    %swap3A_15 = vector.load %arg3[%swap3A, %swap3A_14] : memref<1024x16xf32, #tpu.memory_space<vmem>>, vector<1024x16xf32>
    tpu.vector_store %arg3[%swap3A, %swap3A_14], %mul3A_13 {strides = array<i32>} : memref<1024x16xf32, #tpu.memory_space<vmem>>, vector<1024x16xf32>,
    return
  }
  func.func @transform_0(%arg0: i32) -> (i32, i32, i32) {
    %c0_i32 = arith.constant 0 : i32
    %c0_i32_0 = arith.constant 0 : i32
    %c0_i32_1 = arith.constant 0 : i32
    return %c0_i32, %arg0, %c0_i32_0 : i32, i32, i32
  }
  func.func @transform_1(%arg0: i32) -> (i32, i32) {
    %c0_i32 = arith.constant 0 : i32
    %c0_i32_0 = arith.constant 0 : i32
    return %arg0, %c0_i32 : i32, i32
  }
  func.func @transform_2(%arg0: i32) -> (i32, i32) {
    %c0_i32 = arith.constant 0 : i32
    %c0_i32_0 = arith.constant 0 : i32
    return %arg0, %c0_i32 : i32, i32
  }
}

module attributes {stable_mosaic.version = 14 : i64} {
  func.func @body(%arg0: i32, %arg1: memref<1024x16xf32, #tpu.memory_space<vmem>>, %arg2: memref<1024x16xf32, #tpu.memory_space<vmem>>, %arg3: memref<2x1024x16xf32, #tpu.memory_space<vmem>>, %arg4: memref<1024x1xf32, #tpu.memory_space<vmem>>, %arg5: memref<16x16xf32, #tpu.memory_space<vmem>>, %arg6: memref<16x16xf32, #tpu.memory_space<vmem>>, %arg7: memref<16x16xf32, #tpu.memory_space<vmem>>, %arg8: memref<1024x16xf32, #tpu.memory_space<vmem>>, %arg9: memref<1x1x16xf32, #tpu.memory_space<vmem>>) attributes {dimension_semantics = [#tpu.dimension_semantics<arbitrary>], iteration_bounds = array<i64: 100>, scalar_prefetch = 0 : i64, scratch_operands = 0 : i64, tpu.core_type = #tpu.core_type<tc>, window_params = [{transform_indices = @transform_0, window_bounds = array<i64: 1024, 16>}, {transform_indices = @transform_1, window_bounds = array<i64: 1024, 16>}, {transform_indices = @transform_2, window_bounds = array<i64: 2, 1024, 16>}, {transform_indices = @transform_3, window_bounds = array<i64: 1024, 1>}, {pipeline_mode = #tpu.pipeline_mode<synchronous>, transform_indices = @transform_4, window_bounds = array<i64: 16, 16>}, {pipeline_mode = #tpu.pipeline_mode<synchronous>, transform_indices = @transform_5, window_bounds = array<i64: 16, 16>}, {pipeline_mode = #tpu.pipeline_mode<synchronous>, transform_indices = @transform_6, window_bounds = array<i64: 16, 16>}, {transform_indices = @transform_7, window_bounds = array<i64: 1024, 16>}, {transform_indices = @transform_8, window_bounds = array<i64: 1, 1, 16>}]} {
    %get3A = arith.constant 0 : index
    %get3A_0 = arith.constant 0 : index
    %get3A_1 = vector.load %arg4[%get3A, %get3A_0] : memref<1024x1xf32, #tpu.memory_space<vmem>>, vector<1024x1xf32>
    %get3A_2 = arith.constant 0 : index
    %get3A_3 = arith.constant 0 : index
    %get3A_4 = vector.load %arg1[%get3A_2, %get3A_3] : memref<1024x16xf32, #tpu.memory_space<vmem>>, vector<1024x16xf32>
    %div3A = vector.broadcast %get3A_1 : vector<1024x1xf32> to vector<1024x16xf32>
    %div3A_5 = arith.divf %get3A_4, %div3A : vector<1024x16xf32>
    %get3A_6 = arith.constant 0 : index
    %get3A_7 = arith.constant 0 : index
    %get3A_8 = vector.load %arg2[%get3A_6, %get3A_7] : memref<1024x16xf32, #tpu.memory_space<vmem>>, vector<1024x16xf32>
    %div3A_9 = vector.broadcast %get3A_1 : vector<1024x1xf32> to vector<1024x16xf32>
    %div3A_10 = arith.divf %get3A_8, %div3A_9 : vector<1024x16xf32>
    %get3A_11 = arith.constant 0 : index
    %get3A_12 = arith.constant 0 : index
    %get3A_13 = arith.constant 0 : index
    %get3A_14 = vector.load %arg3[%get3A_11, %get3A_12, %get3A_13] : memref<2x1024x16xf32, #tpu.memory_space<vmem>>, vector<1x1024x16xf32>
    %get3A_15 = vector.shape_cast %get3A_14 : vector<1x1024x16xf32> to vector<1024x16xf32>
    %get3A_16 = arith.constant 1 : index
    %get3A_17 = arith.constant 0 : index
    %get3A_18 = arith.constant 0 : index
    %get3A_19 = vector.load %arg3[%get3A_16, %get3A_17, %get3A_18] : memref<2x1024x16xf32, #tpu.memory_space<vmem>>, vector<1x1024x16xf32>
    %get3A_20 = vector.shape_cast %get3A_19 : vector<1x1024x16xf32> to vector<1024x16xf32>
    %add3A = arith.addf %get3A_15, %get3A_20 : vector<1024x16xf32>
    %mul3A = vector.broadcast %get3A_1 : vector<1024x1xf32> to vector<1024x16xf32>
    %mul3A_21 = arith.mulf %mul3A, %add3A : vector<1024x16xf32>
    %get3A_22 = arith.constant 0 : index
    %get3A_23 = arith.constant 0 : index
    %get3A_24 = vector.load %arg5[%get3A_22, %get3A_23] : memref<16x16xf32, #tpu.memory_space<vmem>>, vector<16x16xf32>
    %dot_general3A = arith.constant dense<0.000000e+00> : vector<1024x16xf32>
    %dot_general3A_25 = tpu.matmul %div3A_5, %get3A_24, %dot_general3A {dimension_numbers = #tpu.dot_dimension_numbers<[1], [0], [0], [1], [0, 0, 1, 1], [], []>, transpose_lhs_hint = false} : vector<1024x16xf32>, vector<16x16xf32>, vector<1024x16xf32> -> vector<1024x16xf32>
    %get3A_26 = arith.constant 0 : index
    %get3A_27 = arith.constant 0 : index
    %get3A_28 = vector.load %arg6[%get3A_26, %get3A_27] : memref<16x16xf32, #tpu.memory_space<vmem>>, vector<16x16xf32>
    %dot_general3A_29 = arith.constant dense<0.000000e+00> : vector<1024x16xf32>
    %dot_general3A_30 = tpu.matmul %div3A_10, %get3A_28, %dot_general3A_29 {dimension_numbers = #tpu.dot_dimension_numbers<[1], [0], [0], [1], [0, 0, 1, 1], [], []>, transpose_lhs_hint = false} : vector<1024x16xf32>, vector<16x16xf32>, vector<1024x16xf32> -> vector<1024x16xf32>
    %add3A_31 = arith.addf %dot_general3A_25, %dot_general3A_30 : vector<1024x16xf32>
    %get3A_32 = arith.constant 0 : index
    %get3A_33 = arith.constant 0 : index
    %get3A_34 = vector.load %arg7[%get3A_32, %get3A_33] : memref<16x16xf32, #tpu.memory_space<vmem>>, vector<16x16xf32>
    %dot_general3A_35 = arith.constant dense<0.000000e+00> : vector<1024x16xf32>
    %dot_general3A_36 = tpu.matmul %mul3A_21, %get3A_34, %dot_general3A_35 {dimension_numbers = #tpu.dot_dimension_numbers<[1], [0], [0], [1], [0, 0, 1, 1], [], []>, transpose_lhs_hint = false} : vector<1024x16xf32>, vector<16x16xf32>, vector<1024x16xf32> -> vector<1024x16xf32>
    %add3A_37 = arith.addf %add3A_31, %dot_general3A_36 : vector<1024x16xf32>
    %swap3A = arith.constant 0 : index
    %swap3A_38 = arith.constant 0 : index
    %swap3A_39 = vector.load %arg8[%swap3A, %swap3A_38] : memref<1024x16xf32, #tpu.memory_space<vmem>>, vector<1024x16xf32>
    tpu.vector_store %arg8[%swap3A, %swap3A_38], %add3A_37 {strides = array<i32>} : memref<1024x16xf32, #tpu.memory_space<vmem>>, vector<1024x16xf32>,
    %iota3A = tpu.iota {dimensions = array<i32: 0>} : vector<1024x1xi32>
    %mul3A_40 = arith.constant 1024 : i32
    %mul3A_41 = arith.muli %arg0, %mul3A_40 : i32
    %add3A_42 = vector.broadcast %mul3A_41 : i32 to vector<1024x1xi32>
    %add3A_43 = arith.addi %iota3A, %add3A_42 : vector<1024x1xi32>
    %lt3A = arith.constant 100000 : i32
    %lt3A_44 = vector.broadcast %lt3A : i32 to vector<1024x1xi32>
    %lt3A_45 = arith.cmpi slt, %add3A_43, %lt3A_44 : vector<1024x1xi32>
    %convert_element_type3A = arith.extui %lt3A_45 : vector<1024x1xi1> to vector<1024x1xi32>
    %convert_element_type3A_46 = arith.sitofp %convert_element_type3A : vector<1024x1xi32> to vector<1024x1xf32>
    %mul3A_47 = vector.broadcast %convert_element_type3A_46 : vector<1024x1xf32> to vector<1024x16xf32>
    %mul3A_48 = arith.mulf %add3A_37, %mul3A_47 : vector<1024x16xf32>
    %reduce_sum3A = arith.constant dense<0.000000e+00> : vector<16xf32>
    %reduce_sum3A_49 = vector.multi_reduction <add>, %mul3A_48, %reduce_sum3A [0] : vector<1024x16xf32> to vector<16xf32>
    %broadcast_in_dim3A = vector.shape_cast %reduce_sum3A_49 : vector<16xf32> to vector<1x16xf32>
    %swap3A_50 = arith.constant 0 : index
    %swap3A_51 = arith.constant 0 : index
    %swap3A_52 = arith.constant 0 : index
    %swap3A_53 = vector.load %arg9[%swap3A_50, %swap3A_51, %swap3A_52] : memref<1x1x16xf32, #tpu.memory_space<vmem>>, vector<1x1x16xf32>
    %swap3A_54 = vector.shape_cast %swap3A_53 : vector<1x1x16xf32> to vector<1x16xf32>
    %swap3A_55 = vector.shape_cast %broadcast_in_dim3A : vector<1x16xf32> to vector<1x1x16xf32>
    tpu.vector_store %arg9[%swap3A_50, %swap3A_51, %swap3A_52], %swap3A_55 {strides = array<i32>} : memref<1x1x16xf32, #tpu.memory_space<vmem>>, vector<1x1x16xf32>,
    return
  }
  func.func @transform_0(%arg0: i32) -> (i32, i32) {
    %c0_i32 = arith.constant 0 : i32
    %c0_i32_0 = arith.constant 0 : i32
    return %arg0, %c0_i32 : i32, i32
  }
  func.func @transform_1(%arg0: i32) -> (i32, i32) {
    %c0_i32 = arith.constant 0 : i32
    %c0_i32_0 = arith.constant 0 : i32
    return %arg0, %c0_i32 : i32, i32
  }
  func.func @transform_2(%arg0: i32) -> (i32, i32, i32) {
    %c0_i32 = arith.constant 0 : i32
    %c0_i32_0 = arith.constant 0 : i32
    %c0_i32_1 = arith.constant 0 : i32
    return %c0_i32, %arg0, %c0_i32_0 : i32, i32, i32
  }
  func.func @transform_3(%arg0: i32) -> (i32, i32) {
    %c0_i32 = arith.constant 0 : i32
    %c0_i32_0 = arith.constant 0 : i32
    return %arg0, %c0_i32 : i32, i32
  }
  func.func @transform_4(%arg0: i32) -> (i32, i32) {
    %c0_i32 = arith.constant 0 : i32
    %c0_i32_0 = arith.constant 0 : i32
    %c0_i32_1 = arith.constant 0 : i32
    return %c0_i32, %c0_i32_0 : i32, i32
  }
  func.func @transform_5(%arg0: i32) -> (i32, i32) {
    %c0_i32 = arith.constant 0 : i32
    %c0_i32_0 = arith.constant 0 : i32
    %c0_i32_1 = arith.constant 0 : i32
    return %c0_i32, %c0_i32_0 : i32, i32
  }
  func.func @transform_6(%arg0: i32) -> (i32, i32) {
    %c0_i32 = arith.constant 0 : i32
    %c0_i32_0 = arith.constant 0 : i32
    %c0_i32_1 = arith.constant 0 : i32
    return %c0_i32, %c0_i32_0 : i32, i32
  }
  func.func @transform_7(%arg0: i32) -> (i32, i32) {
    %c0_i32 = arith.constant 0 : i32
    %c0_i32_0 = arith.constant 0 : i32
    return %arg0, %c0_i32 : i32, i32
  }
  func.func @transform_8(%arg0: i32) -> (i32, i32, i32) {
    %c0_i32 = arith.constant 0 : i32
    %c0_i32_0 = arith.constant 0 : i32
    %c0_i32_1 = arith.constant 0 : i32
    return %arg0, %c0_i32, %c0_i32_0 : i32, i32, i32
  }
}

module attributes {stable_mosaic.version = 14 : i64} {
  func.func @body(%arg0: i32, %arg1: memref<1024x16xf32, #tpu.memory_space<vmem>>, %arg2: memref<1x16xf32, #tpu.memory_space<vmem>>, %arg3: memref<1x1x16xf32, #tpu.memory_space<vmem>>) attributes {dimension_semantics = [#tpu.dimension_semantics<arbitrary>], iteration_bounds = array<i64: 100>, scalar_prefetch = 0 : i64, scratch_operands = 0 : i64, tpu.core_type = #tpu.core_type<tc>, window_params = [{transform_indices = @transform_0, window_bounds = array<i64: 1024, 16>}, {pipeline_mode = #tpu.pipeline_mode<synchronous>, transform_indices = @transform_1, window_bounds = array<i64: 1, 16>}, {transform_indices = @transform_2, window_bounds = array<i64: 1, 1, 16>}]} {
    %get3A = arith.constant 0 : index
    %get3A_0 = arith.constant 0 : index
    %get3A_1 = vector.load %arg1[%get3A, %get3A_0] : memref<1024x16xf32, #tpu.memory_space<vmem>>, vector<1024x16xf32>
    %get3A_2 = arith.constant 0 : index
    %get3A_3 = arith.constant 0 : index
    %get3A_4 = vector.load %arg2[%get3A_2, %get3A_3] : memref<1x16xf32, #tpu.memory_space<vmem>>, vector<1x16xf32>
    %sub3A = vector.broadcast %get3A_4 : vector<1x16xf32> to vector<1024x16xf32>
    %sub3A_5 = arith.subf %get3A_1, %sub3A : vector<1024x16xf32>
    %iota3A = tpu.iota {dimensions = array<i32: 0>} : vector<1024x1xi32>
    %mul3A = arith.constant 1024 : i32
    %mul3A_6 = arith.muli %arg0, %mul3A : i32
    %add3A = vector.broadcast %mul3A_6 : i32 to vector<1024x1xi32>
    %add3A_7 = arith.addi %iota3A, %add3A : vector<1024x1xi32>
    %lt3A = arith.constant 100000 : i32
    %lt3A_8 = vector.broadcast %lt3A : i32 to vector<1024x1xi32>
    %lt3A_9 = arith.cmpi slt, %add3A_7, %lt3A_8 : vector<1024x1xi32>
    %convert_element_type3A = arith.extui %lt3A_9 : vector<1024x1xi1> to vector<1024x1xi32>
    %convert_element_type3A_10 = arith.sitofp %convert_element_type3A : vector<1024x1xi32> to vector<1024x1xf32>
    %mul3A_11 = vector.broadcast %convert_element_type3A_10 : vector<1024x1xf32> to vector<1024x16xf32>
    %mul3A_12 = arith.mulf %sub3A_5, %mul3A_11 : vector<1024x16xf32>
    %mul3A_13 = arith.mulf %mul3A_12, %mul3A_12 : vector<1024x16xf32>
    %reduce_sum3A = arith.constant dense<0.000000e+00> : vector<16xf32>
    %reduce_sum3A_14 = vector.multi_reduction <add>, %mul3A_13, %reduce_sum3A [0] : vector<1024x16xf32> to vector<16xf32>
    %broadcast_in_dim3A = vector.shape_cast %reduce_sum3A_14 : vector<16xf32> to vector<1x16xf32>
    %swap3A = arith.constant 0 : index
    %swap3A_15 = arith.constant 0 : index
    %swap3A_16 = arith.constant 0 : index
    %swap3A_17 = vector.load %arg3[%swap3A, %swap3A_15, %swap3A_16] : memref<1x1x16xf32, #tpu.memory_space<vmem>>, vector<1x1x16xf32>
    %swap3A_18 = vector.shape_cast %swap3A_17 : vector<1x1x16xf32> to vector<1x16xf32>
    %swap3A_19 = vector.shape_cast %broadcast_in_dim3A : vector<1x16xf32> to vector<1x1x16xf32>
    tpu.vector_store %arg3[%swap3A, %swap3A_15, %swap3A_16], %swap3A_19 {strides = array<i32>} : memref<1x1x16xf32, #tpu.memory_space<vmem>>, vector<1x1x16xf32>,
    return
  }
  func.func @transform_0(%arg0: i32) -> (i32, i32) {
    %c0_i32 = arith.constant 0 : i32
    %c0_i32_0 = arith.constant 0 : i32
    return %arg0, %c0_i32 : i32, i32
  }
  func.func @transform_1(%arg0: i32) -> (i32, i32) {
    %c0_i32 = arith.constant 0 : i32
    %c0_i32_0 = arith.constant 0 : i32
    %c0_i32_1 = arith.constant 0 : i32
    return %c0_i32, %c0_i32_0 : i32, i32
  }
  func.func @transform_2(%arg0: i32) -> (i32, i32, i32) {
    %c0_i32 = arith.constant 0 : i32
    %c0_i32_0 = arith.constant 0 : i32
    %c0_i32_1 = arith.constant 0 : i32
    return %arg0, %c0_i32, %c0_i32_0 : i32, i32, i32
  }
}

module attributes {stable_mosaic.version = 14 : i64} {
  func.func @body(%arg0: i32, %arg1: memref<1024x16xf32, #tpu.memory_space<vmem>>, %arg2: memref<1x16xf32, #tpu.memory_space<vmem>>, %arg3: memref<1x16xf32, #tpu.memory_space<vmem>>, %arg4: memref<1x16xf32, #tpu.memory_space<vmem>>, %arg5: memref<1x16xf32, #tpu.memory_space<vmem>>, %arg6: memref<1x1x16xf32, #tpu.memory_space<vmem>>) attributes {dimension_semantics = [#tpu.dimension_semantics<arbitrary>], iteration_bounds = array<i64: 100>, scalar_prefetch = 0 : i64, scratch_operands = 0 : i64, tpu.core_type = #tpu.core_type<tc>, window_params = [{transform_indices = @transform_0, window_bounds = array<i64: 1024, 16>}, {pipeline_mode = #tpu.pipeline_mode<synchronous>, transform_indices = @transform_1, window_bounds = array<i64: 1, 16>}, {pipeline_mode = #tpu.pipeline_mode<synchronous>, transform_indices = @transform_2, window_bounds = array<i64: 1, 16>}, {pipeline_mode = #tpu.pipeline_mode<synchronous>, transform_indices = @transform_3, window_bounds = array<i64: 1, 16>}, {pipeline_mode = #tpu.pipeline_mode<synchronous>, transform_indices = @transform_4, window_bounds = array<i64: 1, 16>}, {transform_indices = @transform_5, window_bounds = array<i64: 1, 1, 16>}]} {
    %get3A = arith.constant 0 : index
    %get3A_0 = arith.constant 0 : index
    %get3A_1 = vector.load %arg1[%get3A, %get3A_0] : memref<1024x16xf32, #tpu.memory_space<vmem>>, vector<1024x16xf32>
    %get3A_2 = arith.constant 0 : index
    %get3A_3 = arith.constant 0 : index
    %get3A_4 = vector.load %arg2[%get3A_2, %get3A_3] : memref<1x16xf32, #tpu.memory_space<vmem>>, vector<1x16xf32>
    %sub3A = vector.broadcast %get3A_4 : vector<1x16xf32> to vector<1024x16xf32>
    %sub3A_5 = arith.subf %get3A_1, %sub3A : vector<1024x16xf32>
    %get3A_6 = arith.constant 0 : index
    %get3A_7 = arith.constant 0 : index
    %get3A_8 = vector.load %arg3[%get3A_6, %get3A_7] : memref<1x16xf32, #tpu.memory_space<vmem>>, vector<1x16xf32>
    %add3A = arith.constant 9.99999974E-6 : f32
    %add3A_9 = vector.broadcast %add3A : f32 to vector<1x16xf32>
    %add3A_10 = arith.addf %get3A_8, %add3A_9 : vector<1x16xf32>
    %sqrt3A = math.sqrt %add3A_10 : vector<1x16xf32>
    %div3A = vector.broadcast %sqrt3A : vector<1x16xf32> to vector<1024x16xf32>
    %div3A_11 = arith.divf %sub3A_5, %div3A : vector<1024x16xf32>
    %get3A_12 = arith.constant 0 : index
    %get3A_13 = arith.constant 0 : index
    %get3A_14 = vector.load %arg4[%get3A_12, %get3A_13] : memref<1x16xf32, #tpu.memory_space<vmem>>, vector<1x16xf32>
    %mul3A = vector.broadcast %get3A_14 : vector<1x16xf32> to vector<1024x16xf32>
    %mul3A_15 = arith.mulf %div3A_11, %mul3A : vector<1024x16xf32>
    %get3A_16 = arith.constant 0 : index
    %get3A_17 = arith.constant 0 : index
    %get3A_18 = vector.load %arg5[%get3A_16, %get3A_17] : memref<1x16xf32, #tpu.memory_space<vmem>>, vector<1x16xf32>
    %add3A_19 = vector.broadcast %get3A_18 : vector<1x16xf32> to vector<1024x16xf32>
    %add3A_20 = arith.addf %mul3A_15, %add3A_19 : vector<1024x16xf32>
    %max3A = arith.constant 0.000000e+00 : f32
    %max3A_21 = vector.broadcast %max3A : f32 to vector<1024x16xf32>
    %max3A_22 = arith.maximumf %add3A_20, %max3A_21 : vector<1024x16xf32>
    %iota3A = tpu.iota {dimensions = array<i32: 0>} : vector<1024x1xi32>
    %mul3A_23 = arith.constant 1024 : i32
    %mul3A_24 = arith.muli %arg0, %mul3A_23 : i32
    %add3A_25 = vector.broadcast %mul3A_24 : i32 to vector<1024x1xi32>
    %add3A_26 = arith.addi %iota3A, %add3A_25 : vector<1024x1xi32>
    %lt3A = arith.constant 100000 : i32
    %lt3A_27 = vector.broadcast %lt3A : i32 to vector<1024x1xi32>
    %lt3A_28 = arith.cmpi slt, %add3A_26, %lt3A_27 : vector<1024x1xi32>
    %convert_element_type3A = arith.extui %lt3A_28 : vector<1024x1xi1> to vector<1024x1xi32>
    %convert_element_type3A_29 = arith.sitofp %convert_element_type3A : vector<1024x1xi32> to vector<1024x1xf32>
    %mul3A_30 = vector.broadcast %convert_element_type3A_29 : vector<1024x1xf32> to vector<1024x16xf32>
    %mul3A_31 = arith.mulf %max3A_22, %mul3A_30 : vector<1024x16xf32>
    %reduce_sum3A = arith.constant dense<0.000000e+00> : vector<16xf32>
    %reduce_sum3A_32 = vector.multi_reduction <add>, %mul3A_31, %reduce_sum3A [0] : vector<1024x16xf32> to vector<16xf32>
    %broadcast_in_dim3A = vector.shape_cast %reduce_sum3A_32 : vector<16xf32> to vector<1x16xf32>
    %swap3A = arith.constant 0 : index
    %swap3A_33 = arith.constant 0 : index
    %swap3A_34 = arith.constant 0 : index
    %swap3A_35 = vector.load %arg6[%swap3A, %swap3A_33, %swap3A_34] : memref<1x1x16xf32, #tpu.memory_space<vmem>>, vector<1x1x16xf32>
    %swap3A_36 = vector.shape_cast %swap3A_35 : vector<1x1x16xf32> to vector<1x16xf32>
    %swap3A_37 = vector.shape_cast %broadcast_in_dim3A : vector<1x16xf32> to vector<1x1x16xf32>
    tpu.vector_store %arg6[%swap3A, %swap3A_33, %swap3A_34], %swap3A_37 {strides = array<i32>} : memref<1x1x16xf32, #tpu.memory_space<vmem>>, vector<1x1x16xf32>,
    return
  }
  func.func @transform_0(%arg0: i32) -> (i32, i32) {
    %c0_i32 = arith.constant 0 : i32
    %c0_i32_0 = arith.constant 0 : i32
    return %arg0, %c0_i32 : i32, i32
  }
  func.func @transform_1(%arg0: i32) -> (i32, i32) {
    %c0_i32 = arith.constant 0 : i32
    %c0_i32_0 = arith.constant 0 : i32
    %c0_i32_1 = arith.constant 0 : i32
    return %c0_i32, %c0_i32_0 : i32, i32
  }
  func.func @transform_2(%arg0: i32) -> (i32, i32) {
    %c0_i32 = arith.constant 0 : i32
    %c0_i32_0 = arith.constant 0 : i32
    %c0_i32_1 = arith.constant 0 : i32
    return %c0_i32, %c0_i32_0 : i32, i32
  }
  func.func @transform_3(%arg0: i32) -> (i32, i32) {
    %c0_i32 = arith.constant 0 : i32
    %c0_i32_0 = arith.constant 0 : i32
    %c0_i32_1 = arith.constant 0 : i32
    return %c0_i32, %c0_i32_0 : i32, i32
  }
  func.func @transform_4(%arg0: i32) -> (i32, i32) {
    %c0_i32 = arith.constant 0 : i32
    %c0_i32_0 = arith.constant 0 : i32
    %c0_i32_1 = arith.constant 0 : i32
    return %c0_i32, %c0_i32_0 : i32, i32
  }
  func.func @transform_5(%arg0: i32) -> (i32, i32, i32) {
    %c0_i32 = arith.constant 0 : i32
    %c0_i32_0 = arith.constant 0 : i32
    %c0_i32_1 = arith.constant 0 : i32
    return %arg0, %c0_i32, %c0_i32_0 : i32, i32, i32
  }
}

</mosaic_0001>

<sc_bundles>
// kernel: kernel.15.cloned.1.call-start
scs
__scs_entry_jumppad:
0x0: {  	(pc) =	sbr.rel $0x88, $3  }
0x1: {  	(tag) =	ssettag $0x0;
	lr =	simm.s32 $0x1  }
0x2: {  	[smem:$0x3F7F] =	sst lr;
	_ =	strace $0xD0000000  }
0x3: {  	_ = 	snop  }
0x4: {  	_ = 	snop  }
0x5: {  	_ = 	snop  }
0x6: {  	_ = 	snop  }
0x7: {  	_ = 	snop  }
__scs_overlays_trampoline_lowered:
0x8: {  	[smem:$0x3F8E] =	sst s0  }
0x9: {  	[smem:$0x3F8F] =	sst s1  }
0xa: {  	[smem:$0x3F90] =	sst s2  }
0xb: {  	[smem:$0x3F91] =	sst s3  }
0xc: {  	[smem:$0x3F92] =	sst s4  }
0xd: {  	[smem:$0x3F93] =	sst s5  }
0xe: {  	[smem:$0x3F94] =	sst s6  }
0xf: {  	[smem:$0x3F95] =	sst s7  }
0x10: {  	[smem:$0x3F96] =	sst s8  }
0x11: {  	[smem:$0x3F97] =	sst s9;
	s0 =	simm.s32 @!p0 $0x0  }
0x12: {  	s1 =	sld [smem:$0x3F7D];
	s0 =	simm.s32 @p0 $0x1  }
0x13: {  	[smem:$0x3F98] =	sst s0;
	s0 =	simm.s32 @!p1 $0x0  }
0x14: {  	s2 =	sld [smem:$0x3F7C];
	s0 =	simm.s32 @p1 $0x1  }
0x15: {  	[smem:$0x3F99] =	sst s0;
	s0 =	simm.s32 @!p2 $0x0  }
0x16: {  	s3 =	sld [smem:$0x3FDB];
	s0 =	simm.s32 @p2 $0x1  }
0x17: {  	s4 =	simm.s32 $0x1BF5;
	[smem:$0x3F9B] =	sst s0  }
0x18: {  	s0 =	sld [smem:$0x3F7E];
	_ =	swait.ge [sflag:s4], $0x0  }
0x19: {  	s7 =	sld [smem:$0x3F7F]  }
0x1a: {  	s8 =	sadd.s32 $0xFFFFE003, lr  }
0x1b: {  	s9 =	sadd.s32 $0xFFFFFEF7, lr;
	s5 =	simm.s32 $0xFFFFFFFF;
	p2 =	slt.u32 s8, $0xFFFFF086  }
0x1c: {  	p1 =	slt.u32 s9, $0xF7A;
	s5 =	simm.s32 @!p2 $0x0  }
0x1d: {  	s5 =	simm.s32 @p1 $0x1;
	p0 =	seq.s32 s7, s2  }
0x1e: {  	s7 =	smul.u32 @!p0 $0xF7A, s2;
	p2 =	seq.s32 @!p0 s5, $0x0  }
0x1f: {  	s9 =	smul.u32 $0xF7A, s1;
	s8 =	simm.s32 @!p0 $0x1BF5;
	p2 =	por !p2, p0  }
0x20: {  	[sflag:s8] =	ssyncset.s32 @!p0 $0xFFFFF086;
	s6 =	sadd.s32 @!p0 s3, s7;
	s7 =	simm.s32 @!p0 $0x108  }
0x21: {  	s3 =	sadd.s32 s3, s9;
	s6 =	sadd.s32 @!p0 $0x88, s6;
	s7 =	simm.s32 @p2 $0x1082  }
0x22: {  	[simem:s7], [sflag:s8] =	dma.local @!p0 [hbm:s6], $0xF7A  }
0x23: {  	s9 =	sor.u32 $0xD0000000, s2;
	s6 =	simm.s32 $0x108;
	_ =	swait.ge @!p0 [sflag:s8], $0x0  }
0x24: {  	s3 =	sadd.s32 $0x88, s3;
	s6 =	simm.s32 @!p1 $0x1082;
	[sflag:s4] =	ssyncset.s32 $0xFFFFF086  }
0x25: {  	[simem:s6], [sflag:s4] =	dma.local [hbm:s3], $0xF7A  }
0x26: {  	[smem:$0x3F7F] =	sst s1;
	(tag) =	ssettag s2;
	_ =	strace s9  }
0x27: {  	s1 =	sld [smem:$0x3F8F]  }
0x28: {  	s2 =	sld [smem:$0x3F90]  }
0x29: {  	s4 =	sld [smem:$0x3F92]  }
0x2a: {  	p0 =	seq.s32 s5, $0x0;
	s5 =	sld [smem:$0x3F93]  }
0x2b: {  	s6 =	sld [smem:$0x3F94]  }
0x2c: {  	s7 =	sld [smem:$0x3F95]  }
0x2d: {  	s3 =	simm.s32 $0x108;
	s8 =	sld [smem:$0x3F96]  }
0x2e: {  	s3 =	simm.s32 @!p0 $0x1082;
	s9 =	sld [smem:$0x3F97]  }
0x2f: {  	lr =	sadd.s32 s0, s3;
	s0 =	sld [smem:$0x3F8E]  }
0x30: {  	s3 =	sld [smem:$0x3F91]  }
0x31: {  	[smem:$0x3F9A] =	sst s10  }
0x32: {  	s10 =	sld [smem:$0x3F98];
	_ =	sdelay $0x3  }
0x33: {  	p0 =	seq.s32 s10, $0x1;
	s10 =	sld [smem:$0x3F9A];
	_ =	sdelay $0x3  }
0x34: {  	[smem:$0x3F9A] =	sst s10  }
0x35: {  	s10 =	sld [smem:$0x3F99];
	_ =	sdelay $0x3  }
0x36: {  	p1 =	seq.s32 s10, $0x1;
	s10 =	sld [smem:$0x3F9A];
	_ =	sdelay $0x3  }
0x37: {  	[smem:$0x3F9A] =	sst s10  }
0x38: {  	s10 =	sld [smem:$0x3F9B]  }
0x39: {  	_ = 	snop;
	(pc) =	sbr.ind lr, $3  }
0x3a: {  	_ = 	snop  }
0x3b: {  	_ = 	snop  }
0x3c: {  	p2 =	seq.s32 s10, $0x1;
	s10 =	sld [smem:$0x3F9A]  }
0x3d: {  	_ =	shalt  }
0x3e: {  	_ =	shalt  }
0x3f: {  	_ =	shalt  }
0x40: {  	_ =	shalt  }
0x41: {  	_ =	shalt  }
0x42: {  	_ =	shalt  }
0x43: {  	_ =	shalt  }
0x44: {  	_ =	shalt  }
0x45: {  	_ =	shalt  }
0x46: {  	_ =	shalt  }
0x47: {  	_ =	shalt  }
0x48: {  	_ =	shalt  }
0x49: {  	_ =	shalt  }
0x4a: {  	_ =	shalt  }
0x4b: {  	_ =	shalt  }
0x4c: {  	_ =	shalt  }
0x4d: {  	_ =	shalt  }
0x4e: {  	_ =	shalt  }
0x4f: {  	_ =	shalt  }
0x50: {  	_ =	shalt  }
0x51: {  	_ =	shalt  }
0x52: {  	_ =	shalt  }
0x53: {  	_ =	shalt  }
0x54: {  	_ =	shalt  }
0x55: {  	_ =	shalt  }
0x56: {  	_ =	shalt  }
0x57: {  	_ =	shalt  }
0x58: {  	_ =	shalt  }
0x59: {  	_ =	shalt  }
0x5a: {  	_ =	shalt  }
0x5b: {  	_ =	shalt  }
0x5c: {  	_ =	shalt  }
0x5d: {  	_ =	shalt  }
0x5e: {  	_ =	shalt  }
0x5f: {  	_ =	shalt  }
0x60: {  	_ =	shalt  }
0x61: {  	_ =	shalt  }
0x62: {  	_ =	shalt  }
0x63: {  	_ =	shalt  }
0x64: {  	_ =	shalt  }
0x65: {  	_ =	shalt  }
0x66: {  	_ =	shalt  }
0x67: {  	_ =	shalt  }
0x68: {  	_ =	shalt  }
0x69: {  	_ =	shalt  }
0x6a: {  	_ =	shalt  }
0x6b: {  	_ =	shalt  }
0x6c: {  	_ =	shalt  }
0x6d: {  	_ =	shalt  }
0x6e: {  	_ =	shalt  }
0x6f: {  	_ =	shalt  }
0x70: {  	_ =	shalt  }
0x71: {  	_ =	shalt  }
0x72: {  	_ =	shalt  }
0x73: {  	_ =	shalt  }
0x74: {  	_ =	shalt  }
0x75: {  	_ =	shalt  }
0x76: {  	_ =	shalt  }
0x77: {  	_ =	shalt  }
0x78: {  	_ =	shalt  }
0x79: {  	_ =	shalt  }
0x7a: {  	_ =	shalt  }
0x7b: {  	_ =	shalt  }
0x7c: {  	_ =	shalt  }
0x7d: {  	_ =	shalt  }
0x7e: {  	_ =	shalt  }
0x7f: {  	_ =	shalt  }
0x80: {  	_ =	shalt  }
0x81: {  	_ =	shalt  }
0x82: {  	_ =	shalt  }
0x83: {  	_ =	shalt  }
0x84: {  	_ =	shalt  }
0x85: {  	_ =	shalt  }
0x86: {  	_ =	shalt  }
0x87: {  	_ =	shalt  }
.Lfunc_end0:
.L_simem_size_0:
called_computation_lowered:
.L_overlay_start_0:
0x88: {  	s2 =	sld [smem:$0x3FD9]  }
0x89: {  	s3 =	sld [smem:$0x3FFE];
	_ =	sdelay $0x1  }
0x8a: {  	s1 =	srdreg.scid  }
0x8b: {  	s0 =	sand.u32 $0x1, s1  }
0x8c: {  	s16 =	sshll.u32 s0, $0xA;
	s2 =	sadd.s32 s3, s2  }
0x8d: {  	s2 =	sadd.s32 s2, s16  }
0x8e: {  	[smem:$0x3FA6] =	sst s2  }
0x8f: {  	_ = 	snop  }
0x90: {  	(tm) =	ssettm $0x1  }
0x91: {  	s17 =	sld [smem:$0x3FFB];
	_ =	sdelay $0x3  }
0x92: {  	_ =	strace s17  }
0x93: {  	s2 =	sld [smem:$0x3FFC];
	_ =	sdelay $0x3  }
0x94: {  	_ =	strace s2  }
0x95: {  	s2 =	sld [smem:$0x3FFD];
	_ =	sdelay $0x3  }
0x96: {  	_ =	strace s2  }
0x97: {  	_ =	strace $0x8FFFFFFF  }
0x98: {  	s18 =	sld [smem:$0x3FDB];
	_ =	sdelay $0x1  }
0x99: {  	s19 =	simm.s32 $_scs_section_size  }
0x9a: {  	s4 =	simm.s32 $_size__tile_overlayer_lowered;
	s5 =	simm.s32 $_tile_overlayer_lowered  }
0x9b: {  	s22 =	simm.s32 $0x1BFF;
	s21 =	sshll.u32 s5, $0x1;
	s2 =	sadd.s32 s19, s18  }
0x9c: {  	s6 =	simm.s32 $0x0;
	s20 =	sshll.u32 s4, $0x1;
	s4 =	sadd.s32 s21, s2  }
0x9d: {  	[timem:s6], [sflag:s22] =	dma.local [hbm:s4], s20  }
0x9e: {  	_ =	swait.ge [sflag:s22], s20  }
0x9f: {  	s3 =	ssub.s32 $0x0, s20;
	[sflag:s22] =	ssyncset.done $0x0  }
0xa0: {  	[sflag:s22] =	ssyncadd.s32 s3;
	_ =	sdelay $0x1  }
0xa1: {  	s23 =	simm.s32 $0x1B8B  }
0xa2: {  	_ =	swait.ge [sflag:s23], $0x1  }
0xa3: {  	[sflag:s23] =	ssyncset.done $0x0  }
0xa4: {  	s25 =	simm.s32 $0x1B8E;
	s24 =	sld [smem:$0x3FFE];
	[sflag:s23] =	ssyncadd.s32 $0xFFFFFFFF  }
0xa5: {  	s26 =	simm.s32 $execute0_lowered;
	[smem:$0x3FD2] =	sst s25  }
0xa6: {  	s4 =	sshll.u32 s26, $0x1;
	_ =	strace $0x80000046;
	[dreg:$0x1] =	wrdreg $0xFFFFFFFF  }
0xa7: {  	s28 =	simm.s32 $_size_execute0_lowered;
	s2 =	sadd.s32 s2, s4;
	[dreg:$0x0] =	wrdreg $0x0  }
0xa8: {  	s4 =	sshll.u32 s28, $0x1;
	[dreg:$0x2] =	wrdreg s2  }
0xa9: {  	[dreg:$0x3] =	wrdreg s4  }
0xaa: {  	[dreg:$0x4] =	wrdreg $0xC0  }
0xab: {  	_ =	task [dreg:s6], $0x5FFFF  }
0xac: {  	[dreg:$0x1] =	wrdreg $0xFFFFFFFF  }
0xad: {  	[dreg:$0x0] =	wrdreg $0x60  }
0xae: {  	[dreg:$0x2] =	wrdreg s24  }
0xaf: {  	[dreg:$0x3] =	wrdreg $0x0  }
0xb0: {  	[dreg:$0x4] =	wrdreg $0x9  }
0xb1: {  	_ =	task.clear_ibuf [dreg:s6], $0x5FFFF;
	_ =	strace $0x90000046  }
0xb2: {  	s29 =	simm.s32 $0x9;
	_ =	strace $0x80000048  }
0xb3: {  	_ =	swait.ge [sflag:s29], $0x1  }
0xb4: {  	[sflag:s29] =	ssyncadd.s32 $0xFFFFFFFF  }
0xb5: {  	_ =	strace $0x90000048  }
0xb6: {  	_ =	sfence  }
0xb7: {  	s30 =	sld [smem:$0x0];
	_ =	sdelay $0x2  }
0xb8: {  	s31 =	sshll.u32 s1, $0xD;
	s1 =	sshrl.u32 s1, $0x2  }
0xb9: {  	s3 =	sand.u32 $0x4000, s31;
	s1 =	sadd.s32 s1, s30  }
0xba: {  	s0 =	sor.u32 s3, s0;
	s1 =	sshll.u32 s1, $0x11  }
0xbb: {  	s0 =	sor.u32 s1, s0  }
0xbc: {  	s0 =	sadd.s32 $0x8F2B, s0  }
0xbd: {  	[sflag:s0] =	ssyncadd.remote.s32 $0x1  }
0xbe: {  	_ =	sfence.sel $0xFFFF  }
0xbf: {  	[dreg:$0x0] =	wrdreg $0xFFFFFFFF;
	(pc) =	sbr.abs _section_cstart, $3  }
0xc0: {  	[dreg:$0x1] =	wrdreg $0xFFFFFFFF  }
0xc1: {  	_ =	task.clear_ibuf [dreg:s6], $0x2FFFF;
	_ =	strace $0x9FFFFFFF  }
0xc2: {  	(tm) =	ssettm $0x7FFFFFFF  }
0xc3: {  	_ =	shalt  }
tec
execute0_lowered:
.L_overlay_start_1:
0x0: {  	(tag) =	ssettag $0x1  }
0x1: {  	s0 =	rddreg [dreg:$0x0]  }
0x2: {  	s1 =	rddreg [dreg:$0x1];
	s13 =	stileid.u32  }
0x3: {  	s3 =	simm.s32 $0x0;
	s2 =	srdreg.scid;
	s4 =	smul.u32 $0x6400, s13  }
0x4: {  	[smem:$0x7FF] =	sst s3;
	s7 =	smul.u32 $0x1900, s13  }
0x5: {  	s2 =	sand.u32 $0x1, s2;
	s5 =	sadd.s32 $0x2C00, s0;
	s13 =	smul.u32 $0x30D40, s13  }
0x6: {  	s0 =	sadd.s32 $0x189800, s0;
	s6 =	ssub.s32 $0x2, s2;
	s9 =	smul.u32 $0x19000, s2  }
0x7: {  	_ =	strace $0x80000047;
	s2 =	smul.u32 $0x30D400, s2;
	s8 =	sshrl.u32 s6, $0x1  }
0x8: {  	s4 =	sshrl.u32 s4, $0x2;
	s19 =	sadd.s32 s7, s1;
	s10 =	sadd.s32 $0x320, s7  }
0x9: {  	s11 =	sadd.s32 $0x960, s7;
	s15 =	sadd.s32 $0xFA0, s7;
	s6 =	ssub.s32 s6, s8  }
0xa: {  	s4 =	sadd.s32 s4, s1;
	[dreg:$0x3] =	wrdreg s19;
	s20 =	sadd.s32 s9, s7  }
0xb: {  	s22 =	sadd.s32 s9, s10;
	s8 =	sadd.s32 $0x640, s7;
	s12 =	sadd.s32 s9, s11  }
0xc: {  	s19 =	sadd.s32 s9, s15;
	s2 =	sadd.s32 s13, s2;
	s6 =	smax.u32 s6, $0x1  }
0xd: {  	s21 =	sshrl.u32 s20, $0x3;
	s23 =	sshrl.u32 s22, $0x3;
	s24 =	sadd.s32 s9, s8  }
0xe: {  	s22 =	sadd.s32 $0xC80, s7;
	s25 =	sshrl.u32 s12, $0x3;
	s18 =	sadd.s32 $0x640, s4  }
0xf: {  	s28 =	sadd.s32 $0xC80, s4;
	s29 =	sadd.s32 $0xFA0, s4;
	s30 =	sadd.s32 $0x12C0, s4  }
0x10: {  	s31 =	sadd.s32 $0x15E0, s4;
	[dreg:$0x4] =	wrdreg s6;
	s6 =	sadd.s32 s0, s21  }
0x11: {  	s26 =	sadd.s32 s9, s22;
	s22 =	sadd.s32 s22, s1;
	[dreg:$0x5] =	wrdreg s6  }
0x12: {  	s6 =	sadd.s32 s0, s23;
	s14 =	sshrl.u32 s26, $0x3;
	s23 =	sadd.s32 $0x2710, s2  }
0x13: {  	s2 =	sshrl.u32 s2, $0x3;
	s26 =	sadd.s32 $0x320, s4;
	[dreg:$0x6] =	wrdreg s6  }
0x14: {  	s6 =	sshrl.u32 s24, $0x3;
	s24 =	sadd.s32 $0x12C0, s7;
	s7 =	sadd.s32 $0x15E0, s7  }
0x15: {  	[dreg:$0xd] =	wrdreg s26;
	s17 =	sadd.s32 s2, s5;
	s26 =	sadd.s32 $0x960, s4  }
0x16: {  	s2 =	simm.s32 $0x3;
	s6 =	sadd.s32 s0, s6;
	s20 =	sadd.s32 s9, s24  }
0x17: {  	s9 =	sadd.s32 s9, s7;
	s24 =	sadd.s32 s24, s1;
	[dreg:$0x7] =	wrdreg s6  }
0x18: {  	s6 =	sadd.s32 s0, s25;
	s21 =	sshrl.u32 s9, $0x3;
	s25 =	sshrl.u32 s23, $0x3  }
0x19: {  	s23 =	sadd.s32 s15, s1;
	s9 =	simm.s32 $0x2;
	[dreg:$0x8] =	wrdreg s6  }
0x1a: {  	s6 =	sadd.s32 s0, s14;
	s16 =	sadd.s32 s25, s5;
	s25 =	sadd.s32 s7, s1  }
0x1b: {  	s5 =	simm.s32 $0x1900;
	[dreg:$0x9] =	wrdreg s6;
	s6 =	sshrl.u32 s19, $0x3  }
0x1c: {  	s7 =	simm.s32 $0x4080;
	s19 =	sadd.s32 s10, s1;
	s6 =	sadd.s32 s0, s6  }
0x1d: {  	s10 =	simm.s32 $0x0;
	[dreg:$0xa] =	wrdreg s6;
	s6 =	sshrl.u32 s20, $0x3  }
0x1e: {  	s20 =	sadd.s32 s8, s1;
	s8 =	simm.s32 $0x1;
	s6 =	sadd.s32 s0, s6  }
0x1f: {  	s0 =	sadd.s32 s0, s21;
	s21 =	sadd.s32 s11, s1;
	[dreg:$0xb] =	wrdreg s6  }
0x20: {  	v0 =	vimm.f32 $0.0e+00;
	v1 =	vimm.f32 $1.000000000e+00;
	[dreg:$0xc] =	wrdreg s0;
	s0 =	simm.s32 $0x6800;
	s6 =	simm.s32 $0x2710  }
.LBB2_1:
0x21: {  	s11 =	simm.s32 $0x40;
	s12 =	simm.s32 $0x0  }
.LBB2_2:
0x22: {  	p0 =	sne.s32 s11, $0x9C00;
	[tilespmem:s12+$0x6800] =	vst v0;
	s12 =	smov.u32 s11;
	s11 =	sadd.s32 $0x40, s11  }
.Ltmp0:
0x23: {  	(pc) =	sbr.rel @p0 .LBB2_2-.Ltmp0, $2  }
0x24: {  	_ =	sdelay $0x2  }
0x25: {  	s12 =	sshra.s32 s12, $0x2  }
0x26: {  	[tilespmem:s12+$0x6800] =	vst v0  }
0x27: {  	[spmem:s4] =	stream.linear.scatter [tilespmem:s0], [sflag:$0x3], $0x320, $0x38;
	[tilespmem:$0x8F80] =	vst v63  }
0x28: {  	_ =	swait.ge [sflag:s2], $0x320  }
0x29: {  	[sflag:s2] =	ssyncset.done $0x0  }
0x2a: {  	s11 =	rddreg [dreg:$0xd];
	[sflag:s2] =	ssyncadd.s32 $0xFFFFFCE0  }
0x2b: {  	[spmem:s11] =	stream.linear.scatter [tilespmem:s0], [sflag:$0x3], $0x320, $0x38;
	[tilespmem:$0x8F80] =	vst v63  }
0x2c: {  	_ =	swait.ge [sflag:s2], $0x320  }
0x2d: {  	[sflag:s2] =	ssyncset.done $0x0  }
0x2e: {  	[sflag:s2] =	ssyncadd.s32 $0xFFFFFCE0  }
0x2f: {  	[spmem:s18] =	stream.linear.scatter [tilespmem:s0], [sflag:$0x3], $0x320, $0x38;
	[tilespmem:$0x8F80] =	vst v63  }
0x30: {  	_ =	swait.ge [sflag:s2], $0x320  }
0x31: {  	[sflag:s2] =	ssyncset.done $0x0  }
0x32: {  	[sflag:s2] =	ssyncadd.s32 $0xFFFFFCE0  }
0x33: {  	[spmem:s26] =	stream.linear.scatter [tilespmem:s0], [sflag:$0x3], $0x320, $0x38;
	[tilespmem:$0x8F80] =	vst v63  }
0x34: {  	_ =	swait.ge [sflag:s2], $0x320  }
0x35: {  	[sflag:s2] =	ssyncset.done $0x0  }
0x36: {  	[sflag:s2] =	ssyncadd.s32 $0xFFFFFCE0  }
0x37: {  	[spmem:s28] =	stream.linear.scatter [tilespmem:s0], [sflag:$0x3], $0x320, $0x38;
	[tilespmem:$0x8F80] =	vst v63  }
0x38: {  	_ =	swait.ge [sflag:s2], $0x320  }
0x39: {  	[sflag:s2] =	ssyncset.done $0x0  }
0x3a: {  	[sflag:s2] =	ssyncadd.s32 $0xFFFFFCE0  }
0x3b: {  	[spmem:s29] =	stream.linear.scatter [tilespmem:s0], [sflag:$0x3], $0x320, $0x38;
	[tilespmem:$0x8F80] =	vst v63  }
0x3c: {  	_ =	swait.ge [sflag:s2], $0x320  }
0x3d: {  	[sflag:s2] =	ssyncset.done $0x0  }
0x3e: {  	[sflag:s2] =	ssyncadd.s32 $0xFFFFFCE0  }
0x3f: {  	[spmem:s30] =	stream.linear.scatter [tilespmem:s0], [sflag:$0x3], $0x320, $0x38;
	[tilespmem:$0x8F80] =	vst v63  }
0x40: {  	_ =	swait.ge [sflag:s2], $0x320  }
0x41: {  	[sflag:s2] =	ssyncset.done $0x0  }
0x42: {  	[sflag:s2] =	ssyncadd.s32 $0xFFFFFCE0  }
0x43: {  	[spmem:s31] =	stream.linear.scatter [tilespmem:s0], [sflag:$0x3], $0x320, $0x38;
	[tilespmem:$0x8F80] =	vst v63  }
0x44: {  	_ =	swait.ge [sflag:s2], $0x320  }
0x45: {  	[sflag:s2] =	ssyncset.done $0x0  }
0x46: {  	s12 =	simm.s32 $0x0;
	s11 =	simm.s32 $0x40;
	[sflag:s2] =	ssyncadd.s32 $0xFFFFFCE0  }
.LBB2_4:
0x47: {  	p0 =	sne.s32 s11, $0x9C00;
	[tilespmem:s12+$0x6800] =	vst v1;
	s12 =	smov.u32 s11;
	s11 =	sadd.s32 $0x40, s11  }
.Ltmp1:
0x48: {  	(pc) =	sbr.rel @p0 .LBB2_4-.Ltmp1, $2  }
0x49: {  	_ =	sdelay $0x2  }
0x4a: {  	s12 =	sshra.s32 s12, $0x2  }
0x4b: {  	[tilespmem:s12+$0x6800] =	vst v1  }
0x4c: {  	s11 =	sadd.s32 $0x0, s17;
	[bflag:$0x0] =	sbarrier.arrive $0xFFFF  }
0x4d: {  	[tilespmem:s5], [sflag:$0x3] =	stream.linear.gather [hbm4b:s11+s3], $0x2710, $0x38;
	[tilespmem:$0x8F80] =	vst v63  }
0x4e: {  	_ =	swait.ge [sflag:s2], $0x2710  }
0x4f: {  	[sflag:s2] =	ssyncset.done $0x0  }
0x50: {  	[sflag:s2] =	ssyncadd.s32 $0xFFFFD8F0  }
0x51: {  	[spmem:s1] =	stream.indirect.scatter.add.f32 [tilespmem:s0], [sflag:$0x1], $0x1, s5, s6, $0xb8;
	[tilespmem:$0x8F80] =	vst v63  }
0x52: {  	s15 =	sadd.s32 $0x0, s16  }
0x53: {  	[tilespmem:s7], [sflag:$0x3] =	stream.linear.gather [hbm4b:s15+s3], $0x2710, $0x38;
	[tilespmem:$0x8F80] =	vst v63  }
0x54: {  	_ =	swait.ge [sflag:s2], $0x2710  }
0x55: {  	[sflag:s2] =	ssyncset.done $0x0  }
0x56: {  	[sflag:s2] =	ssyncadd.s32 $0xFFFFD8F0  }
0x57: {  	[spmem:s1] =	stream.indirect.scatter.add.f32 [tilespmem:s0], [sflag:$0x2], $0x1, s7, s6, $0xb8;
	[tilespmem:$0x8F80] =	vst v63  }
0x58: {  	_ =	swait.ge [sflag:s8], $0x2710  }
0x59: {  	[sflag:s8] =	ssyncset.done $0x0  }
0x5a: {  	[sflag:s8] =	ssyncadd.s32 $0xFFFFD8F0  }
0x5b: {  	_ =	swait.ge [sflag:s9], $0x2710  }
0x5c: {  	s12 =	simm.s32 $0x1388;
	s11 =	simm.s32 $0x9C4;
	[sflag:s9] =	ssyncset.done $0x0  }
.LBB2_6:
0x5d: {  	s13 =	sadd.s32 s11, s17  }
0x5e: {  	[sflag:s9] =	ssyncadd.s32 $0xFFFFD8F0;
	s14 =	smov.u32 s12;
	s15 =	sadd.s32 $0x9C4, s12  }
0x5f: {  	[tilespmem:s5], [sflag:$0x3] =	stream.linear.gather [hbm4b:s13+s3], $0x2710, $0x38;
	[tilespmem:$0x8F80] =	vst v63  }
0x60: {  	p0 =	sne.s32 s12, $0x57E4;
	_ =	swait.ge [sflag:s2], $0x2710  }
0x61: {  	[sflag:s2] =	ssyncset.done $0x0  }
0x62: {  	[sflag:s2] =	ssyncadd.s32 $0xFFFFD8F0  }
0x63: {  	[spmem:s1] =	stream.indirect.scatter.add.f32 [tilespmem:s0], [sflag:$0x1], $0x1, s5, s6, $0xb8;
	[tilespmem:$0x8F80] =	vst v63  }
0x64: {  	s12 =	sadd.s32 s11, s16;
	s11 =	smov.u32 s14  }
0x65: {  	[tilespmem:s7], [sflag:$0x3] =	stream.linear.gather [hbm4b:s12+s3], $0x2710, $0x38;
	[tilespmem:$0x8F80] =	vst v63  }
0x66: {  	_ =	swait.ge [sflag:s2], $0x2710  }
0x67: {  	[sflag:s2] =	ssyncset.done $0x0  }
0x68: {  	[sflag:s2] =	ssyncadd.s32 $0xFFFFD8F0  }
0x69: {  	[spmem:s1] =	stream.indirect.scatter.add.f32 [tilespmem:s0], [sflag:$0x2], $0x1, s7, s6, $0xb8;
	[tilespmem:$0x8F80] =	vst v63  }
.Ltmp2:
0x6a: {  	_ =	swait.ge [sflag:s8], $0x2710;
	(pc) =	sbr.rel @p0 .LBB2_6-.Ltmp2, $4  }
0x6b: {  	[sflag:s8] =	ssyncset.done $0x0  }
0x6c: {  	[sflag:s8] =	ssyncadd.s32 $0xFFFFD8F0  }
0x6d: {  	_ =	swait.ge [sflag:s9], $0x2710  }
0x6e: {  	s12 =	smov.u32 s15;
	[sflag:s9] =	ssyncset.done $0x0  }
0x6f: {  	s12 =	sadd.s32 s11, s17;
	[sflag:s9] =	ssyncadd.s32 $0xFFFFD8F0  }
0x70: {  	[tilespmem:s5], [sflag:$0x3] =	stream.linear.gather [hbm4b:s12+s3], $0x2710, $0x38;
	[tilespmem:$0x8F80] =	vst v63  }
0x71: {  	_ =	swait.ge [sflag:s2], $0x2710  }
0x72: {  	[sflag:s2] =	ssyncset.done $0x0  }
0x73: {  	[sflag:s2] =	ssyncadd.s32 $0xFFFFD8F0  }
0x74: {  	[spmem:s1] =	stream.indirect.scatter.add.f32 [tilespmem:s0], [sflag:$0x1], $0x1, s5, s6, $0xb8;
	[tilespmem:$0x8F80] =	vst v63  }
0x75: {  	s13 =	sadd.s32 s11, s16  }
0x76: {  	[tilespmem:s7], [sflag:$0x3] =	stream.linear.gather [hbm4b:s13+s3], $0x2710, $0x38;
	[tilespmem:$0x8F80] =	vst v63  }
0x77: {  	_ =	swait.ge [sflag:s2], $0x2710  }
0x78: {  	[sflag:s2] =	ssyncset.done $0x0  }
0x79: {  	[sflag:s2] =	ssyncadd.s32 $0xFFFFD8F0  }
0x7a: {  	[spmem:s1] =	stream.indirect.scatter.add.f32 [tilespmem:s0], [sflag:$0x2], $0x1, s7, s6, $0xb8;
	[tilespmem:$0x8F80] =	vst v63  }
0x7b: {  	_ =	swait.ge [sflag:s8], $0x2710  }
0x7c: {  	[sflag:s8] =	ssyncset.done $0x0  }
0x7d: {  	[sflag:s8] =	ssyncadd.s32 $0xFFFFD8F0  }
0x7e: {  	_ =	swait.ge [sflag:s9], $0x2710  }
0x7f: {  	[sflag:s9] =	ssyncset.done $0x0  }
0x80: {  	[sflag:s9] =	ssyncadd.s32 $0xFFFFD8F0  }
0x81: {  	[bflag:$0x0] =	sbarrier.arrive $0xFFFF  }
0x82: {  	s14 =	rddreg [dreg:$0x3]  }
0x83: {  	[tilespmem:s0], [sflag:$0x3] =	stream.linear.gather [spmem:s14], $0x320, $0x38;
	[tilespmem:$0x8F80] =	vst v63  }
0x84: {  	_ =	swait.ge [sflag:s2], $0x320  }
0x85: {  	[sflag:s2] =	ssyncset.done $0x0  }
0x86: {  	s15 =	rddreg [dreg:$0x5];
	[sflag:s2] =	ssyncadd.s32 $0xFFFFFCE0  }
0x87: {  	[hbm4b:s15+s3] =	stream.linear.scatter [tilespmem:s0], [sflag:$0x3], $0x320, $0x38;
	[tilespmem:$0x8F80] =	vst v63  }
0x88: {  	_ =	swait.ge [sflag:s2], $0x320  }
0x89: {  	[sflag:s2] =	ssyncset.done $0x0  }
0x8a: {  	[sflag:s2] =	ssyncadd.s32 $0xFFFFFCE0  }
0x8b: {  	[tilespmem:s0], [sflag:$0x3] =	stream.linear.gather [spmem:s19], $0x320, $0x38;
	[tilespmem:$0x8F80] =	vst v63  }
0x8c: {  	_ =	swait.ge [sflag:s2], $0x320  }
0x8d: {  	[sflag:s2] =	ssyncset.done $0x0  }
0x8e: {  	s12 =	rddreg [dreg:$0x6];
	[sflag:s2] =	ssyncadd.s32 $0xFFFFFCE0  }
0x8f: {  	[hbm4b:s12+s3] =	stream.linear.scatter [tilespmem:s0], [sflag:$0x3], $0x320, $0x38;
	[tilespmem:$0x8F80] =	vst v63  }
0x90: {  	_ =	swait.ge [sflag:s2], $0x320  }
0x91: {  	[sflag:s2] =	ssyncset.done $0x0  }
0x92: {  	[sflag:s2] =	ssyncadd.s32 $0xFFFFFCE0  }
0x93: {  	[tilespmem:s0], [sflag:$0x3] =	stream.linear.gather [spmem:s20], $0x320, $0x38;
	[tilespmem:$0x8F80] =	vst v63  }
0x94: {  	_ =	swait.ge [sflag:s2], $0x320  }
0x95: {  	[sflag:s2] =	ssyncset.done $0x0  }
0x96: {  	s13 =	rddreg [dreg:$0x7];
	[sflag:s2] =	ssyncadd.s32 $0xFFFFFCE0  }
0x97: {  	[hbm4b:s13+s3] =	stream.linear.scatter [tilespmem:s0], [sflag:$0x3], $0x320, $0x38;
	[tilespmem:$0x8F80] =	vst v63  }
0x98: {  	_ =	swait.ge [sflag:s2], $0x320  }
0x99: {  	[sflag:s2] =	ssyncset.done $0x0  }
0x9a: {  	[sflag:s2] =	ssyncadd.s32 $0xFFFFFCE0  }
0x9b: {  	[tilespmem:s0], [sflag:$0x3] =	stream.linear.gather [spmem:s21], $0x320, $0x38;
	[tilespmem:$0x8F80] =	vst v63  }
0x9c: {  	_ =	swait.ge [sflag:s2], $0x320  }
0x9d: {  	[sflag:s2] =	ssyncset.done $0x0  }
0x9e: {  	s14 =	rddreg [dreg:$0x8];
	[sflag:s2] =	ssyncadd.s32 $0xFFFFFCE0  }
0x9f: {  	[hbm4b:s14+s3] =	stream.linear.scatter [tilespmem:s0], [sflag:$0x3], $0x320, $0x38;
	[tilespmem:$0x8F80] =	vst v63  }
0xa0: {  	_ =	swait.ge [sflag:s2], $0x320  }
0xa1: {  	[sflag:s2] =	ssyncset.done $0x0  }
0xa2: {  	[sflag:s2] =	ssyncadd.s32 $0xFFFFFCE0  }
0xa3: {  	[tilespmem:s0], [sflag:$0x3] =	stream.linear.gather [spmem:s22], $0x320, $0x38;
	[tilespmem:$0x8F80] =	vst v63  }
0xa4: {  	_ =	swait.ge [sflag:s2], $0x320  }
0xa5: {  	[sflag:s2] =	ssyncset.done $0x0  }
0xa6: {  	s15 =	rddreg [dreg:$0x9];
	[sflag:s2] =	ssyncadd.s32 $0xFFFFFCE0  }
0xa7: {  	[hbm4b:s15+s3] =	stream.linear.scatter [tilespmem:s0], [sflag:$0x3], $0x320, $0x38;
	[tilespmem:$0x8F80] =	vst v63  }
0xa8: {  	_ =	swait.ge [sflag:s2], $0x320  }
0xa9: {  	[sflag:s2] =	ssyncset.done $0x0  }
0xaa: {  	[sflag:s2] =	ssyncadd.s32 $0xFFFFFCE0  }
0xab: {  	[tilespmem:s0], [sflag:$0x3] =	stream.linear.gather [spmem:s23], $0x320, $0x38;
	[tilespmem:$0x8F80] =	vst v63  }
0xac: {  	_ =	swait.ge [sflag:s2], $0x320  }
0xad: {  	[sflag:s2] =	ssyncset.done $0x0  }
0xae: {  	s12 =	rddreg [dreg:$0xa];
	[sflag:s2] =	ssyncadd.s32 $0xFFFFFCE0  }
0xaf: {  	[hbm4b:s12+s3] =	stream.linear.scatter [tilespmem:s0], [sflag:$0x3], $0x320, $0x38;
	[tilespmem:$0x8F80] =	vst v63  }
0xb0: {  	_ =	swait.ge [sflag:s2], $0x320  }
0xb1: {  	[sflag:s2] =	ssyncset.done $0x0  }
0xb2: {  	[sflag:s2] =	ssyncadd.s32 $0xFFFFFCE0  }
0xb3: {  	[tilespmem:s0], [sflag:$0x3] =	stream.linear.gather [spmem:s24], $0x320, $0x38;
	[tilespmem:$0x8F80] =	vst v63  }
0xb4: {  	_ =	swait.ge [sflag:s2], $0x320  }
0xb5: {  	[sflag:s2] =	ssyncset.done $0x0  }
0xb6: {  	s13 =	rddreg [dreg:$0xb];
	[sflag:s2] =	ssyncadd.s32 $0xFFFFFCE0  }
0xb7: {  	[hbm4b:s13+s3] =	stream.linear.scatter [tilespmem:s0], [sflag:$0x3], $0x320, $0x38;
	[tilespmem:$0x8F80] =	vst v63  }
0xb8: {  	_ =	swait.ge [sflag:s2], $0x320  }
0xb9: {  	[sflag:s2] =	ssyncset.done $0x0  }
0xba: {  	[sflag:s2] =	ssyncadd.s32 $0xFFFFFCE0  }
0xbb: {  	[tilespmem:s0], [sflag:$0x3] =	stream.linear.gather [spmem:s25], $0x320, $0x38;
	[tilespmem:$0x8F80] =	vst v63  }
0xbc: {  	_ =	swait.ge [sflag:s2], $0x320  }
0xbd: {  	[sflag:s2] =	ssyncset.done $0x0  }
0xbe: {  	s14 =	rddreg [dreg:$0xc];
	[sflag:s2] =	ssyncadd.s32 $0xFFFFFCE0  }
0xbf: {  	[hbm4b:s14+s3] =	stream.linear.scatter [tilespmem:s0], [sflag:$0x3], $0x320, $0x38;
	[tilespmem:$0x8F80] =	vst v63  }
0xc0: {  	_ =	swait.ge [sflag:s2], $0x320  }
0xc1: {  	s10 =	sadd.s32 $0x1, s10;
	s15 =	rddreg [dreg:$0x4]  }
0xc2: {  	p0 =	sne.s32 s10, s15  }
.Ltmp3:
0xc3: {  	_ = 	snop;
	(pc) =	sbr.rel @p0 .LBB2_1-.Ltmp3, $3  }
0xc4: {  	_ =	sdelay $0x1  }
0xc5: {  	[sflag:s2] =	ssyncset.done $0x0  }
0xc6: {  	[sflag:s2] =	ssyncadd.s32 $0xFFFFFCE0  }
0xc7: {  	_ =	sfence.sel $0x180000  }
0xc8: {  	[bflag:$0x0] =	sbarrier.arrive $0xFFFF  }
0xc9: {  	_ =	strace $0x90000047  }
0xca: {  	s0 =	stileid.u32;
	[bflag:$0x2] =	sbarrier.arrive $0xFFFF  }
0xcb: {  	p0 =	sne.s32 s0, $0x0;
	s0 =	rddreg [dreg:$0x2]  }
0xcc: {  	s0 =	sadd.s32 @!p0 $0x100000, s0  }
0xcd: {  	[sflag:s0] =	ssyncadd.tile.s32 @!p0 $0x1;
	_ =	shalt  }
.Lfunc_end2:
_tile_overlayer_lowered:
.L_overlay_start_2:
0xce: {  	(tag) =	ssettag $0x2  }
0xcf: {  	s0 =	rddreg [dreg:$0x0];
	s2 =	stileid.u32  }
0xd0: {  	s1 =	rddreg [dreg:$0x1];
	p0 =	sne.s32 s2, $0x0  }
0xd1: {  	s3 =	rddreg [dreg:$0x2];
	[bflag:$0x3] =	sbarrier.arrive $0xFFFF;
	s2 =	simm.s32 @!p0 $0x1C03  }
0xd2: {  	[timem:s3], [sflag:s2] =	dma.local @!p0 [hbm:s0], s1  }
0xd3: {  	s0 =	simm.s32 @!p0 $0x3  }
0xd4: {  	_ =	swait.ge @!p0 [sflag:s0], s1  }
0xd5: {  	s1 =	ssub.s32 @!p0 $0x0, s1;
	[sflag:s0] =	ssyncset.done @!p0 $0x0  }
0xd6: {  	[sflag:s0] =	ssyncadd.s32 @!p0 s1  }
0xd7: {  	[bflag:$0x3] =	sbarrier.arrive $0xFFFF  }
0xd8: {  	_ =	shalt  }

// kernel: kernel.18.cloned.1.call-start
scs
__scs_entry_jumppad:
0x0: {  	(pc) =	sbr.rel $0x88, $3  }
0x1: {  	(tag) =	ssettag $0x0;
	lr =	simm.s32 $0x1  }
0x2: {  	[smem:$0x3F7F] =	sst lr;
	_ =	strace $0xD0000000  }
0x3: {  	_ = 	snop  }
0x4: {  	_ = 	snop  }
0x5: {  	_ = 	snop  }
0x6: {  	_ = 	snop  }
0x7: {  	_ = 	snop  }
__scs_overlays_trampoline_lowered:
0x8: {  	[smem:$0x3F8E] =	sst s0  }
0x9: {  	[smem:$0x3F8F] =	sst s1  }
0xa: {  	[smem:$0x3F90] =	sst s2  }
0xb: {  	[smem:$0x3F91] =	sst s3  }
0xc: {  	[smem:$0x3F92] =	sst s4  }
0xd: {  	[smem:$0x3F93] =	sst s5  }
0xe: {  	[smem:$0x3F94] =	sst s6  }
0xf: {  	[smem:$0x3F95] =	sst s7  }
0x10: {  	[smem:$0x3F96] =	sst s8  }
0x11: {  	[smem:$0x3F97] =	sst s9;
	s0 =	simm.s32 @!p0 $0x0  }
0x12: {  	s1 =	sld [smem:$0x3F7D];
	s0 =	simm.s32 @p0 $0x1  }
0x13: {  	[smem:$0x3F98] =	sst s0;
	s0 =	simm.s32 @!p1 $0x0  }
0x14: {  	s2 =	sld [smem:$0x3F7C];
	s0 =	simm.s32 @p1 $0x1  }
0x15: {  	[smem:$0x3F99] =	sst s0;
	s0 =	simm.s32 @!p2 $0x0  }
0x16: {  	s3 =	sld [smem:$0x3FDB];
	s0 =	simm.s32 @p2 $0x1  }
0x17: {  	s4 =	simm.s32 $0x1BF5;
	[smem:$0x3F9B] =	sst s0  }
0x18: {  	s0 =	sld [smem:$0x3F7E];
	_ =	swait.ge [sflag:s4], $0x0  }
0x19: {  	s7 =	sld [smem:$0x3F7F]  }
0x1a: {  	s8 =	sadd.s32 $0xFFFFE003, lr  }
0x1b: {  	s9 =	sadd.s32 $0xFFFFFEF7, lr;
	s5 =	simm.s32 $0xFFFFFFFF;
	p2 =	slt.u32 s8, $0xFFFFF086  }
0x1c: {  	p1 =	slt.u32 s9, $0xF7A;
	s5 =	simm.s32 @!p2 $0x0  }
0x1d: {  	s5 =	simm.s32 @p1 $0x1;
	p0 =	seq.s32 s7, s2  }
0x1e: {  	s7 =	smul.u32 @!p0 $0xF7A, s2;
	p2 =	seq.s32 @!p0 s5, $0x0  }
0x1f: {  	s9 =	smul.u32 $0xF7A, s1;
	s8 =	simm.s32 @!p0 $0x1BF5;
	p2 =	por !p2, p0  }
0x20: {  	[sflag:s8] =	ssyncset.s32 @!p0 $0xFFFFF086;
	s6 =	sadd.s32 @!p0 s3, s7;
	s7 =	simm.s32 @!p0 $0x108  }
0x21: {  	s3 =	sadd.s32 s3, s9;
	s6 =	sadd.s32 @!p0 $0x88, s6;
	s7 =	simm.s32 @p2 $0x1082  }
0x22: {  	[simem:s7], [sflag:s8] =	dma.local @!p0 [hbm:s6], $0xF7A  }
0x23: {  	s9 =	sor.u32 $0xD0000000, s2;
	s6 =	simm.s32 $0x108;
	_ =	swait.ge @!p0 [sflag:s8], $0x0  }
0x24: {  	s3 =	sadd.s32 $0x88, s3;
	s6 =	simm.s32 @!p1 $0x1082;
	[sflag:s4] =	ssyncset.s32 $0xFFFFF086  }
0x25: {  	[simem:s6], [sflag:s4] =	dma.local [hbm:s3], $0xF7A  }
0x26: {  	[smem:$0x3F7F] =	sst s1;
	(tag) =	ssettag s2;
	_ =	strace s9  }
0x27: {  	s1 =	sld [smem:$0x3F8F]  }
0x28: {  	s2 =	sld [smem:$0x3F90]  }
0x29: {  	s4 =	sld [smem:$0x3F92]  }
0x2a: {  	p0 =	seq.s32 s5, $0x0;
	s5 =	sld [smem:$0x3F93]  }
0x2b: {  	s6 =	sld [smem:$0x3F94]  }
0x2c: {  	s7 =	sld [smem:$0x3F95]  }
0x2d: {  	s3 =	simm.s32 $0x108;
	s8 =	sld [smem:$0x3F96]  }
0x2e: {  	s3 =	simm.s32 @!p0 $0x1082;
	s9 =	sld [smem:$0x3F97]  }
0x2f: {  	lr =	sadd.s32 s0, s3;
	s0 =	sld [smem:$0x3F8E]  }
0x30: {  	s3 =	sld [smem:$0x3F91]  }
0x31: {  	[smem:$0x3F9A] =	sst s10  }
0x32: {  	s10 =	sld [smem:$0x3F98];
	_ =	sdelay $0x3  }
0x33: {  	p0 =	seq.s32 s10, $0x1;
	s10 =	sld [smem:$0x3F9A];
	_ =	sdelay $0x3  }
0x34: {  	[smem:$0x3F9A] =	sst s10  }
0x35: {  	s10 =	sld [smem:$0x3F99];
	_ =	sdelay $0x3  }
0x36: {  	p1 =	seq.s32 s10, $0x1;
	s10 =	sld [smem:$0x3F9A];
	_ =	sdelay $0x3  }
0x37: {  	[smem:$0x3F9A] =	sst s10  }
0x38: {  	s10 =	sld [smem:$0x3F9B]  }
0x39: {  	_ = 	snop;
	(pc) =	sbr.ind lr, $3  }
0x3a: {  	_ = 	snop  }
0x3b: {  	_ = 	snop  }
0x3c: {  	p2 =	seq.s32 s10, $0x1;
	s10 =	sld [smem:$0x3F9A]  }
0x3d: {  	_ =	shalt  }
0x3e: {  	_ =	shalt  }
0x3f: {  	_ =	shalt  }
0x40: {  	_ =	shalt  }
0x41: {  	_ =	shalt  }
0x42: {  	_ =	shalt  }
0x43: {  	_ =	shalt  }
0x44: {  	_ =	shalt  }
0x45: {  	_ =	shalt  }
0x46: {  	_ =	shalt  }
0x47: {  	_ =	shalt  }
0x48: {  	_ =	shalt  }
0x49: {  	_ =	shalt  }
0x4a: {  	_ =	shalt  }
0x4b: {  	_ =	shalt  }
0x4c: {  	_ =	shalt  }
0x4d: {  	_ =	shalt  }
0x4e: {  	_ =	shalt  }
0x4f: {  	_ =	shalt  }
0x50: {  	_ =	shalt  }
0x51: {  	_ =	shalt  }
0x52: {  	_ =	shalt  }
0x53: {  	_ =	shalt  }
0x54: {  	_ =	shalt  }
0x55: {  	_ =	shalt  }
0x56: {  	_ =	shalt  }
0x57: {  	_ =	shalt  }
0x58: {  	_ =	shalt  }
0x59: {  	_ =	shalt  }
0x5a: {  	_ =	shalt  }
0x5b: {  	_ =	shalt  }
0x5c: {  	_ =	shalt  }
0x5d: {  	_ =	shalt  }
0x5e: {  	_ =	shalt  }
0x5f: {  	_ =	shalt  }
0x60: {  	_ =	shalt  }
0x61: {  	_ =	shalt  }
0x62: {  	_ =	shalt  }
0x63: {  	_ =	shalt  }
0x64: {  	_ =	shalt  }
0x65: {  	_ =	shalt  }
0x66: {  	_ =	shalt  }
0x67: {  	_ =	shalt  }
0x68: {  	_ =	shalt  }
0x69: {  	_ =	shalt  }
0x6a: {  	_ =	shalt  }
0x6b: {  	_ =	shalt  }
0x6c: {  	_ =	shalt  }
0x6d: {  	_ =	shalt  }
0x6e: {  	_ =	shalt  }
0x6f: {  	_ =	shalt  }
0x70: {  	_ =	shalt  }
0x71: {  	_ =	shalt  }
0x72: {  	_ =	shalt  }
0x73: {  	_ =	shalt  }
0x74: {  	_ =	shalt  }
0x75: {  	_ =	shalt  }
0x76: {  	_ =	shalt  }
0x77: {  	_ =	shalt  }
0x78: {  	_ =	shalt  }
0x79: {  	_ =	shalt  }
0x7a: {  	_ =	shalt  }
0x7b: {  	_ =	shalt  }
0x7c: {  	_ =	shalt  }
0x7d: {  	_ =	shalt  }
0x7e: {  	_ =	shalt  }
0x7f: {  	_ =	shalt  }
0x80: {  	_ =	shalt  }
0x81: {  	_ =	shalt  }
0x82: {  	_ =	shalt  }
0x83: {  	_ =	shalt  }
0x84: {  	_ =	shalt  }
0x85: {  	_ =	shalt  }
0x86: {  	_ =	shalt  }
0x87: {  	_ =	shalt  }
.Lfunc_end0:
.L_simem_size_0:
called_computation.1_lowered:
.L_overlay_start_0:
0x88: {  	s2 =	sld [smem:$0x3FD9]  }
0x89: {  	s3 =	sld [smem:$0x3FFE];
	_ =	sdelay $0x1  }
0x8a: {  	s1 =	srdreg.scid  }
0x8b: {  	s0 =	sand.u32 $0x1, s1  }
0x8c: {  	s16 =	sshll.u32 s0, $0xA;
	s2 =	sadd.s32 s3, s2  }
0x8d: {  	s2 =	sadd.s32 s2, s16  }
0x8e: {  	[smem:$0x3FA6] =	sst s2  }
0x8f: {  	_ = 	snop  }
0x90: {  	(tm) =	ssettm $0x1  }
0x91: {  	s17 =	sld [smem:$0x3FFB];
	_ =	sdelay $0x3  }
0x92: {  	_ =	strace s17  }
0x93: {  	s2 =	sld [smem:$0x3FFC];
	_ =	sdelay $0x3  }
0x94: {  	_ =	strace s2  }
0x95: {  	s2 =	sld [smem:$0x3FFD];
	_ =	sdelay $0x3  }
0x96: {  	_ =	strace s2  }
0x97: {  	_ =	strace $0x8FFFFFFF  }
0x98: {  	s18 =	sld [smem:$0x3FDB];
	_ =	sdelay $0x1  }
0x99: {  	s19 =	simm.s32 $_scs_section_size  }
0x9a: {  	s4 =	simm.s32 $_size__tile_overlayer_lowered;
	s5 =	simm.s32 $_tile_overlayer_lowered  }
0x9b: {  	s22 =	simm.s32 $0x1BFF;
	s21 =	sshll.u32 s5, $0x1;
	s2 =	sadd.s32 s19, s18  }
0x9c: {  	s6 =	simm.s32 $0x0;
	s20 =	sshll.u32 s4, $0x1;
	s4 =	sadd.s32 s21, s2  }
0x9d: {  	[timem:s6], [sflag:s22] =	dma.local [hbm:s4], s20  }
0x9e: {  	_ =	swait.ge [sflag:s22], s20  }
0x9f: {  	s3 =	ssub.s32 $0x0, s20;
	[sflag:s22] =	ssyncset.done $0x0  }
0xa0: {  	[sflag:s22] =	ssyncadd.s32 s3;
	_ =	sdelay $0x1  }
0xa1: {  	s23 =	simm.s32 $0x1B8B  }
0xa2: {  	_ =	swait.ge [sflag:s23], $0x1  }
0xa3: {  	[sflag:s23] =	ssyncset.done $0x0  }
0xa4: {  	s25 =	simm.s32 $0x1B8E;
	s24 =	sld [smem:$0x3FFE];
	[sflag:s23] =	ssyncadd.s32 $0xFFFFFFFF  }
0xa5: {  	s26 =	simm.s32 $execute0_lowered;
	[smem:$0x3FD2] =	sst s25  }
0xa6: {  	s4 =	sshll.u32 s26, $0x1;
	_ =	strace $0x80000049;
	[dreg:$0x1] =	wrdreg $0xFFFFFFFF  }
0xa7: {  	s28 =	simm.s32 $_size_execute0_lowered;
	s2 =	sadd.s32 s2, s4;
	[dreg:$0x0] =	wrdreg $0x0  }
0xa8: {  	s4 =	sshll.u32 s28, $0x1;
	[dreg:$0x2] =	wrdreg s2  }
0xa9: {  	[dreg:$0x3] =	wrdreg s4  }
0xaa: {  	[dreg:$0x4] =	wrdreg $0xC0  }
0xab: {  	_ =	task [dreg:s6], $0x5FFFF  }
0xac: {  	[dreg:$0x1] =	wrdreg $0xFFFFFFFF  }
0xad: {  	[dreg:$0x0] =	wrdreg $0x60  }
0xae: {  	[dreg:$0x2] =	wrdreg s24  }
0xaf: {  	[dreg:$0x3] =	wrdreg $0x0  }
0xb0: {  	[dreg:$0x4] =	wrdreg $0x19000  }
0xb1: {  	[dreg:$0x5] =	wrdreg $0x9  }
0xb2: {  	_ =	task.clear_ibuf [dreg:s6], $0x6FFFF;
	_ =	strace $0x90000049  }
0xb3: {  	s29 =	simm.s32 $0x9;
	_ =	strace $0x8000004B  }
0xb4: {  	_ =	swait.ge [sflag:s29], $0x1  }
0xb5: {  	[sflag:s29] =	ssyncadd.s32 $0xFFFFFFFF  }
0xb6: {  	_ =	strace $0x9000004B  }
0xb7: {  	_ =	sfence  }
0xb8: {  	s30 =	sld [smem:$0x0];
	_ =	sdelay $0x2  }
0xb9: {  	s31 =	sshll.u32 s1, $0xD;
	s1 =	sshrl.u32 s1, $0x2  }
0xba: {  	s3 =	sand.u32 $0x4000, s31;
	s1 =	sadd.s32 s1, s30  }
0xbb: {  	s0 =	sor.u32 s3, s0;
	s1 =	sshll.u32 s1, $0x11  }
0xbc: {  	s0 =	sor.u32 s1, s0  }
0xbd: {  	s0 =	sadd.s32 $0x8F2B, s0  }
0xbe: {  	[sflag:s0] =	ssyncadd.remote.s32 $0x1  }
0xbf: {  	_ =	sfence.sel $0xFFFF  }
0xc0: {  	[dreg:$0x0] =	wrdreg $0xFFFFFFFF;
	(pc) =	sbr.abs _section_cstart, $3  }
0xc1: {  	[dreg:$0x1] =	wrdreg $0xFFFFFFFF  }
0xc2: {  	_ =	task.clear_ibuf [dreg:s6], $0x2FFFF;
	_ =	strace $0x9FFFFFFF  }
0xc3: {  	(tm) =	ssettm $0x7FFFFFFF  }
tec
execute0_lowered:
.L_overlay_start_1:
0x0: {  	(tag) =	ssettag $0x1  }
0x1: {  	s4 =	rddreg [dreg:$0x0]  }
0x2: {  	s1 =	rddreg [dreg:$0x1]  }
0x3: {  	s2 =	rddreg [dreg:$0x2];
	s3 =	simm.s32 $0x0;
	s0 =	srdreg.scid  }
0x4: {  	s20 =	stileid.u32;
	[smem:$0x7FF] =	sst s3  }
0x5: {  	s5 =	sadd.s32 $0xC6200, s4;
	s6 =	sadd.s32 $0x2C00, s4;
	s11 =	sadd.s32 $0x189800, s4  }
0x6: {  	s12 =	sand.u32 $0x1, s0;
	s0 =	smul.u32 $0x1900, s20;
	s13 =	sadd.s32 $0x18CA00, s4  }
0x7: {  	s18 =	smul.u32 $0x30D40, s20;
	s7 =	ssub.s32 $0x2, s12;
	s8 =	sshll.u32 s12, $0x4  }
0x8: {  	_ =	strace $0x8000004A;
	s14 =	sshrl.u32 s7, $0x1;
	s8 =	sor.u32 s20, s8  }
0x9: {  	s15 =	sshrl.u32 s0, $0x3;
	s9 =	ssub.s32 s7, s14;
	s7 =	smul.u32 $0x30D40, s8  }
0xa: {  	s4 =	sadd.s32 $0x640, s0;
	s14 =	smul.u32 $0x19000, s12;
	s8 =	sadd.s32 s11, s15  }
0xb: {  	s10 =	sshrl.u32 s4, $0x3;
	s12 =	smul.u32 $0x30D400, s12;
	[dreg:$0x8] =	wrdreg s8  }
0xc: {  	s16 =	sadd.s32 s11, s10;
	s10 =	sadd.s32 $0xC80, s0;
	s8 =	sadd.s32 $0x12C0, s0  }
0xd: {  	s9 =	smax.u32 s9, $0x1;
	[dreg:$0x9] =	wrdreg s16;
	s15 =	sshrl.u32 s10, $0x3  }
0xe: {  	s16 =	sshrl.u32 s8, $0x3;
	s17 =	sadd.s32 s14, s0;
	s12 =	sadd.s32 s18, s12  }
0xf: {  	s19 =	sadd.s32 s14, s4;
	s26 =	sadd.s32 s14, s10;
	[dreg:$0x19] =	wrdreg s9  }
0x10: {  	s9 =	sadd.s32 s4, s1;
	s15 =	sadd.s32 s11, s15;
	s11 =	sadd.s32 s11, s16  }
0x11: {  	s17 =	sshrl.u32 s17, $0x3;
	s21 =	sadd.s32 $0x4E20, s12;
	[dreg:$0x1e] =	wrdreg s9  }
0x12: {  	s16 =	sshrl.u32 s19, $0x3;
	s12 =	sadd.s32 $0x7530, s12;
	[dreg:$0xa] =	wrdreg s15  }
0x13: {  	[dreg:$0xb] =	wrdreg s11;
	s11 =	sadd.s32 s13, s17;
	s17 =	sshrl.u32 s21, $0x3  }
0x14: {  	s22 =	sadd.s32 s13, s16;
	s21 =	sshrl.u32 s26, $0x3;
	[dreg:$0xc] =	wrdreg s11  }
0x15: {  	s12 =	sshrl.u32 s12, $0x3;
	[dreg:$0xe] =	wrdreg s22;
	s23 =	sadd.s32 s17, s6  }
0x16: {  	s11 =	sadd.s32 $0x320, s0;
	s24 =	sadd.s32 s17, s5;
	[dreg:$0x4] =	wrdreg s23  }
0x17: {  	s26 =	sadd.s32 s12, s6;
	s18 =	sadd.s32 s14, s11;
	[dreg:$0x5] =	wrdreg s24  }
0x18: {  	s12 =	sadd.s32 s12, s5;
	[dreg:$0x6] =	wrdreg s26;
	s15 =	sshrl.u32 s18, $0x3  }
0x19: {  	s17 =	sadd.s32 $0xFA0, s0;
	[dreg:$0x7] =	wrdreg s12;
	s15 =	sadd.s32 s13, s15  }
0x1a: {  	s19 =	sadd.s32 s14, s17;
	[dreg:$0xd] =	wrdreg s15;
	s15 =	sadd.s32 $0x960, s0  }
0x1b: {  	s26 =	sadd.s32 s4, s2;
	s22 =	sshrl.u32 s19, $0x3;
	s25 =	sadd.s32 s14, s15  }
0x1c: {  	[dreg:$0x1d] =	wrdreg s26;
	s23 =	sadd.s32 s13, s22;
	s16 =	sshrl.u32 s25, $0x3  }
0x1d: {  	[dreg:$0x11] =	wrdreg s23;
	s25 =	smul.u32 $0x6400, s20;
	s16 =	sadd.s32 s13, s16  }
0x1e: {  	s20 =	sshrl.u32 s7, $0x3;
	[dreg:$0xf] =	wrdreg s16;
	s16 =	sadd.s32 s13, s21  }
0x1f: {  	s22 =	sadd.s32 $0x4E2, s20;
	s21 =	sadd.s32 s5, s20;
	[dreg:$0x10] =	wrdreg s16  }
0x20: {  	s23 =	sadd.s32 s5, s22;
	[dreg:$0x15] =	wrdreg s21  }
0x21: {  	s12 =	sadd.s32 s6, s22;
	[dreg:$0x17] =	wrdreg s23  }
0x22: {  	s19 =	sshrl.u32 s25, $0x2;
	s25 =	sadd.s32 s11, s1;
	[dreg:$0x18] =	wrdreg s12  }
0x23: {  	s11 =	sadd.s32 s15, s1;
	[dreg:$0x1c] =	wrdreg s25  }
0x24: {  	s15 =	sadd.s32 s17, s1;
	[dreg:$0x1f] =	wrdreg s11  }
0x25: {  	s24 =	sadd.s32 s14, s8;
	s17 =	sadd.s32 s8, s1;
	[smem:$0x7F3] =	sst s15  }
0x26: {  	s16 =	sshrl.u32 s24, $0x3;
	s24 =	sadd.s32 s0, s1;
	[smem:$0x7F5] =	sst s17  }
0x27: {  	s18 =	sadd.s32 $0x15E0, s0;
	s0 =	sadd.s32 s0, s2;
	[dreg:$0x1a] =	wrdreg s24  }
0x28: {  	s14 =	sadd.s32 s14, s18;
	s12 =	sadd.s32 s10, s2;
	[dreg:$0x1b] =	wrdreg s0  }
0x29: {  	s14 =	sshrl.u32 s14, $0x3;
	s16 =	sadd.s32 s13, s16;
	[smem:$0x7F1] =	sst s12  }
0x2a: {  	s13 =	sadd.s32 s13, s14;
	[dreg:$0x12] =	wrdreg s16  }
0x2b: {  	s14 =	sadd.s32 s19, s1;
	s19 =	sadd.s32 s18, s1;
	[dreg:$0x13] =	wrdreg s13  }
0x2c: {  	s28 =	simm.s32 $0xA880;
	[smem:$0x7F6] =	sst s19  }
0x2d: {  	s29 =	simm.s32 $0x5;
	s13 =	sadd.s32 s6, s20;
	[dreg:$0x14] =	wrdreg s14  }
0x2e: {  	s30 =	simm.s32 $0x2710;
	s16 =	sadd.s32 s8, s2;
	[dreg:$0x16] =	wrdreg s13  }
0x2f: {  	s31 =	simm.s32 $0xD000;
	s20 =	sadd.s32 $0x320, s14;
	[smem:$0x7F4] =	sst s16  }
0x30: {  	s9 =	simm.s32 $0x1;
	s21 =	sadd.s32 $0x640, s14;
	[smem:$0x7F7] =	sst s20  }
0x31: {  	s4 =	simm.s32 $0x11F00;
	s22 =	sadd.s32 $0x960, s14;
	[smem:$0x7F8] =	sst s21  }
0x32: {  	s11 =	simm.s32 $0x3;
	s23 =	sadd.s32 $0xC80, s14;
	[smem:$0x7F9] =	sst s22  }
0x33: {  	s15 =	simm.s32 $0x0;
	s24 =	sadd.s32 $0xFA0, s14;
	[smem:$0x7FA] =	sst s23  }
0x34: {  	s0 =	simm.s32 $0xF780;
	s25 =	sadd.s32 $0x12C0, s14;
	[smem:$0x7FB] =	sst s24  }
0x35: {  	s12 =	simm.s32 $0x4;
	s26 =	sadd.s32 $0x15E0, s14;
	[smem:$0x7FC] =	sst s25  }
0x36: {  	s8 =	simm.s32 $0x14680;
	s13 =	sadd.s32 s10, s1;
	[smem:$0x7FD] =	sst s26  }
0x37: {  	s21 =	simm.s32 $0x16E00;
	s22 =	simm.s32 $0x7;
	s23 =	simm.s32 $0x19580  }
0x38: {  	s24 =	simm.s32 $0x3200;
	s25 =	simm.s32 $0x5980;
	s26 =	simm.s32 $0x8100  }
0x39: {  	v0 =	vimm.f32 $0.0e+00;
	s10 =	simm.s32 $0x2;
	[smem:$0x7F2] =	sst s13;
	s13 =	simm.s32 $0x6  }
.LBB2_1:
0x3a: {  	[smem:$0x7F0] =	sst s15;
	s15 =	simm.s32 $0x40;
	s16 =	simm.s32 $0x0  }
.LBB2_2:
0x3b: {  	p0 =	sne.s32 s15, $0x9C00;
	[tilespmem:s16+$0x16E00] =	vst v0;
	s16 =	smov.u32 s15;
	s15 =	sadd.s32 $0x40, s15  }
.Ltmp0:
0x3c: {  	(pc) =	sbr.rel @p0 .LBB2_2-.Ltmp0, $2  }
0x3d: {  	_ =	sdelay $0x2  }
0x3e: {  	s16 =	sshra.s32 s16, $0x2  }
0x3f: {  	[tilespmem:s16+$0x16E00] =	vst v0;
	s14 =	rddreg [dreg:$0x14]  }
0x40: {  	[spmem:s14] =	stream.linear.scatter [tilespmem:s21], [sflag:$0x7], $0x320, $0x38;
	[tilespmem:$0x1BD00] =	vst v63  }
0x41: {  	_ =	swait.ge [sflag:s22], $0x320  }
0x42: {  	s15 =	sld [smem:$0x7F7]  }
0x43: {  	[sflag:s22] =	ssyncset.done $0x0  }
0x44: {  	[sflag:s22] =	ssyncadd.s32 $0xFFFFFCE0  }
0x45: {  	[spmem:s15] =	stream.linear.scatter [tilespmem:s21], [sflag:$0x7], $0x320, $0x38;
	[tilespmem:$0x1BD00] =	vst v63  }
0x46: {  	_ =	swait.ge [sflag:s22], $0x320  }
0x47: {  	s16 =	sld [smem:$0x7F8]  }
0x48: {  	[sflag:s22] =	ssyncset.done $0x0  }
0x49: {  	[sflag:s22] =	ssyncadd.s32 $0xFFFFFCE0  }
0x4a: {  	[spmem:s16] =	stream.linear.scatter [tilespmem:s21], [sflag:$0x7], $0x320, $0x38;
	[tilespmem:$0x1BD00] =	vst v63  }
0x4b: {  	_ =	swait.ge [sflag:s22], $0x320  }
0x4c: {  	s17 =	sld [smem:$0x7F9]  }
0x4d: {  	[sflag:s22] =	ssyncset.done $0x0  }
0x4e: {  	[sflag:s22] =	ssyncadd.s32 $0xFFFFFCE0  }
0x4f: {  	[spmem:s17] =	stream.linear.scatter [tilespmem:s21], [sflag:$0x7], $0x320, $0x38;
	[tilespmem:$0x1BD00] =	vst v63  }
0x50: {  	_ =	swait.ge [sflag:s22], $0x320  }
0x51: {  	s18 =	sld [smem:$0x7FA]  }
0x52: {  	[sflag:s22] =	ssyncset.done $0x0  }
0x53: {  	[sflag:s22] =	ssyncadd.s32 $0xFFFFFCE0  }
0x54: {  	[spmem:s18] =	stream.linear.scatter [tilespmem:s21], [sflag:$0x7], $0x320, $0x38;
	[tilespmem:$0x1BD00] =	vst v63  }
0x55: {  	_ =	swait.ge [sflag:s22], $0x320  }
0x56: {  	s19 =	sld [smem:$0x7FB]  }
0x57: {  	[sflag:s22] =	ssyncset.done $0x0  }
0x58: {  	[sflag:s22] =	ssyncadd.s32 $0xFFFFFCE0  }
0x59: {  	[spmem:s19] =	stream.linear.scatter [tilespmem:s21], [sflag:$0x7], $0x320, $0x38;
	[tilespmem:$0x1BD00] =	vst v63  }
0x5a: {  	_ =	swait.ge [sflag:s22], $0x320  }
0x5b: {  	s20 =	sld [smem:$0x7FC]  }
0x5c: {  	[sflag:s22] =	ssyncset.done $0x0  }
0x5d: {  	[sflag:s22] =	ssyncadd.s32 $0xFFFFFCE0  }
0x5e: {  	[spmem:s20] =	stream.linear.scatter [tilespmem:s21], [sflag:$0x7], $0x320, $0x38;
	[tilespmem:$0x1BD00] =	vst v63  }
0x5f: {  	_ =	swait.ge [sflag:s22], $0x320  }
0x60: {  	s15 =	sld [smem:$0x7FD]  }
0x61: {  	[sflag:s22] =	ssyncset.done $0x0  }
0x62: {  	[sflag:s22] =	ssyncadd.s32 $0xFFFFFCE0  }
0x63: {  	[spmem:s15] =	stream.linear.scatter [tilespmem:s21], [sflag:$0x7], $0x320, $0x38;
	[tilespmem:$0x1BD00] =	vst v63  }
0x64: {  	_ =	swait.ge [sflag:s22], $0x320  }
0x65: {  	[sflag:s22] =	ssyncset.done $0x0  }
0x66: {  	s15 =	simm.s32 $0x0;
	s16 =	rddreg [dreg:$0x8];
	[sflag:s22] =	ssyncadd.s32 $0xFFFFFCE0  }
0x67: {  	[tilespmem:s23], [sflag:$0x7] =	stream.linear.gather [hbm4b:s16+s15], $0x640, $0x38;
	[tilespmem:$0x1BD00] =	vst v63  }
0x68: {  	_ =	swait.ge [sflag:s22], $0x640  }
0x69: {  	[sflag:s22] =	ssyncset.done $0x0  }
0x6a: {  	s17 =	rddreg [dreg:$0x1b];
	[sflag:s22] =	ssyncadd.s32 $0xFFFFF9C0  }
0x6b: {  	[spmem:s17] =	stream.linear.scatter [tilespmem:s23], [sflag:$0x7], $0x640, $0x38;
	[tilespmem:$0x1BD00] =	vst v63  }
0x6c: {  	_ =	swait.ge [sflag:s22], $0x640  }
0x6d: {  	[sflag:s22] =	ssyncset.done $0x0  }
0x6e: {  	s18 =	rddreg [dreg:$0x9];
	[sflag:s22] =	ssyncadd.s32 $0xFFFFF9C0  }
0x6f: {  	[tilespmem:s23], [sflag:$0x7] =	stream.linear.gather [hbm4b:s18+s15], $0x640, $0x38;
	[tilespmem:$0x1BD00] =	vst v63  }
0x70: {  	_ =	swait.ge [sflag:s22], $0x640  }
0x71: {  	[sflag:s22] =	ssyncset.done $0x0  }
0x72: {  	s19 =	rddreg [dreg:$0x1d];
	[sflag:s22] =	ssyncadd.s32 $0xFFFFF9C0  }
0x73: {  	[spmem:s19] =	stream.linear.scatter [tilespmem:s23], [sflag:$0x7], $0x640, $0x38;
	[tilespmem:$0x1BD00] =	vst v63  }
0x74: {  	_ =	swait.ge [sflag:s22], $0x640  }
0x75: {  	[sflag:s22] =	ssyncset.done $0x0  }
0x76: {  	s20 =	rddreg [dreg:$0xa];
	[sflag:s22] =	ssyncadd.s32 $0xFFFFF9C0  }
0x77: {  	[tilespmem:s23], [sflag:$0x7] =	stream.linear.gather [hbm4b:s20+s15], $0x640, $0x38;
	[tilespmem:$0x1BD00] =	vst v63  }
0x78: {  	_ =	swait.ge [sflag:s22], $0x640  }
0x79: {  	s16 =	sld [smem:$0x7F1]  }
0x7a: {  	[sflag:s22] =	ssyncset.done $0x0  }
0x7b: {  	[sflag:s22] =	ssyncadd.s32 $0xFFFFF9C0  }
0x7c: {  	[spmem:s16] =	stream.linear.scatter [tilespmem:s23], [sflag:$0x7], $0x640, $0x38;
	[tilespmem:$0x1BD00] =	vst v63  }
0x7d: {  	_ =	swait.ge [sflag:s22], $0x640  }
0x7e: {  	[sflag:s22] =	ssyncset.done $0x0  }
0x7f: {  	s17 =	rddreg [dreg:$0xb];
	[sflag:s22] =	ssyncadd.s32 $0xFFFFF9C0  }
0x80: {  	[tilespmem:s23], [sflag:$0x7] =	stream.linear.gather [hbm4b:s17+s15], $0x640, $0x38;
	[tilespmem:$0x1BD00] =	vst v63  }
0x81: {  	_ =	swait.ge [sflag:s22], $0x640  }
0x82: {  	s18 =	sld [smem:$0x7F4]  }
0x83: {  	[sflag:s22] =	ssyncset.done $0x0  }
0x84: {  	[sflag:s22] =	ssyncadd.s32 $0xFFFFF9C0  }
0x85: {  	[spmem:s18] =	stream.linear.scatter [tilespmem:s23], [sflag:$0x7], $0x640, $0x38;
	[tilespmem:$0x1BD00] =	vst v63  }
0x86: {  	_ =	swait.ge [sflag:s22], $0x640  }
0x87: {  	[sflag:s22] =	ssyncset.done $0x0  }
0x88: {  	[sflag:s22] =	ssyncadd.s32 $0xFFFFF9C0  }
0x89: {  	[bflag:$0x0] =	sbarrier.arrive $0xFFFF  }
0x8a: {  	s19 =	rddreg [dreg:$0x15]  }
0x8b: {  	[tilespmem:s24], [sflag:$0x5] =	stream.linear.gather [hbm4b:s19+s15], $0x2710, $0x38;
	[tilespmem:$0x1BD00] =	vst v63  }
0x8c: {  	s20 =	rddreg [dreg:$0x16]  }
0x8d: {  	[tilespmem:s25], [sflag:$0x5] =	stream.linear.gather [hbm4b:s20+s15], $0x2710, $0x38;
	[tilespmem:$0x1BD00] =	vst v63  }
0x8e: {  	s16 =	rddreg [dreg:$0x17]  }
0x8f: {  	[tilespmem:s26], [sflag:$0x5] =	stream.linear.gather [hbm4b:s16+s15], $0x2710, $0x38;
	[tilespmem:$0x1BD00] =	vst v63  }
0x90: {  	s17 =	rddreg [dreg:$0x18]  }
0x91: {  	[tilespmem:s28], [sflag:$0x5] =	stream.linear.gather [hbm4b:s17+s15], $0x2710, $0x38;
	[tilespmem:$0x1BD00] =	vst v63  }
0x92: {  	_ =	swait.ge [sflag:s29], $0x2710  }
0x93: {  	[sflag:s29] =	ssyncset.done $0x0  }
0x94: {  	[sflag:s29] =	ssyncadd.s32 $0xFFFFD8F0  }
0x95: {  	_ =	swait.ge [sflag:s29], $0x2710  }
0x96: {  	[sflag:s29] =	ssyncset.done $0x0  }
0x97: {  	[sflag:s29] =	ssyncadd.s32 $0xFFFFD8F0  }
0x98: {  	_ =	swait.ge [sflag:s29], $0x2710  }
0x99: {  	[sflag:s29] =	ssyncset.done $0x0  }
0x9a: {  	[sflag:s29] =	ssyncadd.s32 $0xFFFFD8F0  }
0x9b: {  	_ =	swait.ge [sflag:s29], $0x2710  }
0x9c: {  	[sflag:s29] =	ssyncset.done $0x0  }
0x9d: {  	[sflag:s29] =	ssyncadd.s32 $0xFFFFD8F0  }
0x9e: {  	[tilespmem:s21], [sflag:$0x1] =	stream.indirect.gather [spmem:s2], $0x1, s24, s30, $0xb8;
	[tilespmem:$0x1BD00] =	vst v63  }
0x9f: {  	s18 =	rddreg [dreg:$0x5]  }
0xa0: {  	[tilespmem:s23], [sflag:$0x2] =	stream.indirect.gather [spmem:s2], $0x1, s26, s30, $0xb8;
	[tilespmem:$0x1BD00] =	vst v63  }
0xa1: {  	s19 =	rddreg [dreg:$0x4];
	s15 =	sadd.s32 $0x0, s18  }
0xa2: {  	[tilespmem:s31], [sflag:$0x6] =	stream.linear.gather [hbm4b:s15+s3], $0x2710, $0x38;
	[tilespmem:$0x1BD00] =	vst v63  }
0xa3: {  	s20 =	rddreg [dreg:$0x7];
	s16 =	sadd.s32 $0x0, s19  }
0xa4: {  	[tilespmem:s0], [sflag:$0x6] =	stream.linear.gather [hbm4b:s16+s3], $0x2710, $0x38;
	[tilespmem:$0x1BD00] =	vst v63  }
0xa5: {  	s14 =	rddreg [dreg:$0x6];
	s15 =	sadd.s32 $0x0, s20  }
0xa6: {  	[tilespmem:s4], [sflag:$0x6] =	stream.linear.gather [hbm4b:s15+s3], $0x2710, $0x38;
	[tilespmem:$0x1BD00] =	vst v63  }
0xa7: {  	s16 =	sadd.s32 $0x0, s14  }
0xa8: {  	[tilespmem:s8], [sflag:$0x6] =	stream.linear.gather [hbm4b:s16+s3], $0x2710, $0x38;
	[tilespmem:$0x1BD00] =	vst v63  }
0xa9: {  	_ =	swait.ge [sflag:s9], $0x2710  }
0xaa: {  	[sflag:s9] =	ssyncset.done $0x0  }
0xab: {  	[sflag:s9] =	ssyncadd.s32 $0xFFFFD8F0  }
0xac: {  	[spmem:s1] =	stream.indirect.scatter.add.f32 [tilespmem:s21], [sflag:$0x3], $0x1, s25, s30, $0xb8;
	[tilespmem:$0x1BD00] =	vst v63  }
0xad: {  	_ =	swait.ge [sflag:s10], $0x2710  }
0xae: {  	[sflag:s10] =	ssyncset.done $0x0  }
0xaf: {  	[sflag:s10] =	ssyncadd.s32 $0xFFFFD8F0  }
0xb0: {  	[spmem:s1] =	stream.indirect.scatter.add.f32 [tilespmem:s23], [sflag:$0x4], $0x1, s28, s30, $0xb8;
	[tilespmem:$0x1BD00] =	vst v63  }
0xb1: {  	_ =	swait.ge [sflag:s11], $0x2710  }
0xb2: {  	[sflag:s11] =	ssyncset.done $0x0  }
0xb3: {  	[sflag:s11] =	ssyncadd.s32 $0xFFFFD8F0  }
0xb4: {  	_ =	swait.ge [sflag:s12], $0x2710  }
0xb5: {  	[sflag:s12] =	ssyncset.done $0x0  }
0xb6: {  	[sflag:s12] =	ssyncadd.s32 $0xFFFFD8F0  }
0xb7: {  	_ =	swait.ge [sflag:s13], $0x2710  }
0xb8: {  	[sflag:s13] =	ssyncset.done $0x0  }
0xb9: {  	[sflag:s13] =	ssyncadd.s32 $0xFFFFD8F0  }
0xba: {  	_ =	swait.ge [sflag:s13], $0x2710  }
0xbb: {  	[sflag:s13] =	ssyncset.done $0x0  }
0xbc: {  	[sflag:s13] =	ssyncadd.s32 $0xFFFFD8F0  }
0xbd: {  	_ =	swait.ge [sflag:s13], $0x2710  }
0xbe: {  	[sflag:s13] =	ssyncset.done $0x0  }
0xbf: {  	[sflag:s13] =	ssyncadd.s32 $0xFFFFD8F0  }
0xc0: {  	p0 =	por $0x0, $0x0;
	s15 =	simm.s32 $0x9C40;
	_ =	swait.ge [sflag:s13], $0x2710  }
0xc1: {  	s15 =	simm.s32 @p0 $0x0;
	[sflag:s13] =	ssyncset.done $0x0  }
0xc2: {  	s15 =	sadd.s32 s7, s15;
	[sflag:s13] =	ssyncadd.s32 $0xFFFFD8F0  }
0xc3: {  	[tilespmem:s21], [sflag:$0x1] =	stream.indirect.gather [spmem:s2], $0x1, s31, s30, $0xb8;
	[tilespmem:$0x1BD00] =	vst v63  }
0xc4: {  	s15 =	sshrl.u32 s15, $0x3  }
0xc5: {  	[tilespmem:s23], [sflag:$0x2] =	stream.indirect.gather [spmem:s2], $0x1, s4, s30, $0xb8;
	[tilespmem:$0x1BD00] =	vst v63  }
0xc6: {  	s17 =	sadd.s32 s5, s15  }
0xc7: {  	[tilespmem:s24], [sflag:$0x5] =	stream.linear.gather [hbm4b:s17+s3], $0x2710, $0x38;
	[tilespmem:$0x1BD00] =	vst v63  }
0xc8: {  	s18 =	sadd.s32 $0x4E2, s15;
	s15 =	sadd.s32 s6, s15  }
0xc9: {  	[tilespmem:s25], [sflag:$0x5] =	stream.linear.gather [hbm4b:s15+s3], $0x2710, $0x38;
	[tilespmem:$0x1BD00] =	vst v63  }
0xca: {  	s19 =	sadd.s32 s5, s18  }
0xcb: {  	[tilespmem:s26], [sflag:$0x5] =	stream.linear.gather [hbm4b:s19+s3], $0x2710, $0x38;
	[tilespmem:$0x1BD00] =	vst v63  }
0xcc: {  	s20 =	sadd.s32 s6, s18  }
0xcd: {  	[tilespmem:s28], [sflag:$0x5] =	stream.linear.gather [hbm4b:s20+s3], $0x2710, $0x38;
	[tilespmem:$0x1BD00] =	vst v63  }
0xce: {  	_ =	swait.ge [sflag:s9], $0x2710  }
0xcf: {  	[sflag:s9] =	ssyncset.done $0x0  }
0xd0: {  	[sflag:s9] =	ssyncadd.s32 $0xFFFFD8F0  }
0xd1: {  	[spmem:s1] =	stream.indirect.scatter.add.f32 [tilespmem:s21], [sflag:$0x3], $0x1, s0, s30, $0xb8;
	[tilespmem:$0x1BD00] =	vst v63  }
0xd2: {  	_ =	swait.ge [sflag:s10], $0x2710  }
0xd3: {  	[sflag:s10] =	ssyncset.done $0x0  }
0xd4: {  	[sflag:s10] =	ssyncadd.s32 $0xFFFFD8F0  }
0xd5: {  	[spmem:s1] =	stream.indirect.scatter.add.f32 [tilespmem:s23], [sflag:$0x4], $0x1, s8, s30, $0xb8;
	[tilespmem:$0x1BD00] =	vst v63  }
0xd6: {  	s16 =	simm.s32 $0x1388;
	s15 =	simm.s32 $0x9C40;
	_ =	swait.ge [sflag:s11], $0x2710  }
.LBB2_4:
0xd7: {  	[sflag:s11] =	ssyncset.done $0x0  }
0xd8: {  	[sflag:s11] =	ssyncadd.s32 $0xFFFFD8F0  }
0xd9: {  	_ =	swait.ge [sflag:s12], $0x2710  }
0xda: {  	[sflag:s12] =	ssyncset.done $0x0  }
0xdb: {  	[sflag:s12] =	ssyncadd.s32 $0xFFFFD8F0  }
0xdc: {  	_ =	swait.ge [sflag:s29], $0x2710  }
0xdd: {  	[sflag:s29] =	ssyncset.done $0x0  }
0xde: {  	[sflag:s29] =	ssyncadd.s32 $0xFFFFD8F0  }
0xdf: {  	_ =	swait.ge [sflag:s29], $0x2710  }
0xe0: {  	[sflag:s29] =	ssyncset.done $0x0  }
0xe1: {  	[sflag:s29] =	ssyncadd.s32 $0xFFFFD8F0  }
0xe2: {  	_ =	swait.ge [sflag:s29], $0x2710  }
0xe3: {  	[sflag:s29] =	ssyncset.done $0x0  }
0xe4: {  	[sflag:s29] =	ssyncadd.s32 $0xFFFFD8F0  }
0xe5: {  	_ =	swait.ge [sflag:s29], $0x2710  }
0xe6: {  	[sflag:s29] =	ssyncset.done $0x0  }
0xe7: {  	[sflag:s29] =	ssyncadd.s32 $0xFFFFD8F0  }
0xe8: {  	[tilespmem:s21], [sflag:$0x1] =	stream.indirect.gather [spmem:s2], $0x1, s24, s30, $0xb8;
	[tilespmem:$0x1BD00] =	vst v63  }
0xe9: {  	s17 =	smov.u32 s16;
	s19 =	rddreg [dreg:$0x5]  }
0xea: {  	[tilespmem:s23], [sflag:$0x2] =	stream.indirect.gather [spmem:s2], $0x1, s26, s30, $0xb8;
	[tilespmem:$0x1BD00] =	vst v63  }
0xeb: {  	s18 =	sadd.s32 $0x1388, s16;
	s14 =	rddreg [dreg:$0x4];
	s19 =	sadd.s32 s17, s19  }
0xec: {  	[tilespmem:s31], [sflag:$0x6] =	stream.linear.gather [hbm4b:s19+s3], $0x2710, $0x38;
	[tilespmem:$0x1BD00] =	vst v63  }
0xed: {  	p0 =	sne.s32 s16, $0x4E20;
	s20 =	rddreg [dreg:$0x7];
	s16 =	sadd.s32 s17, s14  }
0xee: {  	[tilespmem:s0], [sflag:$0x6] =	stream.linear.gather [hbm4b:s16+s3], $0x2710, $0x38;
	[tilespmem:$0x1BD00] =	vst v63  }
0xef: {  	s14 =	rddreg [dreg:$0x6];
	s20 =	sadd.s32 s17, s20  }
0xf0: {  	[tilespmem:s4], [sflag:$0x6] =	stream.linear.gather [hbm4b:s20+s3], $0x2710, $0x38;
	[tilespmem:$0x1BD00] =	vst v63  }
0xf1: {  	s14 =	sadd.s32 s17, s14  }
0xf2: {  	[tilespmem:s8], [sflag:$0x6] =	stream.linear.gather [hbm4b:s14+s3], $0x2710, $0x38;
	[tilespmem:$0x1BD00] =	vst v63  }
0xf3: {  	_ =	swait.ge [sflag:s9], $0x2710  }
0xf4: {  	[sflag:s9] =	ssyncset.done $0x0  }
0xf5: {  	[sflag:s9] =	ssyncadd.s32 $0xFFFFD8F0  }
0xf6: {  	[spmem:s1] =	stream.indirect.scatter.add.f32 [tilespmem:s21], [sflag:$0x3], $0x1, s25, s30, $0xb8;
	[tilespmem:$0x1BD00] =	vst v63  }
0xf7: {  	_ =	swait.ge [sflag:s10], $0x2710  }
0xf8: {  	[sflag:s10] =	ssyncset.done $0x0  }
0xf9: {  	[sflag:s10] =	ssyncadd.s32 $0xFFFFD8F0  }
0xfa: {  	[spmem:s1] =	stream.indirect.scatter.add.f32 [tilespmem:s23], [sflag:$0x4], $0x1, s28, s30, $0xb8;
	[tilespmem:$0x1BD00] =	vst v63  }
0xfb: {  	_ =	swait.ge [sflag:s11], $0x2710  }
0xfc: {  	[sflag:s11] =	ssyncset.done $0x0  }
0xfd: {  	[sflag:s11] =	ssyncadd.s32 $0xFFFFD8F0  }
0xfe: {  	_ =	swait.ge [sflag:s12], $0x2710  }
0xff: {  	[sflag:s12] =	ssyncset.done $0x0  }
0x100: {  	[sflag:s12] =	ssyncadd.s32 $0xFFFFD8F0  }
0x101: {  	_ =	swait.ge [sflag:s13], $0x2710  }
0x102: {  	[sflag:s13] =	ssyncset.done $0x0  }
0x103: {  	[sflag:s13] =	ssyncadd.s32 $0xFFFFD8F0  }
0x104: {  	_ =	swait.ge [sflag:s13], $0x2710  }
0x105: {  	[sflag:s13] =	ssyncset.done $0x0  }
0x106: {  	[sflag:s13] =	ssyncadd.s32 $0xFFFFD8F0  }
0x107: {  	_ =	swait.ge [sflag:s13], $0x2710  }
0x108: {  	[sflag:s13] =	ssyncset.done $0x0  }
0x109: {  	s15 =	sadd.s32 $0x9C40, s15;
	[sflag:s13] =	ssyncadd.s32 $0xFFFFD8F0  }
0x10a: {  	p1 =	seq.s32 s17, $0x4E20;
	s14 =	smov.u32 s15;
	_ =	swait.ge [sflag:s13], $0x2710  }
0x10b: {  	s14 =	simm.s32 @p1 $0x0;
	[sflag:s13] =	ssyncset.done $0x0  }
0x10c: {  	s14 =	sadd.s32 s7, s14;
	[sflag:s13] =	ssyncadd.s32 $0xFFFFD8F0  }
0x10d: {  	[tilespmem:s21], [sflag:$0x1] =	stream.indirect.gather [spmem:s2], $0x1, s31, s30, $0xb8;
	[tilespmem:$0x1BD00] =	vst v63  }
0x10e: {  	s14 =	sshrl.u32 s14, $0x3  }
0x10f: {  	[tilespmem:s23], [sflag:$0x2] =	stream.indirect.gather [spmem:s2], $0x1, s4, s30, $0xb8;
	[tilespmem:$0x1BD00] =	vst v63  }
0x110: {  	s19 =	sadd.s32 s5, s14  }
0x111: {  	[tilespmem:s24], [sflag:$0x5] =	stream.linear.gather [hbm4b:s19+s3], $0x2710, $0x38;
	[tilespmem:$0x1BD00] =	vst v63  }
0x112: {  	s20 =	sadd.s32 $0x4E2, s14;
	s14 =	sadd.s32 s6, s14  }
0x113: {  	[tilespmem:s25], [sflag:$0x5] =	stream.linear.gather [hbm4b:s14+s3], $0x2710, $0x38;
	[tilespmem:$0x1BD00] =	vst v63  }
0x114: {  	s19 =	sadd.s32 s5, s20  }
0x115: {  	[tilespmem:s26], [sflag:$0x5] =	stream.linear.gather [hbm4b:s19+s3], $0x2710, $0x38;
	[tilespmem:$0x1BD00] =	vst v63  }
0x116: {  	s20 =	sadd.s32 s6, s20  }
0x117: {  	[tilespmem:s28], [sflag:$0x5] =	stream.linear.gather [hbm4b:s20+s3], $0x2710, $0x38;
	[tilespmem:$0x1BD00] =	vst v63  }
0x118: {  	_ =	swait.ge [sflag:s9], $0x2710  }
0x119: {  	[sflag:s9] =	ssyncset.done $0x0  }
0x11a: {  	[sflag:s9] =	ssyncadd.s32 $0xFFFFD8F0  }
0x11b: {  	[spmem:s1] =	stream.indirect.scatter.add.f32 [tilespmem:s21], [sflag:$0x3], $0x1, s0, s30, $0xb8;
	[tilespmem:$0x1BD00] =	vst v63  }
.Ltmp1:
0x11c: {  	_ =	swait.ge [sflag:s10], $0x2710;
	(pc) =	sbr.rel @p0 .LBB2_4-.Ltmp1, $4  }
0x11d: {  	[sflag:s10] =	ssyncset.done $0x0  }
0x11e: {  	[sflag:s10] =	ssyncadd.s32 $0xFFFFD8F0  }
0x11f: {  	[spmem:s1] =	stream.indirect.scatter.add.f32 [tilespmem:s23], [sflag:$0x4], $0x1, s8, s30, $0xb8;
	[tilespmem:$0x1BD00] =	vst v63  }
0x120: {  	s16 =	smov.u32 s18;
	_ =	swait.ge [sflag:s11], $0x2710  }
0x121: {  	[sflag:s11] =	ssyncset.done $0x0  }
0x122: {  	[sflag:s11] =	ssyncadd.s32 $0xFFFFD8F0  }
0x123: {  	_ =	swait.ge [sflag:s12], $0x2710  }
0x124: {  	[sflag:s12] =	ssyncset.done $0x0  }
0x125: {  	[sflag:s12] =	ssyncadd.s32 $0xFFFFD8F0  }
0x126: {  	_ =	swait.ge [sflag:s29], $0x2710  }
0x127: {  	[sflag:s29] =	ssyncset.done $0x0  }
0x128: {  	[sflag:s29] =	ssyncadd.s32 $0xFFFFD8F0  }
0x129: {  	_ =	swait.ge [sflag:s29], $0x2710  }
0x12a: {  	[sflag:s29] =	ssyncset.done $0x0  }
0x12b: {  	[sflag:s29] =	ssyncadd.s32 $0xFFFFD8F0  }
0x12c: {  	_ =	swait.ge [sflag:s29], $0x2710  }
0x12d: {  	[sflag:s29] =	ssyncset.done $0x0  }
0x12e: {  	[sflag:s29] =	ssyncadd.s32 $0xFFFFD8F0  }
0x12f: {  	_ =	swait.ge [sflag:s29], $0x2710  }
0x130: {  	[sflag:s29] =	ssyncset.done $0x0  }
0x131: {  	[sflag:s29] =	ssyncadd.s32 $0xFFFFD8F0  }
0x132: {  	[bflag:$0x0] =	sbarrier.arrive $0xFFFF  }
0x133: {  	s14 =	rddreg [dreg:$0x1a]  }
0x134: {  	[tilespmem:s21], [sflag:$0x7] =	stream.linear.gather [spmem:s14], $0x320, $0x38;
	[tilespmem:$0x1BD00] =	vst v63  }
0x135: {  	_ =	swait.ge [sflag:s22], $0x320  }
0x136: {  	[sflag:s22] =	ssyncset.done $0x0  }
0x137: {  	s17 =	rddreg [dreg:$0xc];
	[sflag:s22] =	ssyncadd.s32 $0xFFFFFCE0  }
0x138: {  	[hbm4b:s17+s3] =	stream.linear.scatter [tilespmem:s21], [sflag:$0x7], $0x320, $0x38;
	[tilespmem:$0x1BD00] =	vst v63  }
0x139: {  	_ =	swait.ge [sflag:s22], $0x320  }
0x13a: {  	[sflag:s22] =	ssyncset.done $0x0  }
0x13b: {  	s18 =	rddreg [dreg:$0x1c];
	[sflag:s22] =	ssyncadd.s32 $0xFFFFFCE0  }
0x13c: {  	[tilespmem:s21], [sflag:$0x7] =	stream.linear.gather [spmem:s18], $0x320, $0x38;
	[tilespmem:$0x1BD00] =	vst v63  }
0x13d: {  	_ =	swait.ge [sflag:s22], $0x320  }
0x13e: {  	[sflag:s22] =	ssyncset.done $0x0  }
0x13f: {  	s19 =	rddreg [dreg:$0xd];
	[sflag:s22] =	ssyncadd.s32 $0xFFFFFCE0  }
0x140: {  	[hbm4b:s19+s3] =	stream.linear.scatter [tilespmem:s21], [sflag:$0x7], $0x320, $0x38;
	[tilespmem:$0x1BD00] =	vst v63  }
0x141: {  	_ =	swait.ge [sflag:s22], $0x320  }
0x142: {  	[sflag:s22] =	ssyncset.done $0x0  }
0x143: {  	s20 =	rddreg [dreg:$0x1e];
	[sflag:s22] =	ssyncadd.s32 $0xFFFFFCE0  }
0x144: {  	[tilespmem:s21], [sflag:$0x7] =	stream.linear.gather [spmem:s20], $0x320, $0x38;
	[tilespmem:$0x1BD00] =	vst v63  }
0x145: {  	_ =	swait.ge [sflag:s22], $0x320  }
0x146: {  	[sflag:s22] =	ssyncset.done $0x0  }
0x147: {  	s15 =	rddreg [dreg:$0xe];
	[sflag:s22] =	ssyncadd.s32 $0xFFFFFCE0  }
0x148: {  	[hbm4b:s15+s3] =	stream.linear.scatter [tilespmem:s21], [sflag:$0x7], $0x320, $0x38;
	[tilespmem:$0x1BD00] =	vst v63  }
0x149: {  	_ =	swait.ge [sflag:s22], $0x320  }
0x14a: {  	[sflag:s22] =	ssyncset.done $0x0  }
0x14b: {  	s16 =	rddreg [dreg:$0x1f];
	[sflag:s22] =	ssyncadd.s32 $0xFFFFFCE0  }
0x14c: {  	[tilespmem:s21], [sflag:$0x7] =	stream.linear.gather [spmem:s16], $0x320, $0x38;
	[tilespmem:$0x1BD00] =	vst v63  }
0x14d: {  	_ =	swait.ge [sflag:s22], $0x320  }
0x14e: {  	[sflag:s22] =	ssyncset.done $0x0  }
0x14f: {  	s17 =	rddreg [dreg:$0xf];
	[sflag:s22] =	ssyncadd.s32 $0xFFFFFCE0  }
0x150: {  	[hbm4b:s17+s3] =	stream.linear.scatter [tilespmem:s21], [sflag:$0x7], $0x320, $0x38;
	[tilespmem:$0x1BD00] =	vst v63  }
0x151: {  	_ =	swait.ge [sflag:s22], $0x320  }
0x152: {  	s18 =	sld [smem:$0x7F2]  }
0x153: {  	[sflag:s22] =	ssyncset.done $0x0  }
0x154: {  	[sflag:s22] =	ssyncadd.s32 $0xFFFFFCE0  }
0x155: {  	[tilespmem:s21], [sflag:$0x7] =	stream.linear.gather [spmem:s18], $0x320, $0x38;
	[tilespmem:$0x1BD00] =	vst v63  }
0x156: {  	_ =	swait.ge [sflag:s22], $0x320  }
0x157: {  	[sflag:s22] =	ssyncset.done $0x0  }
0x158: {  	s19 =	rddreg [dreg:$0x10];
	[sflag:s22] =	ssyncadd.s32 $0xFFFFFCE0  }
0x159: {  	[hbm4b:s19+s3] =	stream.linear.scatter [tilespmem:s21], [sflag:$0x7], $0x320, $0x38;
	[tilespmem:$0x1BD00] =	vst v63  }
0x15a: {  	_ =	swait.ge [sflag:s22], $0x320  }
0x15b: {  	s20 =	sld [smem:$0x7F3]  }
0x15c: {  	[sflag:s22] =	ssyncset.done $0x0  }
0x15d: {  	[sflag:s22] =	ssyncadd.s32 $0xFFFFFCE0  }
0x15e: {  	[tilespmem:s21], [sflag:$0x7] =	stream.linear.gather [spmem:s20], $0x320, $0x38;
	[tilespmem:$0x1BD00] =	vst v63  }
0x15f: {  	_ =	swait.ge [sflag:s22], $0x320  }
0x160: {  	[sflag:s22] =	ssyncset.done $0x0  }
0x161: {  	s15 =	rddreg [dreg:$0x11];
	[sflag:s22] =	ssyncadd.s32 $0xFFFFFCE0  }
0x162: {  	[hbm4b:s15+s3] =	stream.linear.scatter [tilespmem:s21], [sflag:$0x7], $0x320, $0x38;
	[tilespmem:$0x1BD00] =	vst v63  }
0x163: {  	_ =	swait.ge [sflag:s22], $0x320  }
0x164: {  	s16 =	sld [smem:$0x7F5]  }
0x165: {  	[sflag:s22] =	ssyncset.done $0x0  }
0x166: {  	[sflag:s22] =	ssyncadd.s32 $0xFFFFFCE0  }
0x167: {  	[tilespmem:s21], [sflag:$0x7] =	stream.linear.gather [spmem:s16], $0x320, $0x38;
	[tilespmem:$0x1BD00] =	vst v63  }
0x168: {  	_ =	swait.ge [sflag:s22], $0x320  }
0x169: {  	[sflag:s22] =	ssyncset.done $0x0  }
0x16a: {  	s17 =	rddreg [dreg:$0x12];
	[sflag:s22] =	ssyncadd.s32 $0xFFFFFCE0  }
0x16b: {  	[hbm4b:s17+s3] =	stream.linear.scatter [tilespmem:s21], [sflag:$0x7], $0x320, $0x38;
	[tilespmem:$0x1BD00] =	vst v63  }
0x16c: {  	_ =	swait.ge [sflag:s22], $0x320  }
0x16d: {  	s18 =	sld [smem:$0x7F6]  }
0x16e: {  	[sflag:s22] =	ssyncset.done $0x0  }
0x16f: {  	[sflag:s22] =	ssyncadd.s32 $0xFFFFFCE0  }
0x170: {  	[tilespmem:s21], [sflag:$0x7] =	stream.linear.gather [spmem:s18], $0x320, $0x38;
	[tilespmem:$0x1BD00] =	vst v63  }
0x171: {  	_ =	swait.ge [sflag:s22], $0x320  }
0x172: {  	[sflag:s22] =	ssyncset.done $0x0  }
0x173: {  	s19 =	rddreg [dreg:$0x13];
	[sflag:s22] =	ssyncadd.s32 $0xFFFFFCE0  }
0x174: {  	[hbm4b:s19+s3] =	stream.linear.scatter [tilespmem:s21], [sflag:$0x7], $0x320, $0x38;
	[tilespmem:$0x1BD00] =	vst v63  }
0x175: {  	_ =	swait.ge [sflag:s22], $0x320  }
0x176: {  	s15 =	sld [smem:$0x7F0];
	_ =	sdelay $0x2  }
0x177: {  	s20 =	rddreg [dreg:$0x19];
	s15 =	sadd.s32 $0x1, s15  }
0x178: {  	p0 =	sne.s32 s15, s20  }
.Ltmp2:
0x179: {  	_ = 	snop;
	(pc) =	sbr.rel @p0 .LBB2_1-.Ltmp2, $3  }
0x17a: {  	_ =	sdelay $0x1  }
0x17b: {  	[sflag:s22] =	ssyncset.done $0x0  }
0x17c: {  	[sflag:s22] =	ssyncadd.s32 $0xFFFFFCE0  }
0x17d: {  	_ =	sfence.sel $0x180000  }
0x17e: {  	[bflag:$0x0] =	sbarrier.arrive $0xFFFF  }
0x17f: {  	_ =	strace $0x9000004A  }
0x180: {  	s0 =	stileid.u32;
	[bflag:$0x2] =	sbarrier.arrive $0xFFFF  }
0x181: {  	p0 =	sne.s32 s0, $0x0;
	s0 =	rddreg [dreg:$0x3]  }
0x182: {  	s0 =	sadd.s32 @!p0 $0x100000, s0  }
0x183: {  	[sflag:s0] =	ssyncadd.tile.s32 @!p0 $0x1;
	_ =	shalt  }
.Lfunc_end2:
_tile_overlayer_lowered:
.L_overlay_start_2:
0x184: {  	(tag) =	ssettag $0x2  }
0x185: {  	s0 =	rddreg [dreg:$0x0];
	s2 =	stileid.u32  }
0x186: {  	s1 =	rddreg [dreg:$0x1];
	p0 =	sne.s32 s2, $0x0  }
0x187: {  	s3 =	rddreg [dreg:$0x2];
	[bflag:$0x3] =	sbarrier.arrive $0xFFFF;
	s2 =	simm.s32 @!p0 $0x1C07  }
0x188: {  	[timem:s3], [sflag:s2] =	dma.local @!p0 [hbm:s0], s1  }
0x189: {  	s0 =	simm.s32 @!p0 $0x7  }
0x18a: {  	_ =	swait.ge @!p0 [sflag:s0], s1  }
0x18b: {  	s1 =	ssub.s32 @!p0 $0x0, s1;
	[sflag:s0] =	ssyncset.done @!p0 $0x0  }
0x18c: {  	[sflag:s0] =	ssyncadd.s32 @!p0 s1  }
0x18d: {  	[bflag:$0x3] =	sbarrier.arrive $0xFFFF  }
0x18e: {  	_ =	shalt  }

// kernel: kernel.21.cloned.1.call-start
scs
__scs_entry_jumppad:
0x0: {  	(pc) =	sbr.rel $0x88, $3  }
0x1: {  	(tag) =	ssettag $0x0;
	lr =	simm.s32 $0x1  }
0x2: {  	[smem:$0x3F7F] =	sst lr;
	_ =	strace $0xD0000000  }
0x3: {  	_ = 	snop  }
0x4: {  	_ = 	snop  }
0x5: {  	_ = 	snop  }
0x6: {  	_ = 	snop  }
0x7: {  	_ = 	snop  }
__scs_overlays_trampoline_lowered:
0x8: {  	[smem:$0x3F8E] =	sst s0  }
0x9: {  	[smem:$0x3F8F] =	sst s1  }
0xa: {  	[smem:$0x3F90] =	sst s2  }
0xb: {  	[smem:$0x3F91] =	sst s3  }
0xc: {  	[smem:$0x3F92] =	sst s4  }
0xd: {  	[smem:$0x3F93] =	sst s5  }
0xe: {  	[smem:$0x3F94] =	sst s6  }
0xf: {  	[smem:$0x3F95] =	sst s7  }
0x10: {  	[smem:$0x3F96] =	sst s8  }
0x11: {  	[smem:$0x3F97] =	sst s9;
	s0 =	simm.s32 @!p0 $0x0  }
0x12: {  	s1 =	sld [smem:$0x3F7D];
	s0 =	simm.s32 @p0 $0x1  }
0x13: {  	[smem:$0x3F98] =	sst s0;
	s0 =	simm.s32 @!p1 $0x0  }
0x14: {  	s2 =	sld [smem:$0x3F7C];
	s0 =	simm.s32 @p1 $0x1  }
0x15: {  	[smem:$0x3F99] =	sst s0;
	s0 =	simm.s32 @!p2 $0x0  }
0x16: {  	s3 =	sld [smem:$0x3FDB];
	s0 =	simm.s32 @p2 $0x1  }
0x17: {  	s4 =	simm.s32 $0x1BF5;
	[smem:$0x3F9B] =	sst s0  }
0x18: {  	s0 =	sld [smem:$0x3F7E];
	_ =	swait.ge [sflag:s4], $0x0  }
0x19: {  	s7 =	sld [smem:$0x3F7F]  }
0x1a: {  	s8 =	sadd.s32 $0xFFFFE003, lr  }
0x1b: {  	s9 =	sadd.s32 $0xFFFFFEF7, lr;
	s5 =	simm.s32 $0xFFFFFFFF;
	p2 =	slt.u32 s8, $0xFFFFF086  }
0x1c: {  	p1 =	slt.u32 s9, $0xF7A;
	s5 =	simm.s32 @!p2 $0x0  }
0x1d: {  	s5 =	simm.s32 @p1 $0x1;
	p0 =	seq.s32 s7, s2  }
0x1e: {  	s7 =	smul.u32 @!p0 $0xF7A, s2;
	p2 =	seq.s32 @!p0 s5, $0x0  }
0x1f: {  	s9 =	smul.u32 $0xF7A, s1;
	s8 =	simm.s32 @!p0 $0x1BF5;
	p2 =	por !p2, p0  }
0x20: {  	[sflag:s8] =	ssyncset.s32 @!p0 $0xFFFFF086;
	s6 =	sadd.s32 @!p0 s3, s7;
	s7 =	simm.s32 @!p0 $0x108  }
0x21: {  	s3 =	sadd.s32 s3, s9;
	s6 =	sadd.s32 @!p0 $0x88, s6;
	s7 =	simm.s32 @p2 $0x1082  }
0x22: {  	[simem:s7], [sflag:s8] =	dma.local @!p0 [hbm:s6], $0xF7A  }
0x23: {  	s9 =	sor.u32 $0xD0000000, s2;
	s6 =	simm.s32 $0x108;
	_ =	swait.ge @!p0 [sflag:s8], $0x0  }
0x24: {  	s3 =	sadd.s32 $0x88, s3;
	s6 =	simm.s32 @!p1 $0x1082;
	[sflag:s4] =	ssyncset.s32 $0xFFFFF086  }
0x25: {  	[simem:s6], [sflag:s4] =	dma.local [hbm:s3], $0xF7A  }
0x26: {  	[smem:$0x3F7F] =	sst s1;
	(tag) =	ssettag s2;
	_ =	strace s9  }
0x27: {  	s1 =	sld [smem:$0x3F8F]  }
0x28: {  	s2 =	sld [smem:$0x3F90]  }
0x29: {  	s4 =	sld [smem:$0x3F92]  }
0x2a: {  	p0 =	seq.s32 s5, $0x0;
	s5 =	sld [smem:$0x3F93]  }
0x2b: {  	s6 =	sld [smem:$0x3F94]  }
0x2c: {  	s7 =	sld [smem:$0x3F95]  }
0x2d: {  	s3 =	simm.s32 $0x108;
	s8 =	sld [smem:$0x3F96]  }
0x2e: {  	s3 =	simm.s32 @!p0 $0x1082;
	s9 =	sld [smem:$0x3F97]  }
0x2f: {  	lr =	sadd.s32 s0, s3;
	s0 =	sld [smem:$0x3F8E]  }
0x30: {  	s3 =	sld [smem:$0x3F91]  }
0x31: {  	[smem:$0x3F9A] =	sst s10  }
0x32: {  	s10 =	sld [smem:$0x3F98];
	_ =	sdelay $0x3  }
0x33: {  	p0 =	seq.s32 s10, $0x1;
	s10 =	sld [smem:$0x3F9A];
	_ =	sdelay $0x3  }
0x34: {  	[smem:$0x3F9A] =	sst s10  }
0x35: {  	s10 =	sld [smem:$0x3F99];
	_ =	sdelay $0x3  }
0x36: {  	p1 =	seq.s32 s10, $0x1;
	s10 =	sld [smem:$0x3F9A];
	_ =	sdelay $0x3  }
0x37: {  	[smem:$0x3F9A] =	sst s10  }
0x38: {  	s10 =	sld [smem:$0x3F9B]  }
0x39: {  	_ = 	snop;
	(pc) =	sbr.ind lr, $3  }
0x3a: {  	_ = 	snop  }
0x3b: {  	_ = 	snop  }
0x3c: {  	p2 =	seq.s32 s10, $0x1;
	s10 =	sld [smem:$0x3F9A]  }
0x3d: {  	_ =	shalt  }
0x3e: {  	_ =	shalt  }
0x3f: {  	_ =	shalt  }
0x40: {  	_ =	shalt  }
0x41: {  	_ =	shalt  }
0x42: {  	_ =	shalt  }
0x43: {  	_ =	shalt  }
0x44: {  	_ =	shalt  }
0x45: {  	_ =	shalt  }
0x46: {  	_ =	shalt  }
0x47: {  	_ =	shalt  }
0x48: {  	_ =	shalt  }
0x49: {  	_ =	shalt  }
0x4a: {  	_ =	shalt  }
0x4b: {  	_ =	shalt  }
0x4c: {  	_ =	shalt  }
0x4d: {  	_ =	shalt  }
0x4e: {  	_ =	shalt  }
0x4f: {  	_ =	shalt  }
0x50: {  	_ =	shalt  }
0x51: {  	_ =	shalt  }
0x52: {  	_ =	shalt  }
0x53: {  	_ =	shalt  }
0x54: {  	_ =	shalt  }
0x55: {  	_ =	shalt  }
0x56: {  	_ =	shalt  }
0x57: {  	_ =	shalt  }
0x58: {  	_ =	shalt  }
0x59: {  	_ =	shalt  }
0x5a: {  	_ =	shalt  }
0x5b: {  	_ =	shalt  }
0x5c: {  	_ =	shalt  }
0x5d: {  	_ =	shalt  }
0x5e: {  	_ =	shalt  }
0x5f: {  	_ =	shalt  }
0x60: {  	_ =	shalt  }
0x61: {  	_ =	shalt  }
0x62: {  	_ =	shalt  }
0x63: {  	_ =	shalt  }
0x64: {  	_ =	shalt  }
0x65: {  	_ =	shalt  }
0x66: {  	_ =	shalt  }
0x67: {  	_ =	shalt  }
0x68: {  	_ =	shalt  }
0x69: {  	_ =	shalt  }
0x6a: {  	_ =	shalt  }
0x6b: {  	_ =	shalt  }
0x6c: {  	_ =	shalt  }
0x6d: {  	_ =	shalt  }
0x6e: {  	_ =	shalt  }
0x6f: {  	_ =	shalt  }
0x70: {  	_ =	shalt  }
0x71: {  	_ =	shalt  }
0x72: {  	_ =	shalt  }
0x73: {  	_ =	shalt  }
0x74: {  	_ =	shalt  }
0x75: {  	_ =	shalt  }
0x76: {  	_ =	shalt  }
0x77: {  	_ =	shalt  }
0x78: {  	_ =	shalt  }
0x79: {  	_ =	shalt  }
0x7a: {  	_ =	shalt  }
0x7b: {  	_ =	shalt  }
0x7c: {  	_ =	shalt  }
0x7d: {  	_ =	shalt  }
0x7e: {  	_ =	shalt  }
0x7f: {  	_ =	shalt  }
0x80: {  	_ =	shalt  }
0x81: {  	_ =	shalt  }
0x82: {  	_ =	shalt  }
0x83: {  	_ =	shalt  }
0x84: {  	_ =	shalt  }
0x85: {  	_ =	shalt  }
0x86: {  	_ =	shalt  }
0x87: {  	_ =	shalt  }
.Lfunc_end0:
.L_simem_size_0:
called_computation.2_lowered:
.L_overlay_start_0:
0x88: {  	s2 =	sld [smem:$0x3FD9]  }
0x89: {  	s3 =	sld [smem:$0x3FFE];
	_ =	sdelay $0x1  }
0x8a: {  	s1 =	srdreg.scid  }
0x8b: {  	s0 =	sand.u32 $0x1, s1  }
0x8c: {  	s16 =	sshll.u32 s0, $0xA;
	s2 =	sadd.s32 s3, s2  }
0x8d: {  	s2 =	sadd.s32 s2, s16  }
0x8e: {  	[smem:$0x3FA6] =	sst s2  }
0x8f: {  	_ = 	snop  }
0x90: {  	(tm) =	ssettm $0x1  }
0x91: {  	s17 =	sld [smem:$0x3FFB];
	_ =	sdelay $0x3  }
0x92: {  	_ =	strace s17  }
0x93: {  	s2 =	sld [smem:$0x3FFC];
	_ =	sdelay $0x3  }
0x94: {  	_ =	strace s2  }
0x95: {  	s2 =	sld [smem:$0x3FFD];
	_ =	sdelay $0x3  }
0x96: {  	_ =	strace s2  }
0x97: {  	_ =	strace $0x8FFFFFFF  }
0x98: {  	s18 =	sld [smem:$0x3FDB];
	_ =	sdelay $0x1  }
0x99: {  	s19 =	simm.s32 $_scs_section_size  }
0x9a: {  	s4 =	simm.s32 $_size__tile_overlayer_lowered;
	s5 =	simm.s32 $_tile_overlayer_lowered  }
0x9b: {  	s22 =	simm.s32 $0x1BFF;
	s21 =	sshll.u32 s5, $0x1;
	s2 =	sadd.s32 s19, s18  }
0x9c: {  	s6 =	simm.s32 $0x0;
	s20 =	sshll.u32 s4, $0x1;
	s4 =	sadd.s32 s21, s2  }
0x9d: {  	[timem:s6], [sflag:s22] =	dma.local [hbm:s4], s20  }
0x9e: {  	_ =	swait.ge [sflag:s22], s20  }
0x9f: {  	s3 =	ssub.s32 $0x0, s20;
	[sflag:s22] =	ssyncset.done $0x0  }
0xa0: {  	[sflag:s22] =	ssyncadd.s32 s3;
	_ =	sdelay $0x1  }
0xa1: {  	s23 =	simm.s32 $0x1B8B  }
0xa2: {  	_ =	swait.ge [sflag:s23], $0x1  }
0xa3: {  	[sflag:s23] =	ssyncset.done $0x0  }
0xa4: {  	s25 =	simm.s32 $0x1B8E;
	s24 =	sld [smem:$0x3FFE];
	[sflag:s23] =	ssyncadd.s32 $0xFFFFFFFF  }
0xa5: {  	s26 =	simm.s32 $execute0_lowered;
	[smem:$0x3FD2] =	sst s25  }
0xa6: {  	s4 =	sshll.u32 s26, $0x1;
	_ =	strace $0x8000004C;
	[dreg:$0x1] =	wrdreg $0xFFFFFFFF  }
0xa7: {  	s28 =	simm.s32 $_size_execute0_lowered;
	s2 =	sadd.s32 s2, s4;
	[dreg:$0x0] =	wrdreg $0x0  }
0xa8: {  	s4 =	sshll.u32 s28, $0x1;
	[dreg:$0x2] =	wrdreg s2  }
0xa9: {  	[dreg:$0x3] =	wrdreg s4  }
0xaa: {  	[dreg:$0x4] =	wrdreg $0xC0  }
0xab: {  	_ =	task [dreg:s6], $0x5FFFF  }
0xac: {  	[dreg:$0x1] =	wrdreg $0xFFFFFFFF  }
0xad: {  	[dreg:$0x0] =	wrdreg $0x60  }
0xae: {  	[dreg:$0x2] =	wrdreg s24  }
0xaf: {  	[dreg:$0x3] =	wrdreg $0x0  }
0xb0: {  	[dreg:$0x4] =	wrdreg $0x19000  }
0xb1: {  	[dreg:$0x5] =	wrdreg $0x9  }
0xb2: {  	_ =	task.clear_ibuf [dreg:s6], $0x6FFFF;
	_ =	strace $0x9000004C  }
0xb3: {  	s29 =	simm.s32 $0x9;
	_ =	strace $0x8000004E  }
0xb4: {  	_ =	swait.ge [sflag:s29], $0x1  }
0xb5: {  	[sflag:s29] =	ssyncadd.s32 $0xFFFFFFFF  }
0xb6: {  	_ =	strace $0x9000004E  }
0xb7: {  	_ =	sfence  }
0xb8: {  	s30 =	sld [smem:$0x0];
	_ =	sdelay $0x2  }
0xb9: {  	s31 =	sshll.u32 s1, $0xD;
	s1 =	sshrl.u32 s1, $0x2  }
0xba: {  	s3 =	sand.u32 $0x4000, s31;
	s1 =	sadd.s32 s1, s30  }
0xbb: {  	s0 =	sor.u32 s3, s0;
	s1 =	sshll.u32 s1, $0x11  }
0xbc: {  	s0 =	sor.u32 s1, s0  }
0xbd: {  	s0 =	sadd.s32 $0x8F2B, s0  }
0xbe: {  	[sflag:s0] =	ssyncadd.remote.s32 $0x1  }
0xbf: {  	_ =	sfence.sel $0xFFFF  }
0xc0: {  	[dreg:$0x0] =	wrdreg $0xFFFFFFFF;
	(pc) =	sbr.abs _section_cstart, $3  }
0xc1: {  	[dreg:$0x1] =	wrdreg $0xFFFFFFFF  }
0xc2: {  	_ =	task.clear_ibuf [dreg:s6], $0x2FFFF;
	_ =	strace $0x9FFFFFFF  }
0xc3: {  	(tm) =	ssettm $0x7FFFFFFF  }
tec
execute0_lowered:
.L_overlay_start_1:
0x0: {  	(tag) =	ssettag $0x1  }
0x1: {  	s4 =	rddreg [dreg:$0x0]  }
0x2: {  	s1 =	rddreg [dreg:$0x1]  }
0x3: {  	s2 =	rddreg [dreg:$0x2];
	s3 =	simm.s32 $0x0;
	s0 =	srdreg.scid  }
0x4: {  	s20 =	stileid.u32;
	[smem:$0x7FF] =	sst s3  }
0x5: {  	s5 =	sadd.s32 $0xC6200, s4;
	s6 =	sadd.s32 $0x2C00, s4;
	s11 =	sadd.s32 $0x189800, s4  }
0x6: {  	s12 =	sand.u32 $0x1, s0;
	s0 =	smul.u32 $0x1900, s20;
	s13 =	sadd.s32 $0x18CA00, s4  }
0x7: {  	s18 =	smul.u32 $0x30D40, s20;
	s7 =	ssub.s32 $0x2, s12;
	s8 =	sshll.u32 s12, $0x4  }
0x8: {  	_ =	strace $0x8000004D;
	s14 =	sshrl.u32 s7, $0x1;
	s8 =	sor.u32 s20, s8  }
0x9: {  	s15 =	sshrl.u32 s0, $0x3;
	s9 =	ssub.s32 s7, s14;
	s7 =	smul.u32 $0x30D40, s8  }
0xa: {  	s4 =	sadd.s32 $0x640, s0;
	s14 =	smul.u32 $0x19000, s12;
	s8 =	sadd.s32 s11, s15  }
0xb: {  	s10 =	sshrl.u32 s4, $0x3;
	s12 =	smul.u32 $0x30D400, s12;
	[dreg:$0x8] =	wrdreg s8  }
0xc: {  	s16 =	sadd.s32 s11, s10;
	s10 =	sadd.s32 $0xC80, s0;
	s8 =	sadd.s32 $0x12C0, s0  }
0xd: {  	s9 =	smax.u32 s9, $0x1;
	[dreg:$0x9] =	wrdreg s16;
	s15 =	sshrl.u32 s10, $0x3  }
0xe: {  	s16 =	sshrl.u32 s8, $0x3;
	s17 =	sadd.s32 s14, s0;
	s12 =	sadd.s32 s18, s12  }
0xf: {  	s19 =	sadd.s32 s14, s4;
	s26 =	sadd.s32 s14, s10;
	[dreg:$0x19] =	wrdreg s9  }
0x10: {  	s9 =	sadd.s32 s4, s1;
	s15 =	sadd.s32 s11, s15;
	s11 =	sadd.s32 s11, s16  }
0x11: {  	s17 =	sshrl.u32 s17, $0x3;
	s21 =	sadd.s32 $0x4E20, s12;
	[dreg:$0x1e] =	wrdreg s9  }
0x12: {  	s16 =	sshrl.u32 s19, $0x3;
	s12 =	sadd.s32 $0x7530, s12;
	[dreg:$0xa] =	wrdreg s15  }
0x13: {  	[dreg:$0xb] =	wrdreg s11;
	s11 =	sadd.s32 s13, s17;
	s17 =	sshrl.u32 s21, $0x3  }
0x14: {  	s22 =	sadd.s32 s13, s16;
	s21 =	sshrl.u32 s26, $0x3;
	[dreg:$0xc] =	wrdreg s11  }
0x15: {  	s12 =	sshrl.u32 s12, $0x3;
	[dreg:$0xe] =	wrdreg s22;
	s23 =	sadd.s32 s17, s6  }
0x16: {  	s11 =	sadd.s32 $0x320, s0;
	s24 =	sadd.s32 s17, s5;
	[dreg:$0x4] =	wrdreg s23  }
0x17: {  	s26 =	sadd.s32 s12, s6;
	s18 =	sadd.s32 s14, s11;
	[dreg:$0x5] =	wrdreg s24  }
0x18: {  	s12 =	sadd.s32 s12, s5;
	[dreg:$0x6] =	wrdreg s26;
	s15 =	sshrl.u32 s18, $0x3  }
0x19: {  	s17 =	sadd.s32 $0xFA0, s0;
	[dreg:$0x7] =	wrdreg s12;
	s15 =	sadd.s32 s13, s15  }
0x1a: {  	s19 =	sadd.s32 s14, s17;
	[dreg:$0xd] =	wrdreg s15;
	s15 =	sadd.s32 $0x960, s0  }
0x1b: {  	s26 =	sadd.s32 s4, s2;
	s22 =	sshrl.u32 s19, $0x3;
	s25 =	sadd.s32 s14, s15  }
0x1c: {  	[dreg:$0x1d] =	wrdreg s26;
	s23 =	sadd.s32 s13, s22;
	s16 =	sshrl.u32 s25, $0x3  }
0x1d: {  	[dreg:$0x11] =	wrdreg s23;
	s25 =	smul.u32 $0x6400, s20;
	s16 =	sadd.s32 s13, s16  }
0x1e: {  	s20 =	sshrl.u32 s7, $0x3;
	[dreg:$0xf] =	wrdreg s16;
	s16 =	sadd.s32 s13, s21  }
0x1f: {  	s22 =	sadd.s32 $0x4E2, s20;
	s21 =	sadd.s32 s5, s20;
	[dreg:$0x10] =	wrdreg s16  }
0x20: {  	s23 =	sadd.s32 s5, s22;
	[dreg:$0x15] =	wrdreg s21  }
0x21: {  	s12 =	sadd.s32 s6, s22;
	[dreg:$0x17] =	wrdreg s23  }
0x22: {  	s19 =	sshrl.u32 s25, $0x2;
	s25 =	sadd.s32 s11, s1;
	[dreg:$0x18] =	wrdreg s12  }
0x23: {  	s11 =	sadd.s32 s15, s1;
	[dreg:$0x1c] =	wrdreg s25  }
0x24: {  	s15 =	sadd.s32 s17, s1;
	[dreg:$0x1f] =	wrdreg s11  }
0x25: {  	s24 =	sadd.s32 s14, s8;
	s17 =	sadd.s32 s8, s1;
	[smem:$0x7F3] =	sst s15  }
0x26: {  	s16 =	sshrl.u32 s24, $0x3;
	s24 =	sadd.s32 s0, s1;
	[smem:$0x7F5] =	sst s17  }
0x27: {  	s18 =	sadd.s32 $0x15E0, s0;
	s0 =	sadd.s32 s0, s2;
	[dreg:$0x1a] =	wrdreg s24  }
0x28: {  	s14 =	sadd.s32 s14, s18;
	s12 =	sadd.s32 s10, s2;
	[dreg:$0x1b] =	wrdreg s0  }
0x29: {  	s14 =	sshrl.u32 s14, $0x3;
	s16 =	sadd.s32 s13, s16;
	[smem:$0x7F1] =	sst s12  }
0x2a: {  	s13 =	sadd.s32 s13, s14;
	[dreg:$0x12] =	wrdreg s16  }
0x2b: {  	s14 =	sadd.s32 s19, s1;
	s19 =	sadd.s32 s18, s1;
	[dreg:$0x13] =	wrdreg s13  }
0x2c: {  	s28 =	simm.s32 $0xA880;
	[smem:$0x7F6] =	sst s19  }
0x2d: {  	s29 =	simm.s32 $0x5;
	s13 =	sadd.s32 s6, s20;
	[dreg:$0x14] =	wrdreg s14  }
0x2e: {  	s30 =	simm.s32 $0x2710;
	s16 =	sadd.s32 s8, s2;
	[dreg:$0x16] =	wrdreg s13  }
0x2f: {  	s31 =	simm.s32 $0xD000;
	s20 =	sadd.s32 $0x320, s14;
	[smem:$0x7F4] =	sst s16  }
0x30: {  	s9 =	simm.s32 $0x1;
	s21 =	sadd.s32 $0x640, s14;
	[smem:$0x7F7] =	sst s20  }
0x31: {  	s4 =	simm.s32 $0x11F00;
	s22 =	sadd.s32 $0x960, s14;
	[smem:$0x7F8] =	sst s21  }
0x32: {  	s11 =	simm.s32 $0x3;
	s23 =	sadd.s32 $0xC80, s14;
	[smem:$0x7F9] =	sst s22  }
0x33: {  	s15 =	simm.s32 $0x0;
	s24 =	sadd.s32 $0xFA0, s14;
	[smem:$0x7FA] =	sst s23  }
0x34: {  	s0 =	simm.s32 $0xF780;
	s25 =	sadd.s32 $0x12C0, s14;
	[smem:$0x7FB] =	sst s24  }
0x35: {  	s12 =	simm.s32 $0x4;
	s26 =	sadd.s32 $0x15E0, s14;
	[smem:$0x7FC] =	sst s25  }
0x36: {  	s8 =	simm.s32 $0x14680;
	s13 =	sadd.s32 s10, s1;
	[smem:$0x7FD] =	sst s26  }
0x37: {  	s21 =	simm.s32 $0x16E00;
	s22 =	simm.s32 $0x7;
	s23 =	simm.s32 $0x19580  }
0x38: {  	s24 =	simm.s32 $0x3200;
	s25 =	simm.s32 $0x5980;
	s26 =	simm.s32 $0x8100  }
0x39: {  	v0 =	vimm.f32 $0.0e+00;
	s10 =	simm.s32 $0x2;
	[smem:$0x7F2] =	sst s13;
	s13 =	simm.s32 $0x6  }
.LBB2_1:
0x3a: {  	[smem:$0x7F0] =	sst s15;
	s15 =	simm.s32 $0x40;
	s16 =	simm.s32 $0x0  }
.LBB2_2:
0x3b: {  	p0 =	sne.s32 s15, $0x9C00;
	[tilespmem:s16+$0x16E00] =	vst v0;
	s16 =	smov.u32 s15;
	s15 =	sadd.s32 $0x40, s15  }
.Ltmp0:
0x3c: {  	(pc) =	sbr.rel @p0 .LBB2_2-.Ltmp0, $2  }
0x3d: {  	_ =	sdelay $0x2  }
0x3e: {  	s16 =	sshra.s32 s16, $0x2  }
0x3f: {  	[tilespmem:s16+$0x16E00] =	vst v0;
	s14 =	rddreg [dreg:$0x14]  }
0x40: {  	[spmem:s14] =	stream.linear.scatter [tilespmem:s21], [sflag:$0x7], $0x320, $0x38;
	[tilespmem:$0x1BD00] =	vst v63  }
0x41: {  	_ =	swait.ge [sflag:s22], $0x320  }
0x42: {  	s15 =	sld [smem:$0x7F7]  }
0x43: {  	[sflag:s22] =	ssyncset.done $0x0  }
0x44: {  	[sflag:s22] =	ssyncadd.s32 $0xFFFFFCE0  }
0x45: {  	[spmem:s15] =	stream.linear.scatter [tilespmem:s21], [sflag:$0x7], $0x320, $0x38;
	[tilespmem:$0x1BD00] =	vst v63  }
0x46: {  	_ =	swait.ge [sflag:s22], $0x320  }
0x47: {  	s16 =	sld [smem:$0x7F8]  }
0x48: {  	[sflag:s22] =	ssyncset.done $0x0  }
0x49: {  	[sflag:s22] =	ssyncadd.s32 $0xFFFFFCE0  }
0x4a: {  	[spmem:s16] =	stream.linear.scatter [tilespmem:s21], [sflag:$0x7], $0x320, $0x38;
	[tilespmem:$0x1BD00] =	vst v63  }
0x4b: {  	_ =	swait.ge [sflag:s22], $0x320  }
0x4c: {  	s17 =	sld [smem:$0x7F9]  }
0x4d: {  	[sflag:s22] =	ssyncset.done $0x0  }
0x4e: {  	[sflag:s22] =	ssyncadd.s32 $0xFFFFFCE0  }
0x4f: {  	[spmem:s17] =	stream.linear.scatter [tilespmem:s21], [sflag:$0x7], $0x320, $0x38;
	[tilespmem:$0x1BD00] =	vst v63  }
0x50: {  	_ =	swait.ge [sflag:s22], $0x320  }
0x51: {  	s18 =	sld [smem:$0x7FA]  }
0x52: {  	[sflag:s22] =	ssyncset.done $0x0  }
0x53: {  	[sflag:s22] =	ssyncadd.s32 $0xFFFFFCE0  }
0x54: {  	[spmem:s18] =	stream.linear.scatter [tilespmem:s21], [sflag:$0x7], $0x320, $0x38;
	[tilespmem:$0x1BD00] =	vst v63  }
0x55: {  	_ =	swait.ge [sflag:s22], $0x320  }
0x56: {  	s19 =	sld [smem:$0x7FB]  }
0x57: {  	[sflag:s22] =	ssyncset.done $0x0  }
0x58: {  	[sflag:s22] =	ssyncadd.s32 $0xFFFFFCE0  }
0x59: {  	[spmem:s19] =	stream.linear.scatter [tilespmem:s21], [sflag:$0x7], $0x320, $0x38;
	[tilespmem:$0x1BD00] =	vst v63  }
0x5a: {  	_ =	swait.ge [sflag:s22], $0x320  }
0x5b: {  	s20 =	sld [smem:$0x7FC]  }
0x5c: {  	[sflag:s22] =	ssyncset.done $0x0  }
0x5d: {  	[sflag:s22] =	ssyncadd.s32 $0xFFFFFCE0  }
0x5e: {  	[spmem:s20] =	stream.linear.scatter [tilespmem:s21], [sflag:$0x7], $0x320, $0x38;
	[tilespmem:$0x1BD00] =	vst v63  }
0x5f: {  	_ =	swait.ge [sflag:s22], $0x320  }
0x60: {  	s15 =	sld [smem:$0x7FD]  }
0x61: {  	[sflag:s22] =	ssyncset.done $0x0  }
0x62: {  	[sflag:s22] =	ssyncadd.s32 $0xFFFFFCE0  }
0x63: {  	[spmem:s15] =	stream.linear.scatter [tilespmem:s21], [sflag:$0x7], $0x320, $0x38;
	[tilespmem:$0x1BD00] =	vst v63  }
0x64: {  	_ =	swait.ge [sflag:s22], $0x320  }
0x65: {  	[sflag:s22] =	ssyncset.done $0x0  }
0x66: {  	s15 =	simm.s32 $0x0;
	s16 =	rddreg [dreg:$0x8];
	[sflag:s22] =	ssyncadd.s32 $0xFFFFFCE0  }
0x67: {  	[tilespmem:s23], [sflag:$0x7] =	stream.linear.gather [hbm4b:s16+s15], $0x640, $0x38;
	[tilespmem:$0x1BD00] =	vst v63  }
0x68: {  	_ =	swait.ge [sflag:s22], $0x640  }
0x69: {  	[sflag:s22] =	ssyncset.done $0x0  }
0x6a: {  	s17 =	rddreg [dreg:$0x1b];
	[sflag:s22] =	ssyncadd.s32 $0xFFFFF9C0  }
0x6b: {  	[spmem:s17] =	stream.linear.scatter [tilespmem:s23], [sflag:$0x7], $0x640, $0x38;
	[tilespmem:$0x1BD00] =	vst v63  }
0x6c: {  	_ =	swait.ge [sflag:s22], $0x640  }
0x6d: {  	[sflag:s22] =	ssyncset.done $0x0  }
0x6e: {  	s18 =	rddreg [dreg:$0x9];
	[sflag:s22] =	ssyncadd.s32 $0xFFFFF9C0  }
0x6f: {  	[tilespmem:s23], [sflag:$0x7] =	stream.linear.gather [hbm4b:s18+s15], $0x640, $0x38;
	[tilespmem:$0x1BD00] =	vst v63  }
0x70: {  	_ =	swait.ge [sflag:s22], $0x640  }
0x71: {  	[sflag:s22] =	ssyncset.done $0x0  }
0x72: {  	s19 =	rddreg [dreg:$0x1d];
	[sflag:s22] =	ssyncadd.s32 $0xFFFFF9C0  }
0x73: {  	[spmem:s19] =	stream.linear.scatter [tilespmem:s23], [sflag:$0x7], $0x640, $0x38;
	[tilespmem:$0x1BD00] =	vst v63  }
0x74: {  	_ =	swait.ge [sflag:s22], $0x640  }
0x75: {  	[sflag:s22] =	ssyncset.done $0x0  }
0x76: {  	s20 =	rddreg [dreg:$0xa];
	[sflag:s22] =	ssyncadd.s32 $0xFFFFF9C0  }
0x77: {  	[tilespmem:s23], [sflag:$0x7] =	stream.linear.gather [hbm4b:s20+s15], $0x640, $0x38;
	[tilespmem:$0x1BD00] =	vst v63  }
0x78: {  	_ =	swait.ge [sflag:s22], $0x640  }
0x79: {  	s16 =	sld [smem:$0x7F1]  }
0x7a: {  	[sflag:s22] =	ssyncset.done $0x0  }
0x7b: {  	[sflag:s22] =	ssyncadd.s32 $0xFFFFF9C0  }
0x7c: {  	[spmem:s16] =	stream.linear.scatter [tilespmem:s23], [sflag:$0x7], $0x640, $0x38;
	[tilespmem:$0x1BD00] =	vst v63  }
0x7d: {  	_ =	swait.ge [sflag:s22], $0x640  }
0x7e: {  	[sflag:s22] =	ssyncset.done $0x0  }
0x7f: {  	s17 =	rddreg [dreg:$0xb];
	[sflag:s22] =	ssyncadd.s32 $0xFFFFF9C0  }
0x80: {  	[tilespmem:s23], [sflag:$0x7] =	stream.linear.gather [hbm4b:s17+s15], $0x640, $0x38;
	[tilespmem:$0x1BD00] =	vst v63  }
0x81: {  	_ =	swait.ge [sflag:s22], $0x640  }
0x82: {  	s18 =	sld [smem:$0x7F4]  }
0x83: {  	[sflag:s22] =	ssyncset.done $0x0  }
0x84: {  	[sflag:s22] =	ssyncadd.s32 $0xFFFFF9C0  }
0x85: {  	[spmem:s18] =	stream.linear.scatter [tilespmem:s23], [sflag:$0x7], $0x640, $0x38;
	[tilespmem:$0x1BD00] =	vst v63  }
0x86: {  	_ =	swait.ge [sflag:s22], $0x640  }
0x87: {  	[sflag:s22] =	ssyncset.done $0x0  }
0x88: {  	[sflag:s22] =	ssyncadd.s32 $0xFFFFF9C0  }
0x89: {  	[bflag:$0x0] =	sbarrier.arrive $0xFFFF  }
0x8a: {  	s19 =	rddreg [dreg:$0x15]  }
0x8b: {  	[tilespmem:s24], [sflag:$0x5] =	stream.linear.gather [hbm4b:s19+s15], $0x2710, $0x38;
	[tilespmem:$0x1BD00] =	vst v63  }
0x8c: {  	s20 =	rddreg [dreg:$0x16]  }
0x8d: {  	[tilespmem:s25], [sflag:$0x5] =	stream.linear.gather [hbm4b:s20+s15], $0x2710, $0x38;
	[tilespmem:$0x1BD00] =	vst v63  }
0x8e: {  	s16 =	rddreg [dreg:$0x17]  }
0x8f: {  	[tilespmem:s26], [sflag:$0x5] =	stream.linear.gather [hbm4b:s16+s15], $0x2710, $0x38;
	[tilespmem:$0x1BD00] =	vst v63  }
0x90: {  	s17 =	rddreg [dreg:$0x18]  }
0x91: {  	[tilespmem:s28], [sflag:$0x5] =	stream.linear.gather [hbm4b:s17+s15], $0x2710, $0x38;
	[tilespmem:$0x1BD00] =	vst v63  }
0x92: {  	_ =	swait.ge [sflag:s29], $0x2710  }
0x93: {  	[sflag:s29] =	ssyncset.done $0x0  }
0x94: {  	[sflag:s29] =	ssyncadd.s32 $0xFFFFD8F0  }
0x95: {  	_ =	swait.ge [sflag:s29], $0x2710  }
0x96: {  	[sflag:s29] =	ssyncset.done $0x0  }
0x97: {  	[sflag:s29] =	ssyncadd.s32 $0xFFFFD8F0  }
0x98: {  	_ =	swait.ge [sflag:s29], $0x2710  }
0x99: {  	[sflag:s29] =	ssyncset.done $0x0  }
0x9a: {  	[sflag:s29] =	ssyncadd.s32 $0xFFFFD8F0  }
0x9b: {  	_ =	swait.ge [sflag:s29], $0x2710  }
0x9c: {  	[sflag:s29] =	ssyncset.done $0x0  }
0x9d: {  	[sflag:s29] =	ssyncadd.s32 $0xFFFFD8F0  }
0x9e: {  	[tilespmem:s21], [sflag:$0x1] =	stream.indirect.gather [spmem:s2], $0x1, s24, s30, $0xb8;
	[tilespmem:$0x1BD00] =	vst v63  }
0x9f: {  	s18 =	rddreg [dreg:$0x5]  }
0xa0: {  	[tilespmem:s23], [sflag:$0x2] =	stream.indirect.gather [spmem:s2], $0x1, s26, s30, $0xb8;
	[tilespmem:$0x1BD00] =	vst v63  }
0xa1: {  	s19 =	rddreg [dreg:$0x4];
	s15 =	sadd.s32 $0x0, s18  }
0xa2: {  	[tilespmem:s31], [sflag:$0x6] =	stream.linear.gather [hbm4b:s15+s3], $0x2710, $0x38;
	[tilespmem:$0x1BD00] =	vst v63  }
0xa3: {  	s20 =	rddreg [dreg:$0x7];
	s16 =	sadd.s32 $0x0, s19  }
0xa4: {  	[tilespmem:s0], [sflag:$0x6] =	stream.linear.gather [hbm4b:s16+s3], $0x2710, $0x38;
	[tilespmem:$0x1BD00] =	vst v63  }
0xa5: {  	s14 =	rddreg [dreg:$0x6];
	s15 =	sadd.s32 $0x0, s20  }
0xa6: {  	[tilespmem:s4], [sflag:$0x6] =	stream.linear.gather [hbm4b:s15+s3], $0x2710, $0x38;
	[tilespmem:$0x1BD00] =	vst v63  }
0xa7: {  	s16 =	sadd.s32 $0x0, s14  }
0xa8: {  	[tilespmem:s8], [sflag:$0x6] =	stream.linear.gather [hbm4b:s16+s3], $0x2710, $0x38;
	[tilespmem:$0x1BD00] =	vst v63  }
0xa9: {  	_ =	swait.ge [sflag:s9], $0x2710  }
0xaa: {  	[sflag:s9] =	ssyncset.done $0x0  }
0xab: {  	[sflag:s9] =	ssyncadd.s32 $0xFFFFD8F0  }
0xac: {  	[spmem:s1] =	stream.indirect.scatter.add.f32 [tilespmem:s21], [sflag:$0x3], $0x1, s25, s30, $0xb8;
	[tilespmem:$0x1BD00] =	vst v63  }
0xad: {  	_ =	swait.ge [sflag:s10], $0x2710  }
0xae: {  	[sflag:s10] =	ssyncset.done $0x0  }
0xaf: {  	[sflag:s10] =	ssyncadd.s32 $0xFFFFD8F0  }
0xb0: {  	[spmem:s1] =	stream.indirect.scatter.add.f32 [tilespmem:s23], [sflag:$0x4], $0x1, s28, s30, $0xb8;
	[tilespmem:$0x1BD00] =	vst v63  }
0xb1: {  	_ =	swait.ge [sflag:s11], $0x2710  }
0xb2: {  	[sflag:s11] =	ssyncset.done $0x0  }
0xb3: {  	[sflag:s11] =	ssyncadd.s32 $0xFFFFD8F0  }
0xb4: {  	_ =	swait.ge [sflag:s12], $0x2710  }
0xb5: {  	[sflag:s12] =	ssyncset.done $0x0  }
0xb6: {  	[sflag:s12] =	ssyncadd.s32 $0xFFFFD8F0  }
0xb7: {  	_ =	swait.ge [sflag:s13], $0x2710  }
0xb8: {  	[sflag:s13] =	ssyncset.done $0x0  }
0xb9: {  	[sflag:s13] =	ssyncadd.s32 $0xFFFFD8F0  }
0xba: {  	_ =	swait.ge [sflag:s13], $0x2710  }
0xbb: {  	[sflag:s13] =	ssyncset.done $0x0  }
0xbc: {  	[sflag:s13] =	ssyncadd.s32 $0xFFFFD8F0  }
0xbd: {  	_ =	swait.ge [sflag:s13], $0x2710  }
0xbe: {  	[sflag:s13] =	ssyncset.done $0x0  }
0xbf: {  	[sflag:s13] =	ssyncadd.s32 $0xFFFFD8F0  }
0xc0: {  	p0 =	por $0x0, $0x0;
	s15 =	simm.s32 $0x9C40;
	_ =	swait.ge [sflag:s13], $0x2710  }
0xc1: {  	s15 =	simm.s32 @p0 $0x0;
	[sflag:s13] =	ssyncset.done $0x0  }
0xc2: {  	s15 =	sadd.s32 s7, s15;
	[sflag:s13] =	ssyncadd.s32 $0xFFFFD8F0  }
0xc3: {  	[tilespmem:s21], [sflag:$0x1] =	stream.indirect.gather [spmem:s2], $0x1, s31, s30, $0xb8;
	[tilespmem:$0x1BD00] =	vst v63  }
0xc4: {  	s15 =	sshrl.u32 s15, $0x3  }
0xc5: {  	[tilespmem:s23], [sflag:$0x2] =	stream.indirect.gather [spmem:s2], $0x1, s4, s30, $0xb8;
	[tilespmem:$0x1BD00] =	vst v63  }
0xc6: {  	s17 =	sadd.s32 s5, s15  }
0xc7: {  	[tilespmem:s24], [sflag:$0x5] =	stream.linear.gather [hbm4b:s17+s3], $0x2710, $0x38;
	[tilespmem:$0x1BD00] =	vst v63  }
0xc8: {  	s18 =	sadd.s32 $0x4E2, s15;
	s15 =	sadd.s32 s6, s15  }
0xc9: {  	[tilespmem:s25], [sflag:$0x5] =	stream.linear.gather [hbm4b:s15+s3], $0x2710, $0x38;
	[tilespmem:$0x1BD00] =	vst v63  }
0xca: {  	s19 =	sadd.s32 s5, s18  }
0xcb: {  	[tilespmem:s26], [sflag:$0x5] =	stream.linear.gather [hbm4b:s19+s3], $0x2710, $0x38;
	[tilespmem:$0x1BD00] =	vst v63  }
0xcc: {  	s20 =	sadd.s32 s6, s18  }
0xcd: {  	[tilespmem:s28], [sflag:$0x5] =	stream.linear.gather [hbm4b:s20+s3], $0x2710, $0x38;
	[tilespmem:$0x1BD00] =	vst v63  }
0xce: {  	_ =	swait.ge [sflag:s9], $0x2710  }
0xcf: {  	[sflag:s9] =	ssyncset.done $0x0  }
0xd0: {  	[sflag:s9] =	ssyncadd.s32 $0xFFFFD8F0  }
0xd1: {  	[spmem:s1] =	stream.indirect.scatter.add.f32 [tilespmem:s21], [sflag:$0x3], $0x1, s0, s30, $0xb8;
	[tilespmem:$0x1BD00] =	vst v63  }
0xd2: {  	_ =	swait.ge [sflag:s10], $0x2710  }
0xd3: {  	[sflag:s10] =	ssyncset.done $0x0  }
0xd4: {  	[sflag:s10] =	ssyncadd.s32 $0xFFFFD8F0  }
0xd5: {  	[spmem:s1] =	stream.indirect.scatter.add.f32 [tilespmem:s23], [sflag:$0x4], $0x1, s8, s30, $0xb8;
	[tilespmem:$0x1BD00] =	vst v63  }
0xd6: {  	s16 =	simm.s32 $0x1388;
	s15 =	simm.s32 $0x9C40;
	_ =	swait.ge [sflag:s11], $0x2710  }
.LBB2_4:
0xd7: {  	[sflag:s11] =	ssyncset.done $0x0  }
0xd8: {  	[sflag:s11] =	ssyncadd.s32 $0xFFFFD8F0  }
0xd9: {  	_ =	swait.ge [sflag:s12], $0x2710  }
0xda: {  	[sflag:s12] =	ssyncset.done $0x0  }
0xdb: {  	[sflag:s12] =	ssyncadd.s32 $0xFFFFD8F0  }
0xdc: {  	_ =	swait.ge [sflag:s29], $0x2710  }
0xdd: {  	[sflag:s29] =	ssyncset.done $0x0  }
0xde: {  	[sflag:s29] =	ssyncadd.s32 $0xFFFFD8F0  }
0xdf: {  	_ =	swait.ge [sflag:s29], $0x2710  }
0xe0: {  	[sflag:s29] =	ssyncset.done $0x0  }
0xe1: {  	[sflag:s29] =	ssyncadd.s32 $0xFFFFD8F0  }
0xe2: {  	_ =	swait.ge [sflag:s29], $0x2710  }
0xe3: {  	[sflag:s29] =	ssyncset.done $0x0  }
0xe4: {  	[sflag:s29] =	ssyncadd.s32 $0xFFFFD8F0  }
0xe5: {  	_ =	swait.ge [sflag:s29], $0x2710  }
0xe6: {  	[sflag:s29] =	ssyncset.done $0x0  }
0xe7: {  	[sflag:s29] =	ssyncadd.s32 $0xFFFFD8F0  }
0xe8: {  	[tilespmem:s21], [sflag:$0x1] =	stream.indirect.gather [spmem:s2], $0x1, s24, s30, $0xb8;
	[tilespmem:$0x1BD00] =	vst v63  }
0xe9: {  	s17 =	smov.u32 s16;
	s19 =	rddreg [dreg:$0x5]  }
0xea: {  	[tilespmem:s23], [sflag:$0x2] =	stream.indirect.gather [spmem:s2], $0x1, s26, s30, $0xb8;
	[tilespmem:$0x1BD00] =	vst v63  }
0xeb: {  	s18 =	sadd.s32 $0x1388, s16;
	s14 =	rddreg [dreg:$0x4];
	s19 =	sadd.s32 s17, s19  }
0xec: {  	[tilespmem:s31], [sflag:$0x6] =	stream.linear.gather [hbm4b:s19+s3], $0x2710, $0x38;
	[tilespmem:$0x1BD00] =	vst v63  }
0xed: {  	p0 =	sne.s32 s16, $0x4E20;
	s20 =	rddreg [dreg:$0x7];
	s16 =	sadd.s32 s17, s14  }
0xee: {  	[tilespmem:s0], [sflag:$0x6] =	stream.linear.gather [hbm4b:s16+s3], $0x2710, $0x38;
	[tilespmem:$0x1BD00] =	vst v63  }
0xef: {  	s14 =	rddreg [dreg:$0x6];
	s20 =	sadd.s32 s17, s20  }
0xf0: {  	[tilespmem:s4], [sflag:$0x6] =	stream.linear.gather [hbm4b:s20+s3], $0x2710, $0x38;
	[tilespmem:$0x1BD00] =	vst v63  }
0xf1: {  	s14 =	sadd.s32 s17, s14  }
0xf2: {  	[tilespmem:s8], [sflag:$0x6] =	stream.linear.gather [hbm4b:s14+s3], $0x2710, $0x38;
	[tilespmem:$0x1BD00] =	vst v63  }
0xf3: {  	_ =	swait.ge [sflag:s9], $0x2710  }
0xf4: {  	[sflag:s9] =	ssyncset.done $0x0  }
0xf5: {  	[sflag:s9] =	ssyncadd.s32 $0xFFFFD8F0  }
0xf6: {  	[spmem:s1] =	stream.indirect.scatter.add.f32 [tilespmem:s21], [sflag:$0x3], $0x1, s25, s30, $0xb8;
	[tilespmem:$0x1BD00] =	vst v63  }
0xf7: {  	_ =	swait.ge [sflag:s10], $0x2710  }
0xf8: {  	[sflag:s10] =	ssyncset.done $0x0  }
0xf9: {  	[sflag:s10] =	ssyncadd.s32 $0xFFFFD8F0  }
0xfa: {  	[spmem:s1] =	stream.indirect.scatter.add.f32 [tilespmem:s23], [sflag:$0x4], $0x1, s28, s30, $0xb8;
	[tilespmem:$0x1BD00] =	vst v63  }
0xfb: {  	_ =	swait.ge [sflag:s11], $0x2710  }
0xfc: {  	[sflag:s11] =	ssyncset.done $0x0  }
0xfd: {  	[sflag:s11] =	ssyncadd.s32 $0xFFFFD8F0  }
0xfe: {  	_ =	swait.ge [sflag:s12], $0x2710  }
0xff: {  	[sflag:s12] =	ssyncset.done $0x0  }
0x100: {  	[sflag:s12] =	ssyncadd.s32 $0xFFFFD8F0  }
0x101: {  	_ =	swait.ge [sflag:s13], $0x2710  }
0x102: {  	[sflag:s13] =	ssyncset.done $0x0  }
0x103: {  	[sflag:s13] =	ssyncadd.s32 $0xFFFFD8F0  }
0x104: {  	_ =	swait.ge [sflag:s13], $0x2710  }
0x105: {  	[sflag:s13] =	ssyncset.done $0x0  }
0x106: {  	[sflag:s13] =	ssyncadd.s32 $0xFFFFD8F0  }
0x107: {  	_ =	swait.ge [sflag:s13], $0x2710  }
0x108: {  	[sflag:s13] =	ssyncset.done $0x0  }
0x109: {  	s15 =	sadd.s32 $0x9C40, s15;
	[sflag:s13] =	ssyncadd.s32 $0xFFFFD8F0  }
0x10a: {  	p1 =	seq.s32 s17, $0x4E20;
	s14 =	smov.u32 s15;
	_ =	swait.ge [sflag:s13], $0x2710  }
0x10b: {  	s14 =	simm.s32 @p1 $0x0;
	[sflag:s13] =	ssyncset.done $0x0  }
0x10c: {  	s14 =	sadd.s32 s7, s14;
	[sflag:s13] =	ssyncadd.s32 $0xFFFFD8F0  }
0x10d: {  	[tilespmem:s21], [sflag:$0x1] =	stream.indirect.gather [spmem:s2], $0x1, s31, s30, $0xb8;
	[tilespmem:$0x1BD00] =	vst v63  }
0x10e: {  	s14 =	sshrl.u32 s14, $0x3  }
0x10f: {  	[tilespmem:s23], [sflag:$0x2] =	stream.indirect.gather [spmem:s2], $0x1, s4, s30, $0xb8;
	[tilespmem:$0x1BD00] =	vst v63  }
0x110: {  	s19 =	sadd.s32 s5, s14  }
0x111: {  	[tilespmem:s24], [sflag:$0x5] =	stream.linear.gather [hbm4b:s19+s3], $0x2710, $0x38;
	[tilespmem:$0x1BD00] =	vst v63  }
0x112: {  	s20 =	sadd.s32 $0x4E2, s14;
	s14 =	sadd.s32 s6, s14  }
0x113: {  	[tilespmem:s25], [sflag:$0x5] =	stream.linear.gather [hbm4b:s14+s3], $0x2710, $0x38;
	[tilespmem:$0x1BD00] =	vst v63  }
0x114: {  	s19 =	sadd.s32 s5, s20  }
0x115: {  	[tilespmem:s26], [sflag:$0x5] =	stream.linear.gather [hbm4b:s19+s3], $0x2710, $0x38;
	[tilespmem:$0x1BD00] =	vst v63  }
0x116: {  	s20 =	sadd.s32 s6, s20  }
0x117: {  	[tilespmem:s28], [sflag:$0x5] =	stream.linear.gather [hbm4b:s20+s3], $0x2710, $0x38;
	[tilespmem:$0x1BD00] =	vst v63  }
0x118: {  	_ =	swait.ge [sflag:s9], $0x2710  }
0x119: {  	[sflag:s9] =	ssyncset.done $0x0  }
0x11a: {  	[sflag:s9] =	ssyncadd.s32 $0xFFFFD8F0  }
0x11b: {  	[spmem:s1] =	stream.indirect.scatter.add.f32 [tilespmem:s21], [sflag:$0x3], $0x1, s0, s30, $0xb8;
	[tilespmem:$0x1BD00] =	vst v63  }
.Ltmp1:
0x11c: {  	_ =	swait.ge [sflag:s10], $0x2710;
	(pc) =	sbr.rel @p0 .LBB2_4-.Ltmp1, $4  }
0x11d: {  	[sflag:s10] =	ssyncset.done $0x0  }
0x11e: {  	[sflag:s10] =	ssyncadd.s32 $0xFFFFD8F0  }
0x11f: {  	[spmem:s1] =	stream.indirect.scatter.add.f32 [tilespmem:s23], [sflag:$0x4], $0x1, s8, s30, $0xb8;
	[tilespmem:$0x1BD00] =	vst v63  }
0x120: {  	s16 =	smov.u32 s18;
	_ =	swait.ge [sflag:s11], $0x2710  }
0x121: {  	[sflag:s11] =	ssyncset.done $0x0  }
0x122: {  	[sflag:s11] =	ssyncadd.s32 $0xFFFFD8F0  }
0x123: {  	_ =	swait.ge [sflag:s12], $0x2710  }
0x124: {  	[sflag:s12] =	ssyncset.done $0x0  }
0x125: {  	[sflag:s12] =	ssyncadd.s32 $0xFFFFD8F0  }
0x126: {  	_ =	swait.ge [sflag:s29], $0x2710  }
0x127: {  	[sflag:s29] =	ssyncset.done $0x0  }
0x128: {  	[sflag:s29] =	ssyncadd.s32 $0xFFFFD8F0  }
0x129: {  	_ =	swait.ge [sflag:s29], $0x2710  }
0x12a: {  	[sflag:s29] =	ssyncset.done $0x0  }
0x12b: {  	[sflag:s29] =	ssyncadd.s32 $0xFFFFD8F0  }
0x12c: {  	_ =	swait.ge [sflag:s29], $0x2710  }
0x12d: {  	[sflag:s29] =	ssyncset.done $0x0  }
0x12e: {  	[sflag:s29] =	ssyncadd.s32 $0xFFFFD8F0  }
0x12f: {  	_ =	swait.ge [sflag:s29], $0x2710  }
0x130: {  	[sflag:s29] =	ssyncset.done $0x0  }
0x131: {  	[sflag:s29] =	ssyncadd.s32 $0xFFFFD8F0  }
0x132: {  	[bflag:$0x0] =	sbarrier.arrive $0xFFFF  }
0x133: {  	s14 =	rddreg [dreg:$0x1a]  }
0x134: {  	[tilespmem:s21], [sflag:$0x7] =	stream.linear.gather [spmem:s14], $0x320, $0x38;
	[tilespmem:$0x1BD00] =	vst v63  }
0x135: {  	_ =	swait.ge [sflag:s22], $0x320  }
0x136: {  	[sflag:s22] =	ssyncset.done $0x0  }
0x137: {  	s17 =	rddreg [dreg:$0xc];
	[sflag:s22] =	ssyncadd.s32 $0xFFFFFCE0  }
0x138: {  	[hbm4b:s17+s3] =	stream.linear.scatter [tilespmem:s21], [sflag:$0x7], $0x320, $0x38;
	[tilespmem:$0x1BD00] =	vst v63  }
0x139: {  	_ =	swait.ge [sflag:s22], $0x320  }
0x13a: {  	[sflag:s22] =	ssyncset.done $0x0  }
0x13b: {  	s18 =	rddreg [dreg:$0x1c];
	[sflag:s22] =	ssyncadd.s32 $0xFFFFFCE0  }
0x13c: {  	[tilespmem:s21], [sflag:$0x7] =	stream.linear.gather [spmem:s18], $0x320, $0x38;
	[tilespmem:$0x1BD00] =	vst v63  }
0x13d: {  	_ =	swait.ge [sflag:s22], $0x320  }
0x13e: {  	[sflag:s22] =	ssyncset.done $0x0  }
0x13f: {  	s19 =	rddreg [dreg:$0xd];
	[sflag:s22] =	ssyncadd.s32 $0xFFFFFCE0  }
0x140: {  	[hbm4b:s19+s3] =	stream.linear.scatter [tilespmem:s21], [sflag:$0x7], $0x320, $0x38;
	[tilespmem:$0x1BD00] =	vst v63  }
0x141: {  	_ =	swait.ge [sflag:s22], $0x320  }
0x142: {  	[sflag:s22] =	ssyncset.done $0x0  }
0x143: {  	s20 =	rddreg [dreg:$0x1e];
	[sflag:s22] =	ssyncadd.s32 $0xFFFFFCE0  }
0x144: {  	[tilespmem:s21], [sflag:$0x7] =	stream.linear.gather [spmem:s20], $0x320, $0x38;
	[tilespmem:$0x1BD00] =	vst v63  }
0x145: {  	_ =	swait.ge [sflag:s22], $0x320  }
0x146: {  	[sflag:s22] =	ssyncset.done $0x0  }
0x147: {  	s15 =	rddreg [dreg:$0xe];
	[sflag:s22] =	ssyncadd.s32 $0xFFFFFCE0  }
0x148: {  	[hbm4b:s15+s3] =	stream.linear.scatter [tilespmem:s21], [sflag:$0x7], $0x320, $0x38;
	[tilespmem:$0x1BD00] =	vst v63  }
0x149: {  	_ =	swait.ge [sflag:s22], $0x320  }
0x14a: {  	[sflag:s22] =	ssyncset.done $0x0  }
0x14b: {  	s16 =	rddreg [dreg:$0x1f];
	[sflag:s22] =	ssyncadd.s32 $0xFFFFFCE0  }
0x14c: {  	[tilespmem:s21], [sflag:$0x7] =	stream.linear.gather [spmem:s16], $0x320, $0x38;
	[tilespmem:$0x1BD00] =	vst v63  }
0x14d: {  	_ =	swait.ge [sflag:s22], $0x320  }
0x14e: {  	[sflag:s22] =	ssyncset.done $0x0  }
0x14f: {  	s17 =	rddreg [dreg:$0xf];
	[sflag:s22] =	ssyncadd.s32 $0xFFFFFCE0  }
0x150: {  	[hbm4b:s17+s3] =	stream.linear.scatter [tilespmem:s21], [sflag:$0x7], $0x320, $0x38;
	[tilespmem:$0x1BD00] =	vst v63  }
0x151: {  	_ =	swait.ge [sflag:s22], $0x320  }
0x152: {  	s18 =	sld [smem:$0x7F2]  }
0x153: {  	[sflag:s22] =	ssyncset.done $0x0  }
0x154: {  	[sflag:s22] =	ssyncadd.s32 $0xFFFFFCE0  }
0x155: {  	[tilespmem:s21], [sflag:$0x7] =	stream.linear.gather [spmem:s18], $0x320, $0x38;
	[tilespmem:$0x1BD00] =	vst v63  }
0x156: {  	_ =	swait.ge [sflag:s22], $0x320  }
0x157: {  	[sflag:s22] =	ssyncset.done $0x0  }
0x158: {  	s19 =	rddreg [dreg:$0x10];
	[sflag:s22] =	ssyncadd.s32 $0xFFFFFCE0  }
0x159: {  	[hbm4b:s19+s3] =	stream.linear.scatter [tilespmem:s21], [sflag:$0x7], $0x320, $0x38;
	[tilespmem:$0x1BD00] =	vst v63  }
0x15a: {  	_ =	swait.ge [sflag:s22], $0x320  }
0x15b: {  	s20 =	sld [smem:$0x7F3]  }
0x15c: {  	[sflag:s22] =	ssyncset.done $0x0  }
0x15d: {  	[sflag:s22] =	ssyncadd.s32 $0xFFFFFCE0  }
0x15e: {  	[tilespmem:s21], [sflag:$0x7] =	stream.linear.gather [spmem:s20], $0x320, $0x38;
	[tilespmem:$0x1BD00] =	vst v63  }
0x15f: {  	_ =	swait.ge [sflag:s22], $0x320  }
0x160: {  	[sflag:s22] =	ssyncset.done $0x0  }
0x161: {  	s15 =	rddreg [dreg:$0x11];
	[sflag:s22] =	ssyncadd.s32 $0xFFFFFCE0  }
0x162: {  	[hbm4b:s15+s3] =	stream.linear.scatter [tilespmem:s21], [sflag:$0x7], $0x320, $0x38;
	[tilespmem:$0x1BD00] =	vst v63  }
0x163: {  	_ =	swait.ge [sflag:s22], $0x320  }
0x164: {  	s16 =	sld [smem:$0x7F5]  }
0x165: {  	[sflag:s22] =	ssyncset.done $0x0  }
0x166: {  	[sflag:s22] =	ssyncadd.s32 $0xFFFFFCE0  }
0x167: {  	[tilespmem:s21], [sflag:$0x7] =	stream.linear.gather [spmem:s16], $0x320, $0x38;
	[tilespmem:$0x1BD00] =	vst v63  }
0x168: {  	_ =	swait.ge [sflag:s22], $0x320  }
0x169: {  	[sflag:s22] =	ssyncset.done $0x0  }
0x16a: {  	s17 =	rddreg [dreg:$0x12];
	[sflag:s22] =	ssyncadd.s32 $0xFFFFFCE0  }
0x16b: {  	[hbm4b:s17+s3] =	stream.linear.scatter [tilespmem:s21], [sflag:$0x7], $0x320, $0x38;
	[tilespmem:$0x1BD00] =	vst v63  }
0x16c: {  	_ =	swait.ge [sflag:s22], $0x320  }
0x16d: {  	s18 =	sld [smem:$0x7F6]  }
0x16e: {  	[sflag:s22] =	ssyncset.done $0x0  }
0x16f: {  	[sflag:s22] =	ssyncadd.s32 $0xFFFFFCE0  }
0x170: {  	[tilespmem:s21], [sflag:$0x7] =	stream.linear.gather [spmem:s18], $0x320, $0x38;
	[tilespmem:$0x1BD00] =	vst v63  }
0x171: {  	_ =	swait.ge [sflag:s22], $0x320  }
0x172: {  	[sflag:s22] =	ssyncset.done $0x0  }
0x173: {  	s19 =	rddreg [dreg:$0x13];
	[sflag:s22] =	ssyncadd.s32 $0xFFFFFCE0  }
0x174: {  	[hbm4b:s19+s3] =	stream.linear.scatter [tilespmem:s21], [sflag:$0x7], $0x320, $0x38;
	[tilespmem:$0x1BD00] =	vst v63  }
0x175: {  	_ =	swait.ge [sflag:s22], $0x320  }
0x176: {  	s15 =	sld [smem:$0x7F0];
	_ =	sdelay $0x2  }
0x177: {  	s20 =	rddreg [dreg:$0x19];
	s15 =	sadd.s32 $0x1, s15  }
0x178: {  	p0 =	sne.s32 s15, s20  }
.Ltmp2:
0x179: {  	_ = 	snop;
	(pc) =	sbr.rel @p0 .LBB2_1-.Ltmp2, $3  }
0x17a: {  	_ =	sdelay $0x1  }
0x17b: {  	[sflag:s22] =	ssyncset.done $0x0  }
0x17c: {  	[sflag:s22] =	ssyncadd.s32 $0xFFFFFCE0  }
0x17d: {  	_ =	sfence.sel $0x180000  }
0x17e: {  	[bflag:$0x0] =	sbarrier.arrive $0xFFFF  }
0x17f: {  	_ =	strace $0x9000004D  }
0x180: {  	s0 =	stileid.u32;
	[bflag:$0x2] =	sbarrier.arrive $0xFFFF  }
0x181: {  	p0 =	sne.s32 s0, $0x0;
	s0 =	rddreg [dreg:$0x3]  }
0x182: {  	s0 =	sadd.s32 @!p0 $0x100000, s0  }
0x183: {  	[sflag:s0] =	ssyncadd.tile.s32 @!p0 $0x1;
	_ =	shalt  }
.Lfunc_end2:
_tile_overlayer_lowered:
.L_overlay_start_2:
0x184: {  	(tag) =	ssettag $0x2  }
0x185: {  	s0 =	rddreg [dreg:$0x0];
	s2 =	stileid.u32  }
0x186: {  	s1 =	rddreg [dreg:$0x1];
	p0 =	sne.s32 s2, $0x0  }
0x187: {  	s3 =	rddreg [dreg:$0x2];
	[bflag:$0x3] =	sbarrier.arrive $0xFFFF;
	s2 =	simm.s32 @!p0 $0x1C07  }
0x188: {  	[timem:s3], [sflag:s2] =	dma.local @!p0 [hbm:s0], s1  }
0x189: {  	s0 =	simm.s32 @!p0 $0x7  }
0x18a: {  	_ =	swait.ge @!p0 [sflag:s0], s1  }
0x18b: {  	s1 =	ssub.s32 @!p0 $0x0, s1;
	[sflag:s0] =	ssyncset.done @!p0 $0x0  }
0x18c: {  	[sflag:s0] =	ssyncadd.s32 @!p0 s1  }
0x18d: {  	[bflag:$0x3] =	sbarrier.arrive $0xFFFF  }
0x18e: {  	_ =	shalt  }

// kernel: kernel.24.cloned.1.call-start
scs
__scs_entry_jumppad:
0x0: {  	(pc) =	sbr.rel $0x88, $3  }
0x1: {  	(tag) =	ssettag $0x0;
	lr =	simm.s32 $0x1  }
0x2: {  	[smem:$0x3F7F] =	sst lr;
	_ =	strace $0xD0000000  }
0x3: {  	_ = 	snop  }
0x4: {  	_ = 	snop  }
0x5: {  	_ = 	snop  }
0x6: {  	_ = 	snop  }
0x7: {  	_ = 	snop  }
__scs_overlays_trampoline_lowered:
0x8: {  	[smem:$0x3F8E] =	sst s0  }
0x9: {  	[smem:$0x3F8F] =	sst s1  }
0xa: {  	[smem:$0x3F90] =	sst s2  }
0xb: {  	[smem:$0x3F91] =	sst s3  }
0xc: {  	[smem:$0x3F92] =	sst s4  }
0xd: {  	[smem:$0x3F93] =	sst s5  }
0xe: {  	[smem:$0x3F94] =	sst s6  }
0xf: {  	[smem:$0x3F95] =	sst s7  }
0x10: {  	[smem:$0x3F96] =	sst s8  }
0x11: {  	[smem:$0x3F97] =	sst s9;
	s0 =	simm.s32 @!p0 $0x0  }
0x12: {  	s1 =	sld [smem:$0x3F7D];
	s0 =	simm.s32 @p0 $0x1  }
0x13: {  	[smem:$0x3F98] =	sst s0;
	s0 =	simm.s32 @!p1 $0x0  }
0x14: {  	s2 =	sld [smem:$0x3F7C];
	s0 =	simm.s32 @p1 $0x1  }
0x15: {  	[smem:$0x3F99] =	sst s0;
	s0 =	simm.s32 @!p2 $0x0  }
0x16: {  	s3 =	sld [smem:$0x3FDB];
	s0 =	simm.s32 @p2 $0x1  }
0x17: {  	s4 =	simm.s32 $0x1BF5;
	[smem:$0x3F9B] =	sst s0  }
0x18: {  	s0 =	sld [smem:$0x3F7E];
	_ =	swait.ge [sflag:s4], $0x0  }
0x19: {  	s7 =	sld [smem:$0x3F7F]  }
0x1a: {  	s8 =	sadd.s32 $0xFFFFE003, lr  }
0x1b: {  	s9 =	sadd.s32 $0xFFFFFEF7, lr;
	s5 =	simm.s32 $0xFFFFFFFF;
	p2 =	slt.u32 s8, $0xFFFFF086  }
0x1c: {  	p1 =	slt.u32 s9, $0xF7A;
	s5 =	simm.s32 @!p2 $0x0  }
0x1d: {  	s5 =	simm.s32 @p1 $0x1;
	p0 =	seq.s32 s7, s2  }
0x1e: {  	s7 =	smul.u32 @!p0 $0xF7A, s2;
	p2 =	seq.s32 @!p0 s5, $0x0  }
0x1f: {  	s9 =	smul.u32 $0xF7A, s1;
	s8 =	simm.s32 @!p0 $0x1BF5;
	p2 =	por !p2, p0  }
0x20: {  	[sflag:s8] =	ssyncset.s32 @!p0 $0xFFFFF086;
	s6 =	sadd.s32 @!p0 s3, s7;
	s7 =	simm.s32 @!p0 $0x108  }
0x21: {  	s3 =	sadd.s32 s3, s9;
	s6 =	sadd.s32 @!p0 $0x88, s6;
	s7 =	simm.s32 @p2 $0x1082  }
0x22: {  	[simem:s7], [sflag:s8] =	dma.local @!p0 [hbm:s6], $0xF7A  }
0x23: {  	s9 =	sor.u32 $0xD0000000, s2;
	s6 =	simm.s32 $0x108;
	_ =	swait.ge @!p0 [sflag:s8], $0x0  }
0x24: {  	s3 =	sadd.s32 $0x88, s3;
	s6 =	simm.s32 @!p1 $0x1082;
	[sflag:s4] =	ssyncset.s32 $0xFFFFF086  }
0x25: {  	[simem:s6], [sflag:s4] =	dma.local [hbm:s3], $0xF7A  }
0x26: {  	[smem:$0x3F7F] =	sst s1;
	(tag) =	ssettag s2;
	_ =	strace s9  }
0x27: {  	s1 =	sld [smem:$0x3F8F]  }
0x28: {  	s2 =	sld [smem:$0x3F90]  }
0x29: {  	s4 =	sld [smem:$0x3F92]  }
0x2a: {  	p0 =	seq.s32 s5, $0x0;
	s5 =	sld [smem:$0x3F93]  }
0x2b: {  	s6 =	sld [smem:$0x3F94]  }
0x2c: {  	s7 =	sld [smem:$0x3F95]  }
0x2d: {  	s3 =	simm.s32 $0x108;
	s8 =	sld [smem:$0x3F96]  }
0x2e: {  	s3 =	simm.s32 @!p0 $0x1082;
	s9 =	sld [smem:$0x3F97]  }
0x2f: {  	lr =	sadd.s32 s0, s3;
	s0 =	sld [smem:$0x3F8E]  }
0x30: {  	s3 =	sld [smem:$0x3F91]  }
0x31: {  	[smem:$0x3F9A] =	sst s10  }
0x32: {  	s10 =	sld [smem:$0x3F98];
	_ =	sdelay $0x3  }
0x33: {  	p0 =	seq.s32 s10, $0x1;
	s10 =	sld [smem:$0x3F9A];
	_ =	sdelay $0x3  }
0x34: {  	[smem:$0x3F9A] =	sst s10  }
0x35: {  	s10 =	sld [smem:$0x3F99];
	_ =	sdelay $0x3  }
0x36: {  	p1 =	seq.s32 s10, $0x1;
	s10 =	sld [smem:$0x3F9A];
	_ =	sdelay $0x3  }
0x37: {  	[smem:$0x3F9A] =	sst s10  }
0x38: {  	s10 =	sld [smem:$0x3F9B]  }
0x39: {  	_ = 	snop;
	(pc) =	sbr.ind lr, $3  }
0x3a: {  	_ = 	snop  }
0x3b: {  	_ = 	snop  }
0x3c: {  	p2 =	seq.s32 s10, $0x1;
	s10 =	sld [smem:$0x3F9A]  }
0x3d: {  	_ =	shalt  }
0x3e: {  	_ =	shalt  }
0x3f: {  	_ =	shalt  }
0x40: {  	_ =	shalt  }
0x41: {  	_ =	shalt  }
0x42: {  	_ =	shalt  }
0x43: {  	_ =	shalt  }
0x44: {  	_ =	shalt  }
0x45: {  	_ =	shalt  }
0x46: {  	_ =	shalt  }
0x47: {  	_ =	shalt  }
0x48: {  	_ =	shalt  }
0x49: {  	_ =	shalt  }
0x4a: {  	_ =	shalt  }
0x4b: {  	_ =	shalt  }
0x4c: {  	_ =	shalt  }
0x4d: {  	_ =	shalt  }
0x4e: {  	_ =	shalt  }
0x4f: {  	_ =	shalt  }
0x50: {  	_ =	shalt  }
0x51: {  	_ =	shalt  }
0x52: {  	_ =	shalt  }
0x53: {  	_ =	shalt  }
0x54: {  	_ =	shalt  }
0x55: {  	_ =	shalt  }
0x56: {  	_ =	shalt  }
0x57: {  	_ =	shalt  }
0x58: {  	_ =	shalt  }
0x59: {  	_ =	shalt  }
0x5a: {  	_ =	shalt  }
0x5b: {  	_ =	shalt  }
0x5c: {  	_ =	shalt  }
0x5d: {  	_ =	shalt  }
0x5e: {  	_ =	shalt  }
0x5f: {  	_ =	shalt  }
0x60: {  	_ =	shalt  }
0x61: {  	_ =	shalt  }
0x62: {  	_ =	shalt  }
0x63: {  	_ =	shalt  }
0x64: {  	_ =	shalt  }
0x65: {  	_ =	shalt  }
0x66: {  	_ =	shalt  }
0x67: {  	_ =	shalt  }
0x68: {  	_ =	shalt  }
0x69: {  	_ =	shalt  }
0x6a: {  	_ =	shalt  }
0x6b: {  	_ =	shalt  }
0x6c: {  	_ =	shalt  }
0x6d: {  	_ =	shalt  }
0x6e: {  	_ =	shalt  }
0x6f: {  	_ =	shalt  }
0x70: {  	_ =	shalt  }
0x71: {  	_ =	shalt  }
0x72: {  	_ =	shalt  }
0x73: {  	_ =	shalt  }
0x74: {  	_ =	shalt  }
0x75: {  	_ =	shalt  }
0x76: {  	_ =	shalt  }
0x77: {  	_ =	shalt  }
0x78: {  	_ =	shalt  }
0x79: {  	_ =	shalt  }
0x7a: {  	_ =	shalt  }
0x7b: {  	_ =	shalt  }
0x7c: {  	_ =	shalt  }
0x7d: {  	_ =	shalt  }
0x7e: {  	_ =	shalt  }
0x7f: {  	_ =	shalt  }
0x80: {  	_ =	shalt  }
0x81: {  	_ =	shalt  }
0x82: {  	_ =	shalt  }
0x83: {  	_ =	shalt  }
0x84: {  	_ =	shalt  }
0x85: {  	_ =	shalt  }
0x86: {  	_ =	shalt  }
0x87: {  	_ =	shalt  }
.Lfunc_end0:
.L_simem_size_0:
called_computation.3_lowered:
.L_overlay_start_0:
0x88: {  	s2 =	sld [smem:$0x3FD9]  }
0x89: {  	s3 =	sld [smem:$0x3FFE];
	_ =	sdelay $0x1  }
0x8a: {  	s1 =	srdreg.scid  }
0x8b: {  	s0 =	sand.u32 $0x1, s1  }
0x8c: {  	s16 =	sshll.u32 s0, $0xA;
	s2 =	sadd.s32 s3, s2  }
0x8d: {  	s2 =	sadd.s32 s2, s16  }
0x8e: {  	[smem:$0x3FA6] =	sst s2  }
0x8f: {  	_ = 	snop  }
0x90: {  	(tm) =	ssettm $0x1  }
0x91: {  	s17 =	sld [smem:$0x3FFB];
	_ =	sdelay $0x3  }
0x92: {  	_ =	strace s17  }
0x93: {  	s2 =	sld [smem:$0x3FFC];
	_ =	sdelay $0x3  }
0x94: {  	_ =	strace s2  }
0x95: {  	s2 =	sld [smem:$0x3FFD];
	_ =	sdelay $0x3  }
0x96: {  	_ =	strace s2  }
0x97: {  	_ =	strace $0x8FFFFFFF  }
0x98: {  	s18 =	sld [smem:$0x3FDB];
	_ =	sdelay $0x1  }
0x99: {  	s19 =	simm.s32 $_scs_section_size  }
0x9a: {  	s4 =	simm.s32 $_size__tile_overlayer_lowered;
	s5 =	simm.s32 $_tile_overlayer_lowered  }
0x9b: {  	s22 =	simm.s32 $0x1BFF;
	s21 =	sshll.u32 s5, $0x1;
	s2 =	sadd.s32 s19, s18  }
0x9c: {  	s6 =	simm.s32 $0x0;
	s20 =	sshll.u32 s4, $0x1;
	s4 =	sadd.s32 s21, s2  }
0x9d: {  	[timem:s6], [sflag:s22] =	dma.local [hbm:s4], s20  }
0x9e: {  	_ =	swait.ge [sflag:s22], s20  }
0x9f: {  	s3 =	ssub.s32 $0x0, s20;
	[sflag:s22] =	ssyncset.done $0x0  }
0xa0: {  	[sflag:s22] =	ssyncadd.s32 s3;
	_ =	sdelay $0x1  }
0xa1: {  	s23 =	simm.s32 $0x1B8B  }
0xa2: {  	_ =	swait.ge [sflag:s23], $0x1  }
0xa3: {  	[sflag:s23] =	ssyncset.done $0x0  }
0xa4: {  	s25 =	simm.s32 $0x1B8E;
	s24 =	sld [smem:$0x3FFE];
	[sflag:s23] =	ssyncadd.s32 $0xFFFFFFFF  }
0xa5: {  	s26 =	simm.s32 $execute0_lowered;
	[smem:$0x3FD2] =	sst s25  }
0xa6: {  	s4 =	sshll.u32 s26, $0x1;
	_ =	strace $0x8000004F;
	[dreg:$0x1] =	wrdreg $0xFFFFFFFF  }
0xa7: {  	s28 =	simm.s32 $_size_execute0_lowered;
	s2 =	sadd.s32 s2, s4;
	[dreg:$0x0] =	wrdreg $0x0  }
0xa8: {  	s4 =	sshll.u32 s28, $0x1;
	[dreg:$0x2] =	wrdreg s2  }
0xa9: {  	[dreg:$0x3] =	wrdreg s4  }
0xaa: {  	[dreg:$0x4] =	wrdreg $0xC0  }
0xab: {  	_ =	task [dreg:s6], $0x5FFFF  }
0xac: {  	[dreg:$0x1] =	wrdreg $0xFFFFFFFF  }
0xad: {  	[dreg:$0x0] =	wrdreg $0x60  }
0xae: {  	[dreg:$0x2] =	wrdreg s24  }
0xaf: {  	[dreg:$0x3] =	wrdreg $0x0  }
0xb0: {  	[dreg:$0x4] =	wrdreg $0x9  }
0xb1: {  	_ =	task.clear_ibuf [dreg:s6], $0x5FFFF;
	_ =	strace $0x9000004F  }
0xb2: {  	s29 =	simm.s32 $0x9;
	_ =	strace $0x80000051  }
0xb3: {  	_ =	swait.ge [sflag:s29], $0x1  }
0xb4: {  	[sflag:s29] =	ssyncadd.s32 $0xFFFFFFFF  }
0xb5: {  	_ =	strace $0x90000051  }
0xb6: {  	_ =	sfence  }
0xb7: {  	s30 =	sld [smem:$0x0];
	_ =	sdelay $0x2  }
0xb8: {  	s31 =	sshll.u32 s1, $0xD;
	s1 =	sshrl.u32 s1, $0x2  }
0xb9: {  	s3 =	sand.u32 $0x4000, s31;
	s1 =	sadd.s32 s1, s30  }
0xba: {  	s0 =	sor.u32 s3, s0;
	s1 =	sshll.u32 s1, $0x11  }
0xbb: {  	s0 =	sor.u32 s1, s0  }
0xbc: {  	s0 =	sadd.s32 $0x8F2B, s0  }
0xbd: {  	[sflag:s0] =	ssyncadd.remote.s32 $0x1  }
0xbe: {  	_ =	sfence.sel $0xFFFF  }
0xbf: {  	[dreg:$0x0] =	wrdreg $0xFFFFFFFF;
	(pc) =	sbr.abs _section_cstart, $3  }
0xc0: {  	[dreg:$0x1] =	wrdreg $0xFFFFFFFF  }
0xc1: {  	_ =	task.clear_ibuf [dreg:s6], $0x2FFFF;
	_ =	strace $0x9FFFFFFF  }
0xc2: {  	(tm) =	ssettm $0x7FFFFFFF  }
0xc3: {  	_ =	shalt  }
tec
execute0_lowered:
.L_overlay_start_1:
0x0: {  	(tag) =	ssettag $0x1  }
0x1: {  	s0 =	rddreg [dreg:$0x0]  }
0x2: {  	s1 =	rddreg [dreg:$0x1];
	s2 =	simm.s32 $0x0;
	s12 =	stileid.u32  }
0x3: {  	s3 =	srdreg.scid;
	s31 =	simm.s32 $0x19C80;
	s10 =	smul.u32 $0x64000, s12  }
0x4: {  	[smem:$0x7FF] =	sst s2;
	s3 =	sand.u32 $0x1, s3;
	s11 =	smul.u32 $0x30D40, s12  }
0x5: {  	s4 =	sadd.s32 $0xC6200, s0;
	s7 =	sadd.s32 $0x322E00, s0;
	s23 =	smul.u32 $0x3200, s12  }
0x6: {  	_ =	strace $0x80000050;
	s5 =	sshll.u32 s3, $0x4;
	s8 =	smul.u32 $0x32000, s3  }
0x7: {  	s9 =	ssub.s32 $0x2, s3;
	s3 =	smul.u32 $0x30D400, s3;
	s6 =	sor.u32 s12, s5  }
0x8: {  	s5 =	sadd.s32 $0x2C00, s0;
	s24 =	sshrl.u32 s9, $0x1;
	s10 =	sshrl.u32 s10, $0x2  }
0x9: {  	s0 =	sadd.s32 s8, s0;
	s8 =	ssub.s32 s9, s24;
	s24 =	sadd.s32 s10, s1  }
0xa: {  	s29 =	smul.u32 $0x30D40, s6;
	s10 =	smax.u32 s8, $0x1;
	[dreg:$0xb] =	wrdreg s24  }
0xb: {  	s3 =	sadd.s32 s11, s3;
	s13 =	sadd.s32 $0x1900, s24;
	[dreg:$0xc] =	wrdreg s10  }
0xc: {  	s11 =	simm.s32 $0x5;
	s14 =	sadd.s32 $0x3200, s24;
	[dreg:$0xd] =	wrdreg s13  }
0xd: {  	s15 =	sadd.s32 $0x4B00, s24;
	s16 =	sadd.s32 $0x320, s3;
	[dreg:$0xe] =	wrdreg s14  }
0xe: {  	s17 =	sadd.s32 $0x6400, s24;
	s18 =	sadd.s32 $0x7D00, s24;
	[dreg:$0xf] =	wrdreg s15  }
0xf: {  	s19 =	sadd.s32 $0x9600, s24;
	s3 =	sadd.s32 $0x4B0, s3;
	[dreg:$0x10] =	wrdreg s17  }
0x10: {  	s21 =	sadd.s32 $0xAF00, s24;
	s0 =	sadd.s32 s23, s0;
	[dreg:$0x11] =	wrdreg s18  }
0x11: {  	s23 =	simm.s32 $0x6;
	s25 =	sshrl.u32 s29, $0x3;
	[dreg:$0x12] =	wrdreg s19  }
0x12: {  	s8 =	sshrl.u32 s16, $0x3;
	[dreg:$0x13] =	wrdreg s21;
	s6 =	sadd.s32 $0x354E00, s0  }
0x13: {  	s3 =	sshrl.u32 s3, $0x3;
	s26 =	sadd.s32 s4, s25;
	[dreg:$0x18] =	wrdreg s6  }
0x14: {  	s0 =	simm.s32 $0x7;
	s28 =	sadd.s32 s5, s25;
	[dreg:$0x7] =	wrdreg s26  }
0x15: {  	s10 =	simm.s32 $0x194B0;
	s20 =	sadd.s32 s8, s5;
	[dreg:$0x8] =	wrdreg s28  }
0x16: {  	s13 =	simm.s32 $0x190;
	s8 =	sadd.s32 s8, s4;
	[dreg:$0x3] =	wrdreg s20  }
0x17: {  	s14 =	simm.s32 $0x1B580;
	s22 =	sadd.s32 s3, s5;
	[dreg:$0x4] =	wrdreg s8  }
0x18: {  	s9 =	sadd.s32 $0x32, s25;
	s25 =	sadd.s32 $0xC800, s24;
	[dreg:$0x5] =	wrdreg s22  }
0x19: {  	s15 =	simm.s32 $0x19640;
	s3 =	sadd.s32 s3, s4;
	[dreg:$0x14] =	wrdreg s25  }
0x1a: {  	s16 =	simm.s32 $0x197D0;
	s30 =	sadd.s32 s4, s9;
	[dreg:$0x6] =	wrdreg s3  }
0x1b: {  	s17 =	simm.s32 $0x19960;
	s9 =	sadd.s32 s5, s9;
	[dreg:$0x9] =	wrdreg s30  }
0x1c: {  	s18 =	simm.s32 $0x19AF0;
	s26 =	sadd.s32 $0xE100, s24;
	[dreg:$0xa] =	wrdreg s9  }
0x1d: {  	s19 =	simm.s32 $0x1;
	s28 =	sadd.s32 $0xFA00, s24;
	[dreg:$0x15] =	wrdreg s26  }
0x1e: {  	s21 =	simm.s32 $0x3;
	s25 =	sadd.s32 $0x12C00, s24;
	[dreg:$0x16] =	wrdreg s28  }
0x1f: {  	s3 =	simm.s32 $0x19000;
	s30 =	sadd.s32 $0x11300, s24;
	[dreg:$0x19] =	wrdreg s25  }
0x20: {  	s8 =	simm.s32 $0x19190;
	s26 =	sadd.s32 $0x14500, s24;
	[dreg:$0x17] =	wrdreg s30  }
0x21: {  	s20 =	simm.s32 $0x2;
	s28 =	sadd.s32 $0x15E00, s24;
	[dreg:$0x1a] =	wrdreg s26  }
0x22: {  	s22 =	simm.s32 $0x4;
	[dreg:$0x1b] =	wrdreg s28;
	s30 =	sadd.s32 $0x17700, s24  }
0x23: {  	v0 =	vimm.f32 $0.0e+00;
	s9 =	simm.s32 $0x19320;
	s25 =	simm.s32 $0x0;
	[dreg:$0x1c] =	wrdreg s30  }
.LBB2_1:
0x24: {  	[dreg:$0x1d] =	wrdreg s25;
	s26 =	simm.s32 $0x40;
	s28 =	simm.s32 $0x0  }
.LBB2_2:
0x25: {  	p0 =	sne.s32 s26, $0x63C0;
	[tilespmem:s28+$0x19C80] =	vst v0;
	s28 =	smov.u32 s26;
	s26 =	sadd.s32 $0x40, s26  }
.Ltmp0:
0x26: {  	(pc) =	sbr.rel @p0 .LBB2_2-.Ltmp0, $2  }
0x27: {  	_ =	sdelay $0x2  }
0x28: {  	s28 =	sshra.s32 s28, $0x2  }
0x29: {  	[tilespmem:s28+$0x19C80] =	vst v0  }
0x2a: {  	[spmem:s24] =	stream.linear.scatter [tilespmem:s31], [sflag:$0x7], $0x1900, $0x38;
	[tilespmem:$0x1CE80] =	vst v63  }
0x2b: {  	_ =	swait.ge [sflag:s0], $0x1900  }
0x2c: {  	[sflag:s0] =	ssyncset.done $0x0  }
0x2d: {  	s6 =	rddreg [dreg:$0xd];
	[sflag:s0] =	ssyncadd.s32 $0xFFFFE700  }
0x2e: {  	[spmem:s6] =	stream.linear.scatter [tilespmem:s31], [sflag:$0x7], $0x1900, $0x38;
	[tilespmem:$0x1CE80] =	vst v63  }
0x2f: {  	_ =	swait.ge [sflag:s0], $0x1900  }
0x30: {  	[sflag:s0] =	ssyncset.done $0x0  }
0x31: {  	s24 =	rddreg [dreg:$0xe];
	[sflag:s0] =	ssyncadd.s32 $0xFFFFE700  }
0x32: {  	[spmem:s24] =	stream.linear.scatter [tilespmem:s31], [sflag:$0x7], $0x1900, $0x38;
	[tilespmem:$0x1CE80] =	vst v63  }
0x33: {  	_ =	swait.ge [sflag:s0], $0x1900  }
0x34: {  	[sflag:s0] =	ssyncset.done $0x0  }
0x35: {  	s25 =	rddreg [dreg:$0xf];
	[sflag:s0] =	ssyncadd.s32 $0xFFFFE700  }
0x36: {  	[spmem:s25] =	stream.linear.scatter [tilespmem:s31], [sflag:$0x7], $0x1900, $0x38;
	[tilespmem:$0x1CE80] =	vst v63  }
0x37: {  	_ =	swait.ge [sflag:s0], $0x1900  }
0x38: {  	[sflag:s0] =	ssyncset.done $0x0  }
0x39: {  	s26 =	rddreg [dreg:$0x10];
	[sflag:s0] =	ssyncadd.s32 $0xFFFFE700  }
0x3a: {  	[spmem:s26] =	stream.linear.scatter [tilespmem:s31], [sflag:$0x7], $0x1900, $0x38;
	[tilespmem:$0x1CE80] =	vst v63  }
0x3b: {  	_ =	swait.ge [sflag:s0], $0x1900  }
0x3c: {  	[sflag:s0] =	ssyncset.done $0x0  }
0x3d: {  	s30 =	rddreg [dreg:$0x11];
	[sflag:s0] =	ssyncadd.s32 $0xFFFFE700  }
0x3e: {  	[spmem:s30] =	stream.linear.scatter [tilespmem:s31], [sflag:$0x7], $0x1900, $0x38;
	[tilespmem:$0x1CE80] =	vst v63  }
0x3f: {  	_ =	swait.ge [sflag:s0], $0x1900  }
0x40: {  	[sflag:s0] =	ssyncset.done $0x0  }
0x41: {  	s12 =	rddreg [dreg:$0x12];
	[sflag:s0] =	ssyncadd.s32 $0xFFFFE700  }
0x42: {  	[spmem:s12] =	stream.linear.scatter [tilespmem:s31], [sflag:$0x7], $0x1900, $0x38;
	[tilespmem:$0x1CE80] =	vst v63  }
0x43: {  	_ =	swait.ge [sflag:s0], $0x1900  }
0x44: {  	[sflag:s0] =	ssyncset.done $0x0  }
0x45: {  	s24 =	rddreg [dreg:$0x13];
	[sflag:s0] =	ssyncadd.s32 $0xFFFFE700  }
0x46: {  	[spmem:s24] =	stream.linear.scatter [tilespmem:s31], [sflag:$0x7], $0x1900, $0x38;
	[tilespmem:$0x1CE80] =	vst v63  }
0x47: {  	_ =	swait.ge [sflag:s0], $0x1900  }
0x48: {  	[sflag:s0] =	ssyncset.done $0x0  }
0x49: {  	s25 =	rddreg [dreg:$0x14];
	[sflag:s0] =	ssyncadd.s32 $0xFFFFE700  }
0x4a: {  	[spmem:s25] =	stream.linear.scatter [tilespmem:s31], [sflag:$0x7], $0x1900, $0x38;
	[tilespmem:$0x1CE80] =	vst v63  }
0x4b: {  	_ =	swait.ge [sflag:s0], $0x1900  }
0x4c: {  	[sflag:s0] =	ssyncset.done $0x0  }
0x4d: {  	s26 =	rddreg [dreg:$0x15];
	[sflag:s0] =	ssyncadd.s32 $0xFFFFE700  }
0x4e: {  	[spmem:s26] =	stream.linear.scatter [tilespmem:s31], [sflag:$0x7], $0x1900, $0x38;
	[tilespmem:$0x1CE80] =	vst v63  }
0x4f: {  	_ =	swait.ge [sflag:s0], $0x1900  }
0x50: {  	[sflag:s0] =	ssyncset.done $0x0  }
0x51: {  	s30 =	rddreg [dreg:$0x16];
	[sflag:s0] =	ssyncadd.s32 $0xFFFFE700  }
0x52: {  	[spmem:s30] =	stream.linear.scatter [tilespmem:s31], [sflag:$0x7], $0x1900, $0x38;
	[tilespmem:$0x1CE80] =	vst v63  }
0x53: {  	_ =	swait.ge [sflag:s0], $0x1900  }
0x54: {  	[sflag:s0] =	ssyncset.done $0x0  }
0x55: {  	s12 =	rddreg [dreg:$0x17];
	[sflag:s0] =	ssyncadd.s32 $0xFFFFE700  }
0x56: {  	[spmem:s12] =	stream.linear.scatter [tilespmem:s31], [sflag:$0x7], $0x1900, $0x38;
	[tilespmem:$0x1CE80] =	vst v63  }
0x57: {  	_ =	swait.ge [sflag:s0], $0x1900  }
0x58: {  	[sflag:s0] =	ssyncset.done $0x0  }
0x59: {  	s24 =	rddreg [dreg:$0x19];
	[sflag:s0] =	ssyncadd.s32 $0xFFFFE700  }
0x5a: {  	[spmem:s24] =	stream.linear.scatter [tilespmem:s31], [sflag:$0x7], $0x1900, $0x38;
	[tilespmem:$0x1CE80] =	vst v63  }
0x5b: {  	_ =	swait.ge [sflag:s0], $0x1900  }
0x5c: {  	[sflag:s0] =	ssyncset.done $0x0  }
0x5d: {  	s25 =	rddreg [dreg:$0x1a];
	[sflag:s0] =	ssyncadd.s32 $0xFFFFE700  }
0x5e: {  	[spmem:s25] =	stream.linear.scatter [tilespmem:s31], [sflag:$0x7], $0x1900, $0x38;
	[tilespmem:$0x1CE80] =	vst v63  }
0x5f: {  	_ =	swait.ge [sflag:s0], $0x1900  }
0x60: {  	[sflag:s0] =	ssyncset.done $0x0  }
0x61: {  	s26 =	rddreg [dreg:$0x1b];
	[sflag:s0] =	ssyncadd.s32 $0xFFFFE700  }
0x62: {  	[spmem:s26] =	stream.linear.scatter [tilespmem:s31], [sflag:$0x7], $0x1900, $0x38;
	[tilespmem:$0x1CE80] =	vst v63  }
0x63: {  	_ =	swait.ge [sflag:s0], $0x1900  }
0x64: {  	[sflag:s0] =	ssyncset.done $0x0  }
0x65: {  	s30 =	rddreg [dreg:$0x1c];
	[sflag:s0] =	ssyncadd.s32 $0xFFFFE700  }
0x66: {  	[spmem:s30] =	stream.linear.scatter [tilespmem:s31], [sflag:$0x7], $0x1900, $0x38;
	[tilespmem:$0x1CE80] =	vst v63  }
0x67: {  	_ =	swait.ge [sflag:s0], $0x1900  }
0x68: {  	[sflag:s0] =	ssyncset.done $0x0  }
0x69: {  	[sflag:s0] =	ssyncadd.s32 $0xFFFFE700  }
0x6a: {  	[bflag:$0x0] =	sbarrier.arrive $0xFFFF  }
0x6b: {  	s26 =	simm.s32 $0x0;
	s12 =	rddreg [dreg:$0x7]  }
0x6c: {  	[tilespmem:s3], [sflag:$0x5] =	stream.linear.gather [hbm4b:s12+s26], $0x190, $0x38;
	[tilespmem:$0x1CE80] =	vst v63  }
0x6d: {  	s24 =	rddreg [dreg:$0x8]  }
0x6e: {  	[tilespmem:s8], [sflag:$0x5] =	stream.linear.gather [hbm4b:s24+s26], $0x190, $0x38;
	[tilespmem:$0x1CE80] =	vst v63  }
0x6f: {  	s25 =	rddreg [dreg:$0x9]  }
0x70: {  	[tilespmem:s9], [sflag:$0x5] =	stream.linear.gather [hbm4b:s25+s26], $0x190, $0x38;
	[tilespmem:$0x1CE80] =	vst v63  }
0x71: {  	s30 =	rddreg [dreg:$0xa]  }
0x72: {  	[tilespmem:s10], [sflag:$0x5] =	stream.linear.gather [hbm4b:s30+s26], $0x190, $0x38;
	[tilespmem:$0x1CE80] =	vst v63  }
0x73: {  	_ =	swait.ge [sflag:s11], $0x190  }
0x74: {  	[sflag:s11] =	ssyncset.done $0x0  }
0x75: {  	[sflag:s11] =	ssyncadd.s32 $0xFFFFFE70  }
0x76: {  	_ =	swait.ge [sflag:s11], $0x190  }
0x77: {  	[sflag:s11] =	ssyncset.done $0x0  }
0x78: {  	[sflag:s11] =	ssyncadd.s32 $0xFFFFFE70  }
0x79: {  	_ =	swait.ge [sflag:s11], $0x190  }
0x7a: {  	[sflag:s11] =	ssyncset.done $0x0  }
0x7b: {  	[sflag:s11] =	ssyncadd.s32 $0xFFFFFE70  }
0x7c: {  	_ =	swait.ge [sflag:s11], $0x190  }
0x7d: {  	[sflag:s11] =	ssyncset.done $0x0  }
0x7e: {  	[sflag:s11] =	ssyncadd.s32 $0xFFFFFE70  }
0x7f: {  	[tilespmem:s31], [sflag:$0x1] =	stream.indirect.gather [hbm4b:s7+s13], $0x10, s3, s13, $0xb8;
	[tilespmem:$0x1CE80] =	vst v63  }
0x80: {  	s6 =	rddreg [dreg:$0x4]  }
0x81: {  	[tilespmem:s14], [sflag:$0x2] =	stream.indirect.gather [hbm4b:s7+s13], $0x10, s9, s13, $0xb8;
	[tilespmem:$0x1CE80] =	vst v63  }
0x82: {  	s28 =	rddreg [dreg:$0x3];
	s26 =	sadd.s32 $0x0, s6  }
0x83: {  	[tilespmem:s15], [sflag:$0x6] =	stream.linear.gather [hbm4b:s26+s2], $0x190, $0x38;
	[tilespmem:$0x1CE80] =	vst v63  }
0x84: {  	s12 =	rddreg [dreg:$0x6];
	s28 =	sadd.s32 $0x0, s28  }
0x85: {  	[tilespmem:s16], [sflag:$0x6] =	stream.linear.gather [hbm4b:s28+s2], $0x190, $0x38;
	[tilespmem:$0x1CE80] =	vst v63  }
0x86: {  	s26 =	sadd.s32 $0x0, s12;
	s28 =	rddreg [dreg:$0x5]  }
0x87: {  	[tilespmem:s17], [sflag:$0x6] =	stream.linear.gather [hbm4b:s26+s2], $0x190, $0x38;
	[tilespmem:$0x1CE80] =	vst v63  }
0x88: {  	s24 =	sadd.s32 $0x0, s28  }
0x89: {  	[tilespmem:s18], [sflag:$0x6] =	stream.linear.gather [hbm4b:s24+s2], $0x190, $0x38;
	[tilespmem:$0x1CE80] =	vst v63  }
0x8a: {  	_ =	swait.ge [sflag:s19], $0x1900  }
0x8b: {  	[sflag:s19] =	ssyncset.done $0x0  }
0x8c: {  	[sflag:s19] =	ssyncadd.s32 $0xFFFFE700  }
0x8d: {  	[spmem:s1] =	stream.indirect.scatter.add.f32 [tilespmem:s31], [sflag:$0x3], $0x10, s8, s13, $0xb8;
	[tilespmem:$0x1CE80] =	vst v63  }
0x8e: {  	_ =	swait.ge [sflag:s20], $0x1900  }
0x8f: {  	[sflag:s20] =	ssyncset.done $0x0  }
0x90: {  	[sflag:s20] =	ssyncadd.s32 $0xFFFFE700  }
0x91: {  	[spmem:s1] =	stream.indirect.scatter.add.f32 [tilespmem:s14], [sflag:$0x4], $0x10, s10, s13, $0xb8;
	[tilespmem:$0x1CE80] =	vst v63  }
0x92: {  	_ =	swait.ge [sflag:s21], $0x1900  }
0x93: {  	[sflag:s21] =	ssyncset.done $0x0  }
0x94: {  	[sflag:s21] =	ssyncadd.s32 $0xFFFFE700  }
0x95: {  	_ =	swait.ge [sflag:s22], $0x1900  }
0x96: {  	[sflag:s22] =	ssyncset.done $0x0  }
0x97: {  	[sflag:s22] =	ssyncadd.s32 $0xFFFFE700  }
0x98: {  	_ =	swait.ge [sflag:s23], $0x190  }
0x99: {  	[sflag:s23] =	ssyncset.done $0x0  }
0x9a: {  	[sflag:s23] =	ssyncadd.s32 $0xFFFFFE70  }
0x9b: {  	_ =	swait.ge [sflag:s23], $0x190  }
0x9c: {  	[sflag:s23] =	ssyncset.done $0x0  }
0x9d: {  	[sflag:s23] =	ssyncadd.s32 $0xFFFFFE70  }
0x9e: {  	_ =	swait.ge [sflag:s23], $0x190  }
0x9f: {  	[sflag:s23] =	ssyncset.done $0x0  }
0xa0: {  	[sflag:s23] =	ssyncadd.s32 $0xFFFFFE70  }
0xa1: {  	p0 =	por $0x0, $0x0;
	s26 =	simm.s32 $0x640;
	_ =	swait.ge [sflag:s23], $0x190  }
0xa2: {  	s26 =	simm.s32 @p0 $0x0;
	[sflag:s23] =	ssyncset.done $0x0  }
0xa3: {  	s26 =	sadd.s32 s29, s26;
	[sflag:s23] =	ssyncadd.s32 $0xFFFFFE70  }
0xa4: {  	[tilespmem:s31], [sflag:$0x1] =	stream.indirect.gather [hbm4b:s7+s13], $0x10, s15, s13, $0xb8;
	[tilespmem:$0x1CE80] =	vst v63  }
0xa5: {  	s26 =	sshrl.u32 s26, $0x3  }
0xa6: {  	[tilespmem:s14], [sflag:$0x2] =	stream.indirect.gather [hbm4b:s7+s13], $0x10, s17, s13, $0xb8;
	[tilespmem:$0x1CE80] =	vst v63  }
0xa7: {  	s28 =	sadd.s32 s4, s26  }
0xa8: {  	[tilespmem:s3], [sflag:$0x5] =	stream.linear.gather [hbm4b:s28+s2], $0x190, $0x38;
	[tilespmem:$0x1CE80] =	vst v63  }
0xa9: {  	s28 =	sadd.s32 $0x32, s26;
	s26 =	sadd.s32 s5, s26  }
0xaa: {  	[tilespmem:s8], [sflag:$0x5] =	stream.linear.gather [hbm4b:s26+s2], $0x190, $0x38;
	[tilespmem:$0x1CE80] =	vst v63  }
0xab: {  	s25 =	sadd.s32 s4, s28  }
0xac: {  	[tilespmem:s9], [sflag:$0x5] =	stream.linear.gather [hbm4b:s25+s2], $0x190, $0x38;
	[tilespmem:$0x1CE80] =	vst v63  }
0xad: {  	s30 =	sadd.s32 s5, s28  }
0xae: {  	[tilespmem:s10], [sflag:$0x5] =	stream.linear.gather [hbm4b:s30+s2], $0x190, $0x38;
	[tilespmem:$0x1CE80] =	vst v63  }
0xaf: {  	_ =	swait.ge [sflag:s19], $0x1900  }
0xb0: {  	[sflag:s19] =	ssyncset.done $0x0  }
0xb1: {  	[sflag:s19] =	ssyncadd.s32 $0xFFFFE700  }
0xb2: {  	[spmem:s1] =	stream.indirect.scatter.add.f32 [tilespmem:s31], [sflag:$0x3], $0x10, s16, s13, $0xb8;
	[tilespmem:$0x1CE80] =	vst v63  }
0xb3: {  	_ =	swait.ge [sflag:s20], $0x1900  }
0xb4: {  	[sflag:s20] =	ssyncset.done $0x0  }
0xb5: {  	[sflag:s20] =	ssyncadd.s32 $0xFFFFE700  }
0xb6: {  	[spmem:s1] =	stream.indirect.scatter.add.f32 [tilespmem:s14], [sflag:$0x4], $0x10, s18, s13, $0xb8;
	[tilespmem:$0x1CE80] =	vst v63  }
0xb7: {  	s28 =	simm.s32 $0xC8;
	s26 =	simm.s32 $0x640;
	_ =	swait.ge [sflag:s21], $0x1900  }
.LBB2_4:
0xb8: {  	[sflag:s21] =	ssyncset.done $0x0  }
0xb9: {  	[sflag:s21] =	ssyncadd.s32 $0xFFFFE700  }
0xba: {  	_ =	swait.ge [sflag:s22], $0x1900  }
0xbb: {  	[sflag:s22] =	ssyncset.done $0x0  }
0xbc: {  	[sflag:s22] =	ssyncadd.s32 $0xFFFFE700  }
0xbd: {  	_ =	swait.ge [sflag:s11], $0x190  }
0xbe: {  	[sflag:s11] =	ssyncset.done $0x0  }
0xbf: {  	[sflag:s11] =	ssyncadd.s32 $0xFFFFFE70  }
0xc0: {  	_ =	swait.ge [sflag:s11], $0x190  }
0xc1: {  	[sflag:s11] =	ssyncset.done $0x0  }
0xc2: {  	[sflag:s11] =	ssyncadd.s32 $0xFFFFFE70  }
0xc3: {  	_ =	swait.ge [sflag:s11], $0x190  }
0xc4: {  	[sflag:s11] =	ssyncset.done $0x0  }
0xc5: {  	[sflag:s11] =	ssyncadd.s32 $0xFFFFFE70  }
0xc6: {  	_ =	swait.ge [sflag:s11], $0x190  }
0xc7: {  	[sflag:s11] =	ssyncset.done $0x0  }
0xc8: {  	s25 =	smov.u32 s29;
	[sflag:s11] =	ssyncadd.s32 $0xFFFFFE70  }
0xc9: {  	[tilespmem:s31], [sflag:$0x1] =	stream.indirect.gather [hbm4b:s7+s13], $0x10, s3, s13, $0xb8;
	[tilespmem:$0x1CE80] =	vst v63  }
0xca: {  	s29 =	smov.u32 s28;
	s30 =	sadd.s32 $0xC8, s28;
	s12 =	rddreg [dreg:$0x4]  }
0xcb: {  	[tilespmem:s14], [sflag:$0x2] =	stream.indirect.gather [hbm4b:s7+s13], $0x10, s9, s13, $0xb8;
	[tilespmem:$0x1CE80] =	vst v63  }
0xcc: {  	p0 =	sne.s32 s28, $0x60E0;
	s28 =	rddreg [dreg:$0x3];
	s12 =	sadd.s32 s29, s12  }
0xcd: {  	[tilespmem:s15], [sflag:$0x6] =	stream.linear.gather [hbm4b:s12+s2], $0x190, $0x38;
	[tilespmem:$0x1CE80] =	vst v63  }
0xce: {  	s24 =	rddreg [dreg:$0x6];
	s28 =	sadd.s32 s29, s28  }
0xcf: {  	[tilespmem:s16], [sflag:$0x6] =	stream.linear.gather [hbm4b:s28+s2], $0x190, $0x38;
	[tilespmem:$0x1CE80] =	vst v63  }
0xd0: {  	s6 =	rddreg [dreg:$0x5];
	s24 =	sadd.s32 s29, s24  }
0xd1: {  	[tilespmem:s17], [sflag:$0x6] =	stream.linear.gather [hbm4b:s24+s2], $0x190, $0x38;
	[tilespmem:$0x1CE80] =	vst v63  }
0xd2: {  	s6 =	sadd.s32 s29, s6  }
0xd3: {  	[tilespmem:s18], [sflag:$0x6] =	stream.linear.gather [hbm4b:s6+s2], $0x190, $0x38;
	[tilespmem:$0x1CE80] =	vst v63  }
0xd4: {  	_ =	swait.ge [sflag:s19], $0x1900  }
0xd5: {  	[sflag:s19] =	ssyncset.done $0x0  }
0xd6: {  	[sflag:s19] =	ssyncadd.s32 $0xFFFFE700  }
0xd7: {  	[spmem:s1] =	stream.indirect.scatter.add.f32 [tilespmem:s31], [sflag:$0x3], $0x10, s8, s13, $0xb8;
	[tilespmem:$0x1CE80] =	vst v63  }
0xd8: {  	_ =	swait.ge [sflag:s20], $0x1900  }
0xd9: {  	[sflag:s20] =	ssyncset.done $0x0  }
0xda: {  	[sflag:s20] =	ssyncadd.s32 $0xFFFFE700  }
0xdb: {  	[spmem:s1] =	stream.indirect.scatter.add.f32 [tilespmem:s14], [sflag:$0x4], $0x10, s10, s13, $0xb8;
	[tilespmem:$0x1CE80] =	vst v63  }
0xdc: {  	_ =	swait.ge [sflag:s21], $0x1900  }
0xdd: {  	[sflag:s21] =	ssyncset.done $0x0  }
0xde: {  	[sflag:s21] =	ssyncadd.s32 $0xFFFFE700  }
0xdf: {  	_ =	swait.ge [sflag:s22], $0x1900  }
0xe0: {  	[sflag:s22] =	ssyncset.done $0x0  }
0xe1: {  	[sflag:s22] =	ssyncadd.s32 $0xFFFFE700  }
0xe2: {  	_ =	swait.ge [sflag:s23], $0x190  }
0xe3: {  	[sflag:s23] =	ssyncset.done $0x0  }
0xe4: {  	[sflag:s23] =	ssyncadd.s32 $0xFFFFFE70  }
0xe5: {  	_ =	swait.ge [sflag:s23], $0x190  }
0xe6: {  	[sflag:s23] =	ssyncset.done $0x0  }
0xe7: {  	[sflag:s23] =	ssyncadd.s32 $0xFFFFFE70  }
0xe8: {  	_ =	swait.ge [sflag:s23], $0x190  }
0xe9: {  	[sflag:s23] =	ssyncset.done $0x0  }
0xea: {  	s26 =	sadd.s32 $0x640, s26;
	[sflag:s23] =	ssyncadd.s32 $0xFFFFFE70  }
0xeb: {  	p1 =	seq.s32 s29, $0x60E0;
	s6 =	smov.u32 s26;
	_ =	swait.ge [sflag:s23], $0x190  }
0xec: {  	s6 =	simm.s32 @p1 $0x0;
	[sflag:s23] =	ssyncset.done $0x0  }
0xed: {  	s6 =	sadd.s32 s25, s6;
	[sflag:s23] =	ssyncadd.s32 $0xFFFFFE70  }
0xee: {  	[tilespmem:s31], [sflag:$0x1] =	stream.indirect.gather [hbm4b:s7+s13], $0x10, s15, s13, $0xb8;
	[tilespmem:$0x1CE80] =	vst v63  }
0xef: {  	s6 =	sshrl.u32 s6, $0x3  }
0xf0: {  	[tilespmem:s14], [sflag:$0x2] =	stream.indirect.gather [hbm4b:s7+s13], $0x10, s17, s13, $0xb8;
	[tilespmem:$0x1CE80] =	vst v63  }
0xf1: {  	s24 =	sadd.s32 s4, s6  }
0xf2: {  	[tilespmem:s3], [sflag:$0x5] =	stream.linear.gather [hbm4b:s24+s2], $0x190, $0x38;
	[tilespmem:$0x1CE80] =	vst v63  }
0xf3: {  	s29 =	smov.u32 s25;
	s25 =	sadd.s32 $0x32, s6;
	s6 =	sadd.s32 s5, s6  }
0xf4: {  	[tilespmem:s8], [sflag:$0x5] =	stream.linear.gather [hbm4b:s6+s2], $0x190, $0x38;
	[tilespmem:$0x1CE80] =	vst v63  }
0xf5: {  	s12 =	sadd.s32 s4, s25  }
0xf6: {  	[tilespmem:s9], [sflag:$0x5] =	stream.linear.gather [hbm4b:s12+s2], $0x190, $0x38;
	[tilespmem:$0x1CE80] =	vst v63  }
0xf7: {  	s25 =	sadd.s32 s5, s25  }
0xf8: {  	[tilespmem:s10], [sflag:$0x5] =	stream.linear.gather [hbm4b:s25+s2], $0x190, $0x38;
	[tilespmem:$0x1CE80] =	vst v63  }
0xf9: {  	_ =	swait.ge [sflag:s19], $0x1900  }
0xfa: {  	[sflag:s19] =	ssyncset.done $0x0  }
0xfb: {  	[sflag:s19] =	ssyncadd.s32 $0xFFFFE700  }
0xfc: {  	[spmem:s1] =	stream.indirect.scatter.add.f32 [tilespmem:s31], [sflag:$0x3], $0x10, s16, s13, $0xb8;
	[tilespmem:$0x1CE80] =	vst v63  }
.Ltmp1:
0xfd: {  	_ =	swait.ge [sflag:s20], $0x1900;
	(pc) =	sbr.rel @p0 .LBB2_4-.Ltmp1, $4  }
0xfe: {  	[sflag:s20] =	ssyncset.done $0x0  }
0xff: {  	[sflag:s20] =	ssyncadd.s32 $0xFFFFE700  }
0x100: {  	[spmem:s1] =	stream.indirect.scatter.add.f32 [tilespmem:s14], [sflag:$0x4], $0x10, s18, s13, $0xb8;
	[tilespmem:$0x1CE80] =	vst v63  }
0x101: {  	s28 =	smov.u32 s30;
	_ =	swait.ge [sflag:s21], $0x1900  }
0x102: {  	[sflag:s21] =	ssyncset.done $0x0  }
0x103: {  	[sflag:s21] =	ssyncadd.s32 $0xFFFFE700  }
0x104: {  	_ =	swait.ge [sflag:s22], $0x1900  }
0x105: {  	[sflag:s22] =	ssyncset.done $0x0  }
0x106: {  	[sflag:s22] =	ssyncadd.s32 $0xFFFFE700  }
0x107: {  	_ =	swait.ge [sflag:s11], $0x190  }
0x108: {  	[sflag:s11] =	ssyncset.done $0x0  }
0x109: {  	[sflag:s11] =	ssyncadd.s32 $0xFFFFFE70  }
0x10a: {  	_ =	swait.ge [sflag:s11], $0x190  }
0x10b: {  	[sflag:s11] =	ssyncset.done $0x0  }
0x10c: {  	[sflag:s11] =	ssyncadd.s32 $0xFFFFFE70  }
0x10d: {  	_ =	swait.ge [sflag:s11], $0x190  }
0x10e: {  	[sflag:s11] =	ssyncset.done $0x0  }
0x10f: {  	[sflag:s11] =	ssyncadd.s32 $0xFFFFFE70  }
0x110: {  	_ =	swait.ge [sflag:s11], $0x190  }
0x111: {  	[sflag:s11] =	ssyncset.done $0x0  }
0x112: {  	[sflag:s11] =	ssyncadd.s32 $0xFFFFFE70  }
0x113: {  	[bflag:$0x0] =	sbarrier.arrive $0xFFFF  }
0x114: {  	s24 =	rddreg [dreg:$0xb]  }
0x115: {  	[tilespmem:s31], [sflag:$0x7] =	stream.linear.gather [spmem:s24], $0x1900, $0x38;
	[tilespmem:$0x1CE80] =	vst v63  }
0x116: {  	_ =	swait.ge [sflag:s0], $0x1900  }
0x117: {  	[sflag:s0] =	ssyncset.done $0x0;
	s12 =	rddreg [dreg:$0x18]  }
0x118: {  	[sflag:s0] =	ssyncadd.s32 $0xFFFFE700;
	s6 =	sadd.s32 $0x0, s12  }
0x119: {  	[hbm4b:s6+s2] =	stream.linear.scatter [tilespmem:s31], [sflag:$0x7], $0x1900, $0x38;
	[tilespmem:$0x1CE80] =	vst v63  }
0x11a: {  	_ =	swait.ge [sflag:s0], $0x1900  }
0x11b: {  	s26 =	simm.s32 $0x320;
	s28 =	smov.u32 s24;
	[sflag:s0] =	ssyncset.done $0x0  }
.LBB2_6:
0x11c: {  	p0 =	sne.s32 s26, $0x2EE0;
	[sflag:s0] =	ssyncadd.s32 $0xFFFFE700;
	s28 =	sadd.s32 $0x1900, s28  }
0x11d: {  	[tilespmem:s31], [sflag:$0x7] =	stream.linear.gather [spmem:s28], $0x1900, $0x38;
	[tilespmem:$0x1CE80] =	vst v63  }
0x11e: {  	s6 =	smov.u32 s26;
	s26 =	sadd.s32 $0x320, s26;
	_ =	swait.ge [sflag:s0], $0x1900  }
.Ltmp2:
0x11f: {  	[sflag:s0] =	ssyncset.done $0x0;
	(pc) =	sbr.rel @p0 .LBB2_6-.Ltmp2, $4  }
0x120: {  	s6 =	sadd.s32 s6, s12;
	[sflag:s0] =	ssyncadd.s32 $0xFFFFE700  }
0x121: {  	[hbm4b:s6+s2] =	stream.linear.scatter [tilespmem:s31], [sflag:$0x7], $0x1900, $0x38;
	[tilespmem:$0x1CE80] =	vst v63  }
0x122: {  	_ =	swait.ge [sflag:s0], $0x1900  }
0x123: {  	[sflag:s0] =	ssyncset.done $0x0  }
0x124: {  	s25 =	rddreg [dreg:$0x1d]  }
0x125: {  	s6 =	rddreg [dreg:$0xc];
	s25 =	sadd.s32 $0x1, s25  }
0x126: {  	p0 =	sne.s32 s25, s6  }
.Ltmp3:
0x127: {  	_ = 	snop;
	(pc) =	sbr.rel @p0 .LBB2_1-.Ltmp3, $2  }
0x128: {  	_ =	sdelay $0x2  }
0x129: {  	[sflag:s0] =	ssyncadd.s32 $0xFFFFE700  }
0x12a: {  	_ =	sfence.sel $0x180000  }
0x12b: {  	[bflag:$0x0] =	sbarrier.arrive $0xFFFF  }
0x12c: {  	_ =	strace $0x90000050  }
0x12d: {  	s0 =	stileid.u32;
	[bflag:$0x2] =	sbarrier.arrive $0xFFFF  }
0x12e: {  	p0 =	sne.s32 s0, $0x0;
	s0 =	rddreg [dreg:$0x2]  }
0x12f: {  	s0 =	sadd.s32 @!p0 $0x100000, s0  }
0x130: {  	[sflag:s0] =	ssyncadd.tile.s32 @!p0 $0x1;
	_ =	shalt  }
.Lfunc_end2:
_tile_overlayer_lowered:
.L_overlay_start_2:
0x131: {  	(tag) =	ssettag $0x2  }
0x132: {  	s0 =	rddreg [dreg:$0x0];
	s2 =	stileid.u32  }
0x133: {  	s1 =	rddreg [dreg:$0x1];
	p0 =	sne.s32 s2, $0x0  }
0x134: {  	s3 =	rddreg [dreg:$0x2];
	[bflag:$0x3] =	sbarrier.arrive $0xFFFF;
	s2 =	simm.s32 @!p0 $0x1C07  }
0x135: {  	[timem:s3], [sflag:s2] =	dma.local @!p0 [hbm:s0], s1  }
0x136: {  	s0 =	simm.s32 @!p0 $0x7  }
0x137: {  	_ =	swait.ge @!p0 [sflag:s0], s1  }
0x138: {  	s1 =	ssub.s32 @!p0 $0x0, s1;
	[sflag:s0] =	ssyncset.done @!p0 $0x0  }
0x139: {  	[sflag:s0] =	ssyncadd.s32 @!p0 s1  }
0x13a: {  	[bflag:$0x3] =	sbarrier.arrive $0xFFFF  }
0x13b: {  	_ =	shalt  }

// kernel: kernel.27.cloned.1.call-start
scs
__scs_entry_jumppad:
0x0: {  	(pc) =	sbr.rel $0x88, $3  }
0x1: {  	(tag) =	ssettag $0x0;
	lr =	simm.s32 $0x1  }
0x2: {  	[smem:$0x3F7F] =	sst lr;
	_ =	strace $0xD0000000  }
0x3: {  	_ = 	snop  }
0x4: {  	_ = 	snop  }
0x5: {  	_ = 	snop  }
0x6: {  	_ = 	snop  }
0x7: {  	_ = 	snop  }
__scs_overlays_trampoline_lowered:
0x8: {  	[smem:$0x3F8E] =	sst s0  }
0x9: {  	[smem:$0x3F8F] =	sst s1  }
0xa: {  	[smem:$0x3F90] =	sst s2  }
0xb: {  	[smem:$0x3F91] =	sst s3  }
0xc: {  	[smem:$0x3F92] =	sst s4  }
0xd: {  	[smem:$0x3F93] =	sst s5  }
0xe: {  	[smem:$0x3F94] =	sst s6  }
0xf: {  	[smem:$0x3F95] =	sst s7  }
0x10: {  	[smem:$0x3F96] =	sst s8  }
0x11: {  	[smem:$0x3F97] =	sst s9;
	s0 =	simm.s32 @!p0 $0x0  }
0x12: {  	s1 =	sld [smem:$0x3F7D];
	s0 =	simm.s32 @p0 $0x1  }
0x13: {  	[smem:$0x3F98] =	sst s0;
	s0 =	simm.s32 @!p1 $0x0  }
0x14: {  	s2 =	sld [smem:$0x3F7C];
	s0 =	simm.s32 @p1 $0x1  }
0x15: {  	[smem:$0x3F99] =	sst s0;
	s0 =	simm.s32 @!p2 $0x0  }
0x16: {  	s3 =	sld [smem:$0x3FDB];
	s0 =	simm.s32 @p2 $0x1  }
0x17: {  	s4 =	simm.s32 $0x1BF5;
	[smem:$0x3F9B] =	sst s0  }
0x18: {  	s0 =	sld [smem:$0x3F7E];
	_ =	swait.ge [sflag:s4], $0x0  }
0x19: {  	s7 =	sld [smem:$0x3F7F]  }
0x1a: {  	s8 =	sadd.s32 $0xFFFFE003, lr  }
0x1b: {  	s9 =	sadd.s32 $0xFFFFFEF7, lr;
	s5 =	simm.s32 $0xFFFFFFFF;
	p2 =	slt.u32 s8, $0xFFFFF086  }
0x1c: {  	p1 =	slt.u32 s9, $0xF7A;
	s5 =	simm.s32 @!p2 $0x0  }
0x1d: {  	s5 =	simm.s32 @p1 $0x1;
	p0 =	seq.s32 s7, s2  }
0x1e: {  	s7 =	smul.u32 @!p0 $0xF7A, s2;
	p2 =	seq.s32 @!p0 s5, $0x0  }
0x1f: {  	s9 =	smul.u32 $0xF7A, s1;
	s8 =	simm.s32 @!p0 $0x1BF5;
	p2 =	por !p2, p0  }
0x20: {  	[sflag:s8] =	ssyncset.s32 @!p0 $0xFFFFF086;
	s6 =	sadd.s32 @!p0 s3, s7;
	s7 =	simm.s32 @!p0 $0x108  }
0x21: {  	s3 =	sadd.s32 s3, s9;
	s6 =	sadd.s32 @!p0 $0x88, s6;
	s7 =	simm.s32 @p2 $0x1082  }
0x22: {  	[simem:s7], [sflag:s8] =	dma.local @!p0 [hbm:s6], $0xF7A  }
0x23: {  	s9 =	sor.u32 $0xD0000000, s2;
	s6 =	simm.s32 $0x108;
	_ =	swait.ge @!p0 [sflag:s8], $0x0  }
0x24: {  	s3 =	sadd.s32 $0x88, s3;
	s6 =	simm.s32 @!p1 $0x1082;
	[sflag:s4] =	ssyncset.s32 $0xFFFFF086  }
0x25: {  	[simem:s6], [sflag:s4] =	dma.local [hbm:s3], $0xF7A  }
0x26: {  	[smem:$0x3F7F] =	sst s1;
	(tag) =	ssettag s2;
	_ =	strace s9  }
0x27: {  	s1 =	sld [smem:$0x3F8F]  }
0x28: {  	s2 =	sld [smem:$0x3F90]  }
0x29: {  	s4 =	sld [smem:$0x3F92]  }
0x2a: {  	p0 =	seq.s32 s5, $0x0;
	s5 =	sld [smem:$0x3F93]  }
0x2b: {  	s6 =	sld [smem:$0x3F94]  }
0x2c: {  	s7 =	sld [smem:$0x3F95]  }
0x2d: {  	s3 =	simm.s32 $0x108;
	s8 =	sld [smem:$0x3F96]  }
0x2e: {  	s3 =	simm.s32 @!p0 $0x1082;
	s9 =	sld [smem:$0x3F97]  }
0x2f: {  	lr =	sadd.s32 s0, s3;
	s0 =	sld [smem:$0x3F8E]  }
0x30: {  	s3 =	sld [smem:$0x3F91]  }
0x31: {  	[smem:$0x3F9A] =	sst s10  }
0x32: {  	s10 =	sld [smem:$0x3F98];
	_ =	sdelay $0x3  }
0x33: {  	p0 =	seq.s32 s10, $0x1;
	s10 =	sld [smem:$0x3F9A];
	_ =	sdelay $0x3  }
0x34: {  	[smem:$0x3F9A] =	sst s10  }
0x35: {  	s10 =	sld [smem:$0x3F99];
	_ =	sdelay $0x3  }
0x36: {  	p1 =	seq.s32 s10, $0x1;
	s10 =	sld [smem:$0x3F9A];
	_ =	sdelay $0x3  }
0x37: {  	[smem:$0x3F9A] =	sst s10  }
0x38: {  	s10 =	sld [smem:$0x3F9B]  }
0x39: {  	_ = 	snop;
	(pc) =	sbr.ind lr, $3  }
0x3a: {  	_ = 	snop  }
0x3b: {  	_ = 	snop  }
0x3c: {  	p2 =	seq.s32 s10, $0x1;
	s10 =	sld [smem:$0x3F9A]  }
0x3d: {  	_ =	shalt  }
0x3e: {  	_ =	shalt  }
0x3f: {  	_ =	shalt  }
0x40: {  	_ =	shalt  }
0x41: {  	_ =	shalt  }
0x42: {  	_ =	shalt  }
0x43: {  	_ =	shalt  }
0x44: {  	_ =	shalt  }
0x45: {  	_ =	shalt  }
0x46: {  	_ =	shalt  }
0x47: {  	_ =	shalt  }
0x48: {  	_ =	shalt  }
0x49: {  	_ =	shalt  }
0x4a: {  	_ =	shalt  }
0x4b: {  	_ =	shalt  }
0x4c: {  	_ =	shalt  }
0x4d: {  	_ =	shalt  }
0x4e: {  	_ =	shalt  }
0x4f: {  	_ =	shalt  }
0x50: {  	_ =	shalt  }
0x51: {  	_ =	shalt  }
0x52: {  	_ =	shalt  }
0x53: {  	_ =	shalt  }
0x54: {  	_ =	shalt  }
0x55: {  	_ =	shalt  }
0x56: {  	_ =	shalt  }
0x57: {  	_ =	shalt  }
0x58: {  	_ =	shalt  }
0x59: {  	_ =	shalt  }
0x5a: {  	_ =	shalt  }
0x5b: {  	_ =	shalt  }
0x5c: {  	_ =	shalt  }
0x5d: {  	_ =	shalt  }
0x5e: {  	_ =	shalt  }
0x5f: {  	_ =	shalt  }
0x60: {  	_ =	shalt  }
0x61: {  	_ =	shalt  }
0x62: {  	_ =	shalt  }
0x63: {  	_ =	shalt  }
0x64: {  	_ =	shalt  }
0x65: {  	_ =	shalt  }
0x66: {  	_ =	shalt  }
0x67: {  	_ =	shalt  }
0x68: {  	_ =	shalt  }
0x69: {  	_ =	shalt  }
0x6a: {  	_ =	shalt  }
0x6b: {  	_ =	shalt  }
0x6c: {  	_ =	shalt  }
0x6d: {  	_ =	shalt  }
0x6e: {  	_ =	shalt  }
0x6f: {  	_ =	shalt  }
0x70: {  	_ =	shalt  }
0x71: {  	_ =	shalt  }
0x72: {  	_ =	shalt  }
0x73: {  	_ =	shalt  }
0x74: {  	_ =	shalt  }
0x75: {  	_ =	shalt  }
0x76: {  	_ =	shalt  }
0x77: {  	_ =	shalt  }
0x78: {  	_ =	shalt  }
0x79: {  	_ =	shalt  }
0x7a: {  	_ =	shalt  }
0x7b: {  	_ =	shalt  }
0x7c: {  	_ =	shalt  }
0x7d: {  	_ =	shalt  }
0x7e: {  	_ =	shalt  }
0x7f: {  	_ =	shalt  }
0x80: {  	_ =	shalt  }
0x81: {  	_ =	shalt  }
0x82: {  	_ =	shalt  }
0x83: {  	_ =	shalt  }
0x84: {  	_ =	shalt  }
0x85: {  	_ =	shalt  }
0x86: {  	_ =	shalt  }
0x87: {  	_ =	shalt  }
.Lfunc_end0:
.L_simem_size_0:
called_computation.4_lowered:
.L_overlay_start_0:
0x88: {  	s2 =	sld [smem:$0x3FD9]  }
0x89: {  	s3 =	sld [smem:$0x3FFE];
	_ =	sdelay $0x1  }
0x8a: {  	s1 =	srdreg.scid  }
0x8b: {  	s0 =	sand.u32 $0x1, s1  }
0x8c: {  	s16 =	sshll.u32 s0, $0xA;
	s2 =	sadd.s32 s3, s2  }
0x8d: {  	s2 =	sadd.s32 s2, s16  }
0x8e: {  	[smem:$0x3FA6] =	sst s2  }
0x8f: {  	_ = 	snop  }
0x90: {  	(tm) =	ssettm $0x1  }
0x91: {  	s17 =	sld [smem:$0x3FFB];
	_ =	sdelay $0x3  }
0x92: {  	_ =	strace s17  }
0x93: {  	s2 =	sld [smem:$0x3FFC];
	_ =	sdelay $0x3  }
0x94: {  	_ =	strace s2  }
0x95: {  	s2 =	sld [smem:$0x3FFD];
	_ =	sdelay $0x3  }
0x96: {  	_ =	strace s2  }
0x97: {  	_ =	strace $0x8FFFFFFF  }
0x98: {  	s18 =	sld [smem:$0x3FDB];
	_ =	sdelay $0x1  }
0x99: {  	s19 =	simm.s32 $_scs_section_size  }
0x9a: {  	s4 =	simm.s32 $_size__tile_overlayer_lowered;
	s5 =	simm.s32 $_tile_overlayer_lowered  }
0x9b: {  	s22 =	simm.s32 $0x1BFF;
	s21 =	sshll.u32 s5, $0x1;
	s2 =	sadd.s32 s19, s18  }
0x9c: {  	s6 =	simm.s32 $0x0;
	s20 =	sshll.u32 s4, $0x1;
	s4 =	sadd.s32 s21, s2  }
0x9d: {  	[timem:s6], [sflag:s22] =	dma.local [hbm:s4], s20  }
0x9e: {  	_ =	swait.ge [sflag:s22], s20  }
0x9f: {  	s3 =	ssub.s32 $0x0, s20;
	[sflag:s22] =	ssyncset.done $0x0  }
0xa0: {  	[sflag:s22] =	ssyncadd.s32 s3;
	_ =	sdelay $0x1  }
0xa1: {  	s23 =	simm.s32 $0x1B8B  }
0xa2: {  	_ =	swait.ge [sflag:s23], $0x1  }
0xa3: {  	[sflag:s23] =	ssyncset.done $0x0  }
0xa4: {  	s25 =	simm.s32 $0x1B8E;
	s24 =	sld [smem:$0x3FFE];
	[sflag:s23] =	ssyncadd.s32 $0xFFFFFFFF  }
0xa5: {  	s26 =	simm.s32 $execute0_lowered;
	[smem:$0x3FD2] =	sst s25  }
0xa6: {  	s4 =	sshll.u32 s26, $0x1;
	_ =	strace $0x80000052;
	[dreg:$0x1] =	wrdreg $0xFFFFFFFF  }
0xa7: {  	s28 =	simm.s32 $_size_execute0_lowered;
	s2 =	sadd.s32 s2, s4;
	[dreg:$0x0] =	wrdreg $0x0  }
0xa8: {  	s4 =	sshll.u32 s28, $0x1;
	[dreg:$0x2] =	wrdreg s2  }
0xa9: {  	[dreg:$0x3] =	wrdreg s4  }
0xaa: {  	[dreg:$0x4] =	wrdreg $0xC0  }
0xab: {  	_ =	task [dreg:s6], $0x5FFFF  }
0xac: {  	[dreg:$0x1] =	wrdreg $0xFFFFFFFF  }
0xad: {  	[dreg:$0x0] =	wrdreg $0x60  }
0xae: {  	[dreg:$0x2] =	wrdreg s24  }
0xaf: {  	[dreg:$0x3] =	wrdreg $0x0  }
0xb0: {  	[dreg:$0x4] =	wrdreg $0x9  }
0xb1: {  	_ =	task.clear_ibuf [dreg:s6], $0x5FFFF;
	_ =	strace $0x90000052  }
0xb2: {  	s29 =	simm.s32 $0x9;
	_ =	strace $0x80000054  }
0xb3: {  	_ =	swait.ge [sflag:s29], $0x1  }
0xb4: {  	[sflag:s29] =	ssyncadd.s32 $0xFFFFFFFF  }
0xb5: {  	_ =	strace $0x90000054  }
0xb6: {  	_ =	sfence  }
0xb7: {  	s30 =	sld [smem:$0x0];
	_ =	sdelay $0x2  }
0xb8: {  	s31 =	sshll.u32 s1, $0xD;
	s1 =	sshrl.u32 s1, $0x2  }
0xb9: {  	s3 =	sand.u32 $0x4000, s31;
	s1 =	sadd.s32 s1, s30  }
0xba: {  	s0 =	sor.u32 s3, s0;
	s1 =	sshll.u32 s1, $0x11  }
0xbb: {  	s0 =	sor.u32 s1, s0  }
0xbc: {  	s0 =	sadd.s32 $0x8F2B, s0  }
0xbd: {  	[sflag:s0] =	ssyncadd.remote.s32 $0x1  }
0xbe: {  	_ =	sfence.sel $0xFFFF  }
0xbf: {  	[dreg:$0x0] =	wrdreg $0xFFFFFFFF;
	(pc) =	sbr.abs _section_cstart, $3  }
0xc0: {  	[dreg:$0x1] =	wrdreg $0xFFFFFFFF  }
0xc1: {  	_ =	task.clear_ibuf [dreg:s6], $0x2FFFF;
	_ =	strace $0x9FFFFFFF  }
0xc2: {  	(tm) =	ssettm $0x7FFFFFFF  }
0xc3: {  	_ =	shalt  }
tec
execute0_lowered:
.L_overlay_start_1:
0x0: {  	(tag) =	ssettag $0x1  }
0x1: {  	s0 =	rddreg [dreg:$0x0]  }
0x2: {  	s1 =	rddreg [dreg:$0x1];
	s2 =	simm.s32 $0x0;
	s12 =	stileid.u32  }
0x3: {  	s3 =	srdreg.scid;
	s31 =	simm.s32 $0x19C80;
	s10 =	smul.u32 $0x64000, s12  }
0x4: {  	[smem:$0x7FF] =	sst s2;
	s3 =	sand.u32 $0x1, s3;
	s11 =	smul.u32 $0x30D40, s12  }
0x5: {  	s4 =	sadd.s32 $0xC6200, s0;
	s7 =	sadd.s32 $0x4B2E00, s0;
	s23 =	smul.u32 $0x3200, s12  }
0x6: {  	_ =	strace $0x80000053;
	s5 =	sshll.u32 s3, $0x4;
	s8 =	smul.u32 $0x32000, s3  }
0x7: {  	s9 =	ssub.s32 $0x2, s3;
	s3 =	smul.u32 $0x30D400, s3;
	s6 =	sor.u32 s12, s5  }
0x8: {  	s5 =	sadd.s32 $0x2C00, s0;
	s24 =	sshrl.u32 s9, $0x1;
	s10 =	sshrl.u32 s10, $0x2  }
0x9: {  	s0 =	sadd.s32 s8, s0;
	s8 =	ssub.s32 s9, s24;
	s24 =	sadd.s32 s10, s1  }
0xa: {  	s29 =	smul.u32 $0x30D40, s6;
	s10 =	smax.u32 s8, $0x1;
	[dreg:$0xb] =	wrdreg s24  }
0xb: {  	s3 =	sadd.s32 s11, s3;
	s13 =	sadd.s32 $0x1900, s24;
	[dreg:$0xc] =	wrdreg s10  }
0xc: {  	s11 =	simm.s32 $0x5;
	s14 =	sadd.s32 $0x3200, s24;
	[dreg:$0xd] =	wrdreg s13  }
0xd: {  	s15 =	sadd.s32 $0x4B00, s24;
	s16 =	sadd.s32 $0x320, s3;
	[dreg:$0xe] =	wrdreg s14  }
0xe: {  	s17 =	sadd.s32 $0x6400, s24;
	s18 =	sadd.s32 $0x7D00, s24;
	[dreg:$0xf] =	wrdreg s15  }
0xf: {  	s19 =	sadd.s32 $0x9600, s24;
	s3 =	sadd.s32 $0x4B0, s3;
	[dreg:$0x10] =	wrdreg s17  }
0x10: {  	s21 =	sadd.s32 $0xAF00, s24;
	s0 =	sadd.s32 s23, s0;
	[dreg:$0x11] =	wrdreg s18  }
0x11: {  	s23 =	simm.s32 $0x6;
	s25 =	sshrl.u32 s29, $0x3;
	[dreg:$0x12] =	wrdreg s19  }
0x12: {  	s8 =	sshrl.u32 s16, $0x3;
	[dreg:$0x13] =	wrdreg s21;
	s6 =	sadd.s32 $0x4E4E00, s0  }
0x13: {  	s3 =	sshrl.u32 s3, $0x3;
	s26 =	sadd.s32 s4, s25;
	[dreg:$0x18] =	wrdreg s6  }
0x14: {  	s0 =	simm.s32 $0x7;
	s28 =	sadd.s32 s5, s25;
	[dreg:$0x7] =	wrdreg s26  }
0x15: {  	s10 =	simm.s32 $0x194B0;
	s20 =	sadd.s32 s8, s5;
	[dreg:$0x8] =	wrdreg s28  }
0x16: {  	s13 =	simm.s32 $0x190;
	s8 =	sadd.s32 s8, s4;
	[dreg:$0x3] =	wrdreg s20  }
0x17: {  	s14 =	simm.s32 $0x1B580;
	s22 =	sadd.s32 s3, s5;
	[dreg:$0x4] =	wrdreg s8  }
0x18: {  	s9 =	sadd.s32 $0x32, s25;
	s25 =	sadd.s32 $0xC800, s24;
	[dreg:$0x5] =	wrdreg s22  }
0x19: {  	s15 =	simm.s32 $0x19640;
	s3 =	sadd.s32 s3, s4;
	[dreg:$0x14] =	wrdreg s25  }
0x1a: {  	s16 =	simm.s32 $0x197D0;
	s30 =	sadd.s32 s4, s9;
	[dreg:$0x6] =	wrdreg s3  }
0x1b: {  	s17 =	simm.s32 $0x19960;
	s9 =	sadd.s32 s5, s9;
	[dreg:$0x9] =	wrdreg s30  }
0x1c: {  	s18 =	simm.s32 $0x19AF0;
	s26 =	sadd.s32 $0xE100, s24;
	[dreg:$0xa] =	wrdreg s9  }
0x1d: {  	s19 =	simm.s32 $0x1;
	s28 =	sadd.s32 $0xFA00, s24;
	[dreg:$0x15] =	wrdreg s26  }
0x1e: {  	s21 =	simm.s32 $0x3;
	s25 =	sadd.s32 $0x12C00, s24;
	[dreg:$0x16] =	wrdreg s28  }
0x1f: {  	s3 =	simm.s32 $0x19000;
	s30 =	sadd.s32 $0x11300, s24;
	[dreg:$0x19] =	wrdreg s25  }
0x20: {  	s8 =	simm.s32 $0x19190;
	s26 =	sadd.s32 $0x14500, s24;
	[dreg:$0x17] =	wrdreg s30  }
0x21: {  	s20 =	simm.s32 $0x2;
	s28 =	sadd.s32 $0x15E00, s24;
	[dreg:$0x1a] =	wrdreg s26  }
0x22: {  	s22 =	simm.s32 $0x4;
	[dreg:$0x1b] =	wrdreg s28;
	s30 =	sadd.s32 $0x17700, s24  }
0x23: {  	v0 =	vimm.f32 $0.0e+00;
	s9 =	simm.s32 $0x19320;
	s25 =	simm.s32 $0x0;
	[dreg:$0x1c] =	wrdreg s30  }
.LBB2_1:
0x24: {  	[dreg:$0x1d] =	wrdreg s25;
	s26 =	simm.s32 $0x40;
	s28 =	simm.s32 $0x0  }
.LBB2_2:
0x25: {  	p0 =	sne.s32 s26, $0x63C0;
	[tilespmem:s28+$0x19C80] =	vst v0;
	s28 =	smov.u32 s26;
	s26 =	sadd.s32 $0x40, s26  }
.Ltmp0:
0x26: {  	(pc) =	sbr.rel @p0 .LBB2_2-.Ltmp0, $2  }
0x27: {  	_ =	sdelay $0x2  }
0x28: {  	s28 =	sshra.s32 s28, $0x2  }
0x29: {  	[tilespmem:s28+$0x19C80] =	vst v0  }
0x2a: {  	[spmem:s24] =	stream.linear.scatter [tilespmem:s31], [sflag:$0x7], $0x1900, $0x38;
	[tilespmem:$0x1CE80] =	vst v63  }
0x2b: {  	_ =	swait.ge [sflag:s0], $0x1900  }
0x2c: {  	[sflag:s0] =	ssyncset.done $0x0  }
0x2d: {  	s6 =	rddreg [dreg:$0xd];
	[sflag:s0] =	ssyncadd.s32 $0xFFFFE700  }
0x2e: {  	[spmem:s6] =	stream.linear.scatter [tilespmem:s31], [sflag:$0x7], $0x1900, $0x38;
	[tilespmem:$0x1CE80] =	vst v63  }
0x2f: {  	_ =	swait.ge [sflag:s0], $0x1900  }
0x30: {  	[sflag:s0] =	ssyncset.done $0x0  }
0x31: {  	s24 =	rddreg [dreg:$0xe];
	[sflag:s0] =	ssyncadd.s32 $0xFFFFE700  }
0x32: {  	[spmem:s24] =	stream.linear.scatter [tilespmem:s31], [sflag:$0x7], $0x1900, $0x38;
	[tilespmem:$0x1CE80] =	vst v63  }
0x33: {  	_ =	swait.ge [sflag:s0], $0x1900  }
0x34: {  	[sflag:s0] =	ssyncset.done $0x0  }
0x35: {  	s25 =	rddreg [dreg:$0xf];
	[sflag:s0] =	ssyncadd.s32 $0xFFFFE700  }
0x36: {  	[spmem:s25] =	stream.linear.scatter [tilespmem:s31], [sflag:$0x7], $0x1900, $0x38;
	[tilespmem:$0x1CE80] =	vst v63  }
0x37: {  	_ =	swait.ge [sflag:s0], $0x1900  }
0x38: {  	[sflag:s0] =	ssyncset.done $0x0  }
0x39: {  	s26 =	rddreg [dreg:$0x10];
	[sflag:s0] =	ssyncadd.s32 $0xFFFFE700  }
0x3a: {  	[spmem:s26] =	stream.linear.scatter [tilespmem:s31], [sflag:$0x7], $0x1900, $0x38;
	[tilespmem:$0x1CE80] =	vst v63  }
0x3b: {  	_ =	swait.ge [sflag:s0], $0x1900  }
0x3c: {  	[sflag:s0] =	ssyncset.done $0x0  }
0x3d: {  	s30 =	rddreg [dreg:$0x11];
	[sflag:s0] =	ssyncadd.s32 $0xFFFFE700  }
0x3e: {  	[spmem:s30] =	stream.linear.scatter [tilespmem:s31], [sflag:$0x7], $0x1900, $0x38;
	[tilespmem:$0x1CE80] =	vst v63  }
0x3f: {  	_ =	swait.ge [sflag:s0], $0x1900  }
0x40: {  	[sflag:s0] =	ssyncset.done $0x0  }
0x41: {  	s12 =	rddreg [dreg:$0x12];
	[sflag:s0] =	ssyncadd.s32 $0xFFFFE700  }
0x42: {  	[spmem:s12] =	stream.linear.scatter [tilespmem:s31], [sflag:$0x7], $0x1900, $0x38;
	[tilespmem:$0x1CE80] =	vst v63  }
0x43: {  	_ =	swait.ge [sflag:s0], $0x1900  }
0x44: {  	[sflag:s0] =	ssyncset.done $0x0  }
0x45: {  	s24 =	rddreg [dreg:$0x13];
	[sflag:s0] =	ssyncadd.s32 $0xFFFFE700  }
0x46: {  	[spmem:s24] =	stream.linear.scatter [tilespmem:s31], [sflag:$0x7], $0x1900, $0x38;
	[tilespmem:$0x1CE80] =	vst v63  }
0x47: {  	_ =	swait.ge [sflag:s0], $0x1900  }
0x48: {  	[sflag:s0] =	ssyncset.done $0x0  }
0x49: {  	s25 =	rddreg [dreg:$0x14];
	[sflag:s0] =	ssyncadd.s32 $0xFFFFE700  }
0x4a: {  	[spmem:s25] =	stream.linear.scatter [tilespmem:s31], [sflag:$0x7], $0x1900, $0x38;
	[tilespmem:$0x1CE80] =	vst v63  }
0x4b: {  	_ =	swait.ge [sflag:s0], $0x1900  }
0x4c: {  	[sflag:s0] =	ssyncset.done $0x0  }
0x4d: {  	s26 =	rddreg [dreg:$0x15];
	[sflag:s0] =	ssyncadd.s32 $0xFFFFE700  }
0x4e: {  	[spmem:s26] =	stream.linear.scatter [tilespmem:s31], [sflag:$0x7], $0x1900, $0x38;
	[tilespmem:$0x1CE80] =	vst v63  }
0x4f: {  	_ =	swait.ge [sflag:s0], $0x1900  }
0x50: {  	[sflag:s0] =	ssyncset.done $0x0  }
0x51: {  	s30 =	rddreg [dreg:$0x16];
	[sflag:s0] =	ssyncadd.s32 $0xFFFFE700  }
0x52: {  	[spmem:s30] =	stream.linear.scatter [tilespmem:s31], [sflag:$0x7], $0x1900, $0x38;
	[tilespmem:$0x1CE80] =	vst v63  }
0x53: {  	_ =	swait.ge [sflag:s0], $0x1900  }
0x54: {  	[sflag:s0] =	ssyncset.done $0x0  }
0x55: {  	s12 =	rddreg [dreg:$0x17];
	[sflag:s0] =	ssyncadd.s32 $0xFFFFE700  }
0x56: {  	[spmem:s12] =	stream.linear.scatter [tilespmem:s31], [sflag:$0x7], $0x1900, $0x38;
	[tilespmem:$0x1CE80] =	vst v63  }
0x57: {  	_ =	swait.ge [sflag:s0], $0x1900  }
0x58: {  	[sflag:s0] =	ssyncset.done $0x0  }
0x59: {  	s24 =	rddreg [dreg:$0x19];
	[sflag:s0] =	ssyncadd.s32 $0xFFFFE700  }
0x5a: {  	[spmem:s24] =	stream.linear.scatter [tilespmem:s31], [sflag:$0x7], $0x1900, $0x38;
	[tilespmem:$0x1CE80] =	vst v63  }
0x5b: {  	_ =	swait.ge [sflag:s0], $0x1900  }
0x5c: {  	[sflag:s0] =	ssyncset.done $0x0  }
0x5d: {  	s25 =	rddreg [dreg:$0x1a];
	[sflag:s0] =	ssyncadd.s32 $0xFFFFE700  }
0x5e: {  	[spmem:s25] =	stream.linear.scatter [tilespmem:s31], [sflag:$0x7], $0x1900, $0x38;
	[tilespmem:$0x1CE80] =	vst v63  }
0x5f: {  	_ =	swait.ge [sflag:s0], $0x1900  }
0x60: {  	[sflag:s0] =	ssyncset.done $0x0  }
0x61: {  	s26 =	rddreg [dreg:$0x1b];
	[sflag:s0] =	ssyncadd.s32 $0xFFFFE700  }
0x62: {  	[spmem:s26] =	stream.linear.scatter [tilespmem:s31], [sflag:$0x7], $0x1900, $0x38;
	[tilespmem:$0x1CE80] =	vst v63  }
0x63: {  	_ =	swait.ge [sflag:s0], $0x1900  }
0x64: {  	[sflag:s0] =	ssyncset.done $0x0  }
0x65: {  	s30 =	rddreg [dreg:$0x1c];
	[sflag:s0] =	ssyncadd.s32 $0xFFFFE700  }
0x66: {  	[spmem:s30] =	stream.linear.scatter [tilespmem:s31], [sflag:$0x7], $0x1900, $0x38;
	[tilespmem:$0x1CE80] =	vst v63  }
0x67: {  	_ =	swait.ge [sflag:s0], $0x1900  }
0x68: {  	[sflag:s0] =	ssyncset.done $0x0  }
0x69: {  	[sflag:s0] =	ssyncadd.s32 $0xFFFFE700  }
0x6a: {  	[bflag:$0x0] =	sbarrier.arrive $0xFFFF  }
0x6b: {  	s26 =	simm.s32 $0x0;
	s12 =	rddreg [dreg:$0x7]  }
0x6c: {  	[tilespmem:s3], [sflag:$0x5] =	stream.linear.gather [hbm4b:s12+s26], $0x190, $0x38;
	[tilespmem:$0x1CE80] =	vst v63  }
0x6d: {  	s24 =	rddreg [dreg:$0x8]  }
0x6e: {  	[tilespmem:s8], [sflag:$0x5] =	stream.linear.gather [hbm4b:s24+s26], $0x190, $0x38;
	[tilespmem:$0x1CE80] =	vst v63  }
0x6f: {  	s25 =	rddreg [dreg:$0x9]  }
0x70: {  	[tilespmem:s9], [sflag:$0x5] =	stream.linear.gather [hbm4b:s25+s26], $0x190, $0x38;
	[tilespmem:$0x1CE80] =	vst v63  }
0x71: {  	s30 =	rddreg [dreg:$0xa]  }
0x72: {  	[tilespmem:s10], [sflag:$0x5] =	stream.linear.gather [hbm4b:s30+s26], $0x190, $0x38;
	[tilespmem:$0x1CE80] =	vst v63  }
0x73: {  	_ =	swait.ge [sflag:s11], $0x190  }
0x74: {  	[sflag:s11] =	ssyncset.done $0x0  }
0x75: {  	[sflag:s11] =	ssyncadd.s32 $0xFFFFFE70  }
0x76: {  	_ =	swait.ge [sflag:s11], $0x190  }
0x77: {  	[sflag:s11] =	ssyncset.done $0x0  }
0x78: {  	[sflag:s11] =	ssyncadd.s32 $0xFFFFFE70  }
0x79: {  	_ =	swait.ge [sflag:s11], $0x190  }
0x7a: {  	[sflag:s11] =	ssyncset.done $0x0  }
0x7b: {  	[sflag:s11] =	ssyncadd.s32 $0xFFFFFE70  }
0x7c: {  	_ =	swait.ge [sflag:s11], $0x190  }
0x7d: {  	[sflag:s11] =	ssyncset.done $0x0  }
0x7e: {  	[sflag:s11] =	ssyncadd.s32 $0xFFFFFE70  }
0x7f: {  	[tilespmem:s31], [sflag:$0x1] =	stream.indirect.gather [hbm4b:s7+s13], $0x10, s3, s13, $0xb8;
	[tilespmem:$0x1CE80] =	vst v63  }
0x80: {  	s6 =	rddreg [dreg:$0x4]  }
0x81: {  	[tilespmem:s14], [sflag:$0x2] =	stream.indirect.gather [hbm4b:s7+s13], $0x10, s9, s13, $0xb8;
	[tilespmem:$0x1CE80] =	vst v63  }
0x82: {  	s28 =	rddreg [dreg:$0x3];
	s26 =	sadd.s32 $0x0, s6  }
0x83: {  	[tilespmem:s15], [sflag:$0x6] =	stream.linear.gather [hbm4b:s26+s2], $0x190, $0x38;
	[tilespmem:$0x1CE80] =	vst v63  }
0x84: {  	s12 =	rddreg [dreg:$0x6];
	s28 =	sadd.s32 $0x0, s28  }
0x85: {  	[tilespmem:s16], [sflag:$0x6] =	stream.linear.gather [hbm4b:s28+s2], $0x190, $0x38;
	[tilespmem:$0x1CE80] =	vst v63  }
0x86: {  	s26 =	sadd.s32 $0x0, s12;
	s28 =	rddreg [dreg:$0x5]  }
0x87: {  	[tilespmem:s17], [sflag:$0x6] =	stream.linear.gather [hbm4b:s26+s2], $0x190, $0x38;
	[tilespmem:$0x1CE80] =	vst v63  }
0x88: {  	s24 =	sadd.s32 $0x0, s28  }
0x89: {  	[tilespmem:s18], [sflag:$0x6] =	stream.linear.gather [hbm4b:s24+s2], $0x190, $0x38;
	[tilespmem:$0x1CE80] =	vst v63  }
0x8a: {  	_ =	swait.ge [sflag:s19], $0x1900  }
0x8b: {  	[sflag:s19] =	ssyncset.done $0x0  }
0x8c: {  	[sflag:s19] =	ssyncadd.s32 $0xFFFFE700  }
0x8d: {  	[spmem:s1] =	stream.indirect.scatter.add.f32 [tilespmem:s31], [sflag:$0x3], $0x10, s8, s13, $0xb8;
	[tilespmem:$0x1CE80] =	vst v63  }
0x8e: {  	_ =	swait.ge [sflag:s20], $0x1900  }
0x8f: {  	[sflag:s20] =	ssyncset.done $0x0  }
0x90: {  	[sflag:s20] =	ssyncadd.s32 $0xFFFFE700  }
0x91: {  	[spmem:s1] =	stream.indirect.scatter.add.f32 [tilespmem:s14], [sflag:$0x4], $0x10, s10, s13, $0xb8;
	[tilespmem:$0x1CE80] =	vst v63  }
0x92: {  	_ =	swait.ge [sflag:s21], $0x1900  }
0x93: {  	[sflag:s21] =	ssyncset.done $0x0  }
0x94: {  	[sflag:s21] =	ssyncadd.s32 $0xFFFFE700  }
0x95: {  	_ =	swait.ge [sflag:s22], $0x1900  }
0x96: {  	[sflag:s22] =	ssyncset.done $0x0  }
0x97: {  	[sflag:s22] =	ssyncadd.s32 $0xFFFFE700  }
0x98: {  	_ =	swait.ge [sflag:s23], $0x190  }
0x99: {  	[sflag:s23] =	ssyncset.done $0x0  }
0x9a: {  	[sflag:s23] =	ssyncadd.s32 $0xFFFFFE70  }
0x9b: {  	_ =	swait.ge [sflag:s23], $0x190  }
0x9c: {  	[sflag:s23] =	ssyncset.done $0x0  }
0x9d: {  	[sflag:s23] =	ssyncadd.s32 $0xFFFFFE70  }
0x9e: {  	_ =	swait.ge [sflag:s23], $0x190  }
0x9f: {  	[sflag:s23] =	ssyncset.done $0x0  }
0xa0: {  	[sflag:s23] =	ssyncadd.s32 $0xFFFFFE70  }
0xa1: {  	p0 =	por $0x0, $0x0;
	s26 =	simm.s32 $0x640;
	_ =	swait.ge [sflag:s23], $0x190  }
0xa2: {  	s26 =	simm.s32 @p0 $0x0;
	[sflag:s23] =	ssyncset.done $0x0  }
0xa3: {  	s26 =	sadd.s32 s29, s26;
	[sflag:s23] =	ssyncadd.s32 $0xFFFFFE70  }
0xa4: {  	[tilespmem:s31], [sflag:$0x1] =	stream.indirect.gather [hbm4b:s7+s13], $0x10, s15, s13, $0xb8;
	[tilespmem:$0x1CE80] =	vst v63  }
0xa5: {  	s26 =	sshrl.u32 s26, $0x3  }
0xa6: {  	[tilespmem:s14], [sflag:$0x2] =	stream.indirect.gather [hbm4b:s7+s13], $0x10, s17, s13, $0xb8;
	[tilespmem:$0x1CE80] =	vst v63  }
0xa7: {  	s28 =	sadd.s32 s4, s26  }
0xa8: {  	[tilespmem:s3], [sflag:$0x5] =	stream.linear.gather [hbm4b:s28+s2], $0x190, $0x38;
	[tilespmem:$0x1CE80] =	vst v63  }
0xa9: {  	s28 =	sadd.s32 $0x32, s26;
	s26 =	sadd.s32 s5, s26  }
0xaa: {  	[tilespmem:s8], [sflag:$0x5] =	stream.linear.gather [hbm4b:s26+s2], $0x190, $0x38;
	[tilespmem:$0x1CE80] =	vst v63  }
0xab: {  	s25 =	sadd.s32 s4, s28  }
0xac: {  	[tilespmem:s9], [sflag:$0x5] =	stream.linear.gather [hbm4b:s25+s2], $0x190, $0x38;
	[tilespmem:$0x1CE80] =	vst v63  }
0xad: {  	s30 =	sadd.s32 s5, s28  }
0xae: {  	[tilespmem:s10], [sflag:$0x5] =	stream.linear.gather [hbm4b:s30+s2], $0x190, $0x38;
	[tilespmem:$0x1CE80] =	vst v63  }
0xaf: {  	_ =	swait.ge [sflag:s19], $0x1900  }
0xb0: {  	[sflag:s19] =	ssyncset.done $0x0  }
0xb1: {  	[sflag:s19] =	ssyncadd.s32 $0xFFFFE700  }
0xb2: {  	[spmem:s1] =	stream.indirect.scatter.add.f32 [tilespmem:s31], [sflag:$0x3], $0x10, s16, s13, $0xb8;
	[tilespmem:$0x1CE80] =	vst v63  }
0xb3: {  	_ =	swait.ge [sflag:s20], $0x1900  }
0xb4: {  	[sflag:s20] =	ssyncset.done $0x0  }
0xb5: {  	[sflag:s20] =	ssyncadd.s32 $0xFFFFE700  }
0xb6: {  	[spmem:s1] =	stream.indirect.scatter.add.f32 [tilespmem:s14], [sflag:$0x4], $0x10, s18, s13, $0xb8;
	[tilespmem:$0x1CE80] =	vst v63  }
0xb7: {  	s28 =	simm.s32 $0xC8;
	s26 =	simm.s32 $0x640;
	_ =	swait.ge [sflag:s21], $0x1900  }
.LBB2_4:
0xb8: {  	[sflag:s21] =	ssyncset.done $0x0  }
0xb9: {  	[sflag:s21] =	ssyncadd.s32 $0xFFFFE700  }
0xba: {  	_ =	swait.ge [sflag:s22], $0x1900  }
0xbb: {  	[sflag:s22] =	ssyncset.done $0x0  }
0xbc: {  	[sflag:s22] =	ssyncadd.s32 $0xFFFFE700  }
0xbd: {  	_ =	swait.ge [sflag:s11], $0x190  }
0xbe: {  	[sflag:s11] =	ssyncset.done $0x0  }
0xbf: {  	[sflag:s11] =	ssyncadd.s32 $0xFFFFFE70  }
0xc0: {  	_ =	swait.ge [sflag:s11], $0x190  }
0xc1: {  	[sflag:s11] =	ssyncset.done $0x0  }
0xc2: {  	[sflag:s11] =	ssyncadd.s32 $0xFFFFFE70  }
0xc3: {  	_ =	swait.ge [sflag:s11], $0x190  }
0xc4: {  	[sflag:s11] =	ssyncset.done $0x0  }
0xc5: {  	[sflag:s11] =	ssyncadd.s32 $0xFFFFFE70  }
0xc6: {  	_ =	swait.ge [sflag:s11], $0x190  }
0xc7: {  	[sflag:s11] =	ssyncset.done $0x0  }
0xc8: {  	s25 =	smov.u32 s29;
	[sflag:s11] =	ssyncadd.s32 $0xFFFFFE70  }
0xc9: {  	[tilespmem:s31], [sflag:$0x1] =	stream.indirect.gather [hbm4b:s7+s13], $0x10, s3, s13, $0xb8;
	[tilespmem:$0x1CE80] =	vst v63  }
0xca: {  	s29 =	smov.u32 s28;
	s30 =	sadd.s32 $0xC8, s28;
	s12 =	rddreg [dreg:$0x4]  }
0xcb: {  	[tilespmem:s14], [sflag:$0x2] =	stream.indirect.gather [hbm4b:s7+s13], $0x10, s9, s13, $0xb8;
	[tilespmem:$0x1CE80] =	vst v63  }
0xcc: {  	p0 =	sne.s32 s28, $0x60E0;
	s28 =	rddreg [dreg:$0x3];
	s12 =	sadd.s32 s29, s12  }
0xcd: {  	[tilespmem:s15], [sflag:$0x6] =	stream.linear.gather [hbm4b:s12+s2], $0x190, $0x38;
	[tilespmem:$0x1CE80] =	vst v63  }
0xce: {  	s24 =	rddreg [dreg:$0x6];
	s28 =	sadd.s32 s29, s28  }
0xcf: {  	[tilespmem:s16], [sflag:$0x6] =	stream.linear.gather [hbm4b:s28+s2], $0x190, $0x38;
	[tilespmem:$0x1CE80] =	vst v63  }
0xd0: {  	s6 =	rddreg [dreg:$0x5];
	s24 =	sadd.s32 s29, s24  }
0xd1: {  	[tilespmem:s17], [sflag:$0x6] =	stream.linear.gather [hbm4b:s24+s2], $0x190, $0x38;
	[tilespmem:$0x1CE80] =	vst v63  }
0xd2: {  	s6 =	sadd.s32 s29, s6  }
0xd3: {  	[tilespmem:s18], [sflag:$0x6] =	stream.linear.gather [hbm4b:s6+s2], $0x190, $0x38;
	[tilespmem:$0x1CE80] =	vst v63  }
0xd4: {  	_ =	swait.ge [sflag:s19], $0x1900  }
0xd5: {  	[sflag:s19] =	ssyncset.done $0x0  }
0xd6: {  	[sflag:s19] =	ssyncadd.s32 $0xFFFFE700  }
0xd7: {  	[spmem:s1] =	stream.indirect.scatter.add.f32 [tilespmem:s31], [sflag:$0x3], $0x10, s8, s13, $0xb8;
	[tilespmem:$0x1CE80] =	vst v63  }
0xd8: {  	_ =	swait.ge [sflag:s20], $0x1900  }
0xd9: {  	[sflag:s20] =	ssyncset.done $0x0  }
0xda: {  	[sflag:s20] =	ssyncadd.s32 $0xFFFFE700  }
0xdb: {  	[spmem:s1] =	stream.indirect.scatter.add.f32 [tilespmem:s14], [sflag:$0x4], $0x10, s10, s13, $0xb8;
	[tilespmem:$0x1CE80] =	vst v63  }
0xdc: {  	_ =	swait.ge [sflag:s21], $0x1900  }
0xdd: {  	[sflag:s21] =	ssyncset.done $0x0  }
0xde: {  	[sflag:s21] =	ssyncadd.s32 $0xFFFFE700  }
0xdf: {  	_ =	swait.ge [sflag:s22], $0x1900  }
0xe0: {  	[sflag:s22] =	ssyncset.done $0x0  }
0xe1: {  	[sflag:s22] =	ssyncadd.s32 $0xFFFFE700  }
0xe2: {  	_ =	swait.ge [sflag:s23], $0x190  }
0xe3: {  	[sflag:s23] =	ssyncset.done $0x0  }
0xe4: {  	[sflag:s23] =	ssyncadd.s32 $0xFFFFFE70  }
0xe5: {  	_ =	swait.ge [sflag:s23], $0x190  }
0xe6: {  	[sflag:s23] =	ssyncset.done $0x0  }
0xe7: {  	[sflag:s23] =	ssyncadd.s32 $0xFFFFFE70  }
0xe8: {  	_ =	swait.ge [sflag:s23], $0x190  }
0xe9: {  	[sflag:s23] =	ssyncset.done $0x0  }
0xea: {  	s26 =	sadd.s32 $0x640, s26;
	[sflag:s23] =	ssyncadd.s32 $0xFFFFFE70  }
0xeb: {  	p1 =	seq.s32 s29, $0x60E0;
	s6 =	smov.u32 s26;
	_ =	swait.ge [sflag:s23], $0x190  }
0xec: {  	s6 =	simm.s32 @p1 $0x0;
	[sflag:s23] =	ssyncset.done $0x0  }
0xed: {  	s6 =	sadd.s32 s25, s6;
	[sflag:s23] =	ssyncadd.s32 $0xFFFFFE70  }
0xee: {  	[tilespmem:s31], [sflag:$0x1] =	stream.indirect.gather [hbm4b:s7+s13], $0x10, s15, s13, $0xb8;
	[tilespmem:$0x1CE80] =	vst v63  }
0xef: {  	s6 =	sshrl.u32 s6, $0x3  }
0xf0: {  	[tilespmem:s14], [sflag:$0x2] =	stream.indirect.gather [hbm4b:s7+s13], $0x10, s17, s13, $0xb8;
	[tilespmem:$0x1CE80] =	vst v63  }
0xf1: {  	s24 =	sadd.s32 s4, s6  }
0xf2: {  	[tilespmem:s3], [sflag:$0x5] =	stream.linear.gather [hbm4b:s24+s2], $0x190, $0x38;
	[tilespmem:$0x1CE80] =	vst v63  }
0xf3: {  	s29 =	smov.u32 s25;
	s25 =	sadd.s32 $0x32, s6;
	s6 =	sadd.s32 s5, s6  }
0xf4: {  	[tilespmem:s8], [sflag:$0x5] =	stream.linear.gather [hbm4b:s6+s2], $0x190, $0x38;
	[tilespmem:$0x1CE80] =	vst v63  }
0xf5: {  	s12 =	sadd.s32 s4, s25  }
0xf6: {  	[tilespmem:s9], [sflag:$0x5] =	stream.linear.gather [hbm4b:s12+s2], $0x190, $0x38;
	[tilespmem:$0x1CE80] =	vst v63  }
0xf7: {  	s25 =	sadd.s32 s5, s25  }
0xf8: {  	[tilespmem:s10], [sflag:$0x5] =	stream.linear.gather [hbm4b:s25+s2], $0x190, $0x38;
	[tilespmem:$0x1CE80] =	vst v63  }
0xf9: {  	_ =	swait.ge [sflag:s19], $0x1900  }
0xfa: {  	[sflag:s19] =	ssyncset.done $0x0  }
0xfb: {  	[sflag:s19] =	ssyncadd.s32 $0xFFFFE700  }
0xfc: {  	[spmem:s1] =	stream.indirect.scatter.add.f32 [tilespmem:s31], [sflag:$0x3], $0x10, s16, s13, $0xb8;
	[tilespmem:$0x1CE80] =	vst v63  }
.Ltmp1:
0xfd: {  	_ =	swait.ge [sflag:s20], $0x1900;
	(pc) =	sbr.rel @p0 .LBB2_4-.Ltmp1, $4  }
0xfe: {  	[sflag:s20] =	ssyncset.done $0x0  }
0xff: {  	[sflag:s20] =	ssyncadd.s32 $0xFFFFE700  }
0x100: {  	[spmem:s1] =	stream.indirect.scatter.add.f32 [tilespmem:s14], [sflag:$0x4], $0x10, s18, s13, $0xb8;
	[tilespmem:$0x1CE80] =	vst v63  }
0x101: {  	s28 =	smov.u32 s30;
	_ =	swait.ge [sflag:s21], $0x1900  }
0x102: {  	[sflag:s21] =	ssyncset.done $0x0  }
0x103: {  	[sflag:s21] =	ssyncadd.s32 $0xFFFFE700  }
0x104: {  	_ =	swait.ge [sflag:s22], $0x1900  }
0x105: {  	[sflag:s22] =	ssyncset.done $0x0  }
0x106: {  	[sflag:s22] =	ssyncadd.s32 $0xFFFFE700  }
0x107: {  	_ =	swait.ge [sflag:s11], $0x190  }
0x108: {  	[sflag:s11] =	ssyncset.done $0x0  }
0x109: {  	[sflag:s11] =	ssyncadd.s32 $0xFFFFFE70  }
0x10a: {  	_ =	swait.ge [sflag:s11], $0x190  }
0x10b: {  	[sflag:s11] =	ssyncset.done $0x0  }
0x10c: {  	[sflag:s11] =	ssyncadd.s32 $0xFFFFFE70  }
0x10d: {  	_ =	swait.ge [sflag:s11], $0x190  }
0x10e: {  	[sflag:s11] =	ssyncset.done $0x0  }
0x10f: {  	[sflag:s11] =	ssyncadd.s32 $0xFFFFFE70  }
0x110: {  	_ =	swait.ge [sflag:s11], $0x190  }
0x111: {  	[sflag:s11] =	ssyncset.done $0x0  }
0x112: {  	[sflag:s11] =	ssyncadd.s32 $0xFFFFFE70  }
0x113: {  	[bflag:$0x0] =	sbarrier.arrive $0xFFFF  }
0x114: {  	s24 =	rddreg [dreg:$0xb]  }
0x115: {  	[tilespmem:s31], [sflag:$0x7] =	stream.linear.gather [spmem:s24], $0x1900, $0x38;
	[tilespmem:$0x1CE80] =	vst v63  }
0x116: {  	_ =	swait.ge [sflag:s0], $0x1900  }
0x117: {  	[sflag:s0] =	ssyncset.done $0x0;
	s12 =	rddreg [dreg:$0x18]  }
0x118: {  	[sflag:s0] =	ssyncadd.s32 $0xFFFFE700;
	s6 =	sadd.s32 $0x0, s12  }
0x119: {  	[hbm4b:s6+s2] =	stream.linear.scatter [tilespmem:s31], [sflag:$0x7], $0x1900, $0x38;
	[tilespmem:$0x1CE80] =	vst v63  }
0x11a: {  	_ =	swait.ge [sflag:s0], $0x1900  }
0x11b: {  	s26 =	simm.s32 $0x320;
	s28 =	smov.u32 s24;
	[sflag:s0] =	ssyncset.done $0x0  }
.LBB2_6:
0x11c: {  	p0 =	sne.s32 s26, $0x2EE0;
	[sflag:s0] =	ssyncadd.s32 $0xFFFFE700;
	s28 =	sadd.s32 $0x1900, s28  }
0x11d: {  	[tilespmem:s31], [sflag:$0x7] =	stream.linear.gather [spmem:s28], $0x1900, $0x38;
	[tilespmem:$0x1CE80] =	vst v63  }
0x11e: {  	s6 =	smov.u32 s26;
	s26 =	sadd.s32 $0x320, s26;
	_ =	swait.ge [sflag:s0], $0x1900  }
.Ltmp2:
0x11f: {  	[sflag:s0] =	ssyncset.done $0x0;
	(pc) =	sbr.rel @p0 .LBB2_6-.Ltmp2, $4  }
0x120: {  	s6 =	sadd.s32 s6, s12;
	[sflag:s0] =	ssyncadd.s32 $0xFFFFE700  }
0x121: {  	[hbm4b:s6+s2] =	stream.linear.scatter [tilespmem:s31], [sflag:$0x7], $0x1900, $0x38;
	[tilespmem:$0x1CE80] =	vst v63  }
0x122: {  	_ =	swait.ge [sflag:s0], $0x1900  }
0x123: {  	[sflag:s0] =	ssyncset.done $0x0  }
0x124: {  	s25 =	rddreg [dreg:$0x1d]  }
0x125: {  	s6 =	rddreg [dreg:$0xc];
	s25 =	sadd.s32 $0x1, s25  }
0x126: {  	p0 =	sne.s32 s25, s6  }
.Ltmp3:
0x127: {  	_ = 	snop;
	(pc) =	sbr.rel @p0 .LBB2_1-.Ltmp3, $2  }
0x128: {  	_ =	sdelay $0x2  }
0x129: {  	[sflag:s0] =	ssyncadd.s32 $0xFFFFE700  }
0x12a: {  	_ =	sfence.sel $0x180000  }
0x12b: {  	[bflag:$0x0] =	sbarrier.arrive $0xFFFF  }
0x12c: {  	_ =	strace $0x90000053  }
0x12d: {  	s0 =	stileid.u32;
	[bflag:$0x2] =	sbarrier.arrive $0xFFFF  }
0x12e: {  	p0 =	sne.s32 s0, $0x0;
	s0 =	rddreg [dreg:$0x2]  }
0x12f: {  	s0 =	sadd.s32 @!p0 $0x100000, s0  }
0x130: {  	[sflag:s0] =	ssyncadd.tile.s32 @!p0 $0x1;
	_ =	shalt  }
.Lfunc_end2:
_tile_overlayer_lowered:
.L_overlay_start_2:
0x131: {  	(tag) =	ssettag $0x2  }
0x132: {  	s0 =	rddreg [dreg:$0x0];
	s2 =	stileid.u32  }
0x133: {  	s1 =	rddreg [dreg:$0x1];
	p0 =	sne.s32 s2, $0x0  }
0x134: {  	s3 =	rddreg [dreg:$0x2];
	[bflag:$0x3] =	sbarrier.arrive $0xFFFF;
	s2 =	simm.s32 @!p0 $0x1C07  }
0x135: {  	[timem:s3], [sflag:s2] =	dma.local @!p0 [hbm:s0], s1  }
0x136: {  	s0 =	simm.s32 @!p0 $0x7  }
0x137: {  	_ =	swait.ge @!p0 [sflag:s0], s1  }
0x138: {  	s1 =	ssub.s32 @!p0 $0x0, s1;
	[sflag:s0] =	ssyncset.done @!p0 $0x0  }
0x139: {  	[sflag:s0] =	ssyncadd.s32 @!p0 s1  }
0x13a: {  	[bflag:$0x3] =	sbarrier.arrive $0xFFFF  }
0x13b: {  	_ =	shalt  }

</sc_bundles>
